<compile_context>
chip_gen: v7x
topology: tpu7x:2x2x1
jax: 0.10.2.dev20260603
libtpu: 0.0.44.dev20260713+nightly
codegen_flags: <defaults>
</compile_context>

<pallas_src>
import functools

import jax
import jax.numpy as jnp
from jax import lax
from jax.experimental import pallas as pl
from jax.experimental.pallas import tpu as pltpu
from jax.experimental.pallas import tpu_sc as plsc

B, NB, PL, H, F = 16, 64, 24, 1024, 4096
M = B * NB
NC, NS, L = 2, 16, 16
NW = NC * NS
ROWS = M // NW
CH = H // L

BMV = 256
BML = 256


NBUF = 4
UNROLL = 4


def _sc_pool_body(lang_hbm, out_hbm, buf, orow, isem0, isem1, isem2, isem3,
                  osem0, osem1):
    wid = lax.axis_index("s") * NC + lax.axis_index("c")
    base = wid * ROWS
    isems = (isem0, isem1, isem2, isem3)
    osems = (osem0, osem1)

    for b in range(NBUF):
        pltpu.async_copy(lang_hbm.at[base + b], buf.at[b], isems[b])

    def row_group(i, carry):
        r0 = NBUF * i
        for b in range(NBUF):
            r = r0 + b
            ob = b % 2
            pltpu.make_async_copy(lang_hbm.at[base + r], buf.at[b],
                                  isems[b]).wait()

            @pl.when(r >= 2)
            def _():
                pltpu.make_async_copy(orow.at[ob],
                                      out_hbm.at[base + r - 2],
                                      osems[ob]).wait()

            def chunk(c, carry2):
                for u in range(UNROLL):
                    off = c * (UNROLL * L) + u * L
                    acc = buf[b, 0, pl.ds(off, L)]
                    for t in range(1, PL):
                        acc = acc + buf[b, t, pl.ds(off, L)]
                    orow[ob, pl.ds(off, L)] = acc
                return carry2

            lax.fori_loop(0, CH // UNROLL, chunk, 0)
            pltpu.async_copy(orow.at[ob], out_hbm.at[base + r], osems[ob])

            @pl.when(r + NBUF < ROWS)
            def _():
                pltpu.async_copy(lang_hbm.at[base + r + NBUF], buf.at[b],
                                 isems[b])

        return carry

    lax.fori_loop(0, ROWS // NBUF, row_group, 0)
    pltpu.make_async_copy(orow.at[0], out_hbm.at[base + ROWS - 2],
                          osems[0]).wait()
    pltpu.make_async_copy(orow.at[1], out_hbm.at[base + ROWS - 1],
                          osems[1]).wait()


_sc_pool = functools.partial(
    pl.kernel,
    out_type=jax.ShapeDtypeStruct((M, H), jnp.float32),
    mesh=plsc.VectorSubcoreMesh(core_axis_name="c", subcore_axis_name="s",
                                num_cores=NC, num_subcores=NS),
    scratch_types=[
        pltpu.VMEM((NBUF, PL, H), jnp.float32),
        pltpu.VMEM((2, H), jnp.float32),
        pltpu.SemaphoreType.DMA,
        pltpu.SemaphoreType.DMA,
        pltpu.SemaphoreType.DMA,
        pltpu.SemaphoreType.DMA,
        pltpu.SemaphoreType.DMA,
        pltpu.SemaphoreType.DMA,
    ],
    cost_estimate=pl.CostEstimate(
        flops=M * PL * H,
        bytes_accessed=M * PL * H * 4 + M * H * 4,
        transcendentals=0,
    ),
)(_sc_pool_body)


def _vis_body(vis_ref, wv_ref, bv_ref, out_ref):
    out_ref[...] = (
        lax.dot_general(vis_ref[...], wv_ref[...], (((1,), (1,)), ((), ())),
                        preferred_element_type=jnp.float32)
        + bv_ref[...]
    )


def _lang_body(pooled_ref, invlen_ref, wl_ref, bl_ref, out_ref):
    scaled = pooled_ref[...] * invlen_ref[...]
    out_ref[...] = (
        lax.dot_general(scaled, wl_ref[...], (((1,), (1,)), ((), ())),
                        preferred_element_type=jnp.float32)
        + bl_ref[...]
    )


@functools.partial(jax.jit, static_argnames=())
def kernel(vision, language, phrase_lengths, Wv, bv, Wl, bl):
    vis = vision.reshape(M, F)
    lang = language.reshape(M, PL, H)
    inv_len = (1.0 / phrase_lengths.astype(jnp.float32)).reshape(M, 1)

    pooled = _sc_pool(lang)

    vmap = vis @ Wv.T + bv

    lmap = pl.pallas_call(
        _lang_body,
        grid=(M // BML,),
        in_specs=[
            pl.BlockSpec((BML, H), lambda i: (i, 0)),
            pl.BlockSpec((BML, 1), lambda i: (i, 0)),
            pl.BlockSpec((H, H), lambda i: (0, 0)),
            pl.BlockSpec((1, H), lambda i: (0, 0)),
        ],
        out_specs=pl.BlockSpec((BML, H), lambda i: (i, 0)),
        out_shape=jax.ShapeDtypeStruct((M, H), jnp.float32),
    )(pooled, inv_len, Wl, bl.reshape(1, H))

    return (lmap.reshape(B, NB, H), vmap.reshape(B, NB, H))

# --- scband reference (transcript-rebuilt; emitter-appended) ---
"""Pipeline reference for scband-reg-pool-9208409882645 (READ-ONLY COPY).

The authoritative reference and input builder live on the scoring server;
editing this copy changes nothing except your own understanding.
"""

import jax, jax.numpy as jnp
import numpy as np

B, NB, PL, H, F = 16, 64, 24, 1024, 4096

def _xavier(k, shape):
    fan_out, fan_in = shape
    limit = float(np.sqrt(6.0 / (fan_in + fan_out)))
    return jax.random.uniform(k, shape, jnp.float32, -limit, limit)

def setup_inputs(seed: int = 0) -> dict:
    key = jax.random.key(seed)
    ks = jax.random.split(key, 6)
    vision = jax.random.normal(ks[0], (B, NB, F), dtype=jnp.float32)
    language = jax.random.normal(ks[1], (B, NB, PL, H), dtype=jnp.float32)
    # phrase lengths in [1, PL] to avoid divide-by-zero (torch would produce inf for 0)
    phrase_lengths = jax.random.randint(ks[2], (B, NB), 1, PL + 1).astype(jnp.int64)
    Wv = _xavier(ks[3], (H, F))
    bv = jnp.zeros((H,), jnp.float32)
    Wl = _xavier(ks[4], (H, H))
    bl = jnp.zeros((H,), jnp.float32)
    return {"vision": vision, "language": language, "phrase_lengths": phrase_lengths,
            "Wv": Wv, "bv": bv, "Wl": Wl, "bl": bl}

def reference(vision, language, phrase_lengths, Wv, bv, Wl, bl):
    # Mean-pool each region's phrase: sum over (padded) token axis, divide by true length.
    # (Vectorized form of the original per-image/per-region python loop.)
    summed = jnp.sum(language, axis=2)                       # [B, NB, H]
    language_normalised = summed / phrase_lengths[..., None].astype(jnp.float32)
    # use_vision and use_language and use_multimodal -> both mappings (else branch)
    visual_map = vision @ Wv.T + bv                          # [B, NB, H]
    language_map = language_normalised @ Wl.T + bl           # [B, NB, H]
    return (language_map, visual_map)

if __name__ == "__main__":
    import jax
    _d = setup_inputs()
    print(jax.jit(kernel)(*tuple(_d.values())))

</pallas_src>

<mosaic_0001>
#map = affine_map<(d0, d1) -> (0, 0, 0)>
#map1 = affine_map<(d0, d1) -> (0, 0)>
module attributes {stable_mosaic.version = 14 : i64} {
  func.func @_sc_pool_body(%arg0: i32, %arg1: i32, %arg2: memref<1024x24x1024xf32, #tpu.memory_space<hbm>>, %arg3: memref<1024x1024xf32, #tpu.memory_space<hbm>>, %arg4: memref<4x24x1024xf32, #tpu.memory_space<vmem>>, %arg5: memref<2x1024xf32, #tpu.memory_space<vmem>>, %arg6: memref<!tpu.dma_semaphore, #tpu.memory_space<semaphore_mem>>, %arg7: memref<!tpu.dma_semaphore, #tpu.memory_space<semaphore_mem>>, %arg8: memref<!tpu.dma_semaphore, #tpu.memory_space<semaphore_mem>>, %arg9: memref<!tpu.dma_semaphore, #tpu.memory_space<semaphore_mem>>, %arg10: memref<!tpu.dma_semaphore, #tpu.memory_space<semaphore_mem>>, %arg11: memref<!tpu.dma_semaphore, #tpu.memory_space<semaphore_mem>>) attributes {dimension_semantics = [#tpu.dimension_semantics<core_parallel>, #tpu.dimension_semantics<subcore_parallel>], iteration_bounds = array<i64: 2, 16>, scalar_prefetch = 0 : i64, scratch_operands = 8 : i64, tpu.core_type = #tpu.core_type<sc_vector_subcore>, window_params = [{transform_indices = #map}, {transform_indices = #map1}]} {
    %mul3A = arith.constant 2 : i32
    %mul3A_0 = arith.muli %arg1, %mul3A : i32
    %add3A = arith.addi %mul3A_0, %arg0 : i32
    %mul3A_1 = arith.constant 32 : i32
    %mul3A_2 = arith.muli %add3A, %mul3A_1 : i32
    %add3A_3 = arith.constant 0 : i32
    %add3A_4 = arith.addi %mul3A_2, %add3A_3 : i32
    %dma_start3A = arith.constant 0 : i32
    %dma_start3A_5 = arith.constant 0 : i32
    %dma_start3A_6 = arith.constant 0 : i32
    %dma_start3A_7 = tpu.memref_slice %arg4[%dma_start3A, %dma_start3A_5, %dma_start3A_6] : memref<4x24x1024xf32, #tpu.memory_space<vmem>> -> memref<1x24x1024xf32, #tpu.memory_space<vmem>>
    %dma_start3A_8 = tpu.memref_squeeze %dma_start3A_7 : memref<1x24x1024xf32, #tpu.memory_space<vmem>> -> memref<24x1024xf32, #tpu.memory_space<vmem>>
    %dma_start3A_9 = arith.constant 0 : i32
    %dma_start3A_10 = arith.constant 0 : i32
    %dma_start3A_11 = tpu.memref_slice %arg2[%add3A_4, %dma_start3A_9, %dma_start3A_10] : memref<1024x24x1024xf32, #tpu.memory_space<hbm>> -> memref<1x24x1024xf32, #tpu.memory_space<hbm>>
    %dma_start3A_12 = tpu.memref_squeeze %dma_start3A_11 : memref<1x24x1024xf32, #tpu.memory_space<hbm>> -> memref<24x1024xf32, #tpu.memory_space<hbm>>
    %dma_start3A_13 = arith.constant 0 : i32
    %dma_start3A_14 = arith.constant 0 : i32
    %dma_start3A_15 = tpu.memref_slice %arg4[%dma_start3A, %dma_start3A_13, %dma_start3A_14] : memref<4x24x1024xf32, #tpu.memory_space<vmem>> -> memref<1x24x1024xf32, #tpu.memory_space<vmem>>
    %dma_start3A_16 = tpu.memref_squeeze %dma_start3A_15 : memref<1x24x1024xf32, #tpu.memory_space<vmem>> -> memref<24x1024xf32, #tpu.memory_space<vmem>>
    %dma_start3A_17 = arith.constant 0 : i32
    %dma_start3A_18 = arith.constant 0 : i32
    %dma_start3A_19 = tpu.memref_slice %arg2[%add3A_4, %dma_start3A_17, %dma_start3A_18] : memref<1024x24x1024xf32, #tpu.memory_space<hbm>> -> memref<1x24x1024xf32, #tpu.memory_space<hbm>>
    %dma_start3A_20 = tpu.memref_squeeze %dma_start3A_19 : memref<1x24x1024xf32, #tpu.memory_space<hbm>> -> memref<24x1024xf32, #tpu.memory_space<hbm>>
    tpu.enqueue_dma source(%dma_start3A_20 : memref<24x1024xf32, #tpu.memory_space<hbm>>) target(%dma_start3A_16 : memref<24x1024xf32, #tpu.memory_space<vmem>>) target_semaphore(%arg6 : memref<!tpu.dma_semaphore, #tpu.memory_space<semaphore_mem>>)
    %add3A_21 = arith.constant 1 : i32
    %add3A_22 = arith.addi %mul3A_2, %add3A_21 : i32
    %dma_start3A_23 = arith.constant 1 : i32
    %dma_start3A_24 = arith.constant 0 : i32
    %dma_start3A_25 = arith.constant 0 : i32
    %dma_start3A_26 = tpu.memref_slice %arg4[%dma_start3A_23, %dma_start3A_24, %dma_start3A_25] : memref<4x24x1024xf32, #tpu.memory_space<vmem>> -> memref<1x24x1024xf32, #tpu.memory_space<vmem>>
    %dma_start3A_27 = tpu.memref_squeeze %dma_start3A_26 : memref<1x24x1024xf32, #tpu.memory_space<vmem>> -> memref<24x1024xf32, #tpu.memory_space<vmem>>
    %dma_start3A_28 = arith.constant 0 : i32
    %dma_start3A_29 = arith.constant 0 : i32
    %dma_start3A_30 = tpu.memref_slice %arg2[%add3A_22, %dma_start3A_28, %dma_start3A_29] : memref<1024x24x1024xf32, #tpu.memory_space<hbm>> -> memref<1x24x1024xf32, #tpu.memory_space<hbm>>
    %dma_start3A_31 = tpu.memref_squeeze %dma_start3A_30 : memref<1x24x1024xf32, #tpu.memory_space<hbm>> -> memref<24x1024xf32, #tpu.memory_space<hbm>>
    %dma_start3A_32 = arith.constant 0 : i32
    %dma_start3A_33 = arith.constant 0 : i32
    %dma_start3A_34 = tpu.memref_slice %arg4[%dma_start3A_23, %dma_start3A_32, %dma_start3A_33] : memref<4x24x1024xf32, #tpu.memory_space<vmem>> -> memref<1x24x1024xf32, #tpu.memory_space<vmem>>
    %dma_start3A_35 = tpu.memref_squeeze %dma_start3A_34 : memref<1x24x1024xf32, #tpu.memory_space<vmem>> -> memref<24x1024xf32, #tpu.memory_space<vmem>>
    %dma_start3A_36 = arith.constant 0 : i32
    %dma_start3A_37 = arith.constant 0 : i32
    %dma_start3A_38 = tpu.memref_slice %arg2[%add3A_22, %dma_start3A_36, %dma_start3A_37] : memref<1024x24x1024xf32, #tpu.memory_space<hbm>> -> memref<1x24x1024xf32, #tpu.memory_space<hbm>>
    %dma_start3A_39 = tpu.memref_squeeze %dma_start3A_38 : memref<1x24x1024xf32, #tpu.memory_space<hbm>> -> memref<24x1024xf32, #tpu.memory_space<hbm>>
    tpu.enqueue_dma source(%dma_start3A_39 : memref<24x1024xf32, #tpu.memory_space<hbm>>) target(%dma_start3A_35 : memref<24x1024xf32, #tpu.memory_space<vmem>>) target_semaphore(%arg7 : memref<!tpu.dma_semaphore, #tpu.memory_space<semaphore_mem>>)
    %add3A_40 = arith.constant 2 : i32
    %add3A_41 = arith.addi %mul3A_2, %add3A_40 : i32
    %dma_start3A_42 = arith.constant 2 : i32
    %dma_start3A_43 = arith.constant 0 : i32
    %dma_start3A_44 = arith.constant 0 : i32
    %dma_start3A_45 = tpu.memref_slice %arg4[%dma_start3A_42, %dma_start3A_43, %dma_start3A_44] : memref<4x24x1024xf32, #tpu.memory_space<vmem>> -> memref<1x24x1024xf32, #tpu.memory_space<vmem>>
    %dma_start3A_46 = tpu.memref_squeeze %dma_start3A_45 : memref<1x24x1024xf32, #tpu.memory_space<vmem>> -> memref<24x1024xf32, #tpu.memory_space<vmem>>
    %dma_start3A_47 = arith.constant 0 : i32
    %dma_start3A_48 = arith.constant 0 : i32
    %dma_start3A_49 = tpu.memref_slice %arg2[%add3A_41, %dma_start3A_47, %dma_start3A_48] : memref<1024x24x1024xf32, #tpu.memory_space<hbm>> -> memref<1x24x1024xf32, #tpu.memory_space<hbm>>
    %dma_start3A_50 = tpu.memref_squeeze %dma_start3A_49 : memref<1x24x1024xf32, #tpu.memory_space<hbm>> -> memref<24x1024xf32, #tpu.memory_space<hbm>>
    %dma_start3A_51 = arith.constant 0 : i32
    %dma_start3A_52 = arith.constant 0 : i32
    %dma_start3A_53 = tpu.memref_slice %arg4[%dma_start3A_42, %dma_start3A_51, %dma_start3A_52] : memref<4x24x1024xf32, #tpu.memory_space<vmem>> -> memref<1x24x1024xf32, #tpu.memory_space<vmem>>
    %dma_start3A_54 = tpu.memref_squeeze %dma_start3A_53 : memref<1x24x1024xf32, #tpu.memory_space<vmem>> -> memref<24x1024xf32, #tpu.memory_space<vmem>>
    %dma_start3A_55 = arith.constant 0 : i32
    %dma_start3A_56 = arith.constant 0 : i32
    %dma_start3A_57 = tpu.memref_slice %arg2[%add3A_41, %dma_start3A_55, %dma_start3A_56] : memref<1024x24x1024xf32, #tpu.memory_space<hbm>> -> memref<1x24x1024xf32, #tpu.memory_space<hbm>>
    %dma_start3A_58 = tpu.memref_squeeze %dma_start3A_57 : memref<1x24x1024xf32, #tpu.memory_space<hbm>> -> memref<24x1024xf32, #tpu.memory_space<hbm>>
    tpu.enqueue_dma source(%dma_start3A_58 : memref<24x1024xf32, #tpu.memory_space<hbm>>) target(%dma_start3A_54 : memref<24x1024xf32, #tpu.memory_space<vmem>>) target_semaphore(%arg8 : memref<!tpu.dma_semaphore, #tpu.memory_space<semaphore_mem>>)
    %add3A_59 = arith.constant 3 : i32
    %add3A_60 = arith.addi %mul3A_2, %add3A_59 : i32
    %dma_start3A_61 = arith.constant 3 : i32
    %dma_start3A_62 = arith.constant 0 : i32
    %dma_start3A_63 = arith.constant 0 : i32
    %dma_start3A_64 = tpu.memref_slice %arg4[%dma_start3A_61, %dma_start3A_62, %dma_start3A_63] : memref<4x24x1024xf32, #tpu.memory_space<vmem>> -> memref<1x24x1024xf32, #tpu.memory_space<vmem>>
    %dma_start3A_65 = tpu.memref_squeeze %dma_start3A_64 : memref<1x24x1024xf32, #tpu.memory_space<vmem>> -> memref<24x1024xf32, #tpu.memory_space<vmem>>
    %dma_start3A_66 = arith.constant 0 : i32
    %dma_start3A_67 = arith.constant 0 : i32
    %dma_start3A_68 = tpu.memref_slice %arg2[%add3A_60, %dma_start3A_66, %dma_start3A_67] : memref<1024x24x1024xf32, #tpu.memory_space<hbm>> -> memref<1x24x1024xf32, #tpu.memory_space<hbm>>
    %dma_start3A_69 = tpu.memref_squeeze %dma_start3A_68 : memref<1x24x1024xf32, #tpu.memory_space<hbm>> -> memref<24x1024xf32, #tpu.memory_space<hbm>>
    %dma_start3A_70 = arith.constant 0 : i32
    %dma_start3A_71 = arith.constant 0 : i32
    %dma_start3A_72 = tpu.memref_slice %arg4[%dma_start3A_61, %dma_start3A_70, %dma_start3A_71] : memref<4x24x1024xf32, #tpu.memory_space<vmem>> -> memref<1x24x1024xf32, #tpu.memory_space<vmem>>
    %dma_start3A_73 = tpu.memref_squeeze %dma_start3A_72 : memref<1x24x1024xf32, #tpu.memory_space<vmem>> -> memref<24x1024xf32, #tpu.memory_space<vmem>>
    %dma_start3A_74 = arith.constant 0 : i32
    %dma_start3A_75 = arith.constant 0 : i32
    %dma_start3A_76 = tpu.memref_slice %arg2[%add3A_60, %dma_start3A_74, %dma_start3A_75] : memref<1024x24x1024xf32, #tpu.memory_space<hbm>> -> memref<1x24x1024xf32, #tpu.memory_space<hbm>>
    %dma_start3A_77 = tpu.memref_squeeze %dma_start3A_76 : memref<1x24x1024xf32, #tpu.memory_space<hbm>> -> memref<24x1024xf32, #tpu.memory_space<hbm>>
    tpu.enqueue_dma source(%dma_start3A_77 : memref<24x1024xf32, #tpu.memory_space<hbm>>) target(%dma_start3A_73 : memref<24x1024xf32, #tpu.memory_space<vmem>>) target_semaphore(%arg9 : memref<!tpu.dma_semaphore, #tpu.memory_space<semaphore_mem>>)
    %scan3A = arith.constant 0 : i32
    %scan3A_78 = arith.constant 0 : i32
    %scan3A_79 = arith.constant 8 : i32
    %scan3A_80 = arith.addi %scan3A_78, %scan3A_79 : i32
    %scan3A_81 = arith.constant 1 : i32
    scf.for %scan3A_115 = %scan3A_78 to %scan3A_80 step %scan3A_81  : i32 {
      %mul3A_116 = arith.constant 4 : i32
      %mul3A_117 = arith.muli %mul3A_116, %scan3A_115 : i32
      %add3A_118 = arith.constant 0 : i32
      %add3A_119 = arith.addi %mul3A_117, %add3A_118 : i32
      %add3A_120 = arith.addi %mul3A_2, %add3A_119 : i32
      %dma_wait3A_121 = arith.constant 0 : i32
      %dma_wait3A_122 = arith.constant 0 : i32
      %dma_wait3A_123 = arith.constant 0 : i32
      %dma_wait3A_124 = tpu.memref_slice %arg4[%dma_wait3A_121, %dma_wait3A_122, %dma_wait3A_123] : memref<4x24x1024xf32, #tpu.memory_space<vmem>> -> memref<1x24x1024xf32, #tpu.memory_space<vmem>>
      %dma_wait3A_125 = tpu.memref_squeeze %dma_wait3A_124 : memref<1x24x1024xf32, #tpu.memory_space<vmem>> -> memref<24x1024xf32, #tpu.memory_space<vmem>>
      %dma_wait3A_126 = arith.constant 0 : i32
      %dma_wait3A_127 = arith.constant 0 : i32
      %dma_wait3A_128 = tpu.memref_slice %arg2[%add3A_120, %dma_wait3A_126, %dma_wait3A_127] : memref<1024x24x1024xf32, #tpu.memory_space<hbm>> -> memref<1x24x1024xf32, #tpu.memory_space<hbm>>
      %dma_wait3A_129 = tpu.memref_squeeze %dma_wait3A_128 : memref<1x24x1024xf32, #tpu.memory_space<hbm>> -> memref<24x1024xf32, #tpu.memory_space<hbm>>
      %dma_wait3A_130 = arith.constant 0 : i32
      %dma_wait3A_131 = arith.constant 0 : i32
      %dma_wait3A_132 = tpu.memref_slice %arg4[%dma_wait3A_121, %dma_wait3A_130, %dma_wait3A_131] : memref<4x24x1024xf32, #tpu.memory_space<vmem>> -> memref<1x24x1024xf32, #tpu.memory_space<vmem>>
      %dma_wait3A_133 = tpu.memref_squeeze %dma_wait3A_132 : memref<1x24x1024xf32, #tpu.memory_space<vmem>> -> memref<24x1024xf32, #tpu.memory_space<vmem>>
      %dma_wait3A_134 = arith.constant 0 : i32
      %dma_wait3A_135 = arith.constant 0 : i32
      %dma_wait3A_136 = tpu.memref_slice %arg2[%add3A_120, %dma_wait3A_134, %dma_wait3A_135] : memref<1024x24x1024xf32, #tpu.memory_space<hbm>> -> memref<1x24x1024xf32, #tpu.memory_space<hbm>>
      %dma_wait3A_137 = tpu.memref_squeeze %dma_wait3A_136 : memref<1x24x1024xf32, #tpu.memory_space<hbm>> -> memref<24x1024xf32, #tpu.memory_space<hbm>>
      tpu.wait_dma2 semaphore(%arg6 : memref<!tpu.dma_semaphore, #tpu.memory_space<semaphore_mem>>) src(%dma_wait3A_137 : memref<24x1024xf32, #tpu.memory_space<hbm>>) dst(%dma_wait3A_133 : memref<24x1024xf32, #tpu.memory_space<vmem>>)
      %ge3A = arith.constant 2 : i32
      %ge3A_138 = arith.cmpi sge, %add3A_119, %ge3A : i32
      %convert_element_type3A = arith.extui %ge3A_138 : i1 to i32
      %cond3A = arith.constant 0 : i32
      %cond3A_139 = arith.cmpi ne, %convert_element_type3A, %cond3A : i32
      scf.if %cond3A_139 {
        %add3A_322 = arith.addi %mul3A_2, %add3A_119 : i32
        %sub3A_323 = arith.constant 2 : i32
        %sub3A_324 = arith.subi %add3A_322, %sub3A_323 : i32
        %dma_wait3A_325 = arith.constant 0 : i32
        %dma_wait3A_326 = arith.constant 0 : i32
        %dma_wait3A_327 = tpu.memref_slice %arg5[%dma_wait3A_325, %dma_wait3A_326] : memref<2x1024xf32, #tpu.memory_space<vmem>> -> memref<1x1024xf32, #tpu.memory_space<vmem>>
        %dma_wait3A_328 = tpu.memref_squeeze %dma_wait3A_327 : memref<1x1024xf32, #tpu.memory_space<vmem>> -> memref<1024xf32, #tpu.memory_space<vmem>>
        %dma_wait3A_329 = arith.constant 0 : i32
        %dma_wait3A_330 = tpu.memref_slice %arg3[%sub3A_324, %dma_wait3A_329] : memref<1024x1024xf32, #tpu.memory_space<hbm>> -> memref<1x1024xf32, #tpu.memory_space<hbm>>
        %dma_wait3A_331 = tpu.memref_squeeze %dma_wait3A_330 : memref<1x1024xf32, #tpu.memory_space<hbm>> -> memref<1024xf32, #tpu.memory_space<hbm>>
        %dma_wait3A_332 = arith.constant 0 : i32
        %dma_wait3A_333 = tpu.memref_slice %arg3[%sub3A_324, %dma_wait3A_332] : memref<1024x1024xf32, #tpu.memory_space<hbm>> -> memref<1x1024xf32, #tpu.memory_space<hbm>>
        %dma_wait3A_334 = tpu.memref_squeeze %dma_wait3A_333 : memref<1x1024xf32, #tpu.memory_space<hbm>> -> memref<1024xf32, #tpu.memory_space<hbm>>
        %dma_wait3A_335 = arith.constant 0 : i32
        %dma_wait3A_336 = tpu.memref_slice %arg5[%dma_wait3A_325, %dma_wait3A_335] : memref<2x1024xf32, #tpu.memory_space<vmem>> -> memref<1x1024xf32, #tpu.memory_space<vmem>>
        %dma_wait3A_337 = tpu.memref_squeeze %dma_wait3A_336 : memref<1x1024xf32, #tpu.memory_space<vmem>> -> memref<1024xf32, #tpu.memory_space<vmem>>
        tpu.wait_dma2 semaphore(%arg10 : memref<!tpu.dma_semaphore, #tpu.memory_space<semaphore_mem>>) src(%dma_wait3A_337 : memref<1024xf32, #tpu.memory_space<vmem>>) dst(%dma_wait3A_334 : memref<1024xf32, #tpu.memory_space<hbm>>)
      } else {
      }
      %scan3A_140 = arith.constant 0 : i32
      %scan3A_141 = arith.constant 0 : i32
      %scan3A_142 = arith.constant 16 : i32
      %scan3A_143 = arith.addi %scan3A_141, %scan3A_142 : i32
      %scan3A_144 = arith.constant 1 : i32
      scf.for %scan3A_322 = %scan3A_141 to %scan3A_143 step %scan3A_144  : i32 {
        %mul3A_323 = arith.constant 64 : i32
        %mul3A_324 = arith.muli %scan3A_322, %mul3A_323 : i32
        %add3A_325 = arith.constant 0 : i32
        %add3A_326 = arith.addi %mul3A_324, %add3A_325 : i32
        %get3A = arith.constant 0 : i32
        %get3A_327 = arith.constant 0 : i32
        %get3A_328 = arith.index_cast %get3A : i32 to index
        %get3A_329 = arith.index_cast %get3A_327 : i32 to index
        %get3A_330 = arith.index_cast %add3A_326 : i32 to index
        %get3A_331 = tpu.vector_load %arg4[%get3A_328, %get3A_329, %get3A_330] {strides = array<i32>} : memref<4x24x1024xf32, #tpu.memory_space<vmem>>, vector<1x1x16xf32>,
        %get3A_332 = vector.shape_cast %get3A_331 : vector<1x1x16xf32> to vector<16xf32>
        %get3A_333 = arith.constant 0 : i32
        %get3A_334 = arith.constant 1 : i32
        %get3A_335 = arith.index_cast %get3A_333 : i32 to index
        %get3A_336 = arith.index_cast %get3A_334 : i32 to index
        %get3A_337 = arith.index_cast %add3A_326 : i32 to index
        %get3A_338 = tpu.vector_load %arg4[%get3A_335, %get3A_336, %get3A_337] {strides = array<i32>} : memref<4x24x1024xf32, #tpu.memory_space<vmem>>, vector<1x1x16xf32>,
        %get3A_339 = vector.shape_cast %get3A_338 : vector<1x1x16xf32> to vector<16xf32>
        %add3A_340 = arith.addf %get3A_332, %get3A_339 : vector<16xf32>
        %get3A_341 = arith.constant 0 : i32
        %get3A_342 = arith.constant 2 : i32
        %get3A_343 = arith.index_cast %get3A_341 : i32 to index
        %get3A_344 = arith.index_cast %get3A_342 : i32 to index
        %get3A_345 = arith.index_cast %add3A_326 : i32 to index
        %get3A_346 = tpu.vector_load %arg4[%get3A_343, %get3A_344, %get3A_345] {strides = array<i32>} : memref<4x24x1024xf32, #tpu.memory_space<vmem>>, vector<1x1x16xf32>,
        %get3A_347 = vector.shape_cast %get3A_346 : vector<1x1x16xf32> to vector<16xf32>
        %add3A_348 = arith.addf %add3A_340, %get3A_347 : vector<16xf32>
        %get3A_349 = arith.constant 0 : i32
        %get3A_350 = arith.constant 3 : i32
        %get3A_351 = arith.index_cast %get3A_349 : i32 to index
        %get3A_352 = arith.index_cast %get3A_350 : i32 to index
        %get3A_353 = arith.index_cast %add3A_326 : i32 to index
        %get3A_354 = tpu.vector_load %arg4[%get3A_351, %get3A_352, %get3A_353] {strides = array<i32>} : memref<4x24x1024xf32, #tpu.memory_space<vmem>>, vector<1x1x16xf32>,
        %get3A_355 = vector.shape_cast %get3A_354 : vector<1x1x16xf32> to vector<16xf32>
        %add3A_356 = arith.addf %add3A_348, %get3A_355 : vector<16xf32>
        %get3A_357 = arith.constant 0 : i32
        %get3A_358 = arith.constant 4 : i32
        %get3A_359 = arith.index_cast %get3A_357 : i32 to index
        %get3A_360 = arith.index_cast %get3A_358 : i32 to index
        %get3A_361 = arith.index_cast %add3A_326 : i32 to index
        %get3A_362 = tpu.vector_load %arg4[%get3A_359, %get3A_360, %get3A_361] {strides = array<i32>} : memref<4x24x1024xf32, #tpu.memory_space<vmem>>, vector<1x1x16xf32>,
        %get3A_363 = vector.shape_cast %get3A_362 : vector<1x1x16xf32> to vector<16xf32>
        %add3A_364 = arith.addf %add3A_356, %get3A_363 : vector<16xf32>
        %get3A_365 = arith.constant 0 : i32
        %get3A_366 = arith.constant 5 : i32
        %get3A_367 = arith.index_cast %get3A_365 : i32 to index
        %get3A_368 = arith.index_cast %get3A_366 : i32 to index
        %get3A_369 = arith.index_cast %add3A_326 : i32 to index
        %get3A_370 = tpu.vector_load %arg4[%get3A_367, %get3A_368, %get3A_369] {strides = array<i32>} : memref<4x24x1024xf32, #tpu.memory_space<vmem>>, vector<1x1x16xf32>,
        %get3A_371 = vector.shape_cast %get3A_370 : vector<1x1x16xf32> to vector<16xf32>
        %add3A_372 = arith.addf %add3A_364, %get3A_371 : vector<16xf32>
        %get3A_373 = arith.constant 0 : i32
        %get3A_374 = arith.constant 6 : i32
        %get3A_375 = arith.index_cast %get3A_373 : i32 to index
        %get3A_376 = arith.index_cast %get3A_374 : i32 to index
        %get3A_377 = arith.index_cast %add3A_326 : i32 to index
        %get3A_378 = tpu.vector_load %arg4[%get3A_375, %get3A_376, %get3A_377] {strides = array<i32>} : memref<4x24x1024xf32, #tpu.memory_space<vmem>>, vector<1x1x16xf32>,
        %get3A_379 = vector.shape_cast %get3A_378 : vector<1x1x16xf32> to vector<16xf32>
        %add3A_380 = arith.addf %add3A_372, %get3A_379 : vector<16xf32>
        %get3A_381 = arith.constant 0 : i32
        %get3A_382 = arith.constant 7 : i32
        %get3A_383 = arith.index_cast %get3A_381 : i32 to index
        %get3A_384 = arith.index_cast %get3A_382 : i32 to index
        %get3A_385 = arith.index_cast %add3A_326 : i32 to index
        %get3A_386 = tpu.vector_load %arg4[%get3A_383, %get3A_384, %get3A_385] {strides = array<i32>} : memref<4x24x1024xf32, #tpu.memory_space<vmem>>, vector<1x1x16xf32>,
        %get3A_387 = vector.shape_cast %get3A_386 : vector<1x1x16xf32> to vector<16xf32>
        %add3A_388 = arith.addf %add3A_380, %get3A_387 : vector<16xf32>
        %get3A_389 = arith.constant 0 : i32
        %get3A_390 = arith.constant 8 : i32
        %get3A_391 = arith.index_cast %get3A_389 : i32 to index
        %get3A_392 = arith.index_cast %get3A_390 : i32 to index
        %get3A_393 = arith.index_cast %add3A_326 : i32 to index
        %get3A_394 = tpu.vector_load %arg4[%get3A_391, %get3A_392, %get3A_393] {strides = array<i32>} : memref<4x24x1024xf32, #tpu.memory_space<vmem>>, vector<1x1x16xf32>,
        %get3A_395 = vector.shape_cast %get3A_394 : vector<1x1x16xf32> to vector<16xf32>
        %add3A_396 = arith.addf %add3A_388, %get3A_395 : vector<16xf32>
        %get3A_397 = arith.constant 0 : i32
        %get3A_398 = arith.constant 9 : i32
        %get3A_399 = arith.index_cast %get3A_397 : i32 to index
        %get3A_400 = arith.index_cast %get3A_398 : i32 to index
        %get3A_401 = arith.index_cast %add3A_326 : i32 to index
        %get3A_402 = tpu.vector_load %arg4[%get3A_399, %get3A_400, %get3A_401] {strides = array<i32>} : memref<4x24x1024xf32, #tpu.memory_space<vmem>>, vector<1x1x16xf32>,
        %get3A_403 = vector.shape_cast %get3A_402 : vector<1x1x16xf32> to vector<16xf32>
        %add3A_404 = arith.addf %add3A_396, %get3A_403 : vector<16xf32>
        %get3A_405 = arith.constant 0 : i32
        %get3A_406 = arith.constant 10 : i32
        %get3A_407 = arith.index_cast %get3A_405 : i32 to index
        %get3A_408 = arith.index_cast %get3A_406 : i32 to index
        %get3A_409 = arith.index_cast %add3A_326 : i32 to index
        %get3A_410 = tpu.vector_load %arg4[%get3A_407, %get3A_408, %get3A_409] {strides = array<i32>} : memref<4x24x1024xf32, #tpu.memory_space<vmem>>, vector<1x1x16xf32>,
        %get3A_411 = vector.shape_cast %get3A_410 : vector<1x1x16xf32> to vector<16xf32>
        %add3A_412 = arith.addf %add3A_404, %get3A_411 : vector<16xf32>
        %get3A_413 = arith.constant 0 : i32
        %get3A_414 = arith.constant 11 : i32
        %get3A_415 = arith.index_cast %get3A_413 : i32 to index
        %get3A_416 = arith.index_cast %get3A_414 : i32 to index
        %get3A_417 = arith.index_cast %add3A_326 : i32 to index
        %get3A_418 = tpu.vector_load %arg4[%get3A_415, %get3A_416, %get3A_417] {strides = array<i32>} : memref<4x24x1024xf32, #tpu.memory_space<vmem>>, vector<1x1x16xf32>,
        %get3A_419 = vector.shape_cast %get3A_418 : vector<1x1x16xf32> to vector<16xf32>
        %add3A_420 = arith.addf %add3A_412, %get3A_419 : vector<16xf32>
        %get3A_421 = arith.constant 0 : i32
        %get3A_422 = arith.constant 12 : i32
        %get3A_423 = arith.index_cast %get3A_421 : i32 to index
        %get3A_424 = arith.index_cast %get3A_422 : i32 to index
        %get3A_425 = arith.index_cast %add3A_326 : i32 to index
        %get3A_426 = tpu.vector_load %arg4[%get3A_423, %get3A_424, %get3A_425] {strides = array<i32>} : memref<4x24x1024xf32, #tpu.memory_space<vmem>>, vector<1x1x16xf32>,
        %get3A_427 = vector.shape_cast %get3A_426 : vector<1x1x16xf32> to vector<16xf32>
        %add3A_428 = arith.addf %add3A_420, %get3A_427 : vector<16xf32>
        %get3A_429 = arith.constant 0 : i32
        %get3A_430 = arith.constant 13 : i32
        %get3A_431 = arith.index_cast %get3A_429 : i32 to index
        %get3A_432 = arith.index_cast %get3A_430 : i32 to index
        %get3A_433 = arith.index_cast %add3A_326 : i32 to index
        %get3A_434 = tpu.vector_load %arg4[%get3A_431, %get3A_432, %get3A_433] {strides = array<i32>} : memref<4x24x1024xf32, #tpu.memory_space<vmem>>, vector<1x1x16xf32>,
        %get3A_435 = vector.shape_cast %get3A_434 : vector<1x1x16xf32> to vector<16xf32>
        %add3A_436 = arith.addf %add3A_428, %get3A_435 : vector<16xf32>
        %get3A_437 = arith.constant 0 : i32
        %get3A_438 = arith.constant 14 : i32
        %get3A_439 = arith.index_cast %get3A_437 : i32 to index
        %get3A_440 = arith.index_cast %get3A_438 : i32 to index
        %get3A_441 = arith.index_cast %add3A_326 : i32 to index
        %get3A_442 = tpu.vector_load %arg4[%get3A_439, %get3A_440, %get3A_441] {strides = array<i32>} : memref<4x24x1024xf32, #tpu.memory_space<vmem>>, vector<1x1x16xf32>,
        %get3A_443 = vector.shape_cast %get3A_442 : vector<1x1x16xf32> to vector<16xf32>
        %add3A_444 = arith.addf %add3A_436, %get3A_443 : vector<16xf32>
        %get3A_445 = arith.constant 0 : i32
        %get3A_446 = arith.constant 15 : i32
        %get3A_447 = arith.index_cast %get3A_445 : i32 to index
        %get3A_448 = arith.index_cast %get3A_446 : i32 to index
        %get3A_449 = arith.index_cast %add3A_326 : i32 to index
        %get3A_450 = tpu.vector_load %arg4[%get3A_447, %get3A_448, %get3A_449] {strides = array<i32>} : memref<4x24x1024xf32, #tpu.memory_space<vmem>>, vector<1x1x16xf32>,
        %get3A_451 = vector.shape_cast %get3A_450 : vector<1x1x16xf32> to vector<16xf32>
        %add3A_452 = arith.addf %add3A_444, %get3A_451 : vector<16xf32>
        %get3A_453 = arith.constant 0 : i32
        %get3A_454 = arith.constant 16 : i32
        %get3A_455 = arith.index_cast %get3A_453 : i32 to index
        %get3A_456 = arith.index_cast %get3A_454 : i32 to index
        %get3A_457 = arith.index_cast %add3A_326 : i32 to index
        %get3A_458 = tpu.vector_load %arg4[%get3A_455, %get3A_456, %get3A_457] {strides = array<i32>} : memref<4x24x1024xf32, #tpu.memory_space<vmem>>, vector<1x1x16xf32>,
        %get3A_459 = vector.shape_cast %get3A_458 : vector<1x1x16xf32> to vector<16xf32>
        %add3A_460 = arith.addf %add3A_452, %get3A_459 : vector<16xf32>
        %get3A_461 = arith.constant 0 : i32
        %get3A_462 = arith.constant 17 : i32
        %get3A_463 = arith.index_cast %get3A_461 : i32 to index
        %get3A_464 = arith.index_cast %get3A_462 : i32 to index
        %get3A_465 = arith.index_cast %add3A_326 : i32 to index
        %get3A_466 = tpu.vector_load %arg4[%get3A_463, %get3A_464, %get3A_465] {strides = array<i32>} : memref<4x24x1024xf32, #tpu.memory_space<vmem>>, vector<1x1x16xf32>,
        %get3A_467 = vector.shape_cast %get3A_466 : vector<1x1x16xf32> to vector<16xf32>
        %add3A_468 = arith.addf %add3A_460, %get3A_467 : vector<16xf32>
        %get3A_469 = arith.constant 0 : i32
        %get3A_470 = arith.constant 18 : i32
        %get3A_471 = arith.index_cast %get3A_469 : i32 to index
        %get3A_472 = arith.index_cast %get3A_470 : i32 to index
        %get3A_473 = arith.index_cast %add3A_326 : i32 to index
        %get3A_474 = tpu.vector_load %arg4[%get3A_471, %get3A_472, %get3A_473] {strides = array<i32>} : memref<4x24x1024xf32, #tpu.memory_space<vmem>>, vector<1x1x16xf32>,
        %get3A_475 = vector.shape_cast %get3A_474 : vector<1x1x16xf32> to vector<16xf32>
        %add3A_476 = arith.addf %add3A_468, %get3A_475 : vector<16xf32>
        %get3A_477 = arith.constant 0 : i32
        %get3A_478 = arith.constant 19 : i32
        %get3A_479 = arith.index_cast %get3A_477 : i32 to index
        %get3A_480 = arith.index_cast %get3A_478 : i32 to index
        %get3A_481 = arith.index_cast %add3A_326 : i32 to index
        %get3A_482 = tpu.vector_load %arg4[%get3A_479, %get3A_480, %get3A_481] {strides = array<i32>} : memref<4x24x1024xf32, #tpu.memory_space<vmem>>, vector<1x1x16xf32>,
        %get3A_483 = vector.shape_cast %get3A_482 : vector<1x1x16xf32> to vector<16xf32>
        %add3A_484 = arith.addf %add3A_476, %get3A_483 : vector<16xf32>
        %get3A_485 = arith.constant 0 : i32
        %get3A_486 = arith.constant 20 : i32
        %get3A_487 = arith.index_cast %get3A_485 : i32 to index
        %get3A_488 = arith.index_cast %get3A_486 : i32 to index
        %get3A_489 = arith.index_cast %add3A_326 : i32 to index
        %get3A_490 = tpu.vector_load %arg4[%get3A_487, %get3A_488, %get3A_489] {strides = array<i32>} : memref<4x24x1024xf32, #tpu.memory_space<vmem>>, vector<1x1x16xf32>,
        %get3A_491 = vector.shape_cast %get3A_490 : vector<1x1x16xf32> to vector<16xf32>
        %add3A_492 = arith.addf %add3A_484, %get3A_491 : vector<16xf32>
        %get3A_493 = arith.constant 0 : i32
        %get3A_494 = arith.constant 21 : i32
        %get3A_495 = arith.index_cast %get3A_493 : i32 to index
        %get3A_496 = arith.index_cast %get3A_494 : i32 to index
        %get3A_497 = arith.index_cast %add3A_326 : i32 to index
        %get3A_498 = tpu.vector_load %arg4[%get3A_495, %get3A_496, %get3A_497] {strides = array<i32>} : memref<4x24x1024xf32, #tpu.memory_space<vmem>>, vector<1x1x16xf32>,
        %get3A_499 = vector.shape_cast %get3A_498 : vector<1x1x16xf32> to vector<16xf32>
        %add3A_500 = arith.addf %add3A_492, %get3A_499 : vector<16xf32>
        %get3A_501 = arith.constant 0 : i32
        %get3A_502 = arith.constant 22 : i32
        %get3A_503 = arith.index_cast %get3A_501 : i32 to index
        %get3A_504 = arith.index_cast %get3A_502 : i32 to index
        %get3A_505 = arith.index_cast %add3A_326 : i32 to index
        %get3A_506 = tpu.vector_load %arg4[%get3A_503, %get3A_504, %get3A_505] {strides = array<i32>} : memref<4x24x1024xf32, #tpu.memory_space<vmem>>, vector<1x1x16xf32>,
        %get3A_507 = vector.shape_cast %get3A_506 : vector<1x1x16xf32> to vector<16xf32>
        %add3A_508 = arith.addf %add3A_500, %get3A_507 : vector<16xf32>
        %get3A_509 = arith.constant 0 : i32
        %get3A_510 = arith.constant 23 : i32
        %get3A_511 = arith.index_cast %get3A_509 : i32 to index
        %get3A_512 = arith.index_cast %get3A_510 : i32 to index
        %get3A_513 = arith.index_cast %add3A_326 : i32 to index
        %get3A_514 = tpu.vector_load %arg4[%get3A_511, %get3A_512, %get3A_513] {strides = array<i32>} : memref<4x24x1024xf32, #tpu.memory_space<vmem>>, vector<1x1x16xf32>,
        %get3A_515 = vector.shape_cast %get3A_514 : vector<1x1x16xf32> to vector<16xf32>
        %add3A_516 = arith.addf %add3A_508, %get3A_515 : vector<16xf32>
        %swap3A = arith.constant 0 : i32
        %swap3A_517 = arith.index_cast %swap3A : i32 to index
        %swap3A_518 = arith.index_cast %add3A_326 : i32 to index
        %swap3A_519 = tpu.vector_load %arg5[%swap3A_517, %swap3A_518] {strides = array<i32>} : memref<2x1024xf32, #tpu.memory_space<vmem>>, vector<1x16xf32>,
        %swap3A_520 = vector.shape_cast %swap3A_519 : vector<1x16xf32> to vector<16xf32>
        %swap3A_521 = vector.shape_cast %add3A_516 : vector<16xf32> to vector<1x16xf32>
        tpu.vector_store %arg5[%swap3A_517, %swap3A_518], %swap3A_521 {strides = array<i32>} : memref<2x1024xf32, #tpu.memory_space<vmem>>, vector<1x16xf32>,
        %mul3A_522 = arith.constant 64 : i32
        %mul3A_523 = arith.muli %scan3A_322, %mul3A_522 : i32
        %add3A_524 = arith.constant 16 : i32
        %add3A_525 = arith.addi %mul3A_523, %add3A_524 : i32
        %get3A_526 = arith.constant 0 : i32
        %get3A_527 = arith.constant 0 : i32
        %get3A_528 = arith.index_cast %get3A_526 : i32 to index
        %get3A_529 = arith.index_cast %get3A_527 : i32 to index
        %get3A_530 = arith.index_cast %add3A_525 : i32 to index
        %get3A_531 = tpu.vector_load %arg4[%get3A_528, %get3A_529, %get3A_530] {strides = array<i32>} : memref<4x24x1024xf32, #tpu.memory_space<vmem>>, vector<1x1x16xf32>,
        %get3A_532 = vector.shape_cast %get3A_531 : vector<1x1x16xf32> to vector<16xf32>
        %get3A_533 = arith.constant 0 : i32
        %get3A_534 = arith.constant 1 : i32
        %get3A_535 = arith.index_cast %get3A_533 : i32 to index
        %get3A_536 = arith.index_cast %get3A_534 : i32 to index
        %get3A_537 = arith.index_cast %add3A_525 : i32 to index
        %get3A_538 = tpu.vector_load %arg4[%get3A_535, %get3A_536, %get3A_537] {strides = array<i32>} : memref<4x24x1024xf32, #tpu.memory_space<vmem>>, vector<1x1x16xf32>,
        %get3A_539 = vector.shape_cast %get3A_538 : vector<1x1x16xf32> to vector<16xf32>
        %add3A_540 = arith.addf %get3A_532, %get3A_539 : vector<16xf32>
        %get3A_541 = arith.constant 0 : i32
        %get3A_542 = arith.constant 2 : i32
        %get3A_543 = arith.index_cast %get3A_541 : i32 to index
        %get3A_544 = arith.index_cast %get3A_542 : i32 to index
        %get3A_545 = arith.index_cast %add3A_525 : i32 to index
        %get3A_546 = tpu.vector_load %arg4[%get3A_543, %get3A_544, %get3A_545] {strides = array<i32>} : memref<4x24x1024xf32, #tpu.memory_space<vmem>>, vector<1x1x16xf32>,
        %get3A_547 = vector.shape_cast %get3A_546 : vector<1x1x16xf32> to vector<16xf32>
        %add3A_548 = arith.addf %add3A_540, %get3A_547 : vector<16xf32>
        %get3A_549 = arith.constant 0 : i32
        %get3A_550 = arith.constant 3 : i32
        %get3A_551 = arith.index_cast %get3A_549 : i32 to index
        %get3A_552 = arith.index_cast %get3A_550 : i32 to index
        %get3A_553 = arith.index_cast %add3A_525 : i32 to index
        %get3A_554 = tpu.vector_load %arg4[%get3A_551, %get3A_552, %get3A_553] {strides = array<i32>} : memref<4x24x1024xf32, #tpu.memory_space<vmem>>, vector<1x1x16xf32>,
        %get3A_555 = vector.shape_cast %get3A_554 : vector<1x1x16xf32> to vector<16xf32>
        %add3A_556 = arith.addf %add3A_548, %get3A_555 : vector<16xf32>
        %get3A_557 = arith.constant 0 : i32
        %get3A_558 = arith.constant 4 : i32
        %get3A_559 = arith.index_cast %get3A_557 : i32 to index
        %get3A_560 = arith.index_cast %get3A_558 : i32 to index
        %get3A_561 = arith.index_cast %add3A_525 : i32 to index
        %get3A_562 = tpu.vector_load %arg4[%get3A_559, %get3A_560, %get3A_561] {strides = array<i32>} : memref<4x24x1024xf32, #tpu.memory_space<vmem>>, vector<1x1x16xf32>,
        %get3A_563 = vector.shape_cast %get3A_562 : vector<1x1x16xf32> to vector<16xf32>
        %add3A_564 = arith.addf %add3A_556, %get3A_563 : vector<16xf32>
        %get3A_565 = arith.constant 0 : i32
        %get3A_566 = arith.constant 5 : i32
        %get3A_567 = arith.index_cast %get3A_565 : i32 to index
        %get3A_568 = arith.index_cast %get3A_566 : i32 to index
        %get3A_569 = arith.index_cast %add3A_525 : i32 to index
        %get3A_570 = tpu.vector_load %arg4[%get3A_567, %get3A_568, %get3A_569] {strides = array<i32>} : memref<4x24x1024xf32, #tpu.memory_space<vmem>>, vector<1x1x16xf32>,
        %get3A_571 = vector.shape_cast %get3A_570 : vector<1x1x16xf32> to vector<16xf32>
        %add3A_572 = arith.addf %add3A_564, %get3A_571 : vector<16xf32>
        %get3A_573 = arith.constant 0 : i32
        %get3A_574 = arith.constant 6 : i32
        %get3A_575 = arith.index_cast %get3A_573 : i32 to index
        %get3A_576 = arith.index_cast %get3A_574 : i32 to index
        %get3A_577 = arith.index_cast %add3A_525 : i32 to index
        %get3A_578 = tpu.vector_load %arg4[%get3A_575, %get3A_576, %get3A_577] {strides = array<i32>} : memref<4x24x1024xf32, #tpu.memory_space<vmem>>, vector<1x1x16xf32>,
        %get3A_579 = vector.shape_cast %get3A_578 : vector<1x1x16xf32> to vector<16xf32>
        %add3A_580 = arith.addf %add3A_572, %get3A_579 : vector<16xf32>
        %get3A_581 = arith.constant 0 : i32
        %get3A_582 = arith.constant 7 : i32
        %get3A_583 = arith.index_cast %get3A_581 : i32 to index
        %get3A_584 = arith.index_cast %get3A_582 : i32 to index
        %get3A_585 = arith.index_cast %add3A_525 : i32 to index
        %get3A_586 = tpu.vector_load %arg4[%get3A_583, %get3A_584, %get3A_585] {strides = array<i32>} : memref<4x24x1024xf32, #tpu.memory_space<vmem>>, vector<1x1x16xf32>,
        %get3A_587 = vector.shape_cast %get3A_586 : vector<1x1x16xf32> to vector<16xf32>
        %add3A_588 = arith.addf %add3A_580, %get3A_587 : vector<16xf32>
        %get3A_589 = arith.constant 0 : i32
        %get3A_590 = arith.constant 8 : i32
        %get3A_591 = arith.index_cast %get3A_589 : i32 to index
        %get3A_592 = arith.index_cast %get3A_590 : i32 to index
        %get3A_593 = arith.index_cast %add3A_525 : i32 to index
        %get3A_594 = tpu.vector_load %arg4[%get3A_591, %get3A_592, %get3A_593] {strides = array<i32>} : memref<4x24x1024xf32, #tpu.memory_space<vmem>>, vector<1x1x16xf32>,
        %get3A_595 = vector.shape_cast %get3A_594 : vector<1x1x16xf32> to vector<16xf32>
        %add3A_596 = arith.addf %add3A_588, %get3A_595 : vector<16xf32>
        %get3A_597 = arith.constant 0 : i32
        %get3A_598 = arith.constant 9 : i32
        %get3A_599 = arith.index_cast %get3A_597 : i32 to index
        %get3A_600 = arith.index_cast %get3A_598 : i32 to index
        %get3A_601 = arith.index_cast %add3A_525 : i32 to index
        %get3A_602 = tpu.vector_load %arg4[%get3A_599, %get3A_600, %get3A_601] {strides = array<i32>} : memref<4x24x1024xf32, #tpu.memory_space<vmem>>, vector<1x1x16xf32>,
        %get3A_603 = vector.shape_cast %get3A_602 : vector<1x1x16xf32> to vector<16xf32>
        %add3A_604 = arith.addf %add3A_596, %get3A_603 : vector<16xf32>
        %get3A_605 = arith.constant 0 : i32
        %get3A_606 = arith.constant 10 : i32
        %get3A_607 = arith.index_cast %get3A_605 : i32 to index
        %get3A_608 = arith.index_cast %get3A_606 : i32 to index
        %get3A_609 = arith.index_cast %add3A_525 : i32 to index
        %get3A_610 = tpu.vector_load %arg4[%get3A_607, %get3A_608, %get3A_609] {strides = array<i32>} : memref<4x24x1024xf32, #tpu.memory_space<vmem>>, vector<1x1x16xf32>,
        %get3A_611 = vector.shape_cast %get3A_610 : vector<1x1x16xf32> to vector<16xf32>
        %add3A_612 = arith.addf %add3A_604, %get3A_611 : vector<16xf32>
        %get3A_613 = arith.constant 0 : i32
        %get3A_614 = arith.constant 11 : i32
        %get3A_615 = arith.index_cast %get3A_613 : i32 to index
        %get3A_616 = arith.index_cast %get3A_614 : i32 to index
        %get3A_617 = arith.index_cast %add3A_525 : i32 to index
        %get3A_618 = tpu.vector_load %arg4[%get3A_615, %get3A_616, %get3A_617] {strides = array<i32>} : memref<4x24x1024xf32, #tpu.memory_space<vmem>>, vector<1x1x16xf32>,
        %get3A_619 = vector.shape_cast %get3A_618 : vector<1x1x16xf32> to vector<16xf32>
        %add3A_620 = arith.addf %add3A_612, %get3A_619 : vector<16xf32>
        %get3A_621 = arith.constant 0 : i32
        %get3A_622 = arith.constant 12 : i32
        %get3A_623 = arith.index_cast %get3A_621 : i32 to index
        %get3A_624 = arith.index_cast %get3A_622 : i32 to index
        %get3A_625 = arith.index_cast %add3A_525 : i32 to index
        %get3A_626 = tpu.vector_load %arg4[%get3A_623, %get3A_624, %get3A_625] {strides = array<i32>} : memref<4x24x1024xf32, #tpu.memory_space<vmem>>, vector<1x1x16xf32>,
        %get3A_627 = vector.shape_cast %get3A_626 : vector<1x1x16xf32> to vector<16xf32>
        %add3A_628 = arith.addf %add3A_620, %get3A_627 : vector<16xf32>
        %get3A_629 = arith.constant 0 : i32
        %get3A_630 = arith.constant 13 : i32
        %get3A_631 = arith.index_cast %get3A_629 : i32 to index
        %get3A_632 = arith.index_cast %get3A_630 : i32 to index
        %get3A_633 = arith.index_cast %add3A_525 : i32 to index
        %get3A_634 = tpu.vector_load %arg4[%get3A_631, %get3A_632, %get3A_633] {strides = array<i32>} : memref<4x24x1024xf32, #tpu.memory_space<vmem>>, vector<1x1x16xf32>,
        %get3A_635 = vector.shape_cast %get3A_634 : vector<1x1x16xf32> to vector<16xf32>
        %add3A_636 = arith.addf %add3A_628, %get3A_635 : vector<16xf32>
        %get3A_637 = arith.constant 0 : i32
        %get3A_638 = arith.constant 14 : i32
        %get3A_639 = arith.index_cast %get3A_637 : i32 to index
        %get3A_640 = arith.index_cast %get3A_638 : i32 to index
        %get3A_641 = arith.index_cast %add3A_525 : i32 to index
        %get3A_642 = tpu.vector_load %arg4[%get3A_639, %get3A_640, %get3A_641] {strides = array<i32>} : memref<4x24x1024xf32, #tpu.memory_space<vmem>>, vector<1x1x16xf32>,
        %get3A_643 = vector.shape_cast %get3A_642 : vector<1x1x16xf32> to vector<16xf32>
        %add3A_644 = arith.addf %add3A_636, %get3A_643 : vector<16xf32>
        %get3A_645 = arith.constant 0 : i32
        %get3A_646 = arith.constant 15 : i32
        %get3A_647 = arith.index_cast %get3A_645 : i32 to index
        %get3A_648 = arith.index_cast %get3A_646 : i32 to index
        %get3A_649 = arith.index_cast %add3A_525 : i32 to index
        %get3A_650 = tpu.vector_load %arg4[%get3A_647, %get3A_648, %get3A_649] {strides = array<i32>} : memref<4x24x1024xf32, #tpu.memory_space<vmem>>, vector<1x1x16xf32>,
        %get3A_651 = vector.shape_cast %get3A_650 : vector<1x1x16xf32> to vector<16xf32>
        %add3A_652 = arith.addf %add3A_644, %get3A_651 : vector<16xf32>
        %get3A_653 = arith.constant 0 : i32
        %get3A_654 = arith.constant 16 : i32
        %get3A_655 = arith.index_cast %get3A_653 : i32 to index
        %get3A_656 = arith.index_cast %get3A_654 : i32 to index
        %get3A_657 = arith.index_cast %add3A_525 : i32 to index
        %get3A_658 = tpu.vector_load %arg4[%get3A_655, %get3A_656, %get3A_657] {strides = array<i32>} : memref<4x24x1024xf32, #tpu.memory_space<vmem>>, vector<1x1x16xf32>,
        %get3A_659 = vector.shape_cast %get3A_658 : vector<1x1x16xf32> to vector<16xf32>
        %add3A_660 = arith.addf %add3A_652, %get3A_659 : vector<16xf32>
        %get3A_661 = arith.constant 0 : i32
        %get3A_662 = arith.constant 17 : i32
        %get3A_663 = arith.index_cast %get3A_661 : i32 to index
        %get3A_664 = arith.index_cast %get3A_662 : i32 to index
        %get3A_665 = arith.index_cast %add3A_525 : i32 to index
        %get3A_666 = tpu.vector_load %arg4[%get3A_663, %get3A_664, %get3A_665] {strides = array<i32>} : memref<4x24x1024xf32, #tpu.memory_space<vmem>>, vector<1x1x16xf32>,
        %get3A_667 = vector.shape_cast %get3A_666 : vector<1x1x16xf32> to vector<16xf32>
        %add3A_668 = arith.addf %add3A_660, %get3A_667 : vector<16xf32>
        %get3A_669 = arith.constant 0 : i32
        %get3A_670 = arith.constant 18 : i32
        %get3A_671 = arith.index_cast %get3A_669 : i32 to index
        %get3A_672 = arith.index_cast %get3A_670 : i32 to index
        %get3A_673 = arith.index_cast %add3A_525 : i32 to index
        %get3A_674 = tpu.vector_load %arg4[%get3A_671, %get3A_672, %get3A_673] {strides = array<i32>} : memref<4x24x1024xf32, #tpu.memory_space<vmem>>, vector<1x1x16xf32>,
        %get3A_675 = vector.shape_cast %get3A_674 : vector<1x1x16xf32> to vector<16xf32>
        %add3A_676 = arith.addf %add3A_668, %get3A_675 : vector<16xf32>
        %get3A_677 = arith.constant 0 : i32
        %get3A_678 = arith.constant 19 : i32
        %get3A_679 = arith.index_cast %get3A_677 : i32 to index
        %get3A_680 = arith.index_cast %get3A_678 : i32 to index
        %get3A_681 = arith.index_cast %add3A_525 : i32 to index
        %get3A_682 = tpu.vector_load %arg4[%get3A_679, %get3A_680, %get3A_681] {strides = array<i32>} : memref<4x24x1024xf32, #tpu.memory_space<vmem>>, vector<1x1x16xf32>,
        %get3A_683 = vector.shape_cast %get3A_682 : vector<1x1x16xf32> to vector<16xf32>
        %add3A_684 = arith.addf %add3A_676, %get3A_683 : vector<16xf32>
        %get3A_685 = arith.constant 0 : i32
        %get3A_686 = arith.constant 20 : i32
        %get3A_687 = arith.index_cast %get3A_685 : i32 to index
        %get3A_688 = arith.index_cast %get3A_686 : i32 to index
        %get3A_689 = arith.index_cast %add3A_525 : i32 to index
        %get3A_690 = tpu.vector_load %arg4[%get3A_687, %get3A_688, %get3A_689] {strides = array<i32>} : memref<4x24x1024xf32, #tpu.memory_space<vmem>>, vector<1x1x16xf32>,
        %get3A_691 = vector.shape_cast %get3A_690 : vector<1x1x16xf32> to vector<16xf32>
        %add3A_692 = arith.addf %add3A_684, %get3A_691 : vector<16xf32>
        %get3A_693 = arith.constant 0 : i32
        %get3A_694 = arith.constant 21 : i32
        %get3A_695 = arith.index_cast %get3A_693 : i32 to index
        %get3A_696 = arith.index_cast %get3A_694 : i32 to index
        %get3A_697 = arith.index_cast %add3A_525 : i32 to index
        %get3A_698 = tpu.vector_load %arg4[%get3A_695, %get3A_696, %get3A_697] {strides = array<i32>} : memref<4x24x1024xf32, #tpu.memory_space<vmem>>, vector<1x1x16xf32>,
        %get3A_699 = vector.shape_cast %get3A_698 : vector<1x1x16xf32> to vector<16xf32>
        %add3A_700 = arith.addf %add3A_692, %get3A_699 : vector<16xf32>
        %get3A_701 = arith.constant 0 : i32
        %get3A_702 = arith.constant 22 : i32
        %get3A_703 = arith.index_cast %get3A_701 : i32 to index
        %get3A_704 = arith.index_cast %get3A_702 : i32 to index
        %get3A_705 = arith.index_cast %add3A_525 : i32 to index
        %get3A_706 = tpu.vector_load %arg4[%get3A_703, %get3A_704, %get3A_705] {strides = array<i32>} : memref<4x24x1024xf32, #tpu.memory_space<vmem>>, vector<1x1x16xf32>,
        %get3A_707 = vector.shape_cast %get3A_706 : vector<1x1x16xf32> to vector<16xf32>
        %add3A_708 = arith.addf %add3A_700, %get3A_707 : vector<16xf32>
        %get3A_709 = arith.constant 0 : i32
        %get3A_710 = arith.constant 23 : i32
        %get3A_711 = arith.index_cast %get3A_709 : i32 to index
        %get3A_712 = arith.index_cast %get3A_710 : i32 to index
        %get3A_713 = arith.index_cast %add3A_525 : i32 to index
        %get3A_714 = tpu.vector_load %arg4[%get3A_711, %get3A_712, %get3A_713] {strides = array<i32>} : memref<4x24x1024xf32, #tpu.memory_space<vmem>>, vector<1x1x16xf32>,
        %get3A_715 = vector.shape_cast %get3A_714 : vector<1x1x16xf32> to vector<16xf32>
        %add3A_716 = arith.addf %add3A_708, %get3A_715 : vector<16xf32>
        %swap3A_717 = arith.constant 0 : i32
        %swap3A_718 = arith.index_cast %swap3A_717 : i32 to index
        %swap3A_719 = arith.index_cast %add3A_525 : i32 to index
        %swap3A_720 = tpu.vector_load %arg5[%swap3A_718, %swap3A_719] {strides = array<i32>} : memref<2x1024xf32, #tpu.memory_space<vmem>>, vector<1x16xf32>,
        %swap3A_721 = vector.shape_cast %swap3A_720 : vector<1x16xf32> to vector<16xf32>
        %swap3A_722 = vector.shape_cast %add3A_716 : vector<16xf32> to vector<1x16xf32>
        tpu.vector_store %arg5[%swap3A_718, %swap3A_719], %swap3A_722 {strides = array<i32>} : memref<2x1024xf32, #tpu.memory_space<vmem>>, vector<1x16xf32>,
        %mul3A_723 = arith.constant 64 : i32
        %mul3A_724 = arith.muli %scan3A_322, %mul3A_723 : i32
        %add3A_725 = arith.constant 32 : i32
        %add3A_726 = arith.addi %mul3A_724, %add3A_725 : i32
        %get3A_727 = arith.constant 0 : i32
        %get3A_728 = arith.constant 0 : i32
        %get3A_729 = arith.index_cast %get3A_727 : i32 to index
        %get3A_730 = arith.index_cast %get3A_728 : i32 to index
        %get3A_731 = arith.index_cast %add3A_726 : i32 to index
        %get3A_732 = tpu.vector_load %arg4[%get3A_729, %get3A_730, %get3A_731] {strides = array<i32>} : memref<4x24x1024xf32, #tpu.memory_space<vmem>>, vector<1x1x16xf32>,
        %get3A_733 = vector.shape_cast %get3A_732 : vector<1x1x16xf32> to vector<16xf32>
        %get3A_734 = arith.constant 0 : i32
        %get3A_735 = arith.constant 1 : i32
        %get3A_736 = arith.index_cast %get3A_734 : i32 to index
        %get3A_737 = arith.index_cast %get3A_735 : i32 to index
        %get3A_738 = arith.index_cast %add3A_726 : i32 to index
        %get3A_739 = tpu.vector_load %arg4[%get3A_736, %get3A_737, %get3A_738] {strides = array<i32>} : memref<4x24x1024xf32, #tpu.memory_space<vmem>>, vector<1x1x16xf32>,
        %get3A_740 = vector.shape_cast %get3A_739 : vector<1x1x16xf32> to vector<16xf32>
        %add3A_741 = arith.addf %get3A_733, %get3A_740 : vector<16xf32>
        %get3A_742 = arith.constant 0 : i32
        %get3A_743 = arith.constant 2 : i32
        %get3A_744 = arith.index_cast %get3A_742 : i32 to index
        %get3A_745 = arith.index_cast %get3A_743 : i32 to index
        %get3A_746 = arith.index_cast %add3A_726 : i32 to index
        %get3A_747 = tpu.vector_load %arg4[%get3A_744, %get3A_745, %get3A_746] {strides = array<i32>} : memref<4x24x1024xf32, #tpu.memory_space<vmem>>, vector<1x1x16xf32>,
        %get3A_748 = vector.shape_cast %get3A_747 : vector<1x1x16xf32> to vector<16xf32>
        %add3A_749 = arith.addf %add3A_741, %get3A_748 : vector<16xf32>
        %get3A_750 = arith.constant 0 : i32
        %get3A_751 = arith.constant 3 : i32
        %get3A_752 = arith.index_cast %get3A_750 : i32 to index
        %get3A_753 = arith.index_cast %get3A_751 : i32 to index
        %get3A_754 = arith.index_cast %add3A_726 : i32 to index
        %get3A_755 = tpu.vector_load %arg4[%get3A_752, %get3A_753, %get3A_754] {strides = array<i32>} : memref<4x24x1024xf32, #tpu.memory_space<vmem>>, vector<1x1x16xf32>,
        %get3A_756 = vector.shape_cast %get3A_755 : vector<1x1x16xf32> to vector<16xf32>
        %add3A_757 = arith.addf %add3A_749, %get3A_756 : vector<16xf32>
        %get3A_758 = arith.constant 0 : i32
        %get3A_759 = arith.constant 4 : i32
        %get3A_760 = arith.index_cast %get3A_758 : i32 to index
        %get3A_761 = arith.index_cast %get3A_759 : i32 to index
        %get3A_762 = arith.index_cast %add3A_726 : i32 to index
        %get3A_763 = tpu.vector_load %arg4[%get3A_760, %get3A_761, %get3A_762] {strides = array<i32>} : memref<4x24x1024xf32, #tpu.memory_space<vmem>>, vector<1x1x16xf32>,
        %get3A_764 = vector.shape_cast %get3A_763 : vector<1x1x16xf32> to vector<16xf32>
        %add3A_765 = arith.addf %add3A_757, %get3A_764 : vector<16xf32>
        %get3A_766 = arith.constant 0 : i32
        %get3A_767 = arith.constant 5 : i32
        %get3A_768 = arith.index_cast %get3A_766 : i32 to index
        %get3A_769 = arith.index_cast %get3A_767 : i32 to index
        %get3A_770 = arith.index_cast %add3A_726 : i32 to index
        %get3A_771 = tpu.vector_load %arg4[%get3A_768, %get3A_769, %get3A_770] {strides = array<i32>} : memref<4x24x1024xf32, #tpu.memory_space<vmem>>, vector<1x1x16xf32>,
        %get3A_772 = vector.shape_cast %get3A_771 : vector<1x1x16xf32> to vector<16xf32>
        %add3A_773 = arith.addf %add3A_765, %get3A_772 : vector<16xf32>
        %get3A_774 = arith.constant 0 : i32
        %get3A_775 = arith.constant 6 : i32
        %get3A_776 = arith.index_cast %get3A_774 : i32 to index
        %get3A_777 = arith.index_cast %get3A_775 : i32 to index
        %get3A_778 = arith.index_cast %add3A_726 : i32 to index
        %get3A_779 = tpu.vector_load %arg4[%get3A_776, %get3A_777, %get3A_778] {strides = array<i32>} : memref<4x24x1024xf32, #tpu.memory_space<vmem>>, vector<1x1x16xf32>,
        %get3A_780 = vector.shape_cast %get3A_779 : vector<1x1x16xf32> to vector<16xf32>
        %add3A_781 = arith.addf %add3A_773, %get3A_780 : vector<16xf32>
        %get3A_782 = arith.constant 0 : i32
        %get3A_783 = arith.constant 7 : i32
        %get3A_784 = arith.index_cast %get3A_782 : i32 to index
        %get3A_785 = arith.index_cast %get3A_783 : i32 to index
        %get3A_786 = arith.index_cast %add3A_726 : i32 to index
        %get3A_787 = tpu.vector_load %arg4[%get3A_784, %get3A_785, %get3A_786] {strides = array<i32>} : memref<4x24x1024xf32, #tpu.memory_space<vmem>>, vector<1x1x16xf32>,
        %get3A_788 = vector.shape_cast %get3A_787 : vector<1x1x16xf32> to vector<16xf32>
        %add3A_789 = arith.addf %add3A_781, %get3A_788 : vector<16xf32>
        %get3A_790 = arith.constant 0 : i32
        %get3A_791 = arith.constant 8 : i32
        %get3A_792 = arith.index_cast %get3A_790 : i32 to index
        %get3A_793 = arith.index_cast %get3A_791 : i32 to index
        %get3A_794 = arith.index_cast %add3A_726 : i32 to index
        %get3A_795 = tpu.vector_load %arg4[%get3A_792, %get3A_793, %get3A_794] {strides = array<i32>} : memref<4x24x1024xf32, #tpu.memory_space<vmem>>, vector<1x1x16xf32>,
        %get3A_796 = vector.shape_cast %get3A_795 : vector<1x1x16xf32> to vector<16xf32>
        %add3A_797 = arith.addf %add3A_789, %get3A_796 : vector<16xf32>
        %get3A_798 = arith.constant 0 : i32
        %get3A_799 = arith.constant 9 : i32
        %get3A_800 = arith.index_cast %get3A_798 : i32 to index
        %get3A_801 = arith.index_cast %get3A_799 : i32 to index
        %get3A_802 = arith.index_cast %add3A_726 : i32 to index
        %get3A_803 = tpu.vector_load %arg4[%get3A_800, %get3A_801, %get3A_802] {strides = array<i32>} : memref<4x24x1024xf32, #tpu.memory_space<vmem>>, vector<1x1x16xf32>,
        %get3A_804 = vector.shape_cast %get3A_803 : vector<1x1x16xf32> to vector<16xf32>
        %add3A_805 = arith.addf %add3A_797, %get3A_804 : vector<16xf32>
        %get3A_806 = arith.constant 0 : i32
        %get3A_807 = arith.constant 10 : i32
        %get3A_808 = arith.index_cast %get3A_806 : i32 to index
        %get3A_809 = arith.index_cast %get3A_807 : i32 to index
        %get3A_810 = arith.index_cast %add3A_726 : i32 to index
        %get3A_811 = tpu.vector_load %arg4[%get3A_808, %get3A_809, %get3A_810] {strides = array<i32>} : memref<4x24x1024xf32, #tpu.memory_space<vmem>>, vector<1x1x16xf32>,
        %get3A_812 = vector.shape_cast %get3A_811 : vector<1x1x16xf32> to vector<16xf32>
        %add3A_813 = arith.addf %add3A_805, %get3A_812 : vector<16xf32>
        %get3A_814 = arith.constant 0 : i32
        %get3A_815 = arith.constant 11 : i32
        %get3A_816 = arith.index_cast %get3A_814 : i32 to index
        %get3A_817 = arith.index_cast %get3A_815 : i32 to index
        %get3A_818 = arith.index_cast %add3A_726 : i32 to index
        %get3A_819 = tpu.vector_load %arg4[%get3A_816, %get3A_817, %get3A_818] {strides = array<i32>} : memref<4x24x1024xf32, #tpu.memory_space<vmem>>, vector<1x1x16xf32>,
        %get3A_820 = vector.shape_cast %get3A_819 : vector<1x1x16xf32> to vector<16xf32>
        %add3A_821 = arith.addf %add3A_813, %get3A_820 : vector<16xf32>
        %get3A_822 = arith.constant 0 : i32
        %get3A_823 = arith.constant 12 : i32
        %get3A_824 = arith.index_cast %get3A_822 : i32 to index
        %get3A_825 = arith.index_cast %get3A_823 : i32 to index
        %get3A_826 = arith.index_cast %add3A_726 : i32 to index
        %get3A_827 = tpu.vector_load %arg4[%get3A_824, %get3A_825, %get3A_826] {strides = array<i32>} : memref<4x24x1024xf32, #tpu.memory_space<vmem>>, vector<1x1x16xf32>,
        %get3A_828 = vector.shape_cast %get3A_827 : vector<1x1x16xf32> to vector<16xf32>
        %add3A_829 = arith.addf %add3A_821, %get3A_828 : vector<16xf32>
        %get3A_830 = arith.constant 0 : i32
        %get3A_831 = arith.constant 13 : i32
        %get3A_832 = arith.index_cast %get3A_830 : i32 to index
        %get3A_833 = arith.index_cast %get3A_831 : i32 to index
        %get3A_834 = arith.index_cast %add3A_726 : i32 to index
        %get3A_835 = tpu.vector_load %arg4[%get3A_832, %get3A_833, %get3A_834] {strides = array<i32>} : memref<4x24x1024xf32, #tpu.memory_space<vmem>>, vector<1x1x16xf32>,
        %get3A_836 = vector.shape_cast %get3A_835 : vector<1x1x16xf32> to vector<16xf32>
        %add3A_837 = arith.addf %add3A_829, %get3A_836 : vector<16xf32>
        %get3A_838 = arith.constant 0 : i32
        %get3A_839 = arith.constant 14 : i32
        %get3A_840 = arith.index_cast %get3A_838 : i32 to index
        %get3A_841 = arith.index_cast %get3A_839 : i32 to index
        %get3A_842 = arith.index_cast %add3A_726 : i32 to index
        %get3A_843 = tpu.vector_load %arg4[%get3A_840, %get3A_841, %get3A_842] {strides = array<i32>} : memref<4x24x1024xf32, #tpu.memory_space<vmem>>, vector<1x1x16xf32>,
        %get3A_844 = vector.shape_cast %get3A_843 : vector<1x1x16xf32> to vector<16xf32>
        %add3A_845 = arith.addf %add3A_837, %get3A_844 : vector<16xf32>
        %get3A_846 = arith.constant 0 : i32
        %get3A_847 = arith.constant 15 : i32
        %get3A_848 = arith.index_cast %get3A_846 : i32 to index
        %get3A_849 = arith.index_cast %get3A_847 : i32 to index
        %get3A_850 = arith.index_cast %add3A_726 : i32 to index
        %get3A_851 = tpu.vector_load %arg4[%get3A_848, %get3A_849, %get3A_850] {strides = array<i32>} : memref<4x24x1024xf32, #tpu.memory_space<vmem>>, vector<1x1x16xf32>,
        %get3A_852 = vector.shape_cast %get3A_851 : vector<1x1x16xf32> to vector<16xf32>
        %add3A_853 = arith.addf %add3A_845, %get3A_852 : vector<16xf32>
        %get3A_854 = arith.constant 0 : i32
        %get3A_855 = arith.constant 16 : i32
        %get3A_856 = arith.index_cast %get3A_854 : i32 to index
        %get3A_857 = arith.index_cast %get3A_855 : i32 to index
        %get3A_858 = arith.index_cast %add3A_726 : i32 to index
        %get3A_859 = tpu.vector_load %arg4[%get3A_856, %get3A_857, %get3A_858] {strides = array<i32>} : memref<4x24x1024xf32, #tpu.memory_space<vmem>>, vector<1x1x16xf32>,
        %get3A_860 = vector.shape_cast %get3A_859 : vector<1x1x16xf32> to vector<16xf32>
        %add3A_861 = arith.addf %add3A_853, %get3A_860 : vector<16xf32>
        %get3A_862 = arith.constant 0 : i32
        %get3A_863 = arith.constant 17 : i32
        %get3A_864 = arith.index_cast %get3A_862 : i32 to index
        %get3A_865 = arith.index_cast %get3A_863 : i32 to index
        %get3A_866 = arith.index_cast %add3A_726 : i32 to index
        %get3A_867 = tpu.vector_load %arg4[%get3A_864, %get3A_865, %get3A_866] {strides = array<i32>} : memref<4x24x1024xf32, #tpu.memory_space<vmem>>, vector<1x1x16xf32>,
        %get3A_868 = vector.shape_cast %get3A_867 : vector<1x1x16xf32> to vector<16xf32>
        %add3A_869 = arith.addf %add3A_861, %get3A_868 : vector<16xf32>
        %get3A_870 = arith.constant 0 : i32
        %get3A_871 = arith.constant 18 : i32
        %get3A_872 = arith.index_cast %get3A_870 : i32 to index
        %get3A_873 = arith.index_cast %get3A_871 : i32 to index
        %get3A_874 = arith.index_cast %add3A_726 : i32 to index
        %get3A_875 = tpu.vector_load %arg4[%get3A_872, %get3A_873, %get3A_874] {strides = array<i32>} : memref<4x24x1024xf32, #tpu.memory_space<vmem>>, vector<1x1x16xf32>,
        %get3A_876 = vector.shape_cast %get3A_875 : vector<1x1x16xf32> to vector<16xf32>
        %add3A_877 = arith.addf %add3A_869, %get3A_876 : vector<16xf32>
        %get3A_878 = arith.constant 0 : i32
        %get3A_879 = arith.constant 19 : i32
        %get3A_880 = arith.index_cast %get3A_878 : i32 to index
        %get3A_881 = arith.index_cast %get3A_879 : i32 to index
        %get3A_882 = arith.index_cast %add3A_726 : i32 to index
        %get3A_883 = tpu.vector_load %arg4[%get3A_880, %get3A_881, %get3A_882] {strides = array<i32>} : memref<4x24x1024xf32, #tpu.memory_space<vmem>>, vector<1x1x16xf32>,
        %get3A_884 = vector.shape_cast %get3A_883 : vector<1x1x16xf32> to vector<16xf32>
        %add3A_885 = arith.addf %add3A_877, %get3A_884 : vector<16xf32>
        %get3A_886 = arith.constant 0 : i32
        %get3A_887 = arith.constant 20 : i32
        %get3A_888 = arith.index_cast %get3A_886 : i32 to index
        %get3A_889 = arith.index_cast %get3A_887 : i32 to index
        %get3A_890 = arith.index_cast %add3A_726 : i32 to index
        %get3A_891 = tpu.vector_load %arg4[%get3A_888, %get3A_889, %get3A_890] {strides = array<i32>} : memref<4x24x1024xf32, #tpu.memory_space<vmem>>, vector<1x1x16xf32>,
        %get3A_892 = vector.shape_cast %get3A_891 : vector<1x1x16xf32> to vector<16xf32>
        %add3A_893 = arith.addf %add3A_885, %get3A_892 : vector<16xf32>
        %get3A_894 = arith.constant 0 : i32
        %get3A_895 = arith.constant 21 : i32
        %get3A_896 = arith.index_cast %get3A_894 : i32 to index
        %get3A_897 = arith.index_cast %get3A_895 : i32 to index
        %get3A_898 = arith.index_cast %add3A_726 : i32 to index
        %get3A_899 = tpu.vector_load %arg4[%get3A_896, %get3A_897, %get3A_898] {strides = array<i32>} : memref<4x24x1024xf32, #tpu.memory_space<vmem>>, vector<1x1x16xf32>,
        %get3A_900 = vector.shape_cast %get3A_899 : vector<1x1x16xf32> to vector<16xf32>
        %add3A_901 = arith.addf %add3A_893, %get3A_900 : vector<16xf32>
        %get3A_902 = arith.constant 0 : i32
        %get3A_903 = arith.constant 22 : i32
        %get3A_904 = arith.index_cast %get3A_902 : i32 to index
        %get3A_905 = arith.index_cast %get3A_903 : i32 to index
        %get3A_906 = arith.index_cast %add3A_726 : i32 to index
        %get3A_907 = tpu.vector_load %arg4[%get3A_904, %get3A_905, %get3A_906] {strides = array<i32>} : memref<4x24x1024xf32, #tpu.memory_space<vmem>>, vector<1x1x16xf32>,
        %get3A_908 = vector.shape_cast %get3A_907 : vector<1x1x16xf32> to vector<16xf32>
        %add3A_909 = arith.addf %add3A_901, %get3A_908 : vector<16xf32>
        %get3A_910 = arith.constant 0 : i32
        %get3A_911 = arith.constant 23 : i32
        %get3A_912 = arith.index_cast %get3A_910 : i32 to index
        %get3A_913 = arith.index_cast %get3A_911 : i32 to index
        %get3A_914 = arith.index_cast %add3A_726 : i32 to index
        %get3A_915 = tpu.vector_load %arg4[%get3A_912, %get3A_913, %get3A_914] {strides = array<i32>} : memref<4x24x1024xf32, #tpu.memory_space<vmem>>, vector<1x1x16xf32>,
        %get3A_916 = vector.shape_cast %get3A_915 : vector<1x1x16xf32> to vector<16xf32>
        %add3A_917 = arith.addf %add3A_909, %get3A_916 : vector<16xf32>
        %swap3A_918 = arith.constant 0 : i32
        %swap3A_919 = arith.index_cast %swap3A_918 : i32 to index
        %swap3A_920 = arith.index_cast %add3A_726 : i32 to index
        %swap3A_921 = tpu.vector_load %arg5[%swap3A_919, %swap3A_920] {strides = array<i32>} : memref<2x1024xf32, #tpu.memory_space<vmem>>, vector<1x16xf32>,
        %swap3A_922 = vector.shape_cast %swap3A_921 : vector<1x16xf32> to vector<16xf32>
        %swap3A_923 = vector.shape_cast %add3A_917 : vector<16xf32> to vector<1x16xf32>
        tpu.vector_store %arg5[%swap3A_919, %swap3A_920], %swap3A_923 {strides = array<i32>} : memref<2x1024xf32, #tpu.memory_space<vmem>>, vector<1x16xf32>,
        %mul3A_924 = arith.constant 64 : i32
        %mul3A_925 = arith.muli %scan3A_322, %mul3A_924 : i32
        %add3A_926 = arith.constant 48 : i32
        %add3A_927 = arith.addi %mul3A_925, %add3A_926 : i32
        %get3A_928 = arith.constant 0 : i32
        %get3A_929 = arith.constant 0 : i32
        %get3A_930 = arith.index_cast %get3A_928 : i32 to index
        %get3A_931 = arith.index_cast %get3A_929 : i32 to index
        %get3A_932 = arith.index_cast %add3A_927 : i32 to index
        %get3A_933 = tpu.vector_load %arg4[%get3A_930, %get3A_931, %get3A_932] {strides = array<i32>} : memref<4x24x1024xf32, #tpu.memory_space<vmem>>, vector<1x1x16xf32>,
        %get3A_934 = vector.shape_cast %get3A_933 : vector<1x1x16xf32> to vector<16xf32>
        %get3A_935 = arith.constant 0 : i32
        %get3A_936 = arith.constant 1 : i32
        %get3A_937 = arith.index_cast %get3A_935 : i32 to index
        %get3A_938 = arith.index_cast %get3A_936 : i32 to index
        %get3A_939 = arith.index_cast %add3A_927 : i32 to index
        %get3A_940 = tpu.vector_load %arg4[%get3A_937, %get3A_938, %get3A_939] {strides = array<i32>} : memref<4x24x1024xf32, #tpu.memory_space<vmem>>, vector<1x1x16xf32>,
        %get3A_941 = vector.shape_cast %get3A_940 : vector<1x1x16xf32> to vector<16xf32>
        %add3A_942 = arith.addf %get3A_934, %get3A_941 : vector<16xf32>
        %get3A_943 = arith.constant 0 : i32
        %get3A_944 = arith.constant 2 : i32
        %get3A_945 = arith.index_cast %get3A_943 : i32 to index
        %get3A_946 = arith.index_cast %get3A_944 : i32 to index
        %get3A_947 = arith.index_cast %add3A_927 : i32 to index
        %get3A_948 = tpu.vector_load %arg4[%get3A_945, %get3A_946, %get3A_947] {strides = array<i32>} : memref<4x24x1024xf32, #tpu.memory_space<vmem>>, vector<1x1x16xf32>,
        %get3A_949 = vector.shape_cast %get3A_948 : vector<1x1x16xf32> to vector<16xf32>
        %add3A_950 = arith.addf %add3A_942, %get3A_949 : vector<16xf32>
        %get3A_951 = arith.constant 0 : i32
        %get3A_952 = arith.constant 3 : i32
        %get3A_953 = arith.index_cast %get3A_951 : i32 to index
        %get3A_954 = arith.index_cast %get3A_952 : i32 to index
        %get3A_955 = arith.index_cast %add3A_927 : i32 to index
        %get3A_956 = tpu.vector_load %arg4[%get3A_953, %get3A_954, %get3A_955] {strides = array<i32>} : memref<4x24x1024xf32, #tpu.memory_space<vmem>>, vector<1x1x16xf32>,
        %get3A_957 = vector.shape_cast %get3A_956 : vector<1x1x16xf32> to vector<16xf32>
        %add3A_958 = arith.addf %add3A_950, %get3A_957 : vector<16xf32>
        %get3A_959 = arith.constant 0 : i32
        %get3A_960 = arith.constant 4 : i32
        %get3A_961 = arith.index_cast %get3A_959 : i32 to index
        %get3A_962 = arith.index_cast %get3A_960 : i32 to index
        %get3A_963 = arith.index_cast %add3A_927 : i32 to index
        %get3A_964 = tpu.vector_load %arg4[%get3A_961, %get3A_962, %get3A_963] {strides = array<i32>} : memref<4x24x1024xf32, #tpu.memory_space<vmem>>, vector<1x1x16xf32>,
        %get3A_965 = vector.shape_cast %get3A_964 : vector<1x1x16xf32> to vector<16xf32>
        %add3A_966 = arith.addf %add3A_958, %get3A_965 : vector<16xf32>
        %get3A_967 = arith.constant 0 : i32
        %get3A_968 = arith.constant 5 : i32
        %get3A_969 = arith.index_cast %get3A_967 : i32 to index
        %get3A_970 = arith.index_cast %get3A_968 : i32 to index
        %get3A_971 = arith.index_cast %add3A_927 : i32 to index
        %get3A_972 = tpu.vector_load %arg4[%get3A_969, %get3A_970, %get3A_971] {strides = array<i32>} : memref<4x24x1024xf32, #tpu.memory_space<vmem>>, vector<1x1x16xf32>,
        %get3A_973 = vector.shape_cast %get3A_972 : vector<1x1x16xf32> to vector<16xf32>
        %add3A_974 = arith.addf %add3A_966, %get3A_973 : vector<16xf32>
        %get3A_975 = arith.constant 0 : i32
        %get3A_976 = arith.constant 6 : i32
        %get3A_977 = arith.index_cast %get3A_975 : i32 to index
        %get3A_978 = arith.index_cast %get3A_976 : i32 to index
        %get3A_979 = arith.index_cast %add3A_927 : i32 to index
        %get3A_980 = tpu.vector_load %arg4[%get3A_977, %get3A_978, %get3A_979] {strides = array<i32>} : memref<4x24x1024xf32, #tpu.memory_space<vmem>>, vector<1x1x16xf32>,
        %get3A_981 = vector.shape_cast %get3A_980 : vector<1x1x16xf32> to vector<16xf32>
        %add3A_982 = arith.addf %add3A_974, %get3A_981 : vector<16xf32>
        %get3A_983 = arith.constant 0 : i32
        %get3A_984 = arith.constant 7 : i32
        %get3A_985 = arith.index_cast %get3A_983 : i32 to index
        %get3A_986 = arith.index_cast %get3A_984 : i32 to index
        %get3A_987 = arith.index_cast %add3A_927 : i32 to index
        %get3A_988 = tpu.vector_load %arg4[%get3A_985, %get3A_986, %get3A_987] {strides = array<i32>} : memref<4x24x1024xf32, #tpu.memory_space<vmem>>, vector<1x1x16xf32>,
        %get3A_989 = vector.shape_cast %get3A_988 : vector<1x1x16xf32> to vector<16xf32>
        %add3A_990 = arith.addf %add3A_982, %get3A_989 : vector<16xf32>
        %get3A_991 = arith.constant 0 : i32
        %get3A_992 = arith.constant 8 : i32
        %get3A_993 = arith.index_cast %get3A_991 : i32 to index
        %get3A_994 = arith.index_cast %get3A_992 : i32 to index
        %get3A_995 = arith.index_cast %add3A_927 : i32 to index
        %get3A_996 = tpu.vector_load %arg4[%get3A_993, %get3A_994, %get3A_995] {strides = array<i32>} : memref<4x24x1024xf32, #tpu.memory_space<vmem>>, vector<1x1x16xf32>,
        %get3A_997 = vector.shape_cast %get3A_996 : vector<1x1x16xf32> to vector<16xf32>
        %add3A_998 = arith.addf %add3A_990, %get3A_997 : vector<16xf32>
        %get3A_999 = arith.constant 0 : i32
        %get3A_1000 = arith.constant 9 : i32
        %get3A_1001 = arith.index_cast %get3A_999 : i32 to index
        %get3A_1002 = arith.index_cast %get3A_1000 : i32 to index
        %get3A_1003 = arith.index_cast %add3A_927 : i32 to index
        %get3A_1004 = tpu.vector_load %arg4[%get3A_1001, %get3A_1002, %get3A_1003] {strides = array<i32>} : memref<4x24x1024xf32, #tpu.memory_space<vmem>>, vector<1x1x16xf32>,
        %get3A_1005 = vector.shape_cast %get3A_1004 : vector<1x1x16xf32> to vector<16xf32>
        %add3A_1006 = arith.addf %add3A_998, %get3A_1005 : vector<16xf32>
        %get3A_1007 = arith.constant 0 : i32
        %get3A_1008 = arith.constant 10 : i32
        %get3A_1009 = arith.index_cast %get3A_1007 : i32 to index
        %get3A_1010 = arith.index_cast %get3A_1008 : i32 to index
        %get3A_1011 = arith.index_cast %add3A_927 : i32 to index
        %get3A_1012 = tpu.vector_load %arg4[%get3A_1009, %get3A_1010, %get3A_1011] {strides = array<i32>} : memref<4x24x1024xf32, #tpu.memory_space<vmem>>, vector<1x1x16xf32>,
        %get3A_1013 = vector.shape_cast %get3A_1012 : vector<1x1x16xf32> to vector<16xf32>
        %add3A_1014 = arith.addf %add3A_1006, %get3A_1013 : vector<16xf32>
        %get3A_1015 = arith.constant 0 : i32
        %get3A_1016 = arith.constant 11 : i32
        %get3A_1017 = arith.index_cast %get3A_1015 : i32 to index
        %get3A_1018 = arith.index_cast %get3A_1016 : i32 to index
        %get3A_1019 = arith.index_cast %add3A_927 : i32 to index
        %get3A_1020 = tpu.vector_load %arg4[%get3A_1017, %get3A_1018, %get3A_1019] {strides = array<i32>} : memref<4x24x1024xf32, #tpu.memory_space<vmem>>, vector<1x1x16xf32>,
        %get3A_1021 = vector.shape_cast %get3A_1020 : vector<1x1x16xf32> to vector<16xf32>
        %add3A_1022 = arith.addf %add3A_1014, %get3A_1021 : vector<16xf32>
        %get3A_1023 = arith.constant 0 : i32
        %get3A_1024 = arith.constant 12 : i32
        %get3A_1025 = arith.index_cast %get3A_1023 : i32 to index
        %get3A_1026 = arith.index_cast %get3A_1024 : i32 to index
        %get3A_1027 = arith.index_cast %add3A_927 : i32 to index
        %get3A_1028 = tpu.vector_load %arg4[%get3A_1025, %get3A_1026, %get3A_1027] {strides = array<i32>} : memref<4x24x1024xf32, #tpu.memory_space<vmem>>, vector<1x1x16xf32>,
        %get3A_1029 = vector.shape_cast %get3A_1028 : vector<1x1x16xf32> to vector<16xf32>
        %add3A_1030 = arith.addf %add3A_1022, %get3A_1029 : vector<16xf32>
        %get3A_1031 = arith.constant 0 : i32
        %get3A_1032 = arith.constant 13 : i32
        %get3A_1033 = arith.index_cast %get3A_1031 : i32 to index
        %get3A_1034 = arith.index_cast %get3A_1032 : i32 to index
        %get3A_1035 = arith.index_cast %add3A_927 : i32 to index
        %get3A_1036 = tpu.vector_load %arg4[%get3A_1033, %get3A_1034, %get3A_1035] {strides = array<i32>} : memref<4x24x1024xf32, #tpu.memory_space<vmem>>, vector<1x1x16xf32>,
        %get3A_1037 = vector.shape_cast %get3A_1036 : vector<1x1x16xf32> to vector<16xf32>
        %add3A_1038 = arith.addf %add3A_1030, %get3A_1037 : vector<16xf32>
        %get3A_1039 = arith.constant 0 : i32
        %get3A_1040 = arith.constant 14 : i32
        %get3A_1041 = arith.index_cast %get3A_1039 : i32 to index
        %get3A_1042 = arith.index_cast %get3A_1040 : i32 to index
        %get3A_1043 = arith.index_cast %add3A_927 : i32 to index
        %get3A_1044 = tpu.vector_load %arg4[%get3A_1041, %get3A_1042, %get3A_1043] {strides = array<i32>} : memref<4x24x1024xf32, #tpu.memory_space<vmem>>, vector<1x1x16xf32>,
        %get3A_1045 = vector.shape_cast %get3A_1044 : vector<1x1x16xf32> to vector<16xf32>
        %add3A_1046 = arith.addf %add3A_1038, %get3A_1045 : vector<16xf32>
        %get3A_1047 = arith.constant 0 : i32
        %get3A_1048 = arith.constant 15 : i32
        %get3A_1049 = arith.index_cast %get3A_1047 : i32 to index
        %get3A_1050 = arith.index_cast %get3A_1048 : i32 to index
        %get3A_1051 = arith.index_cast %add3A_927 : i32 to index
        %get3A_1052 = tpu.vector_load %arg4[%get3A_1049, %get3A_1050, %get3A_1051] {strides = array<i32>} : memref<4x24x1024xf32, #tpu.memory_space<vmem>>, vector<1x1x16xf32>,
        %get3A_1053 = vector.shape_cast %get3A_1052 : vector<1x1x16xf32> to vector<16xf32>
        %add3A_1054 = arith.addf %add3A_1046, %get3A_1053 : vector<16xf32>
        %get3A_1055 = arith.constant 0 : i32
        %get3A_1056 = arith.constant 16 : i32
        %get3A_1057 = arith.index_cast %get3A_1055 : i32 to index
        %get3A_1058 = arith.index_cast %get3A_1056 : i32 to index
        %get3A_1059 = arith.index_cast %add3A_927 : i32 to index
        %get3A_1060 = tpu.vector_load %arg4[%get3A_1057, %get3A_1058, %get3A_1059] {strides = array<i32>} : memref<4x24x1024xf32, #tpu.memory_space<vmem>>, vector<1x1x16xf32>,
        %get3A_1061 = vector.shape_cast %get3A_1060 : vector<1x1x16xf32> to vector<16xf32>
        %add3A_1062 = arith.addf %add3A_1054, %get3A_1061 : vector<16xf32>
        %get3A_1063 = arith.constant 0 : i32
        %get3A_1064 = arith.constant 17 : i32
        %get3A_1065 = arith.index_cast %get3A_1063 : i32 to index
        %get3A_1066 = arith.index_cast %get3A_1064 : i32 to index
        %get3A_1067 = arith.index_cast %add3A_927 : i32 to index
        %get3A_1068 = tpu.vector_load %arg4[%get3A_1065, %get3A_1066, %get3A_1067] {strides = array<i32>} : memref<4x24x1024xf32, #tpu.memory_space<vmem>>, vector<1x1x16xf32>,
        %get3A_1069 = vector.shape_cast %get3A_1068 : vector<1x1x16xf32> to vector<16xf32>
        %add3A_1070 = arith.addf %add3A_1062, %get3A_1069 : vector<16xf32>
        %get3A_1071 = arith.constant 0 : i32
        %get3A_1072 = arith.constant 18 : i32
        %get3A_1073 = arith.index_cast %get3A_1071 : i32 to index
        %get3A_1074 = arith.index_cast %get3A_1072 : i32 to index
        %get3A_1075 = arith.index_cast %add3A_927 : i32 to index
        %get3A_1076 = tpu.vector_load %arg4[%get3A_1073, %get3A_1074, %get3A_1075] {strides = array<i32>} : memref<4x24x1024xf32, #tpu.memory_space<vmem>>, vector<1x1x16xf32>,
        %get3A_1077 = vector.shape_cast %get3A_1076 : vector<1x1x16xf32> to vector<16xf32>
        %add3A_1078 = arith.addf %add3A_1070, %get3A_1077 : vector<16xf32>
        %get3A_1079 = arith.constant 0 : i32
        %get3A_1080 = arith.constant 19 : i32
        %get3A_1081 = arith.index_cast %get3A_1079 : i32 to index
        %get3A_1082 = arith.index_cast %get3A_1080 : i32 to index
        %get3A_1083 = arith.index_cast %add3A_927 : i32 to index
        %get3A_1084 = tpu.vector_load %arg4[%get3A_1081, %get3A_1082, %get3A_1083] {strides = array<i32>} : memref<4x24x1024xf32, #tpu.memory_space<vmem>>, vector<1x1x16xf32>,
        %get3A_1085 = vector.shape_cast %get3A_1084 : vector<1x1x16xf32> to vector<16xf32>
        %add3A_1086 = arith.addf %add3A_1078, %get3A_1085 : vector<16xf32>
        %get3A_1087 = arith.constant 0 : i32
        %get3A_1088 = arith.constant 20 : i32
        %get3A_1089 = arith.index_cast %get3A_1087 : i32 to index
        %get3A_1090 = arith.index_cast %get3A_1088 : i32 to index
        %get3A_1091 = arith.index_cast %add3A_927 : i32 to index
        %get3A_1092 = tpu.vector_load %arg4[%get3A_1089, %get3A_1090, %get3A_1091] {strides = array<i32>} : memref<4x24x1024xf32, #tpu.memory_space<vmem>>, vector<1x1x16xf32>,
        %get3A_1093 = vector.shape_cast %get3A_1092 : vector<1x1x16xf32> to vector<16xf32>
        %add3A_1094 = arith.addf %add3A_1086, %get3A_1093 : vector<16xf32>
        %get3A_1095 = arith.constant 0 : i32
        %get3A_1096 = arith.constant 21 : i32
        %get3A_1097 = arith.index_cast %get3A_1095 : i32 to index
        %get3A_1098 = arith.index_cast %get3A_1096 : i32 to index
        %get3A_1099 = arith.index_cast %add3A_927 : i32 to index
        %get3A_1100 = tpu.vector_load %arg4[%get3A_1097, %get3A_1098, %get3A_1099] {strides = array<i32>} : memref<4x24x1024xf32, #tpu.memory_space<vmem>>, vector<1x1x16xf32>,
        %get3A_1101 = vector.shape_cast %get3A_1100 : vector<1x1x16xf32> to vector<16xf32>
        %add3A_1102 = arith.addf %add3A_1094, %get3A_1101 : vector<16xf32>
        %get3A_1103 = arith.constant 0 : i32
        %get3A_1104 = arith.constant 22 : i32
        %get3A_1105 = arith.index_cast %get3A_1103 : i32 to index
        %get3A_1106 = arith.index_cast %get3A_1104 : i32 to index
        %get3A_1107 = arith.index_cast %add3A_927 : i32 to index
        %get3A_1108 = tpu.vector_load %arg4[%get3A_1105, %get3A_1106, %get3A_1107] {strides = array<i32>} : memref<4x24x1024xf32, #tpu.memory_space<vmem>>, vector<1x1x16xf32>,
        %get3A_1109 = vector.shape_cast %get3A_1108 : vector<1x1x16xf32> to vector<16xf32>
        %add3A_1110 = arith.addf %add3A_1102, %get3A_1109 : vector<16xf32>
        %get3A_1111 = arith.constant 0 : i32
        %get3A_1112 = arith.constant 23 : i32
        %get3A_1113 = arith.index_cast %get3A_1111 : i32 to index
        %get3A_1114 = arith.index_cast %get3A_1112 : i32 to index
        %get3A_1115 = arith.index_cast %add3A_927 : i32 to index
        %get3A_1116 = tpu.vector_load %arg4[%get3A_1113, %get3A_1114, %get3A_1115] {strides = array<i32>} : memref<4x24x1024xf32, #tpu.memory_space<vmem>>, vector<1x1x16xf32>,
        %get3A_1117 = vector.shape_cast %get3A_1116 : vector<1x1x16xf32> to vector<16xf32>
        %add3A_1118 = arith.addf %add3A_1110, %get3A_1117 : vector<16xf32>
        %swap3A_1119 = arith.constant 0 : i32
        %swap3A_1120 = arith.index_cast %swap3A_1119 : i32 to index
        %swap3A_1121 = arith.index_cast %add3A_927 : i32 to index
        %swap3A_1122 = tpu.vector_load %arg5[%swap3A_1120, %swap3A_1121] {strides = array<i32>} : memref<2x1024xf32, #tpu.memory_space<vmem>>, vector<1x16xf32>,
        %swap3A_1123 = vector.shape_cast %swap3A_1122 : vector<1x16xf32> to vector<16xf32>
        %swap3A_1124 = vector.shape_cast %add3A_1118 : vector<16xf32> to vector<1x16xf32>
        tpu.vector_store %arg5[%swap3A_1120, %swap3A_1121], %swap3A_1124 {strides = array<i32>} : memref<2x1024xf32, #tpu.memory_space<vmem>>, vector<1x16xf32>,
      }
      %scan3A_145 = arith.constant 16 : i32
      %add3A_146 = arith.addi %mul3A_2, %add3A_119 : i32
      %dma_start3A_147 = arith.constant 0 : i32
      %dma_start3A_148 = arith.constant 0 : i32
      %dma_start3A_149 = tpu.memref_slice %arg5[%dma_start3A_147, %dma_start3A_148] : memref<2x1024xf32, #tpu.memory_space<vmem>> -> memref<1x1024xf32, #tpu.memory_space<vmem>>
      %dma_start3A_150 = tpu.memref_squeeze %dma_start3A_149 : memref<1x1024xf32, #tpu.memory_space<vmem>> -> memref<1024xf32, #tpu.memory_space<vmem>>
      %dma_start3A_151 = arith.constant 0 : i32
      %dma_start3A_152 = tpu.memref_slice %arg3[%add3A_146, %dma_start3A_151] : memref<1024x1024xf32, #tpu.memory_space<hbm>> -> memref<1x1024xf32, #tpu.memory_space<hbm>>
      %dma_start3A_153 = tpu.memref_squeeze %dma_start3A_152 : memref<1x1024xf32, #tpu.memory_space<hbm>> -> memref<1024xf32, #tpu.memory_space<hbm>>
      %dma_start3A_154 = arith.constant 0 : i32
      %dma_start3A_155 = tpu.memref_slice %arg3[%add3A_146, %dma_start3A_154] : memref<1024x1024xf32, #tpu.memory_space<hbm>> -> memref<1x1024xf32, #tpu.memory_space<hbm>>
      %dma_start3A_156 = tpu.memref_squeeze %dma_start3A_155 : memref<1x1024xf32, #tpu.memory_space<hbm>> -> memref<1024xf32, #tpu.memory_space<hbm>>
      %dma_start3A_157 = arith.constant 0 : i32
      %dma_start3A_158 = tpu.memref_slice %arg5[%dma_start3A_147, %dma_start3A_157] : memref<2x1024xf32, #tpu.memory_space<vmem>> -> memref<1x1024xf32, #tpu.memory_space<vmem>>
      %dma_start3A_159 = tpu.memref_squeeze %dma_start3A_158 : memref<1x1024xf32, #tpu.memory_space<vmem>> -> memref<1024xf32, #tpu.memory_space<vmem>>
      tpu.enqueue_dma source(%dma_start3A_159 : memref<1024xf32, #tpu.memory_space<vmem>>) target(%dma_start3A_156 : memref<1024xf32, #tpu.memory_space<hbm>>) target_semaphore(%arg10 : memref<!tpu.dma_semaphore, #tpu.memory_space<semaphore_mem>>)
      %add3A_160 = arith.constant 4 : i32
      %add3A_161 = arith.addi %add3A_119, %add3A_160 : i32
      %lt3A = arith.constant 32 : i32
      %lt3A_162 = arith.cmpi slt, %add3A_161, %lt3A : i32
      %convert_element_type3A_163 = arith.extui %lt3A_162 : i1 to i32
      %cond3A_164 = arith.constant 0 : i32
      %cond3A_165 = arith.cmpi ne, %convert_element_type3A_163, %cond3A_164 : i32
      scf.if %cond3A_165 {
        %add3A_322 = arith.addi %mul3A_2, %add3A_119 : i32
        %add3A_323 = arith.constant 4 : i32
        %add3A_324 = arith.addi %add3A_322, %add3A_323 : i32
        %dma_start3A_325 = arith.constant 0 : i32
        %dma_start3A_326 = arith.constant 0 : i32
        %dma_start3A_327 = arith.constant 0 : i32
        %dma_start3A_328 = tpu.memref_slice %arg4[%dma_start3A_325, %dma_start3A_326, %dma_start3A_327] : memref<4x24x1024xf32, #tpu.memory_space<vmem>> -> memref<1x24x1024xf32, #tpu.memory_space<vmem>>
        %dma_start3A_329 = tpu.memref_squeeze %dma_start3A_328 : memref<1x24x1024xf32, #tpu.memory_space<vmem>> -> memref<24x1024xf32, #tpu.memory_space<vmem>>
        %dma_start3A_330 = arith.constant 0 : i32
        %dma_start3A_331 = arith.constant 0 : i32
        %dma_start3A_332 = tpu.memref_slice %arg2[%add3A_324, %dma_start3A_330, %dma_start3A_331] : memref<1024x24x1024xf32, #tpu.memory_space<hbm>> -> memref<1x24x1024xf32, #tpu.memory_space<hbm>>
        %dma_start3A_333 = tpu.memref_squeeze %dma_start3A_332 : memref<1x24x1024xf32, #tpu.memory_space<hbm>> -> memref<24x1024xf32, #tpu.memory_space<hbm>>
        %dma_start3A_334 = arith.constant 0 : i32
        %dma_start3A_335 = arith.constant 0 : i32
        %dma_start3A_336 = tpu.memref_slice %arg4[%dma_start3A_325, %dma_start3A_334, %dma_start3A_335] : memref<4x24x1024xf32, #tpu.memory_space<vmem>> -> memref<1x24x1024xf32, #tpu.memory_space<vmem>>
        %dma_start3A_337 = tpu.memref_squeeze %dma_start3A_336 : memref<1x24x1024xf32, #tpu.memory_space<vmem>> -> memref<24x1024xf32, #tpu.memory_space<vmem>>
        %dma_start3A_338 = arith.constant 0 : i32
        %dma_start3A_339 = arith.constant 0 : i32
        %dma_start3A_340 = tpu.memref_slice %arg2[%add3A_324, %dma_start3A_338, %dma_start3A_339] : memref<1024x24x1024xf32, #tpu.memory_space<hbm>> -> memref<1x24x1024xf32, #tpu.memory_space<hbm>>
        %dma_start3A_341 = tpu.memref_squeeze %dma_start3A_340 : memref<1x24x1024xf32, #tpu.memory_space<hbm>> -> memref<24x1024xf32, #tpu.memory_space<hbm>>
        tpu.enqueue_dma source(%dma_start3A_341 : memref<24x1024xf32, #tpu.memory_space<hbm>>) target(%dma_start3A_337 : memref<24x1024xf32, #tpu.memory_space<vmem>>) target_semaphore(%arg6 : memref<!tpu.dma_semaphore, #tpu.memory_space<semaphore_mem>>)
      } else {
      }
      %add3A_166 = arith.constant 1 : i32
      %add3A_167 = arith.addi %mul3A_117, %add3A_166 : i32
      %add3A_168 = arith.addi %mul3A_2, %add3A_167 : i32
      %dma_wait3A_169 = arith.constant 1 : i32
      %dma_wait3A_170 = arith.constant 0 : i32
      %dma_wait3A_171 = arith.constant 0 : i32
      %dma_wait3A_172 = tpu.memref_slice %arg4[%dma_wait3A_169, %dma_wait3A_170, %dma_wait3A_171] : memref<4x24x1024xf32, #tpu.memory_space<vmem>> -> memref<1x24x1024xf32, #tpu.memory_space<vmem>>
      %dma_wait3A_173 = tpu.memref_squeeze %dma_wait3A_172 : memref<1x24x1024xf32, #tpu.memory_space<vmem>> -> memref<24x1024xf32, #tpu.memory_space<vmem>>
      %dma_wait3A_174 = arith.constant 0 : i32
      %dma_wait3A_175 = arith.constant 0 : i32
      %dma_wait3A_176 = tpu.memref_slice %arg2[%add3A_168, %dma_wait3A_174, %dma_wait3A_175] : memref<1024x24x1024xf32, #tpu.memory_space<hbm>> -> memref<1x24x1024xf32, #tpu.memory_space<hbm>>
      %dma_wait3A_177 = tpu.memref_squeeze %dma_wait3A_176 : memref<1x24x1024xf32, #tpu.memory_space<hbm>> -> memref<24x1024xf32, #tpu.memory_space<hbm>>
      %dma_wait3A_178 = arith.constant 0 : i32
      %dma_wait3A_179 = arith.constant 0 : i32
      %dma_wait3A_180 = tpu.memref_slice %arg4[%dma_wait3A_169, %dma_wait3A_178, %dma_wait3A_179] : memref<4x24x1024xf32, #tpu.memory_space<vmem>> -> memref<1x24x1024xf32, #tpu.memory_space<vmem>>
      %dma_wait3A_181 = tpu.memref_squeeze %dma_wait3A_180 : memref<1x24x1024xf32, #tpu.memory_space<vmem>> -> memref<24x1024xf32, #tpu.memory_space<vmem>>
      %dma_wait3A_182 = arith.constant 0 : i32
      %dma_wait3A_183 = arith.constant 0 : i32
      %dma_wait3A_184 = tpu.memref_slice %arg2[%add3A_168, %dma_wait3A_182, %dma_wait3A_183] : memref<1024x24x1024xf32, #tpu.memory_space<hbm>> -> memref<1x24x1024xf32, #tpu.memory_space<hbm>>
      %dma_wait3A_185 = tpu.memref_squeeze %dma_wait3A_184 : memref<1x24x1024xf32, #tpu.memory_space<hbm>> -> memref<24x1024xf32, #tpu.memory_space<hbm>>
      tpu.wait_dma2 semaphore(%arg7 : memref<!tpu.dma_semaphore, #tpu.memory_space<semaphore_mem>>) src(%dma_wait3A_185 : memref<24x1024xf32, #tpu.memory_space<hbm>>) dst(%dma_wait3A_181 : memref<24x1024xf32, #tpu.memory_space<vmem>>)
      %ge3A_186 = arith.constant 2 : i32
      %ge3A_187 = arith.cmpi sge, %add3A_167, %ge3A_186 : i32
      %convert_element_type3A_188 = arith.extui %ge3A_187 : i1 to i32
      %cond3A_189 = arith.constant 0 : i32
      %cond3A_190 = arith.cmpi ne, %convert_element_type3A_188, %cond3A_189 : i32
      scf.if %cond3A_190 {
        %add3A_322 = arith.addi %mul3A_2, %add3A_167 : i32
        %sub3A_323 = arith.constant 2 : i32
        %sub3A_324 = arith.subi %add3A_322, %sub3A_323 : i32
        %dma_wait3A_325 = arith.constant 1 : i32
        %dma_wait3A_326 = arith.constant 0 : i32
        %dma_wait3A_327 = tpu.memref_slice %arg5[%dma_wait3A_325, %dma_wait3A_326] : memref<2x1024xf32, #tpu.memory_space<vmem>> -> memref<1x1024xf32, #tpu.memory_space<vmem>>
        %dma_wait3A_328 = tpu.memref_squeeze %dma_wait3A_327 : memref<1x1024xf32, #tpu.memory_space<vmem>> -> memref<1024xf32, #tpu.memory_space<vmem>>
        %dma_wait3A_329 = arith.constant 0 : i32
        %dma_wait3A_330 = tpu.memref_slice %arg3[%sub3A_324, %dma_wait3A_329] : memref<1024x1024xf32, #tpu.memory_space<hbm>> -> memref<1x1024xf32, #tpu.memory_space<hbm>>
        %dma_wait3A_331 = tpu.memref_squeeze %dma_wait3A_330 : memref<1x1024xf32, #tpu.memory_space<hbm>> -> memref<1024xf32, #tpu.memory_space<hbm>>
        %dma_wait3A_332 = arith.constant 0 : i32
        %dma_wait3A_333 = tpu.memref_slice %arg3[%sub3A_324, %dma_wait3A_332] : memref<1024x1024xf32, #tpu.memory_space<hbm>> -> memref<1x1024xf32, #tpu.memory_space<hbm>>
        %dma_wait3A_334 = tpu.memref_squeeze %dma_wait3A_333 : memref<1x1024xf32, #tpu.memory_space<hbm>> -> memref<1024xf32, #tpu.memory_space<hbm>>
        %dma_wait3A_335 = arith.constant 0 : i32
        %dma_wait3A_336 = tpu.memref_slice %arg5[%dma_wait3A_325, %dma_wait3A_335] : memref<2x1024xf32, #tpu.memory_space<vmem>> -> memref<1x1024xf32, #tpu.memory_space<vmem>>
        %dma_wait3A_337 = tpu.memref_squeeze %dma_wait3A_336 : memref<1x1024xf32, #tpu.memory_space<vmem>> -> memref<1024xf32, #tpu.memory_space<vmem>>
        tpu.wait_dma2 semaphore(%arg11 : memref<!tpu.dma_semaphore, #tpu.memory_space<semaphore_mem>>) src(%dma_wait3A_337 : memref<1024xf32, #tpu.memory_space<vmem>>) dst(%dma_wait3A_334 : memref<1024xf32, #tpu.memory_space<hbm>>)
      } else {
      }
      %scan3A_191 = arith.constant 0 : i32
      %scan3A_192 = arith.constant 0 : i32
      %scan3A_193 = arith.constant 16 : i32
      %scan3A_194 = arith.addi %scan3A_192, %scan3A_193 : i32
      %scan3A_195 = arith.constant 1 : i32
      scf.for %scan3A_322 = %scan3A_192 to %scan3A_194 step %scan3A_195  : i32 {
        %mul3A_323 = arith.constant 64 : i32
        %mul3A_324 = arith.muli %scan3A_322, %mul3A_323 : i32
        %add3A_325 = arith.constant 0 : i32
        %add3A_326 = arith.addi %mul3A_324, %add3A_325 : i32
        %get3A = arith.constant 1 : i32
        %get3A_327 = arith.constant 0 : i32
        %get3A_328 = arith.index_cast %get3A : i32 to index
        %get3A_329 = arith.index_cast %get3A_327 : i32 to index
        %get3A_330 = arith.index_cast %add3A_326 : i32 to index
        %get3A_331 = tpu.vector_load %arg4[%get3A_328, %get3A_329, %get3A_330] {strides = array<i32>} : memref<4x24x1024xf32, #tpu.memory_space<vmem>>, vector<1x1x16xf32>,
        %get3A_332 = vector.shape_cast %get3A_331 : vector<1x1x16xf32> to vector<16xf32>
        %get3A_333 = arith.constant 1 : i32
        %get3A_334 = arith.constant 1 : i32
        %get3A_335 = arith.index_cast %get3A_333 : i32 to index
        %get3A_336 = arith.index_cast %get3A_334 : i32 to index
        %get3A_337 = arith.index_cast %add3A_326 : i32 to index
        %get3A_338 = tpu.vector_load %arg4[%get3A_335, %get3A_336, %get3A_337] {strides = array<i32>} : memref<4x24x1024xf32, #tpu.memory_space<vmem>>, vector<1x1x16xf32>,
        %get3A_339 = vector.shape_cast %get3A_338 : vector<1x1x16xf32> to vector<16xf32>
        %add3A_340 = arith.addf %get3A_332, %get3A_339 : vector<16xf32>
        %get3A_341 = arith.constant 1 : i32
        %get3A_342 = arith.constant 2 : i32
        %get3A_343 = arith.index_cast %get3A_341 : i32 to index
        %get3A_344 = arith.index_cast %get3A_342 : i32 to index
        %get3A_345 = arith.index_cast %add3A_326 : i32 to index
        %get3A_346 = tpu.vector_load %arg4[%get3A_343, %get3A_344, %get3A_345] {strides = array<i32>} : memref<4x24x1024xf32, #tpu.memory_space<vmem>>, vector<1x1x16xf32>,
        %get3A_347 = vector.shape_cast %get3A_346 : vector<1x1x16xf32> to vector<16xf32>
        %add3A_348 = arith.addf %add3A_340, %get3A_347 : vector<16xf32>
        %get3A_349 = arith.constant 1 : i32
        %get3A_350 = arith.constant 3 : i32
        %get3A_351 = arith.index_cast %get3A_349 : i32 to index
        %get3A_352 = arith.index_cast %get3A_350 : i32 to index
        %get3A_353 = arith.index_cast %add3A_326 : i32 to index
        %get3A_354 = tpu.vector_load %arg4[%get3A_351, %get3A_352, %get3A_353] {strides = array<i32>} : memref<4x24x1024xf32, #tpu.memory_space<vmem>>, vector<1x1x16xf32>,
        %get3A_355 = vector.shape_cast %get3A_354 : vector<1x1x16xf32> to vector<16xf32>
        %add3A_356 = arith.addf %add3A_348, %get3A_355 : vector<16xf32>
        %get3A_357 = arith.constant 1 : i32
        %get3A_358 = arith.constant 4 : i32
        %get3A_359 = arith.index_cast %get3A_357 : i32 to index
        %get3A_360 = arith.index_cast %get3A_358 : i32 to index
        %get3A_361 = arith.index_cast %add3A_326 : i32 to index
        %get3A_362 = tpu.vector_load %arg4[%get3A_359, %get3A_360, %get3A_361] {strides = array<i32>} : memref<4x24x1024xf32, #tpu.memory_space<vmem>>, vector<1x1x16xf32>,
        %get3A_363 = vector.shape_cast %get3A_362 : vector<1x1x16xf32> to vector<16xf32>
        %add3A_364 = arith.addf %add3A_356, %get3A_363 : vector<16xf32>
        %get3A_365 = arith.constant 1 : i32
        %get3A_366 = arith.constant 5 : i32
        %get3A_367 = arith.index_cast %get3A_365 : i32 to index
        %get3A_368 = arith.index_cast %get3A_366 : i32 to index
        %get3A_369 = arith.index_cast %add3A_326 : i32 to index
        %get3A_370 = tpu.vector_load %arg4[%get3A_367, %get3A_368, %get3A_369] {strides = array<i32>} : memref<4x24x1024xf32, #tpu.memory_space<vmem>>, vector<1x1x16xf32>,
        %get3A_371 = vector.shape_cast %get3A_370 : vector<1x1x16xf32> to vector<16xf32>
        %add3A_372 = arith.addf %add3A_364, %get3A_371 : vector<16xf32>
        %get3A_373 = arith.constant 1 : i32
        %get3A_374 = arith.constant 6 : i32
        %get3A_375 = arith.index_cast %get3A_373 : i32 to index
        %get3A_376 = arith.index_cast %get3A_374 : i32 to index
        %get3A_377 = arith.index_cast %add3A_326 : i32 to index
        %get3A_378 = tpu.vector_load %arg4[%get3A_375, %get3A_376, %get3A_377] {strides = array<i32>} : memref<4x24x1024xf32, #tpu.memory_space<vmem>>, vector<1x1x16xf32>,
        %get3A_379 = vector.shape_cast %get3A_378 : vector<1x1x16xf32> to vector<16xf32>
        %add3A_380 = arith.addf %add3A_372, %get3A_379 : vector<16xf32>
        %get3A_381 = arith.constant 1 : i32
        %get3A_382 = arith.constant 7 : i32
        %get3A_383 = arith.index_cast %get3A_381 : i32 to index
        %get3A_384 = arith.index_cast %get3A_382 : i32 to index
        %get3A_385 = arith.index_cast %add3A_326 : i32 to index
        %get3A_386 = tpu.vector_load %arg4[%get3A_383, %get3A_384, %get3A_385] {strides = array<i32>} : memref<4x24x1024xf32, #tpu.memory_space<vmem>>, vector<1x1x16xf32>,
        %get3A_387 = vector.shape_cast %get3A_386 : vector<1x1x16xf32> to vector<16xf32>
        %add3A_388 = arith.addf %add3A_380, %get3A_387 : vector<16xf32>
        %get3A_389 = arith.constant 1 : i32
        %get3A_390 = arith.constant 8 : i32
        %get3A_391 = arith.index_cast %get3A_389 : i32 to index
        %get3A_392 = arith.index_cast %get3A_390 : i32 to index
        %get3A_393 = arith.index_cast %add3A_326 : i32 to index
        %get3A_394 = tpu.vector_load %arg4[%get3A_391, %get3A_392, %get3A_393] {strides = array<i32>} : memref<4x24x1024xf32, #tpu.memory_space<vmem>>, vector<1x1x16xf32>,
        %get3A_395 = vector.shape_cast %get3A_394 : vector<1x1x16xf32> to vector<16xf32>
        %add3A_396 = arith.addf %add3A_388, %get3A_395 : vector<16xf32>
        %get3A_397 = arith.constant 1 : i32
        %get3A_398 = arith.constant 9 : i32
        %get3A_399 = arith.index_cast %get3A_397 : i32 to index
        %get3A_400 = arith.index_cast %get3A_398 : i32 to index
        %get3A_401 = arith.index_cast %add3A_326 : i32 to index
        %get3A_402 = tpu.vector_load %arg4[%get3A_399, %get3A_400, %get3A_401] {strides = array<i32>} : memref<4x24x1024xf32, #tpu.memory_space<vmem>>, vector<1x1x16xf32>,
        %get3A_403 = vector.shape_cast %get3A_402 : vector<1x1x16xf32> to vector<16xf32>
        %add3A_404 = arith.addf %add3A_396, %get3A_403 : vector<16xf32>
        %get3A_405 = arith.constant 1 : i32
        %get3A_406 = arith.constant 10 : i32
        %get3A_407 = arith.index_cast %get3A_405 : i32 to index
        %get3A_408 = arith.index_cast %get3A_406 : i32 to index
        %get3A_409 = arith.index_cast %add3A_326 : i32 to index
        %get3A_410 = tpu.vector_load %arg4[%get3A_407, %get3A_408, %get3A_409] {strides = array<i32>} : memref<4x24x1024xf32, #tpu.memory_space<vmem>>, vector<1x1x16xf32>,
        %get3A_411 = vector.shape_cast %get3A_410 : vector<1x1x16xf32> to vector<16xf32>
        %add3A_412 = arith.addf %add3A_404, %get3A_411 : vector<16xf32>
        %get3A_413 = arith.constant 1 : i32
        %get3A_414 = arith.constant 11 : i32
        %get3A_415 = arith.index_cast %get3A_413 : i32 to index
        %get3A_416 = arith.index_cast %get3A_414 : i32 to index
        %get3A_417 = arith.index_cast %add3A_326 : i32 to index
        %get3A_418 = tpu.vector_load %arg4[%get3A_415, %get3A_416, %get3A_417] {strides = array<i32>} : memref<4x24x1024xf32, #tpu.memory_space<vmem>>, vector<1x1x16xf32>,
        %get3A_419 = vector.shape_cast %get3A_418 : vector<1x1x16xf32> to vector<16xf32>
        %add3A_420 = arith.addf %add3A_412, %get3A_419 : vector<16xf32>
        %get3A_421 = arith.constant 1 : i32
        %get3A_422 = arith.constant 12 : i32
        %get3A_423 = arith.index_cast %get3A_421 : i32 to index
        %get3A_424 = arith.index_cast %get3A_422 : i32 to index
        %get3A_425 = arith.index_cast %add3A_326 : i32 to index
        %get3A_426 = tpu.vector_load %arg4[%get3A_423, %get3A_424, %get3A_425] {strides = array<i32>} : memref<4x24x1024xf32, #tpu.memory_space<vmem>>, vector<1x1x16xf32>,
        %get3A_427 = vector.shape_cast %get3A_426 : vector<1x1x16xf32> to vector<16xf32>
        %add3A_428 = arith.addf %add3A_420, %get3A_427 : vector<16xf32>
        %get3A_429 = arith.constant 1 : i32
        %get3A_430 = arith.constant 13 : i32
        %get3A_431 = arith.index_cast %get3A_429 : i32 to index
        %get3A_432 = arith.index_cast %get3A_430 : i32 to index
        %get3A_433 = arith.index_cast %add3A_326 : i32 to index
        %get3A_434 = tpu.vector_load %arg4[%get3A_431, %get3A_432, %get3A_433] {strides = array<i32>} : memref<4x24x1024xf32, #tpu.memory_space<vmem>>, vector<1x1x16xf32>,
        %get3A_435 = vector.shape_cast %get3A_434 : vector<1x1x16xf32> to vector<16xf32>
        %add3A_436 = arith.addf %add3A_428, %get3A_435 : vector<16xf32>
        %get3A_437 = arith.constant 1 : i32
        %get3A_438 = arith.constant 14 : i32
        %get3A_439 = arith.index_cast %get3A_437 : i32 to index
        %get3A_440 = arith.index_cast %get3A_438 : i32 to index
        %get3A_441 = arith.index_cast %add3A_326 : i32 to index
        %get3A_442 = tpu.vector_load %arg4[%get3A_439, %get3A_440, %get3A_441] {strides = array<i32>} : memref<4x24x1024xf32, #tpu.memory_space<vmem>>, vector<1x1x16xf32>,
        %get3A_443 = vector.shape_cast %get3A_442 : vector<1x1x16xf32> to vector<16xf32>
        %add3A_444 = arith.addf %add3A_436, %get3A_443 : vector<16xf32>
        %get3A_445 = arith.constant 1 : i32
        %get3A_446 = arith.constant 15 : i32
        %get3A_447 = arith.index_cast %get3A_445 : i32 to index
        %get3A_448 = arith.index_cast %get3A_446 : i32 to index
        %get3A_449 = arith.index_cast %add3A_326 : i32 to index
        %get3A_450 = tpu.vector_load %arg4[%get3A_447, %get3A_448, %get3A_449] {strides = array<i32>} : memref<4x24x1024xf32, #tpu.memory_space<vmem>>, vector<1x1x16xf32>,
        %get3A_451 = vector.shape_cast %get3A_450 : vector<1x1x16xf32> to vector<16xf32>
        %add3A_452 = arith.addf %add3A_444, %get3A_451 : vector<16xf32>
        %get3A_453 = arith.constant 1 : i32
        %get3A_454 = arith.constant 16 : i32
        %get3A_455 = arith.index_cast %get3A_453 : i32 to index
        %get3A_456 = arith.index_cast %get3A_454 : i32 to index
        %get3A_457 = arith.index_cast %add3A_326 : i32 to index
        %get3A_458 = tpu.vector_load %arg4[%get3A_455, %get3A_456, %get3A_457] {strides = array<i32>} : memref<4x24x1024xf32, #tpu.memory_space<vmem>>, vector<1x1x16xf32>,
        %get3A_459 = vector.shape_cast %get3A_458 : vector<1x1x16xf32> to vector<16xf32>
        %add3A_460 = arith.addf %add3A_452, %get3A_459 : vector<16xf32>
        %get3A_461 = arith.constant 1 : i32
        %get3A_462 = arith.constant 17 : i32
        %get3A_463 = arith.index_cast %get3A_461 : i32 to index
        %get3A_464 = arith.index_cast %get3A_462 : i32 to index
        %get3A_465 = arith.index_cast %add3A_326 : i32 to index
        %get3A_466 = tpu.vector_load %arg4[%get3A_463, %get3A_464, %get3A_465] {strides = array<i32>} : memref<4x24x1024xf32, #tpu.memory_space<vmem>>, vector<1x1x16xf32>,
        %get3A_467 = vector.shape_cast %get3A_466 : vector<1x1x16xf32> to vector<16xf32>
        %add3A_468 = arith.addf %add3A_460, %get3A_467 : vector<16xf32>
        %get3A_469 = arith.constant 1 : i32
        %get3A_470 = arith.constant 18 : i32
        %get3A_471 = arith.index_cast %get3A_469 : i32 to index
        %get3A_472 = arith.index_cast %get3A_470 : i32 to index
        %get3A_473 = arith.index_cast %add3A_326 : i32 to index
        %get3A_474 = tpu.vector_load %arg4[%get3A_471, %get3A_472, %get3A_473] {strides = array<i32>} : memref<4x24x1024xf32, #tpu.memory_space<vmem>>, vector<1x1x16xf32>,
        %get3A_475 = vector.shape_cast %get3A_474 : vector<1x1x16xf32> to vector<16xf32>
        %add3A_476 = arith.addf %add3A_468, %get3A_475 : vector<16xf32>
        %get3A_477 = arith.constant 1 : i32
        %get3A_478 = arith.constant 19 : i32
        %get3A_479 = arith.index_cast %get3A_477 : i32 to index
        %get3A_480 = arith.index_cast %get3A_478 : i32 to index
        %get3A_481 = arith.index_cast %add3A_326 : i32 to index
        %get3A_482 = tpu.vector_load %arg4[%get3A_479, %get3A_480, %get3A_481] {strides = array<i32>} : memref<4x24x1024xf32, #tpu.memory_space<vmem>>, vector<1x1x16xf32>,
        %get3A_483 = vector.shape_cast %get3A_482 : vector<1x1x16xf32> to vector<16xf32>
        %add3A_484 = arith.addf %add3A_476, %get3A_483 : vector<16xf32>
        %get3A_485 = arith.constant 1 : i32
        %get3A_486 = arith.constant 20 : i32
        %get3A_487 = arith.index_cast %get3A_485 : i32 to index
        %get3A_488 = arith.index_cast %get3A_486 : i32 to index
        %get3A_489 = arith.index_cast %add3A_326 : i32 to index
        %get3A_490 = tpu.vector_load %arg4[%get3A_487, %get3A_488, %get3A_489] {strides = array<i32>} : memref<4x24x1024xf32, #tpu.memory_space<vmem>>, vector<1x1x16xf32>,
        %get3A_491 = vector.shape_cast %get3A_490 : vector<1x1x16xf32> to vector<16xf32>
        %add3A_492 = arith.addf %add3A_484, %get3A_491 : vector<16xf32>
        %get3A_493 = arith.constant 1 : i32
        %get3A_494 = arith.constant 21 : i32
        %get3A_495 = arith.index_cast %get3A_493 : i32 to index
        %get3A_496 = arith.index_cast %get3A_494 : i32 to index
        %get3A_497 = arith.index_cast %add3A_326 : i32 to index
        %get3A_498 = tpu.vector_load %arg4[%get3A_495, %get3A_496, %get3A_497] {strides = array<i32>} : memref<4x24x1024xf32, #tpu.memory_space<vmem>>, vector<1x1x16xf32>,
        %get3A_499 = vector.shape_cast %get3A_498 : vector<1x1x16xf32> to vector<16xf32>
        %add3A_500 = arith.addf %add3A_492, %get3A_499 : vector<16xf32>
        %get3A_501 = arith.constant 1 : i32
        %get3A_502 = arith.constant 22 : i32
        %get3A_503 = arith.index_cast %get3A_501 : i32 to index
        %get3A_504 = arith.index_cast %get3A_502 : i32 to index
        %get3A_505 = arith.index_cast %add3A_326 : i32 to index
        %get3A_506 = tpu.vector_load %arg4[%get3A_503, %get3A_504, %get3A_505] {strides = array<i32>} : memref<4x24x1024xf32, #tpu.memory_space<vmem>>, vector<1x1x16xf32>,
        %get3A_507 = vector.shape_cast %get3A_506 : vector<1x1x16xf32> to vector<16xf32>
        %add3A_508 = arith.addf %add3A_500, %get3A_507 : vector<16xf32>
        %get3A_509 = arith.constant 1 : i32
        %get3A_510 = arith.constant 23 : i32
        %get3A_511 = arith.index_cast %get3A_509 : i32 to index
        %get3A_512 = arith.index_cast %get3A_510 : i32 to index
        %get3A_513 = arith.index_cast %add3A_326 : i32 to index
        %get3A_514 = tpu.vector_load %arg4[%get3A_511, %get3A_512, %get3A_513] {strides = array<i32>} : memref<4x24x1024xf32, #tpu.memory_space<vmem>>, vector<1x1x16xf32>,
        %get3A_515 = vector.shape_cast %get3A_514 : vector<1x1x16xf32> to vector<16xf32>
        %add3A_516 = arith.addf %add3A_508, %get3A_515 : vector<16xf32>
        %swap3A = arith.constant 1 : i32
        %swap3A_517 = arith.index_cast %swap3A : i32 to index
        %swap3A_518 = arith.index_cast %add3A_326 : i32 to index
        %swap3A_519 = tpu.vector_load %arg5[%swap3A_517, %swap3A_518] {strides = array<i32>} : memref<2x1024xf32, #tpu.memory_space<vmem>>, vector<1x16xf32>,
        %swap3A_520 = vector.shape_cast %swap3A_519 : vector<1x16xf32> to vector<16xf32>
        %swap3A_521 = vector.shape_cast %add3A_516 : vector<16xf32> to vector<1x16xf32>
        tpu.vector_store %arg5[%swap3A_517, %swap3A_518], %swap3A_521 {strides = array<i32>} : memref<2x1024xf32, #tpu.memory_space<vmem>>, vector<1x16xf32>,
        %mul3A_522 = arith.constant 64 : i32
        %mul3A_523 = arith.muli %scan3A_322, %mul3A_522 : i32
        %add3A_524 = arith.constant 16 : i32
        %add3A_525 = arith.addi %mul3A_523, %add3A_524 : i32
        %get3A_526 = arith.constant 1 : i32
        %get3A_527 = arith.constant 0 : i32
        %get3A_528 = arith.index_cast %get3A_526 : i32 to index
        %get3A_529 = arith.index_cast %get3A_527 : i32 to index
        %get3A_530 = arith.index_cast %add3A_525 : i32 to index
        %get3A_531 = tpu.vector_load %arg4[%get3A_528, %get3A_529, %get3A_530] {strides = array<i32>} : memref<4x24x1024xf32, #tpu.memory_space<vmem>>, vector<1x1x16xf32>,
        %get3A_532 = vector.shape_cast %get3A_531 : vector<1x1x16xf32> to vector<16xf32>
        %get3A_533 = arith.constant 1 : i32
        %get3A_534 = arith.constant 1 : i32
        %get3A_535 = arith.index_cast %get3A_533 : i32 to index
        %get3A_536 = arith.index_cast %get3A_534 : i32 to index
        %get3A_537 = arith.index_cast %add3A_525 : i32 to index
        %get3A_538 = tpu.vector_load %arg4[%get3A_535, %get3A_536, %get3A_537] {strides = array<i32>} : memref<4x24x1024xf32, #tpu.memory_space<vmem>>, vector<1x1x16xf32>,
        %get3A_539 = vector.shape_cast %get3A_538 : vector<1x1x16xf32> to vector<16xf32>
        %add3A_540 = arith.addf %get3A_532, %get3A_539 : vector<16xf32>
        %get3A_541 = arith.constant 1 : i32
        %get3A_542 = arith.constant 2 : i32
        %get3A_543 = arith.index_cast %get3A_541 : i32 to index
        %get3A_544 = arith.index_cast %get3A_542 : i32 to index
        %get3A_545 = arith.index_cast %add3A_525 : i32 to index
        %get3A_546 = tpu.vector_load %arg4[%get3A_543, %get3A_544, %get3A_545] {strides = array<i32>} : memref<4x24x1024xf32, #tpu.memory_space<vmem>>, vector<1x1x16xf32>,
        %get3A_547 = vector.shape_cast %get3A_546 : vector<1x1x16xf32> to vector<16xf32>
        %add3A_548 = arith.addf %add3A_540, %get3A_547 : vector<16xf32>
        %get3A_549 = arith.constant 1 : i32
        %get3A_550 = arith.constant 3 : i32
        %get3A_551 = arith.index_cast %get3A_549 : i32 to index
        %get3A_552 = arith.index_cast %get3A_550 : i32 to index
        %get3A_553 = arith.index_cast %add3A_525 : i32 to index
        %get3A_554 = tpu.vector_load %arg4[%get3A_551, %get3A_552, %get3A_553] {strides = array<i32>} : memref<4x24x1024xf32, #tpu.memory_space<vmem>>, vector<1x1x16xf32>,
        %get3A_555 = vector.shape_cast %get3A_554 : vector<1x1x16xf32> to vector<16xf32>
        %add3A_556 = arith.addf %add3A_548, %get3A_555 : vector<16xf32>
        %get3A_557 = arith.constant 1 : i32
        %get3A_558 = arith.constant 4 : i32
        %get3A_559 = arith.index_cast %get3A_557 : i32 to index
        %get3A_560 = arith.index_cast %get3A_558 : i32 to index
        %get3A_561 = arith.index_cast %add3A_525 : i32 to index
        %get3A_562 = tpu.vector_load %arg4[%get3A_559, %get3A_560, %get3A_561] {strides = array<i32>} : memref<4x24x1024xf32, #tpu.memory_space<vmem>>, vector<1x1x16xf32>,
        %get3A_563 = vector.shape_cast %get3A_562 : vector<1x1x16xf32> to vector<16xf32>
        %add3A_564 = arith.addf %add3A_556, %get3A_563 : vector<16xf32>
        %get3A_565 = arith.constant 1 : i32
        %get3A_566 = arith.constant 5 : i32
        %get3A_567 = arith.index_cast %get3A_565 : i32 to index
        %get3A_568 = arith.index_cast %get3A_566 : i32 to index
        %get3A_569 = arith.index_cast %add3A_525 : i32 to index
        %get3A_570 = tpu.vector_load %arg4[%get3A_567, %get3A_568, %get3A_569] {strides = array<i32>} : memref<4x24x1024xf32, #tpu.memory_space<vmem>>, vector<1x1x16xf32>,
        %get3A_571 = vector.shape_cast %get3A_570 : vector<1x1x16xf32> to vector<16xf32>
        %add3A_572 = arith.addf %add3A_564, %get3A_571 : vector<16xf32>
        %get3A_573 = arith.constant 1 : i32
        %get3A_574 = arith.constant 6 : i32
        %get3A_575 = arith.index_cast %get3A_573 : i32 to index
        %get3A_576 = arith.index_cast %get3A_574 : i32 to index
        %get3A_577 = arith.index_cast %add3A_525 : i32 to index
        %get3A_578 = tpu.vector_load %arg4[%get3A_575, %get3A_576, %get3A_577] {strides = array<i32>} : memref<4x24x1024xf32, #tpu.memory_space<vmem>>, vector<1x1x16xf32>,
        %get3A_579 = vector.shape_cast %get3A_578 : vector<1x1x16xf32> to vector<16xf32>
        %add3A_580 = arith.addf %add3A_572, %get3A_579 : vector<16xf32>
        %get3A_581 = arith.constant 1 : i32
        %get3A_582 = arith.constant 7 : i32
        %get3A_583 = arith.index_cast %get3A_581 : i32 to index
        %get3A_584 = arith.index_cast %get3A_582 : i32 to index
        %get3A_585 = arith.index_cast %add3A_525 : i32 to index
        %get3A_586 = tpu.vector_load %arg4[%get3A_583, %get3A_584, %get3A_585] {strides = array<i32>} : memref<4x24x1024xf32, #tpu.memory_space<vmem>>, vector<1x1x16xf32>,
        %get3A_587 = vector.shape_cast %get3A_586 : vector<1x1x16xf32> to vector<16xf32>
        %add3A_588 = arith.addf %add3A_580, %get3A_587 : vector<16xf32>
        %get3A_589 = arith.constant 1 : i32
        %get3A_590 = arith.constant 8 : i32
        %get3A_591 = arith.index_cast %get3A_589 : i32 to index
        %get3A_592 = arith.index_cast %get3A_590 : i32 to index
        %get3A_593 = arith.index_cast %add3A_525 : i32 to index
        %get3A_594 = tpu.vector_load %arg4[%get3A_591, %get3A_592, %get3A_593] {strides = array<i32>} : memref<4x24x1024xf32, #tpu.memory_space<vmem>>, vector<1x1x16xf32>,
        %get3A_595 = vector.shape_cast %get3A_594 : vector<1x1x16xf32> to vector<16xf32>
        %add3A_596 = arith.addf %add3A_588, %get3A_595 : vector<16xf32>
        %get3A_597 = arith.constant 1 : i32
        %get3A_598 = arith.constant 9 : i32
        %get3A_599 = arith.index_cast %get3A_597 : i32 to index
        %get3A_600 = arith.index_cast %get3A_598 : i32 to index
        %get3A_601 = arith.index_cast %add3A_525 : i32 to index
        %get3A_602 = tpu.vector_load %arg4[%get3A_599, %get3A_600, %get3A_601] {strides = array<i32>} : memref<4x24x1024xf32, #tpu.memory_space<vmem>>, vector<1x1x16xf32>,
        %get3A_603 = vector.shape_cast %get3A_602 : vector<1x1x16xf32> to vector<16xf32>
        %add3A_604 = arith.addf %add3A_596, %get3A_603 : vector<16xf32>
        %get3A_605 = arith.constant 1 : i32
        %get3A_606 = arith.constant 10 : i32
        %get3A_607 = arith.index_cast %get3A_605 : i32 to index
        %get3A_608 = arith.index_cast %get3A_606 : i32 to index
        %get3A_609 = arith.index_cast %add3A_525 : i32 to index
        %get3A_610 = tpu.vector_load %arg4[%get3A_607, %get3A_608, %get3A_609] {strides = array<i32>} : memref<4x24x1024xf32, #tpu.memory_space<vmem>>, vector<1x1x16xf32>,
        %get3A_611 = vector.shape_cast %get3A_610 : vector<1x1x16xf32> to vector<16xf32>
        %add3A_612 = arith.addf %add3A_604, %get3A_611 : vector<16xf32>
        %get3A_613 = arith.constant 1 : i32
        %get3A_614 = arith.constant 11 : i32
        %get3A_615 = arith.index_cast %get3A_613 : i32 to index
        %get3A_616 = arith.index_cast %get3A_614 : i32 to index
        %get3A_617 = arith.index_cast %add3A_525 : i32 to index
        %get3A_618 = tpu.vector_load %arg4[%get3A_615, %get3A_616, %get3A_617] {strides = array<i32>} : memref<4x24x1024xf32, #tpu.memory_space<vmem>>, vector<1x1x16xf32>,
        %get3A_619 = vector.shape_cast %get3A_618 : vector<1x1x16xf32> to vector<16xf32>
        %add3A_620 = arith.addf %add3A_612, %get3A_619 : vector<16xf32>
        %get3A_621 = arith.constant 1 : i32
        %get3A_622 = arith.constant 12 : i32
        %get3A_623 = arith.index_cast %get3A_621 : i32 to index
        %get3A_624 = arith.index_cast %get3A_622 : i32 to index
        %get3A_625 = arith.index_cast %add3A_525 : i32 to index
        %get3A_626 = tpu.vector_load %arg4[%get3A_623, %get3A_624, %get3A_625] {strides = array<i32>} : memref<4x24x1024xf32, #tpu.memory_space<vmem>>, vector<1x1x16xf32>,
        %get3A_627 = vector.shape_cast %get3A_626 : vector<1x1x16xf32> to vector<16xf32>
        %add3A_628 = arith.addf %add3A_620, %get3A_627 : vector<16xf32>
        %get3A_629 = arith.constant 1 : i32
        %get3A_630 = arith.constant 13 : i32
        %get3A_631 = arith.index_cast %get3A_629 : i32 to index
        %get3A_632 = arith.index_cast %get3A_630 : i32 to index
        %get3A_633 = arith.index_cast %add3A_525 : i32 to index
        %get3A_634 = tpu.vector_load %arg4[%get3A_631, %get3A_632, %get3A_633] {strides = array<i32>} : memref<4x24x1024xf32, #tpu.memory_space<vmem>>, vector<1x1x16xf32>,
        %get3A_635 = vector.shape_cast %get3A_634 : vector<1x1x16xf32> to vector<16xf32>
        %add3A_636 = arith.addf %add3A_628, %get3A_635 : vector<16xf32>
        %get3A_637 = arith.constant 1 : i32
        %get3A_638 = arith.constant 14 : i32
        %get3A_639 = arith.index_cast %get3A_637 : i32 to index
        %get3A_640 = arith.index_cast %get3A_638 : i32 to index
        %get3A_641 = arith.index_cast %add3A_525 : i32 to index
        %get3A_642 = tpu.vector_load %arg4[%get3A_639, %get3A_640, %get3A_641] {strides = array<i32>} : memref<4x24x1024xf32, #tpu.memory_space<vmem>>, vector<1x1x16xf32>,
        %get3A_643 = vector.shape_cast %get3A_642 : vector<1x1x16xf32> to vector<16xf32>
        %add3A_644 = arith.addf %add3A_636, %get3A_643 : vector<16xf32>
        %get3A_645 = arith.constant 1 : i32
        %get3A_646 = arith.constant 15 : i32
        %get3A_647 = arith.index_cast %get3A_645 : i32 to index
        %get3A_648 = arith.index_cast %get3A_646 : i32 to index
        %get3A_649 = arith.index_cast %add3A_525 : i32 to index
        %get3A_650 = tpu.vector_load %arg4[%get3A_647, %get3A_648, %get3A_649] {strides = array<i32>} : memref<4x24x1024xf32, #tpu.memory_space<vmem>>, vector<1x1x16xf32>,
        %get3A_651 = vector.shape_cast %get3A_650 : vector<1x1x16xf32> to vector<16xf32>
        %add3A_652 = arith.addf %add3A_644, %get3A_651 : vector<16xf32>
        %get3A_653 = arith.constant 1 : i32
        %get3A_654 = arith.constant 16 : i32
        %get3A_655 = arith.index_cast %get3A_653 : i32 to index
        %get3A_656 = arith.index_cast %get3A_654 : i32 to index
        %get3A_657 = arith.index_cast %add3A_525 : i32 to index
        %get3A_658 = tpu.vector_load %arg4[%get3A_655, %get3A_656, %get3A_657] {strides = array<i32>} : memref<4x24x1024xf32, #tpu.memory_space<vmem>>, vector<1x1x16xf32>,
        %get3A_659 = vector.shape_cast %get3A_658 : vector<1x1x16xf32> to vector<16xf32>
        %add3A_660 = arith.addf %add3A_652, %get3A_659 : vector<16xf32>
        %get3A_661 = arith.constant 1 : i32
        %get3A_662 = arith.constant 17 : i32
        %get3A_663 = arith.index_cast %get3A_661 : i32 to index
        %get3A_664 = arith.index_cast %get3A_662 : i32 to index
        %get3A_665 = arith.index_cast %add3A_525 : i32 to index
        %get3A_666 = tpu.vector_load %arg4[%get3A_663, %get3A_664, %get3A_665] {strides = array<i32>} : memref<4x24x1024xf32, #tpu.memory_space<vmem>>, vector<1x1x16xf32>,
        %get3A_667 = vector.shape_cast %get3A_666 : vector<1x1x16xf32> to vector<16xf32>
        %add3A_668 = arith.addf %add3A_660, %get3A_667 : vector<16xf32>
        %get3A_669 = arith.constant 1 : i32
        %get3A_670 = arith.constant 18 : i32
        %get3A_671 = arith.index_cast %get3A_669 : i32 to index
        %get3A_672 = arith.index_cast %get3A_670 : i32 to index
        %get3A_673 = arith.index_cast %add3A_525 : i32 to index
        %get3A_674 = tpu.vector_load %arg4[%get3A_671, %get3A_672, %get3A_673] {strides = array<i32>} : memref<4x24x1024xf32, #tpu.memory_space<vmem>>, vector<1x1x16xf32>,
        %get3A_675 = vector.shape_cast %get3A_674 : vector<1x1x16xf32> to vector<16xf32>
        %add3A_676 = arith.addf %add3A_668, %get3A_675 : vector<16xf32>
        %get3A_677 = arith.constant 1 : i32
        %get3A_678 = arith.constant 19 : i32
        %get3A_679 = arith.index_cast %get3A_677 : i32 to index
        %get3A_680 = arith.index_cast %get3A_678 : i32 to index
        %get3A_681 = arith.index_cast %add3A_525 : i32 to index
        %get3A_682 = tpu.vector_load %arg4[%get3A_679, %get3A_680, %get3A_681] {strides = array<i32>} : memref<4x24x1024xf32, #tpu.memory_space<vmem>>, vector<1x1x16xf32>,
        %get3A_683 = vector.shape_cast %get3A_682 : vector<1x1x16xf32> to vector<16xf32>
        %add3A_684 = arith.addf %add3A_676, %get3A_683 : vector<16xf32>
        %get3A_685 = arith.constant 1 : i32
        %get3A_686 = arith.constant 20 : i32
        %get3A_687 = arith.index_cast %get3A_685 : i32 to index
        %get3A_688 = arith.index_cast %get3A_686 : i32 to index
        %get3A_689 = arith.index_cast %add3A_525 : i32 to index
        %get3A_690 = tpu.vector_load %arg4[%get3A_687, %get3A_688, %get3A_689] {strides = array<i32>} : memref<4x24x1024xf32, #tpu.memory_space<vmem>>, vector<1x1x16xf32>,
        %get3A_691 = vector.shape_cast %get3A_690 : vector<1x1x16xf32> to vector<16xf32>
        %add3A_692 = arith.addf %add3A_684, %get3A_691 : vector<16xf32>
        %get3A_693 = arith.constant 1 : i32
        %get3A_694 = arith.constant 21 : i32
        %get3A_695 = arith.index_cast %get3A_693 : i32 to index
        %get3A_696 = arith.index_cast %get3A_694 : i32 to index
        %get3A_697 = arith.index_cast %add3A_525 : i32 to index
        %get3A_698 = tpu.vector_load %arg4[%get3A_695, %get3A_696, %get3A_697] {strides = array<i32>} : memref<4x24x1024xf32, #tpu.memory_space<vmem>>, vector<1x1x16xf32>,
        %get3A_699 = vector.shape_cast %get3A_698 : vector<1x1x16xf32> to vector<16xf32>
        %add3A_700 = arith.addf %add3A_692, %get3A_699 : vector<16xf32>
        %get3A_701 = arith.constant 1 : i32
        %get3A_702 = arith.constant 22 : i32
        %get3A_703 = arith.index_cast %get3A_701 : i32 to index
        %get3A_704 = arith.index_cast %get3A_702 : i32 to index
        %get3A_705 = arith.index_cast %add3A_525 : i32 to index
        %get3A_706 = tpu.vector_load %arg4[%get3A_703, %get3A_704, %get3A_705] {strides = array<i32>} : memref<4x24x1024xf32, #tpu.memory_space<vmem>>, vector<1x1x16xf32>,
        %get3A_707 = vector.shape_cast %get3A_706 : vector<1x1x16xf32> to vector<16xf32>
        %add3A_708 = arith.addf %add3A_700, %get3A_707 : vector<16xf32>
        %get3A_709 = arith.constant 1 : i32
        %get3A_710 = arith.constant 23 : i32
        %get3A_711 = arith.index_cast %get3A_709 : i32 to index
        %get3A_712 = arith.index_cast %get3A_710 : i32 to index
        %get3A_713 = arith.index_cast %add3A_525 : i32 to index
        %get3A_714 = tpu.vector_load %arg4[%get3A_711, %get3A_712, %get3A_713] {strides = array<i32>} : memref<4x24x1024xf32, #tpu.memory_space<vmem>>, vector<1x1x16xf32>,
        %get3A_715 = vector.shape_cast %get3A_714 : vector<1x1x16xf32> to vector<16xf32>
        %add3A_716 = arith.addf %add3A_708, %get3A_715 : vector<16xf32>
        %swap3A_717 = arith.constant 1 : i32
        %swap3A_718 = arith.index_cast %swap3A_717 : i32 to index
        %swap3A_719 = arith.index_cast %add3A_525 : i32 to index
        %swap3A_720 = tpu.vector_load %arg5[%swap3A_718, %swap3A_719] {strides = array<i32>} : memref<2x1024xf32, #tpu.memory_space<vmem>>, vector<1x16xf32>,
        %swap3A_721 = vector.shape_cast %swap3A_720 : vector<1x16xf32> to vector<16xf32>
        %swap3A_722 = vector.shape_cast %add3A_716 : vector<16xf32> to vector<1x16xf32>
        tpu.vector_store %arg5[%swap3A_718, %swap3A_719], %swap3A_722 {strides = array<i32>} : memref<2x1024xf32, #tpu.memory_space<vmem>>, vector<1x16xf32>,
        %mul3A_723 = arith.constant 64 : i32
        %mul3A_724 = arith.muli %scan3A_322, %mul3A_723 : i32
        %add3A_725 = arith.constant 32 : i32
        %add3A_726 = arith.addi %mul3A_724, %add3A_725 : i32
        %get3A_727 = arith.constant 1 : i32
        %get3A_728 = arith.constant 0 : i32
        %get3A_729 = arith.index_cast %get3A_727 : i32 to index
        %get3A_730 = arith.index_cast %get3A_728 : i32 to index
        %get3A_731 = arith.index_cast %add3A_726 : i32 to index
        %get3A_732 = tpu.vector_load %arg4[%get3A_729, %get3A_730, %get3A_731] {strides = array<i32>} : memref<4x24x1024xf32, #tpu.memory_space<vmem>>, vector<1x1x16xf32>,
        %get3A_733 = vector.shape_cast %get3A_732 : vector<1x1x16xf32> to vector<16xf32>
        %get3A_734 = arith.constant 1 : i32
        %get3A_735 = arith.constant 1 : i32
        %get3A_736 = arith.index_cast %get3A_734 : i32 to index
        %get3A_737 = arith.index_cast %get3A_735 : i32 to index
        %get3A_738 = arith.index_cast %add3A_726 : i32 to index
        %get3A_739 = tpu.vector_load %arg4[%get3A_736, %get3A_737, %get3A_738] {strides = array<i32>} : memref<4x24x1024xf32, #tpu.memory_space<vmem>>, vector<1x1x16xf32>,
        %get3A_740 = vector.shape_cast %get3A_739 : vector<1x1x16xf32> to vector<16xf32>
        %add3A_741 = arith.addf %get3A_733, %get3A_740 : vector<16xf32>
        %get3A_742 = arith.constant 1 : i32
        %get3A_743 = arith.constant 2 : i32
        %get3A_744 = arith.index_cast %get3A_742 : i32 to index
        %get3A_745 = arith.index_cast %get3A_743 : i32 to index
        %get3A_746 = arith.index_cast %add3A_726 : i32 to index
        %get3A_747 = tpu.vector_load %arg4[%get3A_744, %get3A_745, %get3A_746] {strides = array<i32>} : memref<4x24x1024xf32, #tpu.memory_space<vmem>>, vector<1x1x16xf32>,
        %get3A_748 = vector.shape_cast %get3A_747 : vector<1x1x16xf32> to vector<16xf32>
        %add3A_749 = arith.addf %add3A_741, %get3A_748 : vector<16xf32>
        %get3A_750 = arith.constant 1 : i32
        %get3A_751 = arith.constant 3 : i32
        %get3A_752 = arith.index_cast %get3A_750 : i32 to index
        %get3A_753 = arith.index_cast %get3A_751 : i32 to index
        %get3A_754 = arith.index_cast %add3A_726 : i32 to index
        %get3A_755 = tpu.vector_load %arg4[%get3A_752, %get3A_753, %get3A_754] {strides = array<i32>} : memref<4x24x1024xf32, #tpu.memory_space<vmem>>, vector<1x1x16xf32>,
        %get3A_756 = vector.shape_cast %get3A_755 : vector<1x1x16xf32> to vector<16xf32>
        %add3A_757 = arith.addf %add3A_749, %get3A_756 : vector<16xf32>
        %get3A_758 = arith.constant 1 : i32
        %get3A_759 = arith.constant 4 : i32
        %get3A_760 = arith.index_cast %get3A_758 : i32 to index
        %get3A_761 = arith.index_cast %get3A_759 : i32 to index
        %get3A_762 = arith.index_cast %add3A_726 : i32 to index
        %get3A_763 = tpu.vector_load %arg4[%get3A_760, %get3A_761, %get3A_762] {strides = array<i32>} : memref<4x24x1024xf32, #tpu.memory_space<vmem>>, vector<1x1x16xf32>,
        %get3A_764 = vector.shape_cast %get3A_763 : vector<1x1x16xf32> to vector<16xf32>
        %add3A_765 = arith.addf %add3A_757, %get3A_764 : vector<16xf32>
        %get3A_766 = arith.constant 1 : i32
        %get3A_767 = arith.constant 5 : i32
        %get3A_768 = arith.index_cast %get3A_766 : i32 to index
        %get3A_769 = arith.index_cast %get3A_767 : i32 to index
        %get3A_770 = arith.index_cast %add3A_726 : i32 to index
        %get3A_771 = tpu.vector_load %arg4[%get3A_768, %get3A_769, %get3A_770] {strides = array<i32>} : memref<4x24x1024xf32, #tpu.memory_space<vmem>>, vector<1x1x16xf32>,
        %get3A_772 = vector.shape_cast %get3A_771 : vector<1x1x16xf32> to vector<16xf32>
        %add3A_773 = arith.addf %add3A_765, %get3A_772 : vector<16xf32>
        %get3A_774 = arith.constant 1 : i32
        %get3A_775 = arith.constant 6 : i32
        %get3A_776 = arith.index_cast %get3A_774 : i32 to index
        %get3A_777 = arith.index_cast %get3A_775 : i32 to index
        %get3A_778 = arith.index_cast %add3A_726 : i32 to index
        %get3A_779 = tpu.vector_load %arg4[%get3A_776, %get3A_777, %get3A_778] {strides = array<i32>} : memref<4x24x1024xf32, #tpu.memory_space<vmem>>, vector<1x1x16xf32>,
        %get3A_780 = vector.shape_cast %get3A_779 : vector<1x1x16xf32> to vector<16xf32>
        %add3A_781 = arith.addf %add3A_773, %get3A_780 : vector<16xf32>
        %get3A_782 = arith.constant 1 : i32
        %get3A_783 = arith.constant 7 : i32
        %get3A_784 = arith.index_cast %get3A_782 : i32 to index
        %get3A_785 = arith.index_cast %get3A_783 : i32 to index
        %get3A_786 = arith.index_cast %add3A_726 : i32 to index
        %get3A_787 = tpu.vector_load %arg4[%get3A_784, %get3A_785, %get3A_786] {strides = array<i32>} : memref<4x24x1024xf32, #tpu.memory_space<vmem>>, vector<1x1x16xf32>,
        %get3A_788 = vector.shape_cast %get3A_787 : vector<1x1x16xf32> to vector<16xf32>
        %add3A_789 = arith.addf %add3A_781, %get3A_788 : vector<16xf32>
        %get3A_790 = arith.constant 1 : i32
        %get3A_791 = arith.constant 8 : i32
        %get3A_792 = arith.index_cast %get3A_790 : i32 to index
        %get3A_793 = arith.index_cast %get3A_791 : i32 to index
        %get3A_794 = arith.index_cast %add3A_726 : i32 to index
        %get3A_795 = tpu.vector_load %arg4[%get3A_792, %get3A_793, %get3A_794] {strides = array<i32>} : memref<4x24x1024xf32, #tpu.memory_space<vmem>>, vector<1x1x16xf32>,
        %get3A_796 = vector.shape_cast %get3A_795 : vector<1x1x16xf32> to vector<16xf32>
        %add3A_797 = arith.addf %add3A_789, %get3A_796 : vector<16xf32>
        %get3A_798 = arith.constant 1 : i32
        %get3A_799 = arith.constant 9 : i32
        %get3A_800 = arith.index_cast %get3A_798 : i32 to index
        %get3A_801 = arith.index_cast %get3A_799 : i32 to index
        %get3A_802 = arith.index_cast %add3A_726 : i32 to index
        %get3A_803 = tpu.vector_load %arg4[%get3A_800, %get3A_801, %get3A_802] {strides = array<i32>} : memref<4x24x1024xf32, #tpu.memory_space<vmem>>, vector<1x1x16xf32>,
        %get3A_804 = vector.shape_cast %get3A_803 : vector<1x1x16xf32> to vector<16xf32>
        %add3A_805 = arith.addf %add3A_797, %get3A_804 : vector<16xf32>
        %get3A_806 = arith.constant 1 : i32
        %get3A_807 = arith.constant 10 : i32
        %get3A_808 = arith.index_cast %get3A_806 : i32 to index
        %get3A_809 = arith.index_cast %get3A_807 : i32 to index
        %get3A_810 = arith.index_cast %add3A_726 : i32 to index
        %get3A_811 = tpu.vector_load %arg4[%get3A_808, %get3A_809, %get3A_810] {strides = array<i32>} : memref<4x24x1024xf32, #tpu.memory_space<vmem>>, vector<1x1x16xf32>,
        %get3A_812 = vector.shape_cast %get3A_811 : vector<1x1x16xf32> to vector<16xf32>
        %add3A_813 = arith.addf %add3A_805, %get3A_812 : vector<16xf32>
        %get3A_814 = arith.constant 1 : i32
        %get3A_815 = arith.constant 11 : i32
        %get3A_816 = arith.index_cast %get3A_814 : i32 to index
        %get3A_817 = arith.index_cast %get3A_815 : i32 to index
        %get3A_818 = arith.index_cast %add3A_726 : i32 to index
        %get3A_819 = tpu.vector_load %arg4[%get3A_816, %get3A_817, %get3A_818] {strides = array<i32>} : memref<4x24x1024xf32, #tpu.memory_space<vmem>>, vector<1x1x16xf32>,
        %get3A_820 = vector.shape_cast %get3A_819 : vector<1x1x16xf32> to vector<16xf32>
        %add3A_821 = arith.addf %add3A_813, %get3A_820 : vector<16xf32>
        %get3A_822 = arith.constant 1 : i32
        %get3A_823 = arith.constant 12 : i32
        %get3A_824 = arith.index_cast %get3A_822 : i32 to index
        %get3A_825 = arith.index_cast %get3A_823 : i32 to index
        %get3A_826 = arith.index_cast %add3A_726 : i32 to index
        %get3A_827 = tpu.vector_load %arg4[%get3A_824, %get3A_825, %get3A_826] {strides = array<i32>} : memref<4x24x1024xf32, #tpu.memory_space<vmem>>, vector<1x1x16xf32>,
        %get3A_828 = vector.shape_cast %get3A_827 : vector<1x1x16xf32> to vector<16xf32>
        %add3A_829 = arith.addf %add3A_821, %get3A_828 : vector<16xf32>
        %get3A_830 = arith.constant 1 : i32
        %get3A_831 = arith.constant 13 : i32
        %get3A_832 = arith.index_cast %get3A_830 : i32 to index
        %get3A_833 = arith.index_cast %get3A_831 : i32 to index
        %get3A_834 = arith.index_cast %add3A_726 : i32 to index
        %get3A_835 = tpu.vector_load %arg4[%get3A_832, %get3A_833, %get3A_834] {strides = array<i32>} : memref<4x24x1024xf32, #tpu.memory_space<vmem>>, vector<1x1x16xf32>,
        %get3A_836 = vector.shape_cast %get3A_835 : vector<1x1x16xf32> to vector<16xf32>
        %add3A_837 = arith.addf %add3A_829, %get3A_836 : vector<16xf32>
        %get3A_838 = arith.constant 1 : i32
        %get3A_839 = arith.constant 14 : i32
        %get3A_840 = arith.index_cast %get3A_838 : i32 to index
        %get3A_841 = arith.index_cast %get3A_839 : i32 to index
        %get3A_842 = arith.index_cast %add3A_726 : i32 to index
        %get3A_843 = tpu.vector_load %arg4[%get3A_840, %get3A_841, %get3A_842] {strides = array<i32>} : memref<4x24x1024xf32, #tpu.memory_space<vmem>>, vector<1x1x16xf32>,
        %get3A_844 = vector.shape_cast %get3A_843 : vector<1x1x16xf32> to vector<16xf32>
        %add3A_845 = arith.addf %add3A_837, %get3A_844 : vector<16xf32>
        %get3A_846 = arith.constant 1 : i32
        %get3A_847 = arith.constant 15 : i32
        %get3A_848 = arith.index_cast %get3A_846 : i32 to index
        %get3A_849 = arith.index_cast %get3A_847 : i32 to index
        %get3A_850 = arith.index_cast %add3A_726 : i32 to index
        %get3A_851 = tpu.vector_load %arg4[%get3A_848, %get3A_849, %get3A_850] {strides = array<i32>} : memref<4x24x1024xf32, #tpu.memory_space<vmem>>, vector<1x1x16xf32>,
        %get3A_852 = vector.shape_cast %get3A_851 : vector<1x1x16xf32> to vector<16xf32>
        %add3A_853 = arith.addf %add3A_845, %get3A_852 : vector<16xf32>
        %get3A_854 = arith.constant 1 : i32
        %get3A_855 = arith.constant 16 : i32
        %get3A_856 = arith.index_cast %get3A_854 : i32 to index
        %get3A_857 = arith.index_cast %get3A_855 : i32 to index
        %get3A_858 = arith.index_cast %add3A_726 : i32 to index
        %get3A_859 = tpu.vector_load %arg4[%get3A_856, %get3A_857, %get3A_858] {strides = array<i32>} : memref<4x24x1024xf32, #tpu.memory_space<vmem>>, vector<1x1x16xf32>,
        %get3A_860 = vector.shape_cast %get3A_859 : vector<1x1x16xf32> to vector<16xf32>
        %add3A_861 = arith.addf %add3A_853, %get3A_860 : vector<16xf32>
        %get3A_862 = arith.constant 1 : i32
        %get3A_863 = arith.constant 17 : i32
        %get3A_864 = arith.index_cast %get3A_862 : i32 to index
        %get3A_865 = arith.index_cast %get3A_863 : i32 to index
        %get3A_866 = arith.index_cast %add3A_726 : i32 to index
        %get3A_867 = tpu.vector_load %arg4[%get3A_864, %get3A_865, %get3A_866] {strides = array<i32>} : memref<4x24x1024xf32, #tpu.memory_space<vmem>>, vector<1x1x16xf32>,
        %get3A_868 = vector.shape_cast %get3A_867 : vector<1x1x16xf32> to vector<16xf32>
        %add3A_869 = arith.addf %add3A_861, %get3A_868 : vector<16xf32>
        %get3A_870 = arith.constant 1 : i32
        %get3A_871 = arith.constant 18 : i32
        %get3A_872 = arith.index_cast %get3A_870 : i32 to index
        %get3A_873 = arith.index_cast %get3A_871 : i32 to index
        %get3A_874 = arith.index_cast %add3A_726 : i32 to index
        %get3A_875 = tpu.vector_load %arg4[%get3A_872, %get3A_873, %get3A_874] {strides = array<i32>} : memref<4x24x1024xf32, #tpu.memory_space<vmem>>, vector<1x1x16xf32>,
        %get3A_876 = vector.shape_cast %get3A_875 : vector<1x1x16xf32> to vector<16xf32>
        %add3A_877 = arith.addf %add3A_869, %get3A_876 : vector<16xf32>
        %get3A_878 = arith.constant 1 : i32
        %get3A_879 = arith.constant 19 : i32
        %get3A_880 = arith.index_cast %get3A_878 : i32 to index
        %get3A_881 = arith.index_cast %get3A_879 : i32 to index
        %get3A_882 = arith.index_cast %add3A_726 : i32 to index
        %get3A_883 = tpu.vector_load %arg4[%get3A_880, %get3A_881, %get3A_882] {strides = array<i32>} : memref<4x24x1024xf32, #tpu.memory_space<vmem>>, vector<1x1x16xf32>,
        %get3A_884 = vector.shape_cast %get3A_883 : vector<1x1x16xf32> to vector<16xf32>
        %add3A_885 = arith.addf %add3A_877, %get3A_884 : vector<16xf32>
        %get3A_886 = arith.constant 1 : i32
        %get3A_887 = arith.constant 20 : i32
        %get3A_888 = arith.index_cast %get3A_886 : i32 to index
        %get3A_889 = arith.index_cast %get3A_887 : i32 to index
        %get3A_890 = arith.index_cast %add3A_726 : i32 to index
        %get3A_891 = tpu.vector_load %arg4[%get3A_888, %get3A_889, %get3A_890] {strides = array<i32>} : memref<4x24x1024xf32, #tpu.memory_space<vmem>>, vector<1x1x16xf32>,
        %get3A_892 = vector.shape_cast %get3A_891 : vector<1x1x16xf32> to vector<16xf32>
        %add3A_893 = arith.addf %add3A_885, %get3A_892 : vector<16xf32>
        %get3A_894 = arith.constant 1 : i32
        %get3A_895 = arith.constant 21 : i32
        %get3A_896 = arith.index_cast %get3A_894 : i32 to index
        %get3A_897 = arith.index_cast %get3A_895 : i32 to index
        %get3A_898 = arith.index_cast %add3A_726 : i32 to index
        %get3A_899 = tpu.vector_load %arg4[%get3A_896, %get3A_897, %get3A_898] {strides = array<i32>} : memref<4x24x1024xf32, #tpu.memory_space<vmem>>, vector<1x1x16xf32>,
        %get3A_900 = vector.shape_cast %get3A_899 : vector<1x1x16xf32> to vector<16xf32>
        %add3A_901 = arith.addf %add3A_893, %get3A_900 : vector<16xf32>
        %get3A_902 = arith.constant 1 : i32
        %get3A_903 = arith.constant 22 : i32
        %get3A_904 = arith.index_cast %get3A_902 : i32 to index
        %get3A_905 = arith.index_cast %get3A_903 : i32 to index
        %get3A_906 = arith.index_cast %add3A_726 : i32 to index
        %get3A_907 = tpu.vector_load %arg4[%get3A_904, %get3A_905, %get3A_906] {strides = array<i32>} : memref<4x24x1024xf32, #tpu.memory_space<vmem>>, vector<1x1x16xf32>,
        %get3A_908 = vector.shape_cast %get3A_907 : vector<1x1x16xf32> to vector<16xf32>
        %add3A_909 = arith.addf %add3A_901, %get3A_908 : vector<16xf32>
        %get3A_910 = arith.constant 1 : i32
        %get3A_911 = arith.constant 23 : i32
        %get3A_912 = arith.index_cast %get3A_910 : i32 to index
        %get3A_913 = arith.index_cast %get3A_911 : i32 to index
        %get3A_914 = arith.index_cast %add3A_726 : i32 to index
        %get3A_915 = tpu.vector_load %arg4[%get3A_912, %get3A_913, %get3A_914] {strides = array<i32>} : memref<4x24x1024xf32, #tpu.memory_space<vmem>>, vector<1x1x16xf32>,
        %get3A_916 = vector.shape_cast %get3A_915 : vector<1x1x16xf32> to vector<16xf32>
        %add3A_917 = arith.addf %add3A_909, %get3A_916 : vector<16xf32>
        %swap3A_918 = arith.constant 1 : i32
        %swap3A_919 = arith.index_cast %swap3A_918 : i32 to index
        %swap3A_920 = arith.index_cast %add3A_726 : i32 to index
        %swap3A_921 = tpu.vector_load %arg5[%swap3A_919, %swap3A_920] {strides = array<i32>} : memref<2x1024xf32, #tpu.memory_space<vmem>>, vector<1x16xf32>,
        %swap3A_922 = vector.shape_cast %swap3A_921 : vector<1x16xf32> to vector<16xf32>
        %swap3A_923 = vector.shape_cast %add3A_917 : vector<16xf32> to vector<1x16xf32>
        tpu.vector_store %arg5[%swap3A_919, %swap3A_920], %swap3A_923 {strides = array<i32>} : memref<2x1024xf32, #tpu.memory_space<vmem>>, vector<1x16xf32>,
        %mul3A_924 = arith.constant 64 : i32
        %mul3A_925 = arith.muli %scan3A_322, %mul3A_924 : i32
        %add3A_926 = arith.constant 48 : i32
        %add3A_927 = arith.addi %mul3A_925, %add3A_926 : i32
        %get3A_928 = arith.constant 1 : i32
        %get3A_929 = arith.constant 0 : i32
        %get3A_930 = arith.index_cast %get3A_928 : i32 to index
        %get3A_931 = arith.index_cast %get3A_929 : i32 to index
        %get3A_932 = arith.index_cast %add3A_927 : i32 to index
        %get3A_933 = tpu.vector_load %arg4[%get3A_930, %get3A_931, %get3A_932] {strides = array<i32>} : memref<4x24x1024xf32, #tpu.memory_space<vmem>>, vector<1x1x16xf32>,
        %get3A_934 = vector.shape_cast %get3A_933 : vector<1x1x16xf32> to vector<16xf32>
        %get3A_935 = arith.constant 1 : i32
        %get3A_936 = arith.constant 1 : i32
        %get3A_937 = arith.index_cast %get3A_935 : i32 to index
        %get3A_938 = arith.index_cast %get3A_936 : i32 to index
        %get3A_939 = arith.index_cast %add3A_927 : i32 to index
        %get3A_940 = tpu.vector_load %arg4[%get3A_937, %get3A_938, %get3A_939] {strides = array<i32>} : memref<4x24x1024xf32, #tpu.memory_space<vmem>>, vector<1x1x16xf32>,
        %get3A_941 = vector.shape_cast %get3A_940 : vector<1x1x16xf32> to vector<16xf32>
        %add3A_942 = arith.addf %get3A_934, %get3A_941 : vector<16xf32>
        %get3A_943 = arith.constant 1 : i32
        %get3A_944 = arith.constant 2 : i32
        %get3A_945 = arith.index_cast %get3A_943 : i32 to index
        %get3A_946 = arith.index_cast %get3A_944 : i32 to index
        %get3A_947 = arith.index_cast %add3A_927 : i32 to index
        %get3A_948 = tpu.vector_load %arg4[%get3A_945, %get3A_946, %get3A_947] {strides = array<i32>} : memref<4x24x1024xf32, #tpu.memory_space<vmem>>, vector<1x1x16xf32>,
        %get3A_949 = vector.shape_cast %get3A_948 : vector<1x1x16xf32> to vector<16xf32>
        %add3A_950 = arith.addf %add3A_942, %get3A_949 : vector<16xf32>
        %get3A_951 = arith.constant 1 : i32
        %get3A_952 = arith.constant 3 : i32
        %get3A_953 = arith.index_cast %get3A_951 : i32 to index
        %get3A_954 = arith.index_cast %get3A_952 : i32 to index
        %get3A_955 = arith.index_cast %add3A_927 : i32 to index
        %get3A_956 = tpu.vector_load %arg4[%get3A_953, %get3A_954, %get3A_955] {strides = array<i32>} : memref<4x24x1024xf32, #tpu.memory_space<vmem>>, vector<1x1x16xf32>,
        %get3A_957 = vector.shape_cast %get3A_956 : vector<1x1x16xf32> to vector<16xf32>
        %add3A_958 = arith.addf %add3A_950, %get3A_957 : vector<16xf32>
        %get3A_959 = arith.constant 1 : i32
        %get3A_960 = arith.constant 4 : i32
        %get3A_961 = arith.index_cast %get3A_959 : i32 to index
        %get3A_962 = arith.index_cast %get3A_960 : i32 to index
        %get3A_963 = arith.index_cast %add3A_927 : i32 to index
        %get3A_964 = tpu.vector_load %arg4[%get3A_961, %get3A_962, %get3A_963] {strides = array<i32>} : memref<4x24x1024xf32, #tpu.memory_space<vmem>>, vector<1x1x16xf32>,
        %get3A_965 = vector.shape_cast %get3A_964 : vector<1x1x16xf32> to vector<16xf32>
        %add3A_966 = arith.addf %add3A_958, %get3A_965 : vector<16xf32>
        %get3A_967 = arith.constant 1 : i32
        %get3A_968 = arith.constant 5 : i32
        %get3A_969 = arith.index_cast %get3A_967 : i32 to index
        %get3A_970 = arith.index_cast %get3A_968 : i32 to index
        %get3A_971 = arith.index_cast %add3A_927 : i32 to index
        %get3A_972 = tpu.vector_load %arg4[%get3A_969, %get3A_970, %get3A_971] {strides = array<i32>} : memref<4x24x1024xf32, #tpu.memory_space<vmem>>, vector<1x1x16xf32>,
        %get3A_973 = vector.shape_cast %get3A_972 : vector<1x1x16xf32> to vector<16xf32>
        %add3A_974 = arith.addf %add3A_966, %get3A_973 : vector<16xf32>
        %get3A_975 = arith.constant 1 : i32
        %get3A_976 = arith.constant 6 : i32
        %get3A_977 = arith.index_cast %get3A_975 : i32 to index
        %get3A_978 = arith.index_cast %get3A_976 : i32 to index
        %get3A_979 = arith.index_cast %add3A_927 : i32 to index
        %get3A_980 = tpu.vector_load %arg4[%get3A_977, %get3A_978, %get3A_979] {strides = array<i32>} : memref<4x24x1024xf32, #tpu.memory_space<vmem>>, vector<1x1x16xf32>,
        %get3A_981 = vector.shape_cast %get3A_980 : vector<1x1x16xf32> to vector<16xf32>
        %add3A_982 = arith.addf %add3A_974, %get3A_981 : vector<16xf32>
        %get3A_983 = arith.constant 1 : i32
        %get3A_984 = arith.constant 7 : i32
        %get3A_985 = arith.index_cast %get3A_983 : i32 to index
        %get3A_986 = arith.index_cast %get3A_984 : i32 to index
        %get3A_987 = arith.index_cast %add3A_927 : i32 to index
        %get3A_988 = tpu.vector_load %arg4[%get3A_985, %get3A_986, %get3A_987] {strides = array<i32>} : memref<4x24x1024xf32, #tpu.memory_space<vmem>>, vector<1x1x16xf32>,
        %get3A_989 = vector.shape_cast %get3A_988 : vector<1x1x16xf32> to vector<16xf32>
        %add3A_990 = arith.addf %add3A_982, %get3A_989 : vector<16xf32>
        %get3A_991 = arith.constant 1 : i32
        %get3A_992 = arith.constant 8 : i32
        %get3A_993 = arith.index_cast %get3A_991 : i32 to index
        %get3A_994 = arith.index_cast %get3A_992 : i32 to index
        %get3A_995 = arith.index_cast %add3A_927 : i32 to index
        %get3A_996 = tpu.vector_load %arg4[%get3A_993, %get3A_994, %get3A_995] {strides = array<i32>} : memref<4x24x1024xf32, #tpu.memory_space<vmem>>, vector<1x1x16xf32>,
        %get3A_997 = vector.shape_cast %get3A_996 : vector<1x1x16xf32> to vector<16xf32>
        %add3A_998 = arith.addf %add3A_990, %get3A_997 : vector<16xf32>
        %get3A_999 = arith.constant 1 : i32
        %get3A_1000 = arith.constant 9 : i32
        %get3A_1001 = arith.index_cast %get3A_999 : i32 to index
        %get3A_1002 = arith.index_cast %get3A_1000 : i32 to index
        %get3A_1003 = arith.index_cast %add3A_927 : i32 to index
        %get3A_1004 = tpu.vector_load %arg4[%get3A_1001, %get3A_1002, %get3A_1003] {strides = array<i32>} : memref<4x24x1024xf32, #tpu.memory_space<vmem>>, vector<1x1x16xf32>,
        %get3A_1005 = vector.shape_cast %get3A_1004 : vector<1x1x16xf32> to vector<16xf32>
        %add3A_1006 = arith.addf %add3A_998, %get3A_1005 : vector<16xf32>
        %get3A_1007 = arith.constant 1 : i32
        %get3A_1008 = arith.constant 10 : i32
        %get3A_1009 = arith.index_cast %get3A_1007 : i32 to index
        %get3A_1010 = arith.index_cast %get3A_1008 : i32 to index
        %get3A_1011 = arith.index_cast %add3A_927 : i32 to index
        %get3A_1012 = tpu.vector_load %arg4[%get3A_1009, %get3A_1010, %get3A_1011] {strides = array<i32>} : memref<4x24x1024xf32, #tpu.memory_space<vmem>>, vector<1x1x16xf32>,
        %get3A_1013 = vector.shape_cast %get3A_1012 : vector<1x1x16xf32> to vector<16xf32>
        %add3A_1014 = arith.addf %add3A_1006, %get3A_1013 : vector<16xf32>
        %get3A_1015 = arith.constant 1 : i32
        %get3A_1016 = arith.constant 11 : i32
        %get3A_1017 = arith.index_cast %get3A_1015 : i32 to index
        %get3A_1018 = arith.index_cast %get3A_1016 : i32 to index
        %get3A_1019 = arith.index_cast %add3A_927 : i32 to index
        %get3A_1020 = tpu.vector_load %arg4[%get3A_1017, %get3A_1018, %get3A_1019] {strides = array<i32>} : memref<4x24x1024xf32, #tpu.memory_space<vmem>>, vector<1x1x16xf32>,
        %get3A_1021 = vector.shape_cast %get3A_1020 : vector<1x1x16xf32> to vector<16xf32>
        %add3A_1022 = arith.addf %add3A_1014, %get3A_1021 : vector<16xf32>
        %get3A_1023 = arith.constant 1 : i32
        %get3A_1024 = arith.constant 12 : i32
        %get3A_1025 = arith.index_cast %get3A_1023 : i32 to index
        %get3A_1026 = arith.index_cast %get3A_1024 : i32 to index
        %get3A_1027 = arith.index_cast %add3A_927 : i32 to index
        %get3A_1028 = tpu.vector_load %arg4[%get3A_1025, %get3A_1026, %get3A_1027] {strides = array<i32>} : memref<4x24x1024xf32, #tpu.memory_space<vmem>>, vector<1x1x16xf32>,
        %get3A_1029 = vector.shape_cast %get3A_1028 : vector<1x1x16xf32> to vector<16xf32>
        %add3A_1030 = arith.addf %add3A_1022, %get3A_1029 : vector<16xf32>
        %get3A_1031 = arith.constant 1 : i32
        %get3A_1032 = arith.constant 13 : i32
        %get3A_1033 = arith.index_cast %get3A_1031 : i32 to index
        %get3A_1034 = arith.index_cast %get3A_1032 : i32 to index
        %get3A_1035 = arith.index_cast %add3A_927 : i32 to index
        %get3A_1036 = tpu.vector_load %arg4[%get3A_1033, %get3A_1034, %get3A_1035] {strides = array<i32>} : memref<4x24x1024xf32, #tpu.memory_space<vmem>>, vector<1x1x16xf32>,
        %get3A_1037 = vector.shape_cast %get3A_1036 : vector<1x1x16xf32> to vector<16xf32>
        %add3A_1038 = arith.addf %add3A_1030, %get3A_1037 : vector<16xf32>
        %get3A_1039 = arith.constant 1 : i32
        %get3A_1040 = arith.constant 14 : i32
        %get3A_1041 = arith.index_cast %get3A_1039 : i32 to index
        %get3A_1042 = arith.index_cast %get3A_1040 : i32 to index
        %get3A_1043 = arith.index_cast %add3A_927 : i32 to index
        %get3A_1044 = tpu.vector_load %arg4[%get3A_1041, %get3A_1042, %get3A_1043] {strides = array<i32>} : memref<4x24x1024xf32, #tpu.memory_space<vmem>>, vector<1x1x16xf32>,
        %get3A_1045 = vector.shape_cast %get3A_1044 : vector<1x1x16xf32> to vector<16xf32>
        %add3A_1046 = arith.addf %add3A_1038, %get3A_1045 : vector<16xf32>
        %get3A_1047 = arith.constant 1 : i32
        %get3A_1048 = arith.constant 15 : i32
        %get3A_1049 = arith.index_cast %get3A_1047 : i32 to index
        %get3A_1050 = arith.index_cast %get3A_1048 : i32 to index
        %get3A_1051 = arith.index_cast %add3A_927 : i32 to index
        %get3A_1052 = tpu.vector_load %arg4[%get3A_1049, %get3A_1050, %get3A_1051] {strides = array<i32>} : memref<4x24x1024xf32, #tpu.memory_space<vmem>>, vector<1x1x16xf32>,
        %get3A_1053 = vector.shape_cast %get3A_1052 : vector<1x1x16xf32> to vector<16xf32>
        %add3A_1054 = arith.addf %add3A_1046, %get3A_1053 : vector<16xf32>
        %get3A_1055 = arith.constant 1 : i32
        %get3A_1056 = arith.constant 16 : i32
        %get3A_1057 = arith.index_cast %get3A_1055 : i32 to index
        %get3A_1058 = arith.index_cast %get3A_1056 : i32 to index
        %get3A_1059 = arith.index_cast %add3A_927 : i32 to index
        %get3A_1060 = tpu.vector_load %arg4[%get3A_1057, %get3A_1058, %get3A_1059] {strides = array<i32>} : memref<4x24x1024xf32, #tpu.memory_space<vmem>>, vector<1x1x16xf32>,
        %get3A_1061 = vector.shape_cast %get3A_1060 : vector<1x1x16xf32> to vector<16xf32>
        %add3A_1062 = arith.addf %add3A_1054, %get3A_1061 : vector<16xf32>
        %get3A_1063 = arith.constant 1 : i32
        %get3A_1064 = arith.constant 17 : i32
        %get3A_1065 = arith.index_cast %get3A_1063 : i32 to index
        %get3A_1066 = arith.index_cast %get3A_1064 : i32 to index
        %get3A_1067 = arith.index_cast %add3A_927 : i32 to index
        %get3A_1068 = tpu.vector_load %arg4[%get3A_1065, %get3A_1066, %get3A_1067] {strides = array<i32>} : memref<4x24x1024xf32, #tpu.memory_space<vmem>>, vector<1x1x16xf32>,
        %get3A_1069 = vector.shape_cast %get3A_1068 : vector<1x1x16xf32> to vector<16xf32>
        %add3A_1070 = arith.addf %add3A_1062, %get3A_1069 : vector<16xf32>
        %get3A_1071 = arith.constant 1 : i32
        %get3A_1072 = arith.constant 18 : i32
        %get3A_1073 = arith.index_cast %get3A_1071 : i32 to index
        %get3A_1074 = arith.index_cast %get3A_1072 : i32 to index
        %get3A_1075 = arith.index_cast %add3A_927 : i32 to index
        %get3A_1076 = tpu.vector_load %arg4[%get3A_1073, %get3A_1074, %get3A_1075] {strides = array<i32>} : memref<4x24x1024xf32, #tpu.memory_space<vmem>>, vector<1x1x16xf32>,
        %get3A_1077 = vector.shape_cast %get3A_1076 : vector<1x1x16xf32> to vector<16xf32>
        %add3A_1078 = arith.addf %add3A_1070, %get3A_1077 : vector<16xf32>
        %get3A_1079 = arith.constant 1 : i32
        %get3A_1080 = arith.constant 19 : i32
        %get3A_1081 = arith.index_cast %get3A_1079 : i32 to index
        %get3A_1082 = arith.index_cast %get3A_1080 : i32 to index
        %get3A_1083 = arith.index_cast %add3A_927 : i32 to index
        %get3A_1084 = tpu.vector_load %arg4[%get3A_1081, %get3A_1082, %get3A_1083] {strides = array<i32>} : memref<4x24x1024xf32, #tpu.memory_space<vmem>>, vector<1x1x16xf32>,
        %get3A_1085 = vector.shape_cast %get3A_1084 : vector<1x1x16xf32> to vector<16xf32>
        %add3A_1086 = arith.addf %add3A_1078, %get3A_1085 : vector<16xf32>
        %get3A_1087 = arith.constant 1 : i32
        %get3A_1088 = arith.constant 20 : i32
        %get3A_1089 = arith.index_cast %get3A_1087 : i32 to index
        %get3A_1090 = arith.index_cast %get3A_1088 : i32 to index
        %get3A_1091 = arith.index_cast %add3A_927 : i32 to index
        %get3A_1092 = tpu.vector_load %arg4[%get3A_1089, %get3A_1090, %get3A_1091] {strides = array<i32>} : memref<4x24x1024xf32, #tpu.memory_space<vmem>>, vector<1x1x16xf32>,
        %get3A_1093 = vector.shape_cast %get3A_1092 : vector<1x1x16xf32> to vector<16xf32>
        %add3A_1094 = arith.addf %add3A_1086, %get3A_1093 : vector<16xf32>
        %get3A_1095 = arith.constant 1 : i32
        %get3A_1096 = arith.constant 21 : i32
        %get3A_1097 = arith.index_cast %get3A_1095 : i32 to index
        %get3A_1098 = arith.index_cast %get3A_1096 : i32 to index
        %get3A_1099 = arith.index_cast %add3A_927 : i32 to index
        %get3A_1100 = tpu.vector_load %arg4[%get3A_1097, %get3A_1098, %get3A_1099] {strides = array<i32>} : memref<4x24x1024xf32, #tpu.memory_space<vmem>>, vector<1x1x16xf32>,
        %get3A_1101 = vector.shape_cast %get3A_1100 : vector<1x1x16xf32> to vector<16xf32>
        %add3A_1102 = arith.addf %add3A_1094, %get3A_1101 : vector<16xf32>
        %get3A_1103 = arith.constant 1 : i32
        %get3A_1104 = arith.constant 22 : i32
        %get3A_1105 = arith.index_cast %get3A_1103 : i32 to index
        %get3A_1106 = arith.index_cast %get3A_1104 : i32 to index
        %get3A_1107 = arith.index_cast %add3A_927 : i32 to index
        %get3A_1108 = tpu.vector_load %arg4[%get3A_1105, %get3A_1106, %get3A_1107] {strides = array<i32>} : memref<4x24x1024xf32, #tpu.memory_space<vmem>>, vector<1x1x16xf32>,
        %get3A_1109 = vector.shape_cast %get3A_1108 : vector<1x1x16xf32> to vector<16xf32>
        %add3A_1110 = arith.addf %add3A_1102, %get3A_1109 : vector<16xf32>
        %get3A_1111 = arith.constant 1 : i32
        %get3A_1112 = arith.constant 23 : i32
        %get3A_1113 = arith.index_cast %get3A_1111 : i32 to index
        %get3A_1114 = arith.index_cast %get3A_1112 : i32 to index
        %get3A_1115 = arith.index_cast %add3A_927 : i32 to index
        %get3A_1116 = tpu.vector_load %arg4[%get3A_1113, %get3A_1114, %get3A_1115] {strides = array<i32>} : memref<4x24x1024xf32, #tpu.memory_space<vmem>>, vector<1x1x16xf32>,
        %get3A_1117 = vector.shape_cast %get3A_1116 : vector<1x1x16xf32> to vector<16xf32>
        %add3A_1118 = arith.addf %add3A_1110, %get3A_1117 : vector<16xf32>
        %swap3A_1119 = arith.constant 1 : i32
        %swap3A_1120 = arith.index_cast %swap3A_1119 : i32 to index
        %swap3A_1121 = arith.index_cast %add3A_927 : i32 to index
        %swap3A_1122 = tpu.vector_load %arg5[%swap3A_1120, %swap3A_1121] {strides = array<i32>} : memref<2x1024xf32, #tpu.memory_space<vmem>>, vector<1x16xf32>,
        %swap3A_1123 = vector.shape_cast %swap3A_1122 : vector<1x16xf32> to vector<16xf32>
        %swap3A_1124 = vector.shape_cast %add3A_1118 : vector<16xf32> to vector<1x16xf32>
        tpu.vector_store %arg5[%swap3A_1120, %swap3A_1121], %swap3A_1124 {strides = array<i32>} : memref<2x1024xf32, #tpu.memory_space<vmem>>, vector<1x16xf32>,
      }
      %scan3A_196 = arith.constant 16 : i32
      %add3A_197 = arith.addi %mul3A_2, %add3A_167 : i32
      %dma_start3A_198 = arith.constant 1 : i32
      %dma_start3A_199 = arith.constant 0 : i32
      %dma_start3A_200 = tpu.memref_slice %arg5[%dma_start3A_198, %dma_start3A_199] : memref<2x1024xf32, #tpu.memory_space<vmem>> -> memref<1x1024xf32, #tpu.memory_space<vmem>>
      %dma_start3A_201 = tpu.memref_squeeze %dma_start3A_200 : memref<1x1024xf32, #tpu.memory_space<vmem>> -> memref<1024xf32, #tpu.memory_space<vmem>>
      %dma_start3A_202 = arith.constant 0 : i32
      %dma_start3A_203 = tpu.memref_slice %arg3[%add3A_197, %dma_start3A_202] : memref<1024x1024xf32, #tpu.memory_space<hbm>> -> memref<1x1024xf32, #tpu.memory_space<hbm>>
      %dma_start3A_204 = tpu.memref_squeeze %dma_start3A_203 : memref<1x1024xf32, #tpu.memory_space<hbm>> -> memref<1024xf32, #tpu.memory_space<hbm>>
      %dma_start3A_205 = arith.constant 0 : i32
      %dma_start3A_206 = tpu.memref_slice %arg3[%add3A_197, %dma_start3A_205] : memref<1024x1024xf32, #tpu.memory_space<hbm>> -> memref<1x1024xf32, #tpu.memory_space<hbm>>
      %dma_start3A_207 = tpu.memref_squeeze %dma_start3A_206 : memref<1x1024xf32, #tpu.memory_space<hbm>> -> memref<1024xf32, #tpu.memory_space<hbm>>
      %dma_start3A_208 = arith.constant 0 : i32
      %dma_start3A_209 = tpu.memref_slice %arg5[%dma_start3A_198, %dma_start3A_208] : memref<2x1024xf32, #tpu.memory_space<vmem>> -> memref<1x1024xf32, #tpu.memory_space<vmem>>
      %dma_start3A_210 = tpu.memref_squeeze %dma_start3A_209 : memref<1x1024xf32, #tpu.memory_space<vmem>> -> memref<1024xf32, #tpu.memory_space<vmem>>
      tpu.enqueue_dma source(%dma_start3A_210 : memref<1024xf32, #tpu.memory_space<vmem>>) target(%dma_start3A_207 : memref<1024xf32, #tpu.memory_space<hbm>>) target_semaphore(%arg11 : memref<!tpu.dma_semaphore, #tpu.memory_space<semaphore_mem>>)
      %add3A_211 = arith.constant 4 : i32
      %add3A_212 = arith.addi %add3A_167, %add3A_211 : i32
      %lt3A_213 = arith.constant 32 : i32
      %lt3A_214 = arith.cmpi slt, %add3A_212, %lt3A_213 : i32
      %convert_element_type3A_215 = arith.extui %lt3A_214 : i1 to i32
      %cond3A_216 = arith.constant 0 : i32
      %cond3A_217 = arith.cmpi ne, %convert_element_type3A_215, %cond3A_216 : i32
      scf.if %cond3A_217 {
        %add3A_322 = arith.addi %mul3A_2, %add3A_167 : i32
        %add3A_323 = arith.constant 4 : i32
        %add3A_324 = arith.addi %add3A_322, %add3A_323 : i32
        %dma_start3A_325 = arith.constant 1 : i32
        %dma_start3A_326 = arith.constant 0 : i32
        %dma_start3A_327 = arith.constant 0 : i32
        %dma_start3A_328 = tpu.memref_slice %arg4[%dma_start3A_325, %dma_start3A_326, %dma_start3A_327] : memref<4x24x1024xf32, #tpu.memory_space<vmem>> -> memref<1x24x1024xf32, #tpu.memory_space<vmem>>
        %dma_start3A_329 = tpu.memref_squeeze %dma_start3A_328 : memref<1x24x1024xf32, #tpu.memory_space<vmem>> -> memref<24x1024xf32, #tpu.memory_space<vmem>>
        %dma_start3A_330 = arith.constant 0 : i32
        %dma_start3A_331 = arith.constant 0 : i32
        %dma_start3A_332 = tpu.memref_slice %arg2[%add3A_324, %dma_start3A_330, %dma_start3A_331] : memref<1024x24x1024xf32, #tpu.memory_space<hbm>> -> memref<1x24x1024xf32, #tpu.memory_space<hbm>>
        %dma_start3A_333 = tpu.memref_squeeze %dma_start3A_332 : memref<1x24x1024xf32, #tpu.memory_space<hbm>> -> memref<24x1024xf32, #tpu.memory_space<hbm>>
        %dma_start3A_334 = arith.constant 0 : i32
        %dma_start3A_335 = arith.constant 0 : i32
        %dma_start3A_336 = tpu.memref_slice %arg4[%dma_start3A_325, %dma_start3A_334, %dma_start3A_335] : memref<4x24x1024xf32, #tpu.memory_space<vmem>> -> memref<1x24x1024xf32, #tpu.memory_space<vmem>>
        %dma_start3A_337 = tpu.memref_squeeze %dma_start3A_336 : memref<1x24x1024xf32, #tpu.memory_space<vmem>> -> memref<24x1024xf32, #tpu.memory_space<vmem>>
        %dma_start3A_338 = arith.constant 0 : i32
        %dma_start3A_339 = arith.constant 0 : i32
        %dma_start3A_340 = tpu.memref_slice %arg2[%add3A_324, %dma_start3A_338, %dma_start3A_339] : memref<1024x24x1024xf32, #tpu.memory_space<hbm>> -> memref<1x24x1024xf32, #tpu.memory_space<hbm>>
        %dma_start3A_341 = tpu.memref_squeeze %dma_start3A_340 : memref<1x24x1024xf32, #tpu.memory_space<hbm>> -> memref<24x1024xf32, #tpu.memory_space<hbm>>
        tpu.enqueue_dma source(%dma_start3A_341 : memref<24x1024xf32, #tpu.memory_space<hbm>>) target(%dma_start3A_337 : memref<24x1024xf32, #tpu.memory_space<vmem>>) target_semaphore(%arg7 : memref<!tpu.dma_semaphore, #tpu.memory_space<semaphore_mem>>)
      } else {
      }
      %add3A_218 = arith.constant 2 : i32
      %add3A_219 = arith.addi %mul3A_117, %add3A_218 : i32
      %add3A_220 = arith.addi %mul3A_2, %add3A_219 : i32
      %dma_wait3A_221 = arith.constant 2 : i32
      %dma_wait3A_222 = arith.constant 0 : i32
      %dma_wait3A_223 = arith.constant 0 : i32
      %dma_wait3A_224 = tpu.memref_slice %arg4[%dma_wait3A_221, %dma_wait3A_222, %dma_wait3A_223] : memref<4x24x1024xf32, #tpu.memory_space<vmem>> -> memref<1x24x1024xf32, #tpu.memory_space<vmem>>
      %dma_wait3A_225 = tpu.memref_squeeze %dma_wait3A_224 : memref<1x24x1024xf32, #tpu.memory_space<vmem>> -> memref<24x1024xf32, #tpu.memory_space<vmem>>
      %dma_wait3A_226 = arith.constant 0 : i32
      %dma_wait3A_227 = arith.constant 0 : i32
      %dma_wait3A_228 = tpu.memref_slice %arg2[%add3A_220, %dma_wait3A_226, %dma_wait3A_227] : memref<1024x24x1024xf32, #tpu.memory_space<hbm>> -> memref<1x24x1024xf32, #tpu.memory_space<hbm>>
      %dma_wait3A_229 = tpu.memref_squeeze %dma_wait3A_228 : memref<1x24x1024xf32, #tpu.memory_space<hbm>> -> memref<24x1024xf32, #tpu.memory_space<hbm>>
      %dma_wait3A_230 = arith.constant 0 : i32
      %dma_wait3A_231 = arith.constant 0 : i32
      %dma_wait3A_232 = tpu.memref_slice %arg4[%dma_wait3A_221, %dma_wait3A_230, %dma_wait3A_231] : memref<4x24x1024xf32, #tpu.memory_space<vmem>> -> memref<1x24x1024xf32, #tpu.memory_space<vmem>>
      %dma_wait3A_233 = tpu.memref_squeeze %dma_wait3A_232 : memref<1x24x1024xf32, #tpu.memory_space<vmem>> -> memref<24x1024xf32, #tpu.memory_space<vmem>>
      %dma_wait3A_234 = arith.constant 0 : i32
      %dma_wait3A_235 = arith.constant 0 : i32
      %dma_wait3A_236 = tpu.memref_slice %arg2[%add3A_220, %dma_wait3A_234, %dma_wait3A_235] : memref<1024x24x1024xf32, #tpu.memory_space<hbm>> -> memref<1x24x1024xf32, #tpu.memory_space<hbm>>
      %dma_wait3A_237 = tpu.memref_squeeze %dma_wait3A_236 : memref<1x24x1024xf32, #tpu.memory_space<hbm>> -> memref<24x1024xf32, #tpu.memory_space<hbm>>
      tpu.wait_dma2 semaphore(%arg8 : memref<!tpu.dma_semaphore, #tpu.memory_space<semaphore_mem>>) src(%dma_wait3A_237 : memref<24x1024xf32, #tpu.memory_space<hbm>>) dst(%dma_wait3A_233 : memref<24x1024xf32, #tpu.memory_space<vmem>>)
      %ge3A_238 = arith.constant 2 : i32
      %ge3A_239 = arith.cmpi sge, %add3A_219, %ge3A_238 : i32
      %convert_element_type3A_240 = arith.extui %ge3A_239 : i1 to i32
      %cond3A_241 = arith.constant 0 : i32
      %cond3A_242 = arith.cmpi ne, %convert_element_type3A_240, %cond3A_241 : i32
      scf.if %cond3A_242 {
        %add3A_322 = arith.addi %mul3A_2, %add3A_219 : i32
        %sub3A_323 = arith.constant 2 : i32
        %sub3A_324 = arith.subi %add3A_322, %sub3A_323 : i32
        %dma_wait3A_325 = arith.constant 0 : i32
        %dma_wait3A_326 = arith.constant 0 : i32
        %dma_wait3A_327 = tpu.memref_slice %arg5[%dma_wait3A_325, %dma_wait3A_326] : memref<2x1024xf32, #tpu.memory_space<vmem>> -> memref<1x1024xf32, #tpu.memory_space<vmem>>
        %dma_wait3A_328 = tpu.memref_squeeze %dma_wait3A_327 : memref<1x1024xf32, #tpu.memory_space<vmem>> -> memref<1024xf32, #tpu.memory_space<vmem>>
        %dma_wait3A_329 = arith.constant 0 : i32
        %dma_wait3A_330 = tpu.memref_slice %arg3[%sub3A_324, %dma_wait3A_329] : memref<1024x1024xf32, #tpu.memory_space<hbm>> -> memref<1x1024xf32, #tpu.memory_space<hbm>>
        %dma_wait3A_331 = tpu.memref_squeeze %dma_wait3A_330 : memref<1x1024xf32, #tpu.memory_space<hbm>> -> memref<1024xf32, #tpu.memory_space<hbm>>
        %dma_wait3A_332 = arith.constant 0 : i32
        %dma_wait3A_333 = tpu.memref_slice %arg3[%sub3A_324, %dma_wait3A_332] : memref<1024x1024xf32, #tpu.memory_space<hbm>> -> memref<1x1024xf32, #tpu.memory_space<hbm>>
        %dma_wait3A_334 = tpu.memref_squeeze %dma_wait3A_333 : memref<1x1024xf32, #tpu.memory_space<hbm>> -> memref<1024xf32, #tpu.memory_space<hbm>>
        %dma_wait3A_335 = arith.constant 0 : i32
        %dma_wait3A_336 = tpu.memref_slice %arg5[%dma_wait3A_325, %dma_wait3A_335] : memref<2x1024xf32, #tpu.memory_space<vmem>> -> memref<1x1024xf32, #tpu.memory_space<vmem>>
        %dma_wait3A_337 = tpu.memref_squeeze %dma_wait3A_336 : memref<1x1024xf32, #tpu.memory_space<vmem>> -> memref<1024xf32, #tpu.memory_space<vmem>>
        tpu.wait_dma2 semaphore(%arg10 : memref<!tpu.dma_semaphore, #tpu.memory_space<semaphore_mem>>) src(%dma_wait3A_337 : memref<1024xf32, #tpu.memory_space<vmem>>) dst(%dma_wait3A_334 : memref<1024xf32, #tpu.memory_space<hbm>>)
      } else {
      }
      %scan3A_243 = arith.constant 0 : i32
      %scan3A_244 = arith.constant 0 : i32
      %scan3A_245 = arith.constant 16 : i32
      %scan3A_246 = arith.addi %scan3A_244, %scan3A_245 : i32
      %scan3A_247 = arith.constant 1 : i32
      scf.for %scan3A_322 = %scan3A_244 to %scan3A_246 step %scan3A_247  : i32 {
        %mul3A_323 = arith.constant 64 : i32
        %mul3A_324 = arith.muli %scan3A_322, %mul3A_323 : i32
        %add3A_325 = arith.constant 0 : i32
        %add3A_326 = arith.addi %mul3A_324, %add3A_325 : i32
        %get3A = arith.constant 2 : i32
        %get3A_327 = arith.constant 0 : i32
        %get3A_328 = arith.index_cast %get3A : i32 to index
        %get3A_329 = arith.index_cast %get3A_327 : i32 to index
        %get3A_330 = arith.index_cast %add3A_326 : i32 to index
        %get3A_331 = tpu.vector_load %arg4[%get3A_328, %get3A_329, %get3A_330] {strides = array<i32>} : memref<4x24x1024xf32, #tpu.memory_space<vmem>>, vector<1x1x16xf32>,
        %get3A_332 = vector.shape_cast %get3A_331 : vector<1x1x16xf32> to vector<16xf32>
        %get3A_333 = arith.constant 2 : i32
        %get3A_334 = arith.constant 1 : i32
        %get3A_335 = arith.index_cast %get3A_333 : i32 to index
        %get3A_336 = arith.index_cast %get3A_334 : i32 to index
        %get3A_337 = arith.index_cast %add3A_326 : i32 to index
        %get3A_338 = tpu.vector_load %arg4[%get3A_335, %get3A_336, %get3A_337] {strides = array<i32>} : memref<4x24x1024xf32, #tpu.memory_space<vmem>>, vector<1x1x16xf32>,
        %get3A_339 = vector.shape_cast %get3A_338 : vector<1x1x16xf32> to vector<16xf32>
        %add3A_340 = arith.addf %get3A_332, %get3A_339 : vector<16xf32>
        %get3A_341 = arith.constant 2 : i32
        %get3A_342 = arith.constant 2 : i32
        %get3A_343 = arith.index_cast %get3A_341 : i32 to index
        %get3A_344 = arith.index_cast %get3A_342 : i32 to index
        %get3A_345 = arith.index_cast %add3A_326 : i32 to index
        %get3A_346 = tpu.vector_load %arg4[%get3A_343, %get3A_344, %get3A_345] {strides = array<i32>} : memref<4x24x1024xf32, #tpu.memory_space<vmem>>, vector<1x1x16xf32>,
        %get3A_347 = vector.shape_cast %get3A_346 : vector<1x1x16xf32> to vector<16xf32>
        %add3A_348 = arith.addf %add3A_340, %get3A_347 : vector<16xf32>
        %get3A_349 = arith.constant 2 : i32
        %get3A_350 = arith.constant 3 : i32
        %get3A_351 = arith.index_cast %get3A_349 : i32 to index
        %get3A_352 = arith.index_cast %get3A_350 : i32 to index
        %get3A_353 = arith.index_cast %add3A_326 : i32 to index
        %get3A_354 = tpu.vector_load %arg4[%get3A_351, %get3A_352, %get3A_353] {strides = array<i32>} : memref<4x24x1024xf32, #tpu.memory_space<vmem>>, vector<1x1x16xf32>,
        %get3A_355 = vector.shape_cast %get3A_354 : vector<1x1x16xf32> to vector<16xf32>
        %add3A_356 = arith.addf %add3A_348, %get3A_355 : vector<16xf32>
        %get3A_357 = arith.constant 2 : i32
        %get3A_358 = arith.constant 4 : i32
        %get3A_359 = arith.index_cast %get3A_357 : i32 to index
        %get3A_360 = arith.index_cast %get3A_358 : i32 to index
        %get3A_361 = arith.index_cast %add3A_326 : i32 to index
        %get3A_362 = tpu.vector_load %arg4[%get3A_359, %get3A_360, %get3A_361] {strides = array<i32>} : memref<4x24x1024xf32, #tpu.memory_space<vmem>>, vector<1x1x16xf32>,
        %get3A_363 = vector.shape_cast %get3A_362 : vector<1x1x16xf32> to vector<16xf32>
        %add3A_364 = arith.addf %add3A_356, %get3A_363 : vector<16xf32>
        %get3A_365 = arith.constant 2 : i32
        %get3A_366 = arith.constant 5 : i32
        %get3A_367 = arith.index_cast %get3A_365 : i32 to index
        %get3A_368 = arith.index_cast %get3A_366 : i32 to index
        %get3A_369 = arith.index_cast %add3A_326 : i32 to index
        %get3A_370 = tpu.vector_load %arg4[%get3A_367, %get3A_368, %get3A_369] {strides = array<i32>} : memref<4x24x1024xf32, #tpu.memory_space<vmem>>, vector<1x1x16xf32>,
        %get3A_371 = vector.shape_cast %get3A_370 : vector<1x1x16xf32> to vector<16xf32>
        %add3A_372 = arith.addf %add3A_364, %get3A_371 : vector<16xf32>
        %get3A_373 = arith.constant 2 : i32
        %get3A_374 = arith.constant 6 : i32
        %get3A_375 = arith.index_cast %get3A_373 : i32 to index
        %get3A_376 = arith.index_cast %get3A_374 : i32 to index
        %get3A_377 = arith.index_cast %add3A_326 : i32 to index
        %get3A_378 = tpu.vector_load %arg4[%get3A_375, %get3A_376, %get3A_377] {strides = array<i32>} : memref<4x24x1024xf32, #tpu.memory_space<vmem>>, vector<1x1x16xf32>,
        %get3A_379 = vector.shape_cast %get3A_378 : vector<1x1x16xf32> to vector<16xf32>
        %add3A_380 = arith.addf %add3A_372, %get3A_379 : vector<16xf32>
        %get3A_381 = arith.constant 2 : i32
        %get3A_382 = arith.constant 7 : i32
        %get3A_383 = arith.index_cast %get3A_381 : i32 to index
        %get3A_384 = arith.index_cast %get3A_382 : i32 to index
        %get3A_385 = arith.index_cast %add3A_326 : i32 to index
        %get3A_386 = tpu.vector_load %arg4[%get3A_383, %get3A_384, %get3A_385] {strides = array<i32>} : memref<4x24x1024xf32, #tpu.memory_space<vmem>>, vector<1x1x16xf32>,
        %get3A_387 = vector.shape_cast %get3A_386 : vector<1x1x16xf32> to vector<16xf32>
        %add3A_388 = arith.addf %add3A_380, %get3A_387 : vector<16xf32>
        %get3A_389 = arith.constant 2 : i32
        %get3A_390 = arith.constant 8 : i32
        %get3A_391 = arith.index_cast %get3A_389 : i32 to index
        %get3A_392 = arith.index_cast %get3A_390 : i32 to index
        %get3A_393 = arith.index_cast %add3A_326 : i32 to index
        %get3A_394 = tpu.vector_load %arg4[%get3A_391, %get3A_392, %get3A_393] {strides = array<i32>} : memref<4x24x1024xf32, #tpu.memory_space<vmem>>, vector<1x1x16xf32>,
        %get3A_395 = vector.shape_cast %get3A_394 : vector<1x1x16xf32> to vector<16xf32>
        %add3A_396 = arith.addf %add3A_388, %get3A_395 : vector<16xf32>
        %get3A_397 = arith.constant 2 : i32
        %get3A_398 = arith.constant 9 : i32
        %get3A_399 = arith.index_cast %get3A_397 : i32 to index
        %get3A_400 = arith.index_cast %get3A_398 : i32 to index
        %get3A_401 = arith.index_cast %add3A_326 : i32 to index
        %get3A_402 = tpu.vector_load %arg4[%get3A_399, %get3A_400, %get3A_401] {strides = array<i32>} : memref<4x24x1024xf32, #tpu.memory_space<vmem>>, vector<1x1x16xf32>,
        %get3A_403 = vector.shape_cast %get3A_402 : vector<1x1x16xf32> to vector<16xf32>
        %add3A_404 = arith.addf %add3A_396, %get3A_403 : vector<16xf32>
        %get3A_405 = arith.constant 2 : i32
        %get3A_406 = arith.constant 10 : i32
        %get3A_407 = arith.index_cast %get3A_405 : i32 to index
        %get3A_408 = arith.index_cast %get3A_406 : i32 to index
        %get3A_409 = arith.index_cast %add3A_326 : i32 to index
        %get3A_410 = tpu.vector_load %arg4[%get3A_407, %get3A_408, %get3A_409] {strides = array<i32>} : memref<4x24x1024xf32, #tpu.memory_space<vmem>>, vector<1x1x16xf32>,
        %get3A_411 = vector.shape_cast %get3A_410 : vector<1x1x16xf32> to vector<16xf32>
        %add3A_412 = arith.addf %add3A_404, %get3A_411 : vector<16xf32>
        %get3A_413 = arith.constant 2 : i32
        %get3A_414 = arith.constant 11 : i32
        %get3A_415 = arith.index_cast %get3A_413 : i32 to index
        %get3A_416 = arith.index_cast %get3A_414 : i32 to index
        %get3A_417 = arith.index_cast %add3A_326 : i32 to index
        %get3A_418 = tpu.vector_load %arg4[%get3A_415, %get3A_416, %get3A_417] {strides = array<i32>} : memref<4x24x1024xf32, #tpu.memory_space<vmem>>, vector<1x1x16xf32>,
        %get3A_419 = vector.shape_cast %get3A_418 : vector<1x1x16xf32> to vector<16xf32>
        %add3A_420 = arith.addf %add3A_412, %get3A_419 : vector<16xf32>
        %get3A_421 = arith.constant 2 : i32
        %get3A_422 = arith.constant 12 : i32
        %get3A_423 = arith.index_cast %get3A_421 : i32 to index
        %get3A_424 = arith.index_cast %get3A_422 : i32 to index
        %get3A_425 = arith.index_cast %add3A_326 : i32 to index
        %get3A_426 = tpu.vector_load %arg4[%get3A_423, %get3A_424, %get3A_425] {strides = array<i32>} : memref<4x24x1024xf32, #tpu.memory_space<vmem>>, vector<1x1x16xf32>,
        %get3A_427 = vector.shape_cast %get3A_426 : vector<1x1x16xf32> to vector<16xf32>
        %add3A_428 = arith.addf %add3A_420, %get3A_427 : vector<16xf32>
        %get3A_429 = arith.constant 2 : i32
        %get3A_430 = arith.constant 13 : i32
        %get3A_431 = arith.index_cast %get3A_429 : i32 to index
        %get3A_432 = arith.index_cast %get3A_430 : i32 to index
        %get3A_433 = arith.index_cast %add3A_326 : i32 to index
        %get3A_434 = tpu.vector_load %arg4[%get3A_431, %get3A_432, %get3A_433] {strides = array<i32>} : memref<4x24x1024xf32, #tpu.memory_space<vmem>>, vector<1x1x16xf32>,
        %get3A_435 = vector.shape_cast %get3A_434 : vector<1x1x16xf32> to vector<16xf32>
        %add3A_436 = arith.addf %add3A_428, %get3A_435 : vector<16xf32>
        %get3A_437 = arith.constant 2 : i32
        %get3A_438 = arith.constant 14 : i32
        %get3A_439 = arith.index_cast %get3A_437 : i32 to index
        %get3A_440 = arith.index_cast %get3A_438 : i32 to index
        %get3A_441 = arith.index_cast %add3A_326 : i32 to index
        %get3A_442 = tpu.vector_load %arg4[%get3A_439, %get3A_440, %get3A_441] {strides = array<i32>} : memref<4x24x1024xf32, #tpu.memory_space<vmem>>, vector<1x1x16xf32>,
        %get3A_443 = vector.shape_cast %get3A_442 : vector<1x1x16xf32> to vector<16xf32>
        %add3A_444 = arith.addf %add3A_436, %get3A_443 : vector<16xf32>
        %get3A_445 = arith.constant 2 : i32
        %get3A_446 = arith.constant 15 : i32
        %get3A_447 = arith.index_cast %get3A_445 : i32 to index
        %get3A_448 = arith.index_cast %get3A_446 : i32 to index
        %get3A_449 = arith.index_cast %add3A_326 : i32 to index
        %get3A_450 = tpu.vector_load %arg4[%get3A_447, %get3A_448, %get3A_449] {strides = array<i32>} : memref<4x24x1024xf32, #tpu.memory_space<vmem>>, vector<1x1x16xf32>,
        %get3A_451 = vector.shape_cast %get3A_450 : vector<1x1x16xf32> to vector<16xf32>
        %add3A_452 = arith.addf %add3A_444, %get3A_451 : vector<16xf32>
        %get3A_453 = arith.constant 2 : i32
        %get3A_454 = arith.constant 16 : i32
        %get3A_455 = arith.index_cast %get3A_453 : i32 to index
        %get3A_456 = arith.index_cast %get3A_454 : i32 to index
        %get3A_457 = arith.index_cast %add3A_326 : i32 to index
        %get3A_458 = tpu.vector_load %arg4[%get3A_455, %get3A_456, %get3A_457] {strides = array<i32>} : memref<4x24x1024xf32, #tpu.memory_space<vmem>>, vector<1x1x16xf32>,
        %get3A_459 = vector.shape_cast %get3A_458 : vector<1x1x16xf32> to vector<16xf32>
        %add3A_460 = arith.addf %add3A_452, %get3A_459 : vector<16xf32>
        %get3A_461 = arith.constant 2 : i32
        %get3A_462 = arith.constant 17 : i32
        %get3A_463 = arith.index_cast %get3A_461 : i32 to index
        %get3A_464 = arith.index_cast %get3A_462 : i32 to index
        %get3A_465 = arith.index_cast %add3A_326 : i32 to index
        %get3A_466 = tpu.vector_load %arg4[%get3A_463, %get3A_464, %get3A_465] {strides = array<i32>} : memref<4x24x1024xf32, #tpu.memory_space<vmem>>, vector<1x1x16xf32>,
        %get3A_467 = vector.shape_cast %get3A_466 : vector<1x1x16xf32> to vector<16xf32>
        %add3A_468 = arith.addf %add3A_460, %get3A_467 : vector<16xf32>
        %get3A_469 = arith.constant 2 : i32
        %get3A_470 = arith.constant 18 : i32
        %get3A_471 = arith.index_cast %get3A_469 : i32 to index
        %get3A_472 = arith.index_cast %get3A_470 : i32 to index
        %get3A_473 = arith.index_cast %add3A_326 : i32 to index
        %get3A_474 = tpu.vector_load %arg4[%get3A_471, %get3A_472, %get3A_473] {strides = array<i32>} : memref<4x24x1024xf32, #tpu.memory_space<vmem>>, vector<1x1x16xf32>,
        %get3A_475 = vector.shape_cast %get3A_474 : vector<1x1x16xf32> to vector<16xf32>
        %add3A_476 = arith.addf %add3A_468, %get3A_475 : vector<16xf32>
        %get3A_477 = arith.constant 2 : i32
        %get3A_478 = arith.constant 19 : i32
        %get3A_479 = arith.index_cast %get3A_477 : i32 to index
        %get3A_480 = arith.index_cast %get3A_478 : i32 to index
        %get3A_481 = arith.index_cast %add3A_326 : i32 to index
        %get3A_482 = tpu.vector_load %arg4[%get3A_479, %get3A_480, %get3A_481] {strides = array<i32>} : memref<4x24x1024xf32, #tpu.memory_space<vmem>>, vector<1x1x16xf32>,
        %get3A_483 = vector.shape_cast %get3A_482 : vector<1x1x16xf32> to vector<16xf32>
        %add3A_484 = arith.addf %add3A_476, %get3A_483 : vector<16xf32>
        %get3A_485 = arith.constant 2 : i32
        %get3A_486 = arith.constant 20 : i32
        %get3A_487 = arith.index_cast %get3A_485 : i32 to index
        %get3A_488 = arith.index_cast %get3A_486 : i32 to index
        %get3A_489 = arith.index_cast %add3A_326 : i32 to index
        %get3A_490 = tpu.vector_load %arg4[%get3A_487, %get3A_488, %get3A_489] {strides = array<i32>} : memref<4x24x1024xf32, #tpu.memory_space<vmem>>, vector<1x1x16xf32>,
        %get3A_491 = vector.shape_cast %get3A_490 : vector<1x1x16xf32> to vector<16xf32>
        %add3A_492 = arith.addf %add3A_484, %get3A_491 : vector<16xf32>
        %get3A_493 = arith.constant 2 : i32
        %get3A_494 = arith.constant 21 : i32
        %get3A_495 = arith.index_cast %get3A_493 : i32 to index
        %get3A_496 = arith.index_cast %get3A_494 : i32 to index
        %get3A_497 = arith.index_cast %add3A_326 : i32 to index
        %get3A_498 = tpu.vector_load %arg4[%get3A_495, %get3A_496, %get3A_497] {strides = array<i32>} : memref<4x24x1024xf32, #tpu.memory_space<vmem>>, vector<1x1x16xf32>,
        %get3A_499 = vector.shape_cast %get3A_498 : vector<1x1x16xf32> to vector<16xf32>
        %add3A_500 = arith.addf %add3A_492, %get3A_499 : vector<16xf32>
        %get3A_501 = arith.constant 2 : i32
        %get3A_502 = arith.constant 22 : i32
        %get3A_503 = arith.index_cast %get3A_501 : i32 to index
        %get3A_504 = arith.index_cast %get3A_502 : i32 to index
        %get3A_505 = arith.index_cast %add3A_326 : i32 to index
        %get3A_506 = tpu.vector_load %arg4[%get3A_503, %get3A_504, %get3A_505] {strides = array<i32>} : memref<4x24x1024xf32, #tpu.memory_space<vmem>>, vector<1x1x16xf32>,
        %get3A_507 = vector.shape_cast %get3A_506 : vector<1x1x16xf32> to vector<16xf32>
        %add3A_508 = arith.addf %add3A_500, %get3A_507 : vector<16xf32>
        %get3A_509 = arith.constant 2 : i32
        %get3A_510 = arith.constant 23 : i32
        %get3A_511 = arith.index_cast %get3A_509 : i32 to index
        %get3A_512 = arith.index_cast %get3A_510 : i32 to index
        %get3A_513 = arith.index_cast %add3A_326 : i32 to index
        %get3A_514 = tpu.vector_load %arg4[%get3A_511, %get3A_512, %get3A_513] {strides = array<i32>} : memref<4x24x1024xf32, #tpu.memory_space<vmem>>, vector<1x1x16xf32>,
        %get3A_515 = vector.shape_cast %get3A_514 : vector<1x1x16xf32> to vector<16xf32>
        %add3A_516 = arith.addf %add3A_508, %get3A_515 : vector<16xf32>
        %swap3A = arith.constant 0 : i32
        %swap3A_517 = arith.index_cast %swap3A : i32 to index
        %swap3A_518 = arith.index_cast %add3A_326 : i32 to index
        %swap3A_519 = tpu.vector_load %arg5[%swap3A_517, %swap3A_518] {strides = array<i32>} : memref<2x1024xf32, #tpu.memory_space<vmem>>, vector<1x16xf32>,
        %swap3A_520 = vector.shape_cast %swap3A_519 : vector<1x16xf32> to vector<16xf32>
        %swap3A_521 = vector.shape_cast %add3A_516 : vector<16xf32> to vector<1x16xf32>
        tpu.vector_store %arg5[%swap3A_517, %swap3A_518], %swap3A_521 {strides = array<i32>} : memref<2x1024xf32, #tpu.memory_space<vmem>>, vector<1x16xf32>,
        %mul3A_522 = arith.constant 64 : i32
        %mul3A_523 = arith.muli %scan3A_322, %mul3A_522 : i32
        %add3A_524 = arith.constant 16 : i32
        %add3A_525 = arith.addi %mul3A_523, %add3A_524 : i32
        %get3A_526 = arith.constant 2 : i32
        %get3A_527 = arith.constant 0 : i32
        %get3A_528 = arith.index_cast %get3A_526 : i32 to index
        %get3A_529 = arith.index_cast %get3A_527 : i32 to index
        %get3A_530 = arith.index_cast %add3A_525 : i32 to index
        %get3A_531 = tpu.vector_load %arg4[%get3A_528, %get3A_529, %get3A_530] {strides = array<i32>} : memref<4x24x1024xf32, #tpu.memory_space<vmem>>, vector<1x1x16xf32>,
        %get3A_532 = vector.shape_cast %get3A_531 : vector<1x1x16xf32> to vector<16xf32>
        %get3A_533 = arith.constant 2 : i32
        %get3A_534 = arith.constant 1 : i32
        %get3A_535 = arith.index_cast %get3A_533 : i32 to index
        %get3A_536 = arith.index_cast %get3A_534 : i32 to index
        %get3A_537 = arith.index_cast %add3A_525 : i32 to index
        %get3A_538 = tpu.vector_load %arg4[%get3A_535, %get3A_536, %get3A_537] {strides = array<i32>} : memref<4x24x1024xf32, #tpu.memory_space<vmem>>, vector<1x1x16xf32>,
        %get3A_539 = vector.shape_cast %get3A_538 : vector<1x1x16xf32> to vector<16xf32>
        %add3A_540 = arith.addf %get3A_532, %get3A_539 : vector<16xf32>
        %get3A_541 = arith.constant 2 : i32
        %get3A_542 = arith.constant 2 : i32
        %get3A_543 = arith.index_cast %get3A_541 : i32 to index
        %get3A_544 = arith.index_cast %get3A_542 : i32 to index
        %get3A_545 = arith.index_cast %add3A_525 : i32 to index
        %get3A_546 = tpu.vector_load %arg4[%get3A_543, %get3A_544, %get3A_545] {strides = array<i32>} : memref<4x24x1024xf32, #tpu.memory_space<vmem>>, vector<1x1x16xf32>,
        %get3A_547 = vector.shape_cast %get3A_546 : vector<1x1x16xf32> to vector<16xf32>
        %add3A_548 = arith.addf %add3A_540, %get3A_547 : vector<16xf32>
        %get3A_549 = arith.constant 2 : i32
        %get3A_550 = arith.constant 3 : i32
        %get3A_551 = arith.index_cast %get3A_549 : i32 to index
        %get3A_552 = arith.index_cast %get3A_550 : i32 to index
        %get3A_553 = arith.index_cast %add3A_525 : i32 to index
        %get3A_554 = tpu.vector_load %arg4[%get3A_551, %get3A_552, %get3A_553] {strides = array<i32>} : memref<4x24x1024xf32, #tpu.memory_space<vmem>>, vector<1x1x16xf32>,
        %get3A_555 = vector.shape_cast %get3A_554 : vector<1x1x16xf32> to vector<16xf32>
        %add3A_556 = arith.addf %add3A_548, %get3A_555 : vector<16xf32>
        %get3A_557 = arith.constant 2 : i32
        %get3A_558 = arith.constant 4 : i32
        %get3A_559 = arith.index_cast %get3A_557 : i32 to index
        %get3A_560 = arith.index_cast %get3A_558 : i32 to index
        %get3A_561 = arith.index_cast %add3A_525 : i32 to index
        %get3A_562 = tpu.vector_load %arg4[%get3A_559, %get3A_560, %get3A_561] {strides = array<i32>} : memref<4x24x1024xf32, #tpu.memory_space<vmem>>, vector<1x1x16xf32>,
        %get3A_563 = vector.shape_cast %get3A_562 : vector<1x1x16xf32> to vector<16xf32>
        %add3A_564 = arith.addf %add3A_556, %get3A_563 : vector<16xf32>
        %get3A_565 = arith.constant 2 : i32
        %get3A_566 = arith.constant 5 : i32
        %get3A_567 = arith.index_cast %get3A_565 : i32 to index
        %get3A_568 = arith.index_cast %get3A_566 : i32 to index
        %get3A_569 = arith.index_cast %add3A_525 : i32 to index
        %get3A_570 = tpu.vector_load %arg4[%get3A_567, %get3A_568, %get3A_569] {strides = array<i32>} : memref<4x24x1024xf32, #tpu.memory_space<vmem>>, vector<1x1x16xf32>,
        %get3A_571 = vector.shape_cast %get3A_570 : vector<1x1x16xf32> to vector<16xf32>
        %add3A_572 = arith.addf %add3A_564, %get3A_571 : vector<16xf32>
        %get3A_573 = arith.constant 2 : i32
        %get3A_574 = arith.constant 6 : i32
        %get3A_575 = arith.index_cast %get3A_573 : i32 to index
        %get3A_576 = arith.index_cast %get3A_574 : i32 to index
        %get3A_577 = arith.index_cast %add3A_525 : i32 to index
        %get3A_578 = tpu.vector_load %arg4[%get3A_575, %get3A_576, %get3A_577] {strides = array<i32>} : memref<4x24x1024xf32, #tpu.memory_space<vmem>>, vector<1x1x16xf32>,
        %get3A_579 = vector.shape_cast %get3A_578 : vector<1x1x16xf32> to vector<16xf32>
        %add3A_580 = arith.addf %add3A_572, %get3A_579 : vector<16xf32>
        %get3A_581 = arith.constant 2 : i32
        %get3A_582 = arith.constant 7 : i32
        %get3A_583 = arith.index_cast %get3A_581 : i32 to index
        %get3A_584 = arith.index_cast %get3A_582 : i32 to index
        %get3A_585 = arith.index_cast %add3A_525 : i32 to index
        %get3A_586 = tpu.vector_load %arg4[%get3A_583, %get3A_584, %get3A_585] {strides = array<i32>} : memref<4x24x1024xf32, #tpu.memory_space<vmem>>, vector<1x1x16xf32>,
        %get3A_587 = vector.shape_cast %get3A_586 : vector<1x1x16xf32> to vector<16xf32>
        %add3A_588 = arith.addf %add3A_580, %get3A_587 : vector<16xf32>
        %get3A_589 = arith.constant 2 : i32
        %get3A_590 = arith.constant 8 : i32
        %get3A_591 = arith.index_cast %get3A_589 : i32 to index
        %get3A_592 = arith.index_cast %get3A_590 : i32 to index
        %get3A_593 = arith.index_cast %add3A_525 : i32 to index
        %get3A_594 = tpu.vector_load %arg4[%get3A_591, %get3A_592, %get3A_593] {strides = array<i32>} : memref<4x24x1024xf32, #tpu.memory_space<vmem>>, vector<1x1x16xf32>,
        %get3A_595 = vector.shape_cast %get3A_594 : vector<1x1x16xf32> to vector<16xf32>
        %add3A_596 = arith.addf %add3A_588, %get3A_595 : vector<16xf32>
        %get3A_597 = arith.constant 2 : i32
        %get3A_598 = arith.constant 9 : i32
        %get3A_599 = arith.index_cast %get3A_597 : i32 to index
        %get3A_600 = arith.index_cast %get3A_598 : i32 to index
        %get3A_601 = arith.index_cast %add3A_525 : i32 to index
        %get3A_602 = tpu.vector_load %arg4[%get3A_599, %get3A_600, %get3A_601] {strides = array<i32>} : memref<4x24x1024xf32, #tpu.memory_space<vmem>>, vector<1x1x16xf32>,
        %get3A_603 = vector.shape_cast %get3A_602 : vector<1x1x16xf32> to vector<16xf32>
        %add3A_604 = arith.addf %add3A_596, %get3A_603 : vector<16xf32>
        %get3A_605 = arith.constant 2 : i32
        %get3A_606 = arith.constant 10 : i32
        %get3A_607 = arith.index_cast %get3A_605 : i32 to index
        %get3A_608 = arith.index_cast %get3A_606 : i32 to index
        %get3A_609 = arith.index_cast %add3A_525 : i32 to index
        %get3A_610 = tpu.vector_load %arg4[%get3A_607, %get3A_608, %get3A_609] {strides = array<i32>} : memref<4x24x1024xf32, #tpu.memory_space<vmem>>, vector<1x1x16xf32>,
        %get3A_611 = vector.shape_cast %get3A_610 : vector<1x1x16xf32> to vector<16xf32>
        %add3A_612 = arith.addf %add3A_604, %get3A_611 : vector<16xf32>
        %get3A_613 = arith.constant 2 : i32
        %get3A_614 = arith.constant 11 : i32
        %get3A_615 = arith.index_cast %get3A_613 : i32 to index
        %get3A_616 = arith.index_cast %get3A_614 : i32 to index
        %get3A_617 = arith.index_cast %add3A_525 : i32 to index
        %get3A_618 = tpu.vector_load %arg4[%get3A_615, %get3A_616, %get3A_617] {strides = array<i32>} : memref<4x24x1024xf32, #tpu.memory_space<vmem>>, vector<1x1x16xf32>,
        %get3A_619 = vector.shape_cast %get3A_618 : vector<1x1x16xf32> to vector<16xf32>
        %add3A_620 = arith.addf %add3A_612, %get3A_619 : vector<16xf32>
        %get3A_621 = arith.constant 2 : i32
        %get3A_622 = arith.constant 12 : i32
        %get3A_623 = arith.index_cast %get3A_621 : i32 to index
        %get3A_624 = arith.index_cast %get3A_622 : i32 to index
        %get3A_625 = arith.index_cast %add3A_525 : i32 to index
        %get3A_626 = tpu.vector_load %arg4[%get3A_623, %get3A_624, %get3A_625] {strides = array<i32>} : memref<4x24x1024xf32, #tpu.memory_space<vmem>>, vector<1x1x16xf32>,
        %get3A_627 = vector.shape_cast %get3A_626 : vector<1x1x16xf32> to vector<16xf32>
        %add3A_628 = arith.addf %add3A_620, %get3A_627 : vector<16xf32>
        %get3A_629 = arith.constant 2 : i32
        %get3A_630 = arith.constant 13 : i32
        %get3A_631 = arith.index_cast %get3A_629 : i32 to index
        %get3A_632 = arith.index_cast %get3A_630 : i32 to index
        %get3A_633 = arith.index_cast %add3A_525 : i32 to index
        %get3A_634 = tpu.vector_load %arg4[%get3A_631, %get3A_632, %get3A_633] {strides = array<i32>} : memref<4x24x1024xf32, #tpu.memory_space<vmem>>, vector<1x1x16xf32>,
        %get3A_635 = vector.shape_cast %get3A_634 : vector<1x1x16xf32> to vector<16xf32>
        %add3A_636 = arith.addf %add3A_628, %get3A_635 : vector<16xf32>
        %get3A_637 = arith.constant 2 : i32
        %get3A_638 = arith.constant 14 : i32
        %get3A_639 = arith.index_cast %get3A_637 : i32 to index
        %get3A_640 = arith.index_cast %get3A_638 : i32 to index
        %get3A_641 = arith.index_cast %add3A_525 : i32 to index
        %get3A_642 = tpu.vector_load %arg4[%get3A_639, %get3A_640, %get3A_641] {strides = array<i32>} : memref<4x24x1024xf32, #tpu.memory_space<vmem>>, vector<1x1x16xf32>,
        %get3A_643 = vector.shape_cast %get3A_642 : vector<1x1x16xf32> to vector<16xf32>
        %add3A_644 = arith.addf %add3A_636, %get3A_643 : vector<16xf32>
        %get3A_645 = arith.constant 2 : i32
        %get3A_646 = arith.constant 15 : i32
        %get3A_647 = arith.index_cast %get3A_645 : i32 to index
        %get3A_648 = arith.index_cast %get3A_646 : i32 to index
        %get3A_649 = arith.index_cast %add3A_525 : i32 to index
        %get3A_650 = tpu.vector_load %arg4[%get3A_647, %get3A_648, %get3A_649] {strides = array<i32>} : memref<4x24x1024xf32, #tpu.memory_space<vmem>>, vector<1x1x16xf32>,
        %get3A_651 = vector.shape_cast %get3A_650 : vector<1x1x16xf32> to vector<16xf32>
        %add3A_652 = arith.addf %add3A_644, %get3A_651 : vector<16xf32>
        %get3A_653 = arith.constant 2 : i32
        %get3A_654 = arith.constant 16 : i32
        %get3A_655 = arith.index_cast %get3A_653 : i32 to index
        %get3A_656 = arith.index_cast %get3A_654 : i32 to index
        %get3A_657 = arith.index_cast %add3A_525 : i32 to index
        %get3A_658 = tpu.vector_load %arg4[%get3A_655, %get3A_656, %get3A_657] {strides = array<i32>} : memref<4x24x1024xf32, #tpu.memory_space<vmem>>, vector<1x1x16xf32>,
        %get3A_659 = vector.shape_cast %get3A_658 : vector<1x1x16xf32> to vector<16xf32>
        %add3A_660 = arith.addf %add3A_652, %get3A_659 : vector<16xf32>
        %get3A_661 = arith.constant 2 : i32
        %get3A_662 = arith.constant 17 : i32
        %get3A_663 = arith.index_cast %get3A_661 : i32 to index
        %get3A_664 = arith.index_cast %get3A_662 : i32 to index
        %get3A_665 = arith.index_cast %add3A_525 : i32 to index
        %get3A_666 = tpu.vector_load %arg4[%get3A_663, %get3A_664, %get3A_665] {strides = array<i32>} : memref<4x24x1024xf32, #tpu.memory_space<vmem>>, vector<1x1x16xf32>,
        %get3A_667 = vector.shape_cast %get3A_666 : vector<1x1x16xf32> to vector<16xf32>
        %add3A_668 = arith.addf %add3A_660, %get3A_667 : vector<16xf32>
        %get3A_669 = arith.constant 2 : i32
        %get3A_670 = arith.constant 18 : i32
        %get3A_671 = arith.index_cast %get3A_669 : i32 to index
        %get3A_672 = arith.index_cast %get3A_670 : i32 to index
        %get3A_673 = arith.index_cast %add3A_525 : i32 to index
        %get3A_674 = tpu.vector_load %arg4[%get3A_671, %get3A_672, %get3A_673] {strides = array<i32>} : memref<4x24x1024xf32, #tpu.memory_space<vmem>>, vector<1x1x16xf32>,
        %get3A_675 = vector.shape_cast %get3A_674 : vector<1x1x16xf32> to vector<16xf32>
        %add3A_676 = arith.addf %add3A_668, %get3A_675 : vector<16xf32>
        %get3A_677 = arith.constant 2 : i32
        %get3A_678 = arith.constant 19 : i32
        %get3A_679 = arith.index_cast %get3A_677 : i32 to index
        %get3A_680 = arith.index_cast %get3A_678 : i32 to index
        %get3A_681 = arith.index_cast %add3A_525 : i32 to index
        %get3A_682 = tpu.vector_load %arg4[%get3A_679, %get3A_680, %get3A_681] {strides = array<i32>} : memref<4x24x1024xf32, #tpu.memory_space<vmem>>, vector<1x1x16xf32>,
        %get3A_683 = vector.shape_cast %get3A_682 : vector<1x1x16xf32> to vector<16xf32>
        %add3A_684 = arith.addf %add3A_676, %get3A_683 : vector<16xf32>
        %get3A_685 = arith.constant 2 : i32
        %get3A_686 = arith.constant 20 : i32
        %get3A_687 = arith.index_cast %get3A_685 : i32 to index
        %get3A_688 = arith.index_cast %get3A_686 : i32 to index
        %get3A_689 = arith.index_cast %add3A_525 : i32 to index
        %get3A_690 = tpu.vector_load %arg4[%get3A_687, %get3A_688, %get3A_689] {strides = array<i32>} : memref<4x24x1024xf32, #tpu.memory_space<vmem>>, vector<1x1x16xf32>,
        %get3A_691 = vector.shape_cast %get3A_690 : vector<1x1x16xf32> to vector<16xf32>
        %add3A_692 = arith.addf %add3A_684, %get3A_691 : vector<16xf32>
        %get3A_693 = arith.constant 2 : i32
        %get3A_694 = arith.constant 21 : i32
        %get3A_695 = arith.index_cast %get3A_693 : i32 to index
        %get3A_696 = arith.index_cast %get3A_694 : i32 to index
        %get3A_697 = arith.index_cast %add3A_525 : i32 to index
        %get3A_698 = tpu.vector_load %arg4[%get3A_695, %get3A_696, %get3A_697] {strides = array<i32>} : memref<4x24x1024xf32, #tpu.memory_space<vmem>>, vector<1x1x16xf32>,
        %get3A_699 = vector.shape_cast %get3A_698 : vector<1x1x16xf32> to vector<16xf32>
        %add3A_700 = arith.addf %add3A_692, %get3A_699 : vector<16xf32>
        %get3A_701 = arith.constant 2 : i32
        %get3A_702 = arith.constant 22 : i32
        %get3A_703 = arith.index_cast %get3A_701 : i32 to index
        %get3A_704 = arith.index_cast %get3A_702 : i32 to index
        %get3A_705 = arith.index_cast %add3A_525 : i32 to index
        %get3A_706 = tpu.vector_load %arg4[%get3A_703, %get3A_704, %get3A_705] {strides = array<i32>} : memref<4x24x1024xf32, #tpu.memory_space<vmem>>, vector<1x1x16xf32>,
        %get3A_707 = vector.shape_cast %get3A_706 : vector<1x1x16xf32> to vector<16xf32>
        %add3A_708 = arith.addf %add3A_700, %get3A_707 : vector<16xf32>
        %get3A_709 = arith.constant 2 : i32
        %get3A_710 = arith.constant 23 : i32
        %get3A_711 = arith.index_cast %get3A_709 : i32 to index
        %get3A_712 = arith.index_cast %get3A_710 : i32 to index
        %get3A_713 = arith.index_cast %add3A_525 : i32 to index
        %get3A_714 = tpu.vector_load %arg4[%get3A_711, %get3A_712, %get3A_713] {strides = array<i32>} : memref<4x24x1024xf32, #tpu.memory_space<vmem>>, vector<1x1x16xf32>,
        %get3A_715 = vector.shape_cast %get3A_714 : vector<1x1x16xf32> to vector<16xf32>
        %add3A_716 = arith.addf %add3A_708, %get3A_715 : vector<16xf32>
        %swap3A_717 = arith.constant 0 : i32
        %swap3A_718 = arith.index_cast %swap3A_717 : i32 to index
        %swap3A_719 = arith.index_cast %add3A_525 : i32 to index
        %swap3A_720 = tpu.vector_load %arg5[%swap3A_718, %swap3A_719] {strides = array<i32>} : memref<2x1024xf32, #tpu.memory_space<vmem>>, vector<1x16xf32>,
        %swap3A_721 = vector.shape_cast %swap3A_720 : vector<1x16xf32> to vector<16xf32>
        %swap3A_722 = vector.shape_cast %add3A_716 : vector<16xf32> to vector<1x16xf32>
        tpu.vector_store %arg5[%swap3A_718, %swap3A_719], %swap3A_722 {strides = array<i32>} : memref<2x1024xf32, #tpu.memory_space<vmem>>, vector<1x16xf32>,
        %mul3A_723 = arith.constant 64 : i32
        %mul3A_724 = arith.muli %scan3A_322, %mul3A_723 : i32
        %add3A_725 = arith.constant 32 : i32
        %add3A_726 = arith.addi %mul3A_724, %add3A_725 : i32
        %get3A_727 = arith.constant 2 : i32
        %get3A_728 = arith.constant 0 : i32
        %get3A_729 = arith.index_cast %get3A_727 : i32 to index
        %get3A_730 = arith.index_cast %get3A_728 : i32 to index
        %get3A_731 = arith.index_cast %add3A_726 : i32 to index
        %get3A_732 = tpu.vector_load %arg4[%get3A_729, %get3A_730, %get3A_731] {strides = array<i32>} : memref<4x24x1024xf32, #tpu.memory_space<vmem>>, vector<1x1x16xf32>,
        %get3A_733 = vector.shape_cast %get3A_732 : vector<1x1x16xf32> to vector<16xf32>
        %get3A_734 = arith.constant 2 : i32
        %get3A_735 = arith.constant 1 : i32
        %get3A_736 = arith.index_cast %get3A_734 : i32 to index
        %get3A_737 = arith.index_cast %get3A_735 : i32 to index
        %get3A_738 = arith.index_cast %add3A_726 : i32 to index
        %get3A_739 = tpu.vector_load %arg4[%get3A_736, %get3A_737, %get3A_738] {strides = array<i32>} : memref<4x24x1024xf32, #tpu.memory_space<vmem>>, vector<1x1x16xf32>,
        %get3A_740 = vector.shape_cast %get3A_739 : vector<1x1x16xf32> to vector<16xf32>
        %add3A_741 = arith.addf %get3A_733, %get3A_740 : vector<16xf32>
        %get3A_742 = arith.constant 2 : i32
        %get3A_743 = arith.constant 2 : i32
        %get3A_744 = arith.index_cast %get3A_742 : i32 to index
        %get3A_745 = arith.index_cast %get3A_743 : i32 to index
        %get3A_746 = arith.index_cast %add3A_726 : i32 to index
        %get3A_747 = tpu.vector_load %arg4[%get3A_744, %get3A_745, %get3A_746] {strides = array<i32>} : memref<4x24x1024xf32, #tpu.memory_space<vmem>>, vector<1x1x16xf32>,
        %get3A_748 = vector.shape_cast %get3A_747 : vector<1x1x16xf32> to vector<16xf32>
        %add3A_749 = arith.addf %add3A_741, %get3A_748 : vector<16xf32>
        %get3A_750 = arith.constant 2 : i32
        %get3A_751 = arith.constant 3 : i32
        %get3A_752 = arith.index_cast %get3A_750 : i32 to index
        %get3A_753 = arith.index_cast %get3A_751 : i32 to index
        %get3A_754 = arith.index_cast %add3A_726 : i32 to index
        %get3A_755 = tpu.vector_load %arg4[%get3A_752, %get3A_753, %get3A_754] {strides = array<i32>} : memref<4x24x1024xf32, #tpu.memory_space<vmem>>, vector<1x1x16xf32>,
        %get3A_756 = vector.shape_cast %get3A_755 : vector<1x1x16xf32> to vector<16xf32>
        %add3A_757 = arith.addf %add3A_749, %get3A_756 : vector<16xf32>
        %get3A_758 = arith.constant 2 : i32
        %get3A_759 = arith.constant 4 : i32
        %get3A_760 = arith.index_cast %get3A_758 : i32 to index
        %get3A_761 = arith.index_cast %get3A_759 : i32 to index
        %get3A_762 = arith.index_cast %add3A_726 : i32 to index
        %get3A_763 = tpu.vector_load %arg4[%get3A_760, %get3A_761, %get3A_762] {strides = array<i32>} : memref<4x24x1024xf32, #tpu.memory_space<vmem>>, vector<1x1x16xf32>,
        %get3A_764 = vector.shape_cast %get3A_763 : vector<1x1x16xf32> to vector<16xf32>
        %add3A_765 = arith.addf %add3A_757, %get3A_764 : vector<16xf32>
        %get3A_766 = arith.constant 2 : i32
        %get3A_767 = arith.constant 5 : i32
        %get3A_768 = arith.index_cast %get3A_766 : i32 to index
        %get3A_769 = arith.index_cast %get3A_767 : i32 to index
        %get3A_770 = arith.index_cast %add3A_726 : i32 to index
        %get3A_771 = tpu.vector_load %arg4[%get3A_768, %get3A_769, %get3A_770] {strides = array<i32>} : memref<4x24x1024xf32, #tpu.memory_space<vmem>>, vector<1x1x16xf32>,
        %get3A_772 = vector.shape_cast %get3A_771 : vector<1x1x16xf32> to vector<16xf32>
        %add3A_773 = arith.addf %add3A_765, %get3A_772 : vector<16xf32>
        %get3A_774 = arith.constant 2 : i32
        %get3A_775 = arith.constant 6 : i32
        %get3A_776 = arith.index_cast %get3A_774 : i32 to index
        %get3A_777 = arith.index_cast %get3A_775 : i32 to index
        %get3A_778 = arith.index_cast %add3A_726 : i32 to index
        %get3A_779 = tpu.vector_load %arg4[%get3A_776, %get3A_777, %get3A_778] {strides = array<i32>} : memref<4x24x1024xf32, #tpu.memory_space<vmem>>, vector<1x1x16xf32>,
        %get3A_780 = vector.shape_cast %get3A_779 : vector<1x1x16xf32> to vector<16xf32>
        %add3A_781 = arith.addf %add3A_773, %get3A_780 : vector<16xf32>
        %get3A_782 = arith.constant 2 : i32
        %get3A_783 = arith.constant 7 : i32
        %get3A_784 = arith.index_cast %get3A_782 : i32 to index
        %get3A_785 = arith.index_cast %get3A_783 : i32 to index
        %get3A_786 = arith.index_cast %add3A_726 : i32 to index
        %get3A_787 = tpu.vector_load %arg4[%get3A_784, %get3A_785, %get3A_786] {strides = array<i32>} : memref<4x24x1024xf32, #tpu.memory_space<vmem>>, vector<1x1x16xf32>,
        %get3A_788 = vector.shape_cast %get3A_787 : vector<1x1x16xf32> to vector<16xf32>
        %add3A_789 = arith.addf %add3A_781, %get3A_788 : vector<16xf32>
        %get3A_790 = arith.constant 2 : i32
        %get3A_791 = arith.constant 8 : i32
        %get3A_792 = arith.index_cast %get3A_790 : i32 to index
        %get3A_793 = arith.index_cast %get3A_791 : i32 to index
        %get3A_794 = arith.index_cast %add3A_726 : i32 to index
        %get3A_795 = tpu.vector_load %arg4[%get3A_792, %get3A_793, %get3A_794] {strides = array<i32>} : memref<4x24x1024xf32, #tpu.memory_space<vmem>>, vector<1x1x16xf32>,
        %get3A_796 = vector.shape_cast %get3A_795 : vector<1x1x16xf32> to vector<16xf32>
        %add3A_797 = arith.addf %add3A_789, %get3A_796 : vector<16xf32>
        %get3A_798 = arith.constant 2 : i32
        %get3A_799 = arith.constant 9 : i32
        %get3A_800 = arith.index_cast %get3A_798 : i32 to index
        %get3A_801 = arith.index_cast %get3A_799 : i32 to index
        %get3A_802 = arith.index_cast %add3A_726 : i32 to index
        %get3A_803 = tpu.vector_load %arg4[%get3A_800, %get3A_801, %get3A_802] {strides = array<i32>} : memref<4x24x1024xf32, #tpu.memory_space<vmem>>, vector<1x1x16xf32>,
        %get3A_804 = vector.shape_cast %get3A_803 : vector<1x1x16xf32> to vector<16xf32>
        %add3A_805 = arith.addf %add3A_797, %get3A_804 : vector<16xf32>
        %get3A_806 = arith.constant 2 : i32
        %get3A_807 = arith.constant 10 : i32
        %get3A_808 = arith.index_cast %get3A_806 : i32 to index
        %get3A_809 = arith.index_cast %get3A_807 : i32 to index
        %get3A_810 = arith.index_cast %add3A_726 : i32 to index
        %get3A_811 = tpu.vector_load %arg4[%get3A_808, %get3A_809, %get3A_810] {strides = array<i32>} : memref<4x24x1024xf32, #tpu.memory_space<vmem>>, vector<1x1x16xf32>,
        %get3A_812 = vector.shape_cast %get3A_811 : vector<1x1x16xf32> to vector<16xf32>
        %add3A_813 = arith.addf %add3A_805, %get3A_812 : vector<16xf32>
        %get3A_814 = arith.constant 2 : i32
        %get3A_815 = arith.constant 11 : i32
        %get3A_816 = arith.index_cast %get3A_814 : i32 to index
        %get3A_817 = arith.index_cast %get3A_815 : i32 to index
        %get3A_818 = arith.index_cast %add3A_726 : i32 to index
        %get3A_819 = tpu.vector_load %arg4[%get3A_816, %get3A_817, %get3A_818] {strides = array<i32>} : memref<4x24x1024xf32, #tpu.memory_space<vmem>>, vector<1x1x16xf32>,
        %get3A_820 = vector.shape_cast %get3A_819 : vector<1x1x16xf32> to vector<16xf32>
        %add3A_821 = arith.addf %add3A_813, %get3A_820 : vector<16xf32>
        %get3A_822 = arith.constant 2 : i32
        %get3A_823 = arith.constant 12 : i32
        %get3A_824 = arith.index_cast %get3A_822 : i32 to index
        %get3A_825 = arith.index_cast %get3A_823 : i32 to index
        %get3A_826 = arith.index_cast %add3A_726 : i32 to index
        %get3A_827 = tpu.vector_load %arg4[%get3A_824, %get3A_825, %get3A_826] {strides = array<i32>} : memref<4x24x1024xf32, #tpu.memory_space<vmem>>, vector<1x1x16xf32>,
        %get3A_828 = vector.shape_cast %get3A_827 : vector<1x1x16xf32> to vector<16xf32>
        %add3A_829 = arith.addf %add3A_821, %get3A_828 : vector<16xf32>
        %get3A_830 = arith.constant 2 : i32
        %get3A_831 = arith.constant 13 : i32
        %get3A_832 = arith.index_cast %get3A_830 : i32 to index
        %get3A_833 = arith.index_cast %get3A_831 : i32 to index
        %get3A_834 = arith.index_cast %add3A_726 : i32 to index
        %get3A_835 = tpu.vector_load %arg4[%get3A_832, %get3A_833, %get3A_834] {strides = array<i32>} : memref<4x24x1024xf32, #tpu.memory_space<vmem>>, vector<1x1x16xf32>,
        %get3A_836 = vector.shape_cast %get3A_835 : vector<1x1x16xf32> to vector<16xf32>
        %add3A_837 = arith.addf %add3A_829, %get3A_836 : vector<16xf32>
        %get3A_838 = arith.constant 2 : i32
        %get3A_839 = arith.constant 14 : i32
        %get3A_840 = arith.index_cast %get3A_838 : i32 to index
        %get3A_841 = arith.index_cast %get3A_839 : i32 to index
        %get3A_842 = arith.index_cast %add3A_726 : i32 to index
        %get3A_843 = tpu.vector_load %arg4[%get3A_840, %get3A_841, %get3A_842] {strides = array<i32>} : memref<4x24x1024xf32, #tpu.memory_space<vmem>>, vector<1x1x16xf32>,
        %get3A_844 = vector.shape_cast %get3A_843 : vector<1x1x16xf32> to vector<16xf32>
        %add3A_845 = arith.addf %add3A_837, %get3A_844 : vector<16xf32>
        %get3A_846 = arith.constant 2 : i32
        %get3A_847 = arith.constant 15 : i32
        %get3A_848 = arith.index_cast %get3A_846 : i32 to index
        %get3A_849 = arith.index_cast %get3A_847 : i32 to index
        %get3A_850 = arith.index_cast %add3A_726 : i32 to index
        %get3A_851 = tpu.vector_load %arg4[%get3A_848, %get3A_849, %get3A_850] {strides = array<i32>} : memref<4x24x1024xf32, #tpu.memory_space<vmem>>, vector<1x1x16xf32>,
        %get3A_852 = vector.shape_cast %get3A_851 : vector<1x1x16xf32> to vector<16xf32>
        %add3A_853 = arith.addf %add3A_845, %get3A_852 : vector<16xf32>
        %get3A_854 = arith.constant 2 : i32
        %get3A_855 = arith.constant 16 : i32
        %get3A_856 = arith.index_cast %get3A_854 : i32 to index
        %get3A_857 = arith.index_cast %get3A_855 : i32 to index
        %get3A_858 = arith.index_cast %add3A_726 : i32 to index
        %get3A_859 = tpu.vector_load %arg4[%get3A_856, %get3A_857, %get3A_858] {strides = array<i32>} : memref<4x24x1024xf32, #tpu.memory_space<vmem>>, vector<1x1x16xf32>,
        %get3A_860 = vector.shape_cast %get3A_859 : vector<1x1x16xf32> to vector<16xf32>
        %add3A_861 = arith.addf %add3A_853, %get3A_860 : vector<16xf32>
        %get3A_862 = arith.constant 2 : i32
        %get3A_863 = arith.constant 17 : i32
        %get3A_864 = arith.index_cast %get3A_862 : i32 to index
        %get3A_865 = arith.index_cast %get3A_863 : i32 to index
        %get3A_866 = arith.index_cast %add3A_726 : i32 to index
        %get3A_867 = tpu.vector_load %arg4[%get3A_864, %get3A_865, %get3A_866] {strides = array<i32>} : memref<4x24x1024xf32, #tpu.memory_space<vmem>>, vector<1x1x16xf32>,
        %get3A_868 = vector.shape_cast %get3A_867 : vector<1x1x16xf32> to vector<16xf32>
        %add3A_869 = arith.addf %add3A_861, %get3A_868 : vector<16xf32>
        %get3A_870 = arith.constant 2 : i32
        %get3A_871 = arith.constant 18 : i32
        %get3A_872 = arith.index_cast %get3A_870 : i32 to index
        %get3A_873 = arith.index_cast %get3A_871 : i32 to index
        %get3A_874 = arith.index_cast %add3A_726 : i32 to index
        %get3A_875 = tpu.vector_load %arg4[%get3A_872, %get3A_873, %get3A_874] {strides = array<i32>} : memref<4x24x1024xf32, #tpu.memory_space<vmem>>, vector<1x1x16xf32>,
        %get3A_876 = vector.shape_cast %get3A_875 : vector<1x1x16xf32> to vector<16xf32>
        %add3A_877 = arith.addf %add3A_869, %get3A_876 : vector<16xf32>
        %get3A_878 = arith.constant 2 : i32
        %get3A_879 = arith.constant 19 : i32
        %get3A_880 = arith.index_cast %get3A_878 : i32 to index
        %get3A_881 = arith.index_cast %get3A_879 : i32 to index
        %get3A_882 = arith.index_cast %add3A_726 : i32 to index
        %get3A_883 = tpu.vector_load %arg4[%get3A_880, %get3A_881, %get3A_882] {strides = array<i32>} : memref<4x24x1024xf32, #tpu.memory_space<vmem>>, vector<1x1x16xf32>,
        %get3A_884 = vector.shape_cast %get3A_883 : vector<1x1x16xf32> to vector<16xf32>
        %add3A_885 = arith.addf %add3A_877, %get3A_884 : vector<16xf32>
        %get3A_886 = arith.constant 2 : i32
        %get3A_887 = arith.constant 20 : i32
        %get3A_888 = arith.index_cast %get3A_886 : i32 to index
        %get3A_889 = arith.index_cast %get3A_887 : i32 to index
        %get3A_890 = arith.index_cast %add3A_726 : i32 to index
        %get3A_891 = tpu.vector_load %arg4[%get3A_888, %get3A_889, %get3A_890] {strides = array<i32>} : memref<4x24x1024xf32, #tpu.memory_space<vmem>>, vector<1x1x16xf32>,
        %get3A_892 = vector.shape_cast %get3A_891 : vector<1x1x16xf32> to vector<16xf32>
        %add3A_893 = arith.addf %add3A_885, %get3A_892 : vector<16xf32>
        %get3A_894 = arith.constant 2 : i32
        %get3A_895 = arith.constant 21 : i32
        %get3A_896 = arith.index_cast %get3A_894 : i32 to index
        %get3A_897 = arith.index_cast %get3A_895 : i32 to index
        %get3A_898 = arith.index_cast %add3A_726 : i32 to index
        %get3A_899 = tpu.vector_load %arg4[%get3A_896, %get3A_897, %get3A_898] {strides = array<i32>} : memref<4x24x1024xf32, #tpu.memory_space<vmem>>, vector<1x1x16xf32>,
        %get3A_900 = vector.shape_cast %get3A_899 : vector<1x1x16xf32> to vector<16xf32>
        %add3A_901 = arith.addf %add3A_893, %get3A_900 : vector<16xf32>
        %get3A_902 = arith.constant 2 : i32
        %get3A_903 = arith.constant 22 : i32
        %get3A_904 = arith.index_cast %get3A_902 : i32 to index
        %get3A_905 = arith.index_cast %get3A_903 : i32 to index
        %get3A_906 = arith.index_cast %add3A_726 : i32 to index
        %get3A_907 = tpu.vector_load %arg4[%get3A_904, %get3A_905, %get3A_906] {strides = array<i32>} : memref<4x24x1024xf32, #tpu.memory_space<vmem>>, vector<1x1x16xf32>,
        %get3A_908 = vector.shape_cast %get3A_907 : vector<1x1x16xf32> to vector<16xf32>
        %add3A_909 = arith.addf %add3A_901, %get3A_908 : vector<16xf32>
        %get3A_910 = arith.constant 2 : i32
        %get3A_911 = arith.constant 23 : i32
        %get3A_912 = arith.index_cast %get3A_910 : i32 to index
        %get3A_913 = arith.index_cast %get3A_911 : i32 to index
        %get3A_914 = arith.index_cast %add3A_726 : i32 to index
        %get3A_915 = tpu.vector_load %arg4[%get3A_912, %get3A_913, %get3A_914] {strides = array<i32>} : memref<4x24x1024xf32, #tpu.memory_space<vmem>>, vector<1x1x16xf32>,
        %get3A_916 = vector.shape_cast %get3A_915 : vector<1x1x16xf32> to vector<16xf32>
        %add3A_917 = arith.addf %add3A_909, %get3A_916 : vector<16xf32>
        %swap3A_918 = arith.constant 0 : i32
        %swap3A_919 = arith.index_cast %swap3A_918 : i32 to index
        %swap3A_920 = arith.index_cast %add3A_726 : i32 to index
        %swap3A_921 = tpu.vector_load %arg5[%swap3A_919, %swap3A_920] {strides = array<i32>} : memref<2x1024xf32, #tpu.memory_space<vmem>>, vector<1x16xf32>,
        %swap3A_922 = vector.shape_cast %swap3A_921 : vector<1x16xf32> to vector<16xf32>
        %swap3A_923 = vector.shape_cast %add3A_917 : vector<16xf32> to vector<1x16xf32>
        tpu.vector_store %arg5[%swap3A_919, %swap3A_920], %swap3A_923 {strides = array<i32>} : memref<2x1024xf32, #tpu.memory_space<vmem>>, vector<1x16xf32>,
        %mul3A_924 = arith.constant 64 : i32
        %mul3A_925 = arith.muli %scan3A_322, %mul3A_924 : i32
        %add3A_926 = arith.constant 48 : i32
        %add3A_927 = arith.addi %mul3A_925, %add3A_926 : i32
        %get3A_928 = arith.constant 2 : i32
        %get3A_929 = arith.constant 0 : i32
        %get3A_930 = arith.index_cast %get3A_928 : i32 to index
        %get3A_931 = arith.index_cast %get3A_929 : i32 to index
        %get3A_932 = arith.index_cast %add3A_927 : i32 to index
        %get3A_933 = tpu.vector_load %arg4[%get3A_930, %get3A_931, %get3A_932] {strides = array<i32>} : memref<4x24x1024xf32, #tpu.memory_space<vmem>>, vector<1x1x16xf32>,
        %get3A_934 = vector.shape_cast %get3A_933 : vector<1x1x16xf32> to vector<16xf32>
        %get3A_935 = arith.constant 2 : i32
        %get3A_936 = arith.constant 1 : i32
        %get3A_937 = arith.index_cast %get3A_935 : i32 to index
        %get3A_938 = arith.index_cast %get3A_936 : i32 to index
        %get3A_939 = arith.index_cast %add3A_927 : i32 to index
        %get3A_940 = tpu.vector_load %arg4[%get3A_937, %get3A_938, %get3A_939] {strides = array<i32>} : memref<4x24x1024xf32, #tpu.memory_space<vmem>>, vector<1x1x16xf32>,
        %get3A_941 = vector.shape_cast %get3A_940 : vector<1x1x16xf32> to vector<16xf32>
        %add3A_942 = arith.addf %get3A_934, %get3A_941 : vector<16xf32>
        %get3A_943 = arith.constant 2 : i32
        %get3A_944 = arith.constant 2 : i32
        %get3A_945 = arith.index_cast %get3A_943 : i32 to index
        %get3A_946 = arith.index_cast %get3A_944 : i32 to index
        %get3A_947 = arith.index_cast %add3A_927 : i32 to index
        %get3A_948 = tpu.vector_load %arg4[%get3A_945, %get3A_946, %get3A_947] {strides = array<i32>} : memref<4x24x1024xf32, #tpu.memory_space<vmem>>, vector<1x1x16xf32>,
        %get3A_949 = vector.shape_cast %get3A_948 : vector<1x1x16xf32> to vector<16xf32>
        %add3A_950 = arith.addf %add3A_942, %get3A_949 : vector<16xf32>
        %get3A_951 = arith.constant 2 : i32
        %get3A_952 = arith.constant 3 : i32
        %get3A_953 = arith.index_cast %get3A_951 : i32 to index
        %get3A_954 = arith.index_cast %get3A_952 : i32 to index
        %get3A_955 = arith.index_cast %add3A_927 : i32 to index
        %get3A_956 = tpu.vector_load %arg4[%get3A_953, %get3A_954, %get3A_955] {strides = array<i32>} : memref<4x24x1024xf32, #tpu.memory_space<vmem>>, vector<1x1x16xf32>,
        %get3A_957 = vector.shape_cast %get3A_956 : vector<1x1x16xf32> to vector<16xf32>
        %add3A_958 = arith.addf %add3A_950, %get3A_957 : vector<16xf32>
        %get3A_959 = arith.constant 2 : i32
        %get3A_960 = arith.constant 4 : i32
        %get3A_961 = arith.index_cast %get3A_959 : i32 to index
        %get3A_962 = arith.index_cast %get3A_960 : i32 to index
        %get3A_963 = arith.index_cast %add3A_927 : i32 to index
        %get3A_964 = tpu.vector_load %arg4[%get3A_961, %get3A_962, %get3A_963] {strides = array<i32>} : memref<4x24x1024xf32, #tpu.memory_space<vmem>>, vector<1x1x16xf32>,
        %get3A_965 = vector.shape_cast %get3A_964 : vector<1x1x16xf32> to vector<16xf32>
        %add3A_966 = arith.addf %add3A_958, %get3A_965 : vector<16xf32>
        %get3A_967 = arith.constant 2 : i32
        %get3A_968 = arith.constant 5 : i32
        %get3A_969 = arith.index_cast %get3A_967 : i32 to index
        %get3A_970 = arith.index_cast %get3A_968 : i32 to index
        %get3A_971 = arith.index_cast %add3A_927 : i32 to index
        %get3A_972 = tpu.vector_load %arg4[%get3A_969, %get3A_970, %get3A_971] {strides = array<i32>} : memref<4x24x1024xf32, #tpu.memory_space<vmem>>, vector<1x1x16xf32>,
        %get3A_973 = vector.shape_cast %get3A_972 : vector<1x1x16xf32> to vector<16xf32>
        %add3A_974 = arith.addf %add3A_966, %get3A_973 : vector<16xf32>
        %get3A_975 = arith.constant 2 : i32
        %get3A_976 = arith.constant 6 : i32
        %get3A_977 = arith.index_cast %get3A_975 : i32 to index
        %get3A_978 = arith.index_cast %get3A_976 : i32 to index
        %get3A_979 = arith.index_cast %add3A_927 : i32 to index
        %get3A_980 = tpu.vector_load %arg4[%get3A_977, %get3A_978, %get3A_979] {strides = array<i32>} : memref<4x24x1024xf32, #tpu.memory_space<vmem>>, vector<1x1x16xf32>,
        %get3A_981 = vector.shape_cast %get3A_980 : vector<1x1x16xf32> to vector<16xf32>
        %add3A_982 = arith.addf %add3A_974, %get3A_981 : vector<16xf32>
        %get3A_983 = arith.constant 2 : i32
        %get3A_984 = arith.constant 7 : i32
        %get3A_985 = arith.index_cast %get3A_983 : i32 to index
        %get3A_986 = arith.index_cast %get3A_984 : i32 to index
        %get3A_987 = arith.index_cast %add3A_927 : i32 to index
        %get3A_988 = tpu.vector_load %arg4[%get3A_985, %get3A_986, %get3A_987] {strides = array<i32>} : memref<4x24x1024xf32, #tpu.memory_space<vmem>>, vector<1x1x16xf32>,
        %get3A_989 = vector.shape_cast %get3A_988 : vector<1x1x16xf32> to vector<16xf32>
        %add3A_990 = arith.addf %add3A_982, %get3A_989 : vector<16xf32>
        %get3A_991 = arith.constant 2 : i32
        %get3A_992 = arith.constant 8 : i32
        %get3A_993 = arith.index_cast %get3A_991 : i32 to index
        %get3A_994 = arith.index_cast %get3A_992 : i32 to index
        %get3A_995 = arith.index_cast %add3A_927 : i32 to index
        %get3A_996 = tpu.vector_load %arg4[%get3A_993, %get3A_994, %get3A_995] {strides = array<i32>} : memref<4x24x1024xf32, #tpu.memory_space<vmem>>, vector<1x1x16xf32>,
        %get3A_997 = vector.shape_cast %get3A_996 : vector<1x1x16xf32> to vector<16xf32>
        %add3A_998 = arith.addf %add3A_990, %get3A_997 : vector<16xf32>
        %get3A_999 = arith.constant 2 : i32
        %get3A_1000 = arith.constant 9 : i32
        %get3A_1001 = arith.index_cast %get3A_999 : i32 to index
        %get3A_1002 = arith.index_cast %get3A_1000 : i32 to index
        %get3A_1003 = arith.index_cast %add3A_927 : i32 to index
        %get3A_1004 = tpu.vector_load %arg4[%get3A_1001, %get3A_1002, %get3A_1003] {strides = array<i32>} : memref<4x24x1024xf32, #tpu.memory_space<vmem>>, vector<1x1x16xf32>,
        %get3A_1005 = vector.shape_cast %get3A_1004 : vector<1x1x16xf32> to vector<16xf32>
        %add3A_1006 = arith.addf %add3A_998, %get3A_1005 : vector<16xf32>
        %get3A_1007 = arith.constant 2 : i32
        %get3A_1008 = arith.constant 10 : i32
        %get3A_1009 = arith.index_cast %get3A_1007 : i32 to index
        %get3A_1010 = arith.index_cast %get3A_1008 : i32 to index
        %get3A_1011 = arith.index_cast %add3A_927 : i32 to index
        %get3A_1012 = tpu.vector_load %arg4[%get3A_1009, %get3A_1010, %get3A_1011] {strides = array<i32>} : memref<4x24x1024xf32, #tpu.memory_space<vmem>>, vector<1x1x16xf32>,
        %get3A_1013 = vector.shape_cast %get3A_1012 : vector<1x1x16xf32> to vector<16xf32>
        %add3A_1014 = arith.addf %add3A_1006, %get3A_1013 : vector<16xf32>
        %get3A_1015 = arith.constant 2 : i32
        %get3A_1016 = arith.constant 11 : i32
        %get3A_1017 = arith.index_cast %get3A_1015 : i32 to index
        %get3A_1018 = arith.index_cast %get3A_1016 : i32 to index
        %get3A_1019 = arith.index_cast %add3A_927 : i32 to index
        %get3A_1020 = tpu.vector_load %arg4[%get3A_1017, %get3A_1018, %get3A_1019] {strides = array<i32>} : memref<4x24x1024xf32, #tpu.memory_space<vmem>>, vector<1x1x16xf32>,
        %get3A_1021 = vector.shape_cast %get3A_1020 : vector<1x1x16xf32> to vector<16xf32>
        %add3A_1022 = arith.addf %add3A_1014, %get3A_1021 : vector<16xf32>
        %get3A_1023 = arith.constant 2 : i32
        %get3A_1024 = arith.constant 12 : i32
        %get3A_1025 = arith.index_cast %get3A_1023 : i32 to index
        %get3A_1026 = arith.index_cast %get3A_1024 : i32 to index
        %get3A_1027 = arith.index_cast %add3A_927 : i32 to index
        %get3A_1028 = tpu.vector_load %arg4[%get3A_1025, %get3A_1026, %get3A_1027] {strides = array<i32>} : memref<4x24x1024xf32, #tpu.memory_space<vmem>>, vector<1x1x16xf32>,
        %get3A_1029 = vector.shape_cast %get3A_1028 : vector<1x1x16xf32> to vector<16xf32>
        %add3A_1030 = arith.addf %add3A_1022, %get3A_1029 : vector<16xf32>
        %get3A_1031 = arith.constant 2 : i32
        %get3A_1032 = arith.constant 13 : i32
        %get3A_1033 = arith.index_cast %get3A_1031 : i32 to index
        %get3A_1034 = arith.index_cast %get3A_1032 : i32 to index
        %get3A_1035 = arith.index_cast %add3A_927 : i32 to index
        %get3A_1036 = tpu.vector_load %arg4[%get3A_1033, %get3A_1034, %get3A_1035] {strides = array<i32>} : memref<4x24x1024xf32, #tpu.memory_space<vmem>>, vector<1x1x16xf32>,
        %get3A_1037 = vector.shape_cast %get3A_1036 : vector<1x1x16xf32> to vector<16xf32>
        %add3A_1038 = arith.addf %add3A_1030, %get3A_1037 : vector<16xf32>
        %get3A_1039 = arith.constant 2 : i32
        %get3A_1040 = arith.constant 14 : i32
        %get3A_1041 = arith.index_cast %get3A_1039 : i32 to index
        %get3A_1042 = arith.index_cast %get3A_1040 : i32 to index
        %get3A_1043 = arith.index_cast %add3A_927 : i32 to index
        %get3A_1044 = tpu.vector_load %arg4[%get3A_1041, %get3A_1042, %get3A_1043] {strides = array<i32>} : memref<4x24x1024xf32, #tpu.memory_space<vmem>>, vector<1x1x16xf32>,
        %get3A_1045 = vector.shape_cast %get3A_1044 : vector<1x1x16xf32> to vector<16xf32>
        %add3A_1046 = arith.addf %add3A_1038, %get3A_1045 : vector<16xf32>
        %get3A_1047 = arith.constant 2 : i32
        %get3A_1048 = arith.constant 15 : i32
        %get3A_1049 = arith.index_cast %get3A_1047 : i32 to index
        %get3A_1050 = arith.index_cast %get3A_1048 : i32 to index
        %get3A_1051 = arith.index_cast %add3A_927 : i32 to index
        %get3A_1052 = tpu.vector_load %arg4[%get3A_1049, %get3A_1050, %get3A_1051] {strides = array<i32>} : memref<4x24x1024xf32, #tpu.memory_space<vmem>>, vector<1x1x16xf32>,
        %get3A_1053 = vector.shape_cast %get3A_1052 : vector<1x1x16xf32> to vector<16xf32>
        %add3A_1054 = arith.addf %add3A_1046, %get3A_1053 : vector<16xf32>
        %get3A_1055 = arith.constant 2 : i32
        %get3A_1056 = arith.constant 16 : i32
        %get3A_1057 = arith.index_cast %get3A_1055 : i32 to index
        %get3A_1058 = arith.index_cast %get3A_1056 : i32 to index
        %get3A_1059 = arith.index_cast %add3A_927 : i32 to index
        %get3A_1060 = tpu.vector_load %arg4[%get3A_1057, %get3A_1058, %get3A_1059] {strides = array<i32>} : memref<4x24x1024xf32, #tpu.memory_space<vmem>>, vector<1x1x16xf32>,
        %get3A_1061 = vector.shape_cast %get3A_1060 : vector<1x1x16xf32> to vector<16xf32>
        %add3A_1062 = arith.addf %add3A_1054, %get3A_1061 : vector<16xf32>
        %get3A_1063 = arith.constant 2 : i32
        %get3A_1064 = arith.constant 17 : i32
        %get3A_1065 = arith.index_cast %get3A_1063 : i32 to index
        %get3A_1066 = arith.index_cast %get3A_1064 : i32 to index
        %get3A_1067 = arith.index_cast %add3A_927 : i32 to index
        %get3A_1068 = tpu.vector_load %arg4[%get3A_1065, %get3A_1066, %get3A_1067] {strides = array<i32>} : memref<4x24x1024xf32, #tpu.memory_space<vmem>>, vector<1x1x16xf32>,
        %get3A_1069 = vector.shape_cast %get3A_1068 : vector<1x1x16xf32> to vector<16xf32>
        %add3A_1070 = arith.addf %add3A_1062, %get3A_1069 : vector<16xf32>
        %get3A_1071 = arith.constant 2 : i32
        %get3A_1072 = arith.constant 18 : i32
        %get3A_1073 = arith.index_cast %get3A_1071 : i32 to index
        %get3A_1074 = arith.index_cast %get3A_1072 : i32 to index
        %get3A_1075 = arith.index_cast %add3A_927 : i32 to index
        %get3A_1076 = tpu.vector_load %arg4[%get3A_1073, %get3A_1074, %get3A_1075] {strides = array<i32>} : memref<4x24x1024xf32, #tpu.memory_space<vmem>>, vector<1x1x16xf32>,
        %get3A_1077 = vector.shape_cast %get3A_1076 : vector<1x1x16xf32> to vector<16xf32>
        %add3A_1078 = arith.addf %add3A_1070, %get3A_1077 : vector<16xf32>
        %get3A_1079 = arith.constant 2 : i32
        %get3A_1080 = arith.constant 19 : i32
        %get3A_1081 = arith.index_cast %get3A_1079 : i32 to index
        %get3A_1082 = arith.index_cast %get3A_1080 : i32 to index
        %get3A_1083 = arith.index_cast %add3A_927 : i32 to index
        %get3A_1084 = tpu.vector_load %arg4[%get3A_1081, %get3A_1082, %get3A_1083] {strides = array<i32>} : memref<4x24x1024xf32, #tpu.memory_space<vmem>>, vector<1x1x16xf32>,
        %get3A_1085 = vector.shape_cast %get3A_1084 : vector<1x1x16xf32> to vector<16xf32>
        %add3A_1086 = arith.addf %add3A_1078, %get3A_1085 : vector<16xf32>
        %get3A_1087 = arith.constant 2 : i32
        %get3A_1088 = arith.constant 20 : i32
        %get3A_1089 = arith.index_cast %get3A_1087 : i32 to index
        %get3A_1090 = arith.index_cast %get3A_1088 : i32 to index
        %get3A_1091 = arith.index_cast %add3A_927 : i32 to index
        %get3A_1092 = tpu.vector_load %arg4[%get3A_1089, %get3A_1090, %get3A_1091] {strides = array<i32>} : memref<4x24x1024xf32, #tpu.memory_space<vmem>>, vector<1x1x16xf32>,
        %get3A_1093 = vector.shape_cast %get3A_1092 : vector<1x1x16xf32> to vector<16xf32>
        %add3A_1094 = arith.addf %add3A_1086, %get3A_1093 : vector<16xf32>
        %get3A_1095 = arith.constant 2 : i32
        %get3A_1096 = arith.constant 21 : i32
        %get3A_1097 = arith.index_cast %get3A_1095 : i32 to index
        %get3A_1098 = arith.index_cast %get3A_1096 : i32 to index
        %get3A_1099 = arith.index_cast %add3A_927 : i32 to index
        %get3A_1100 = tpu.vector_load %arg4[%get3A_1097, %get3A_1098, %get3A_1099] {strides = array<i32>} : memref<4x24x1024xf32, #tpu.memory_space<vmem>>, vector<1x1x16xf32>,
        %get3A_1101 = vector.shape_cast %get3A_1100 : vector<1x1x16xf32> to vector<16xf32>
        %add3A_1102 = arith.addf %add3A_1094, %get3A_1101 : vector<16xf32>
        %get3A_1103 = arith.constant 2 : i32
        %get3A_1104 = arith.constant 22 : i32
        %get3A_1105 = arith.index_cast %get3A_1103 : i32 to index
        %get3A_1106 = arith.index_cast %get3A_1104 : i32 to index
        %get3A_1107 = arith.index_cast %add3A_927 : i32 to index
        %get3A_1108 = tpu.vector_load %arg4[%get3A_1105, %get3A_1106, %get3A_1107] {strides = array<i32>} : memref<4x24x1024xf32, #tpu.memory_space<vmem>>, vector<1x1x16xf32>,
        %get3A_1109 = vector.shape_cast %get3A_1108 : vector<1x1x16xf32> to vector<16xf32>
        %add3A_1110 = arith.addf %add3A_1102, %get3A_1109 : vector<16xf32>
        %get3A_1111 = arith.constant 2 : i32
        %get3A_1112 = arith.constant 23 : i32
        %get3A_1113 = arith.index_cast %get3A_1111 : i32 to index
        %get3A_1114 = arith.index_cast %get3A_1112 : i32 to index
        %get3A_1115 = arith.index_cast %add3A_927 : i32 to index
        %get3A_1116 = tpu.vector_load %arg4[%get3A_1113, %get3A_1114, %get3A_1115] {strides = array<i32>} : memref<4x24x1024xf32, #tpu.memory_space<vmem>>, vector<1x1x16xf32>,
        %get3A_1117 = vector.shape_cast %get3A_1116 : vector<1x1x16xf32> to vector<16xf32>
        %add3A_1118 = arith.addf %add3A_1110, %get3A_1117 : vector<16xf32>
        %swap3A_1119 = arith.constant 0 : i32
        %swap3A_1120 = arith.index_cast %swap3A_1119 : i32 to index
        %swap3A_1121 = arith.index_cast %add3A_927 : i32 to index
        %swap3A_1122 = tpu.vector_load %arg5[%swap3A_1120, %swap3A_1121] {strides = array<i32>} : memref<2x1024xf32, #tpu.memory_space<vmem>>, vector<1x16xf32>,
        %swap3A_1123 = vector.shape_cast %swap3A_1122 : vector<1x16xf32> to vector<16xf32>
        %swap3A_1124 = vector.shape_cast %add3A_1118 : vector<16xf32> to vector<1x16xf32>
        tpu.vector_store %arg5[%swap3A_1120, %swap3A_1121], %swap3A_1124 {strides = array<i32>} : memref<2x1024xf32, #tpu.memory_space<vmem>>, vector<1x16xf32>,
      }
      %scan3A_248 = arith.constant 16 : i32
      %add3A_249 = arith.addi %mul3A_2, %add3A_219 : i32
      %dma_start3A_250 = arith.constant 0 : i32
      %dma_start3A_251 = arith.constant 0 : i32
      %dma_start3A_252 = tpu.memref_slice %arg5[%dma_start3A_250, %dma_start3A_251] : memref<2x1024xf32, #tpu.memory_space<vmem>> -> memref<1x1024xf32, #tpu.memory_space<vmem>>
      %dma_start3A_253 = tpu.memref_squeeze %dma_start3A_252 : memref<1x1024xf32, #tpu.memory_space<vmem>> -> memref<1024xf32, #tpu.memory_space<vmem>>
      %dma_start3A_254 = arith.constant 0 : i32
      %dma_start3A_255 = tpu.memref_slice %arg3[%add3A_249, %dma_start3A_254] : memref<1024x1024xf32, #tpu.memory_space<hbm>> -> memref<1x1024xf32, #tpu.memory_space<hbm>>
      %dma_start3A_256 = tpu.memref_squeeze %dma_start3A_255 : memref<1x1024xf32, #tpu.memory_space<hbm>> -> memref<1024xf32, #tpu.memory_space<hbm>>
      %dma_start3A_257 = arith.constant 0 : i32
      %dma_start3A_258 = tpu.memref_slice %arg3[%add3A_249, %dma_start3A_257] : memref<1024x1024xf32, #tpu.memory_space<hbm>> -> memref<1x1024xf32, #tpu.memory_space<hbm>>
      %dma_start3A_259 = tpu.memref_squeeze %dma_start3A_258 : memref<1x1024xf32, #tpu.memory_space<hbm>> -> memref<1024xf32, #tpu.memory_space<hbm>>
      %dma_start3A_260 = arith.constant 0 : i32
      %dma_start3A_261 = tpu.memref_slice %arg5[%dma_start3A_250, %dma_start3A_260] : memref<2x1024xf32, #tpu.memory_space<vmem>> -> memref<1x1024xf32, #tpu.memory_space<vmem>>
      %dma_start3A_262 = tpu.memref_squeeze %dma_start3A_261 : memref<1x1024xf32, #tpu.memory_space<vmem>> -> memref<1024xf32, #tpu.memory_space<vmem>>
      tpu.enqueue_dma source(%dma_start3A_262 : memref<1024xf32, #tpu.memory_space<vmem>>) target(%dma_start3A_259 : memref<1024xf32, #tpu.memory_space<hbm>>) target_semaphore(%arg10 : memref<!tpu.dma_semaphore, #tpu.memory_space<semaphore_mem>>)
      %add3A_263 = arith.constant 4 : i32
      %add3A_264 = arith.addi %add3A_219, %add3A_263 : i32
      %lt3A_265 = arith.constant 32 : i32
      %lt3A_266 = arith.cmpi slt, %add3A_264, %lt3A_265 : i32
      %convert_element_type3A_267 = arith.extui %lt3A_266 : i1 to i32
      %cond3A_268 = arith.constant 0 : i32
      %cond3A_269 = arith.cmpi ne, %convert_element_type3A_267, %cond3A_268 : i32
      scf.if %cond3A_269 {
        %add3A_322 = arith.addi %mul3A_2, %add3A_219 : i32
        %add3A_323 = arith.constant 4 : i32
        %add3A_324 = arith.addi %add3A_322, %add3A_323 : i32
        %dma_start3A_325 = arith.constant 2 : i32
        %dma_start3A_326 = arith.constant 0 : i32
        %dma_start3A_327 = arith.constant 0 : i32
        %dma_start3A_328 = tpu.memref_slice %arg4[%dma_start3A_325, %dma_start3A_326, %dma_start3A_327] : memref<4x24x1024xf32, #tpu.memory_space<vmem>> -> memref<1x24x1024xf32, #tpu.memory_space<vmem>>
        %dma_start3A_329 = tpu.memref_squeeze %dma_start3A_328 : memref<1x24x1024xf32, #tpu.memory_space<vmem>> -> memref<24x1024xf32, #tpu.memory_space<vmem>>
        %dma_start3A_330 = arith.constant 0 : i32
        %dma_start3A_331 = arith.constant 0 : i32
        %dma_start3A_332 = tpu.memref_slice %arg2[%add3A_324, %dma_start3A_330, %dma_start3A_331] : memref<1024x24x1024xf32, #tpu.memory_space<hbm>> -> memref<1x24x1024xf32, #tpu.memory_space<hbm>>
        %dma_start3A_333 = tpu.memref_squeeze %dma_start3A_332 : memref<1x24x1024xf32, #tpu.memory_space<hbm>> -> memref<24x1024xf32, #tpu.memory_space<hbm>>
        %dma_start3A_334 = arith.constant 0 : i32
        %dma_start3A_335 = arith.constant 0 : i32
        %dma_start3A_336 = tpu.memref_slice %arg4[%dma_start3A_325, %dma_start3A_334, %dma_start3A_335] : memref<4x24x1024xf32, #tpu.memory_space<vmem>> -> memref<1x24x1024xf32, #tpu.memory_space<vmem>>
        %dma_start3A_337 = tpu.memref_squeeze %dma_start3A_336 : memref<1x24x1024xf32, #tpu.memory_space<vmem>> -> memref<24x1024xf32, #tpu.memory_space<vmem>>
        %dma_start3A_338 = arith.constant 0 : i32
        %dma_start3A_339 = arith.constant 0 : i32
        %dma_start3A_340 = tpu.memref_slice %arg2[%add3A_324, %dma_start3A_338, %dma_start3A_339] : memref<1024x24x1024xf32, #tpu.memory_space<hbm>> -> memref<1x24x1024xf32, #tpu.memory_space<hbm>>
        %dma_start3A_341 = tpu.memref_squeeze %dma_start3A_340 : memref<1x24x1024xf32, #tpu.memory_space<hbm>> -> memref<24x1024xf32, #tpu.memory_space<hbm>>
        tpu.enqueue_dma source(%dma_start3A_341 : memref<24x1024xf32, #tpu.memory_space<hbm>>) target(%dma_start3A_337 : memref<24x1024xf32, #tpu.memory_space<vmem>>) target_semaphore(%arg8 : memref<!tpu.dma_semaphore, #tpu.memory_space<semaphore_mem>>)
      } else {
      }
      %add3A_270 = arith.constant 3 : i32
      %add3A_271 = arith.addi %mul3A_117, %add3A_270 : i32
      %add3A_272 = arith.addi %mul3A_2, %add3A_271 : i32
      %dma_wait3A_273 = arith.constant 3 : i32
      %dma_wait3A_274 = arith.constant 0 : i32
      %dma_wait3A_275 = arith.constant 0 : i32
      %dma_wait3A_276 = tpu.memref_slice %arg4[%dma_wait3A_273, %dma_wait3A_274, %dma_wait3A_275] : memref<4x24x1024xf32, #tpu.memory_space<vmem>> -> memref<1x24x1024xf32, #tpu.memory_space<vmem>>
      %dma_wait3A_277 = tpu.memref_squeeze %dma_wait3A_276 : memref<1x24x1024xf32, #tpu.memory_space<vmem>> -> memref<24x1024xf32, #tpu.memory_space<vmem>>
      %dma_wait3A_278 = arith.constant 0 : i32
      %dma_wait3A_279 = arith.constant 0 : i32
      %dma_wait3A_280 = tpu.memref_slice %arg2[%add3A_272, %dma_wait3A_278, %dma_wait3A_279] : memref<1024x24x1024xf32, #tpu.memory_space<hbm>> -> memref<1x24x1024xf32, #tpu.memory_space<hbm>>
      %dma_wait3A_281 = tpu.memref_squeeze %dma_wait3A_280 : memref<1x24x1024xf32, #tpu.memory_space<hbm>> -> memref<24x1024xf32, #tpu.memory_space<hbm>>
      %dma_wait3A_282 = arith.constant 0 : i32
      %dma_wait3A_283 = arith.constant 0 : i32
      %dma_wait3A_284 = tpu.memref_slice %arg4[%dma_wait3A_273, %dma_wait3A_282, %dma_wait3A_283] : memref<4x24x1024xf32, #tpu.memory_space<vmem>> -> memref<1x24x1024xf32, #tpu.memory_space<vmem>>
      %dma_wait3A_285 = tpu.memref_squeeze %dma_wait3A_284 : memref<1x24x1024xf32, #tpu.memory_space<vmem>> -> memref<24x1024xf32, #tpu.memory_space<vmem>>
      %dma_wait3A_286 = arith.constant 0 : i32
      %dma_wait3A_287 = arith.constant 0 : i32
      %dma_wait3A_288 = tpu.memref_slice %arg2[%add3A_272, %dma_wait3A_286, %dma_wait3A_287] : memref<1024x24x1024xf32, #tpu.memory_space<hbm>> -> memref<1x24x1024xf32, #tpu.memory_space<hbm>>
      %dma_wait3A_289 = tpu.memref_squeeze %dma_wait3A_288 : memref<1x24x1024xf32, #tpu.memory_space<hbm>> -> memref<24x1024xf32, #tpu.memory_space<hbm>>
      tpu.wait_dma2 semaphore(%arg9 : memref<!tpu.dma_semaphore, #tpu.memory_space<semaphore_mem>>) src(%dma_wait3A_289 : memref<24x1024xf32, #tpu.memory_space<hbm>>) dst(%dma_wait3A_285 : memref<24x1024xf32, #tpu.memory_space<vmem>>)
      %ge3A_290 = arith.constant 2 : i32
      %ge3A_291 = arith.cmpi sge, %add3A_271, %ge3A_290 : i32
      %convert_element_type3A_292 = arith.extui %ge3A_291 : i1 to i32
      %cond3A_293 = arith.constant 0 : i32
      %cond3A_294 = arith.cmpi ne, %convert_element_type3A_292, %cond3A_293 : i32
      scf.if %cond3A_294 {
        %add3A_322 = arith.addi %mul3A_2, %add3A_271 : i32
        %sub3A_323 = arith.constant 2 : i32
        %sub3A_324 = arith.subi %add3A_322, %sub3A_323 : i32
        %dma_wait3A_325 = arith.constant 1 : i32
        %dma_wait3A_326 = arith.constant 0 : i32
        %dma_wait3A_327 = tpu.memref_slice %arg5[%dma_wait3A_325, %dma_wait3A_326] : memref<2x1024xf32, #tpu.memory_space<vmem>> -> memref<1x1024xf32, #tpu.memory_space<vmem>>
        %dma_wait3A_328 = tpu.memref_squeeze %dma_wait3A_327 : memref<1x1024xf32, #tpu.memory_space<vmem>> -> memref<1024xf32, #tpu.memory_space<vmem>>
        %dma_wait3A_329 = arith.constant 0 : i32
        %dma_wait3A_330 = tpu.memref_slice %arg3[%sub3A_324, %dma_wait3A_329] : memref<1024x1024xf32, #tpu.memory_space<hbm>> -> memref<1x1024xf32, #tpu.memory_space<hbm>>
        %dma_wait3A_331 = tpu.memref_squeeze %dma_wait3A_330 : memref<1x1024xf32, #tpu.memory_space<hbm>> -> memref<1024xf32, #tpu.memory_space<hbm>>
        %dma_wait3A_332 = arith.constant 0 : i32
        %dma_wait3A_333 = tpu.memref_slice %arg3[%sub3A_324, %dma_wait3A_332] : memref<1024x1024xf32, #tpu.memory_space<hbm>> -> memref<1x1024xf32, #tpu.memory_space<hbm>>
        %dma_wait3A_334 = tpu.memref_squeeze %dma_wait3A_333 : memref<1x1024xf32, #tpu.memory_space<hbm>> -> memref<1024xf32, #tpu.memory_space<hbm>>
        %dma_wait3A_335 = arith.constant 0 : i32
        %dma_wait3A_336 = tpu.memref_slice %arg5[%dma_wait3A_325, %dma_wait3A_335] : memref<2x1024xf32, #tpu.memory_space<vmem>> -> memref<1x1024xf32, #tpu.memory_space<vmem>>
        %dma_wait3A_337 = tpu.memref_squeeze %dma_wait3A_336 : memref<1x1024xf32, #tpu.memory_space<vmem>> -> memref<1024xf32, #tpu.memory_space<vmem>>
        tpu.wait_dma2 semaphore(%arg11 : memref<!tpu.dma_semaphore, #tpu.memory_space<semaphore_mem>>) src(%dma_wait3A_337 : memref<1024xf32, #tpu.memory_space<vmem>>) dst(%dma_wait3A_334 : memref<1024xf32, #tpu.memory_space<hbm>>)
      } else {
      }
      %scan3A_295 = arith.constant 0 : i32
      %scan3A_296 = arith.constant 0 : i32
      %scan3A_297 = arith.constant 16 : i32
      %scan3A_298 = arith.addi %scan3A_296, %scan3A_297 : i32
      %scan3A_299 = arith.constant 1 : i32
      scf.for %scan3A_322 = %scan3A_296 to %scan3A_298 step %scan3A_299  : i32 {
        %mul3A_323 = arith.constant 64 : i32
        %mul3A_324 = arith.muli %scan3A_322, %mul3A_323 : i32
        %add3A_325 = arith.constant 0 : i32
        %add3A_326 = arith.addi %mul3A_324, %add3A_325 : i32
        %get3A = arith.constant 3 : i32
        %get3A_327 = arith.constant 0 : i32
        %get3A_328 = arith.index_cast %get3A : i32 to index
        %get3A_329 = arith.index_cast %get3A_327 : i32 to index
        %get3A_330 = arith.index_cast %add3A_326 : i32 to index
        %get3A_331 = tpu.vector_load %arg4[%get3A_328, %get3A_329, %get3A_330] {strides = array<i32>} : memref<4x24x1024xf32, #tpu.memory_space<vmem>>, vector<1x1x16xf32>,
        %get3A_332 = vector.shape_cast %get3A_331 : vector<1x1x16xf32> to vector<16xf32>
        %get3A_333 = arith.constant 3 : i32
        %get3A_334 = arith.constant 1 : i32
        %get3A_335 = arith.index_cast %get3A_333 : i32 to index
        %get3A_336 = arith.index_cast %get3A_334 : i32 to index
        %get3A_337 = arith.index_cast %add3A_326 : i32 to index
        %get3A_338 = tpu.vector_load %arg4[%get3A_335, %get3A_336, %get3A_337] {strides = array<i32>} : memref<4x24x1024xf32, #tpu.memory_space<vmem>>, vector<1x1x16xf32>,
        %get3A_339 = vector.shape_cast %get3A_338 : vector<1x1x16xf32> to vector<16xf32>
        %add3A_340 = arith.addf %get3A_332, %get3A_339 : vector<16xf32>
        %get3A_341 = arith.constant 3 : i32
        %get3A_342 = arith.constant 2 : i32
        %get3A_343 = arith.index_cast %get3A_341 : i32 to index
        %get3A_344 = arith.index_cast %get3A_342 : i32 to index
        %get3A_345 = arith.index_cast %add3A_326 : i32 to index
        %get3A_346 = tpu.vector_load %arg4[%get3A_343, %get3A_344, %get3A_345] {strides = array<i32>} : memref<4x24x1024xf32, #tpu.memory_space<vmem>>, vector<1x1x16xf32>,
        %get3A_347 = vector.shape_cast %get3A_346 : vector<1x1x16xf32> to vector<16xf32>
        %add3A_348 = arith.addf %add3A_340, %get3A_347 : vector<16xf32>
        %get3A_349 = arith.constant 3 : i32
        %get3A_350 = arith.constant 3 : i32
        %get3A_351 = arith.index_cast %get3A_349 : i32 to index
        %get3A_352 = arith.index_cast %get3A_350 : i32 to index
        %get3A_353 = arith.index_cast %add3A_326 : i32 to index
        %get3A_354 = tpu.vector_load %arg4[%get3A_351, %get3A_352, %get3A_353] {strides = array<i32>} : memref<4x24x1024xf32, #tpu.memory_space<vmem>>, vector<1x1x16xf32>,
        %get3A_355 = vector.shape_cast %get3A_354 : vector<1x1x16xf32> to vector<16xf32>
        %add3A_356 = arith.addf %add3A_348, %get3A_355 : vector<16xf32>
        %get3A_357 = arith.constant 3 : i32
        %get3A_358 = arith.constant 4 : i32
        %get3A_359 = arith.index_cast %get3A_357 : i32 to index
        %get3A_360 = arith.index_cast %get3A_358 : i32 to index
        %get3A_361 = arith.index_cast %add3A_326 : i32 to index
        %get3A_362 = tpu.vector_load %arg4[%get3A_359, %get3A_360, %get3A_361] {strides = array<i32>} : memref<4x24x1024xf32, #tpu.memory_space<vmem>>, vector<1x1x16xf32>,
        %get3A_363 = vector.shape_cast %get3A_362 : vector<1x1x16xf32> to vector<16xf32>
        %add3A_364 = arith.addf %add3A_356, %get3A_363 : vector<16xf32>
        %get3A_365 = arith.constant 3 : i32
        %get3A_366 = arith.constant 5 : i32
        %get3A_367 = arith.index_cast %get3A_365 : i32 to index
        %get3A_368 = arith.index_cast %get3A_366 : i32 to index
        %get3A_369 = arith.index_cast %add3A_326 : i32 to index
        %get3A_370 = tpu.vector_load %arg4[%get3A_367, %get3A_368, %get3A_369] {strides = array<i32>} : memref<4x24x1024xf32, #tpu.memory_space<vmem>>, vector<1x1x16xf32>,
        %get3A_371 = vector.shape_cast %get3A_370 : vector<1x1x16xf32> to vector<16xf32>
        %add3A_372 = arith.addf %add3A_364, %get3A_371 : vector<16xf32>
        %get3A_373 = arith.constant 3 : i32
        %get3A_374 = arith.constant 6 : i32
        %get3A_375 = arith.index_cast %get3A_373 : i32 to index
        %get3A_376 = arith.index_cast %get3A_374 : i32 to index
        %get3A_377 = arith.index_cast %add3A_326 : i32 to index
        %get3A_378 = tpu.vector_load %arg4[%get3A_375, %get3A_376, %get3A_377] {strides = array<i32>} : memref<4x24x1024xf32, #tpu.memory_space<vmem>>, vector<1x1x16xf32>,
        %get3A_379 = vector.shape_cast %get3A_378 : vector<1x1x16xf32> to vector<16xf32>
        %add3A_380 = arith.addf %add3A_372, %get3A_379 : vector<16xf32>
        %get3A_381 = arith.constant 3 : i32
        %get3A_382 = arith.constant 7 : i32
        %get3A_383 = arith.index_cast %get3A_381 : i32 to index
        %get3A_384 = arith.index_cast %get3A_382 : i32 to index
        %get3A_385 = arith.index_cast %add3A_326 : i32 to index
        %get3A_386 = tpu.vector_load %arg4[%get3A_383, %get3A_384, %get3A_385] {strides = array<i32>} : memref<4x24x1024xf32, #tpu.memory_space<vmem>>, vector<1x1x16xf32>,
        %get3A_387 = vector.shape_cast %get3A_386 : vector<1x1x16xf32> to vector<16xf32>
        %add3A_388 = arith.addf %add3A_380, %get3A_387 : vector<16xf32>
        %get3A_389 = arith.constant 3 : i32
        %get3A_390 = arith.constant 8 : i32
        %get3A_391 = arith.index_cast %get3A_389 : i32 to index
        %get3A_392 = arith.index_cast %get3A_390 : i32 to index
        %get3A_393 = arith.index_cast %add3A_326 : i32 to index
        %get3A_394 = tpu.vector_load %arg4[%get3A_391, %get3A_392, %get3A_393] {strides = array<i32>} : memref<4x24x1024xf32, #tpu.memory_space<vmem>>, vector<1x1x16xf32>,
        %get3A_395 = vector.shape_cast %get3A_394 : vector<1x1x16xf32> to vector<16xf32>
        %add3A_396 = arith.addf %add3A_388, %get3A_395 : vector<16xf32>
        %get3A_397 = arith.constant 3 : i32
        %get3A_398 = arith.constant 9 : i32
        %get3A_399 = arith.index_cast %get3A_397 : i32 to index
        %get3A_400 = arith.index_cast %get3A_398 : i32 to index
        %get3A_401 = arith.index_cast %add3A_326 : i32 to index
        %get3A_402 = tpu.vector_load %arg4[%get3A_399, %get3A_400, %get3A_401] {strides = array<i32>} : memref<4x24x1024xf32, #tpu.memory_space<vmem>>, vector<1x1x16xf32>,
        %get3A_403 = vector.shape_cast %get3A_402 : vector<1x1x16xf32> to vector<16xf32>
        %add3A_404 = arith.addf %add3A_396, %get3A_403 : vector<16xf32>
        %get3A_405 = arith.constant 3 : i32
        %get3A_406 = arith.constant 10 : i32
        %get3A_407 = arith.index_cast %get3A_405 : i32 to index
        %get3A_408 = arith.index_cast %get3A_406 : i32 to index
        %get3A_409 = arith.index_cast %add3A_326 : i32 to index
        %get3A_410 = tpu.vector_load %arg4[%get3A_407, %get3A_408, %get3A_409] {strides = array<i32>} : memref<4x24x1024xf32, #tpu.memory_space<vmem>>, vector<1x1x16xf32>,
        %get3A_411 = vector.shape_cast %get3A_410 : vector<1x1x16xf32> to vector<16xf32>
        %add3A_412 = arith.addf %add3A_404, %get3A_411 : vector<16xf32>
        %get3A_413 = arith.constant 3 : i32
        %get3A_414 = arith.constant 11 : i32
        %get3A_415 = arith.index_cast %get3A_413 : i32 to index
        %get3A_416 = arith.index_cast %get3A_414 : i32 to index
        %get3A_417 = arith.index_cast %add3A_326 : i32 to index
        %get3A_418 = tpu.vector_load %arg4[%get3A_415, %get3A_416, %get3A_417] {strides = array<i32>} : memref<4x24x1024xf32, #tpu.memory_space<vmem>>, vector<1x1x16xf32>,
        %get3A_419 = vector.shape_cast %get3A_418 : vector<1x1x16xf32> to vector<16xf32>
        %add3A_420 = arith.addf %add3A_412, %get3A_419 : vector<16xf32>
        %get3A_421 = arith.constant 3 : i32
        %get3A_422 = arith.constant 12 : i32
        %get3A_423 = arith.index_cast %get3A_421 : i32 to index
        %get3A_424 = arith.index_cast %get3A_422 : i32 to index
        %get3A_425 = arith.index_cast %add3A_326 : i32 to index
        %get3A_426 = tpu.vector_load %arg4[%get3A_423, %get3A_424, %get3A_425] {strides = array<i32>} : memref<4x24x1024xf32, #tpu.memory_space<vmem>>, vector<1x1x16xf32>,
        %get3A_427 = vector.shape_cast %get3A_426 : vector<1x1x16xf32> to vector<16xf32>
        %add3A_428 = arith.addf %add3A_420, %get3A_427 : vector<16xf32>
        %get3A_429 = arith.constant 3 : i32
        %get3A_430 = arith.constant 13 : i32
        %get3A_431 = arith.index_cast %get3A_429 : i32 to index
        %get3A_432 = arith.index_cast %get3A_430 : i32 to index
        %get3A_433 = arith.index_cast %add3A_326 : i32 to index
        %get3A_434 = tpu.vector_load %arg4[%get3A_431, %get3A_432, %get3A_433] {strides = array<i32>} : memref<4x24x1024xf32, #tpu.memory_space<vmem>>, vector<1x1x16xf32>,
        %get3A_435 = vector.shape_cast %get3A_434 : vector<1x1x16xf32> to vector<16xf32>
        %add3A_436 = arith.addf %add3A_428, %get3A_435 : vector<16xf32>
        %get3A_437 = arith.constant 3 : i32
        %get3A_438 = arith.constant 14 : i32
        %get3A_439 = arith.index_cast %get3A_437 : i32 to index
        %get3A_440 = arith.index_cast %get3A_438 : i32 to index
        %get3A_441 = arith.index_cast %add3A_326 : i32 to index
        %get3A_442 = tpu.vector_load %arg4[%get3A_439, %get3A_440, %get3A_441] {strides = array<i32>} : memref<4x24x1024xf32, #tpu.memory_space<vmem>>, vector<1x1x16xf32>,
        %get3A_443 = vector.shape_cast %get3A_442 : vector<1x1x16xf32> to vector<16xf32>
        %add3A_444 = arith.addf %add3A_436, %get3A_443 : vector<16xf32>
        %get3A_445 = arith.constant 3 : i32
        %get3A_446 = arith.constant 15 : i32
        %get3A_447 = arith.index_cast %get3A_445 : i32 to index
        %get3A_448 = arith.index_cast %get3A_446 : i32 to index
        %get3A_449 = arith.index_cast %add3A_326 : i32 to index
        %get3A_450 = tpu.vector_load %arg4[%get3A_447, %get3A_448, %get3A_449] {strides = array<i32>} : memref<4x24x1024xf32, #tpu.memory_space<vmem>>, vector<1x1x16xf32>,
        %get3A_451 = vector.shape_cast %get3A_450 : vector<1x1x16xf32> to vector<16xf32>
        %add3A_452 = arith.addf %add3A_444, %get3A_451 : vector<16xf32>
        %get3A_453 = arith.constant 3 : i32
        %get3A_454 = arith.constant 16 : i32
        %get3A_455 = arith.index_cast %get3A_453 : i32 to index
        %get3A_456 = arith.index_cast %get3A_454 : i32 to index
        %get3A_457 = arith.index_cast %add3A_326 : i32 to index
        %get3A_458 = tpu.vector_load %arg4[%get3A_455, %get3A_456, %get3A_457] {strides = array<i32>} : memref<4x24x1024xf32, #tpu.memory_space<vmem>>, vector<1x1x16xf32>,
        %get3A_459 = vector.shape_cast %get3A_458 : vector<1x1x16xf32> to vector<16xf32>
        %add3A_460 = arith.addf %add3A_452, %get3A_459 : vector<16xf32>
        %get3A_461 = arith.constant 3 : i32
        %get3A_462 = arith.constant 17 : i32
        %get3A_463 = arith.index_cast %get3A_461 : i32 to index
        %get3A_464 = arith.index_cast %get3A_462 : i32 to index
        %get3A_465 = arith.index_cast %add3A_326 : i32 to index
        %get3A_466 = tpu.vector_load %arg4[%get3A_463, %get3A_464, %get3A_465] {strides = array<i32>} : memref<4x24x1024xf32, #tpu.memory_space<vmem>>, vector<1x1x16xf32>,
        %get3A_467 = vector.shape_cast %get3A_466 : vector<1x1x16xf32> to vector<16xf32>
        %add3A_468 = arith.addf %add3A_460, %get3A_467 : vector<16xf32>
        %get3A_469 = arith.constant 3 : i32
        %get3A_470 = arith.constant 18 : i32
        %get3A_471 = arith.index_cast %get3A_469 : i32 to index
        %get3A_472 = arith.index_cast %get3A_470 : i32 to index
        %get3A_473 = arith.index_cast %add3A_326 : i32 to index
        %get3A_474 = tpu.vector_load %arg4[%get3A_471, %get3A_472, %get3A_473] {strides = array<i32>} : memref<4x24x1024xf32, #tpu.memory_space<vmem>>, vector<1x1x16xf32>,
        %get3A_475 = vector.shape_cast %get3A_474 : vector<1x1x16xf32> to vector<16xf32>
        %add3A_476 = arith.addf %add3A_468, %get3A_475 : vector<16xf32>
        %get3A_477 = arith.constant 3 : i32
        %get3A_478 = arith.constant 19 : i32
        %get3A_479 = arith.index_cast %get3A_477 : i32 to index
        %get3A_480 = arith.index_cast %get3A_478 : i32 to index
        %get3A_481 = arith.index_cast %add3A_326 : i32 to index
        %get3A_482 = tpu.vector_load %arg4[%get3A_479, %get3A_480, %get3A_481] {strides = array<i32>} : memref<4x24x1024xf32, #tpu.memory_space<vmem>>, vector<1x1x16xf32>,
        %get3A_483 = vector.shape_cast %get3A_482 : vector<1x1x16xf32> to vector<16xf32>
        %add3A_484 = arith.addf %add3A_476, %get3A_483 : vector<16xf32>
        %get3A_485 = arith.constant 3 : i32
        %get3A_486 = arith.constant 20 : i32
        %get3A_487 = arith.index_cast %get3A_485 : i32 to index
        %get3A_488 = arith.index_cast %get3A_486 : i32 to index
        %get3A_489 = arith.index_cast %add3A_326 : i32 to index
        %get3A_490 = tpu.vector_load %arg4[%get3A_487, %get3A_488, %get3A_489] {strides = array<i32>} : memref<4x24x1024xf32, #tpu.memory_space<vmem>>, vector<1x1x16xf32>,
        %get3A_491 = vector.shape_cast %get3A_490 : vector<1x1x16xf32> to vector<16xf32>
        %add3A_492 = arith.addf %add3A_484, %get3A_491 : vector<16xf32>
        %get3A_493 = arith.constant 3 : i32
        %get3A_494 = arith.constant 21 : i32
        %get3A_495 = arith.index_cast %get3A_493 : i32 to index
        %get3A_496 = arith.index_cast %get3A_494 : i32 to index
        %get3A_497 = arith.index_cast %add3A_326 : i32 to index
        %get3A_498 = tpu.vector_load %arg4[%get3A_495, %get3A_496, %get3A_497] {strides = array<i32>} : memref<4x24x1024xf32, #tpu.memory_space<vmem>>, vector<1x1x16xf32>,
        %get3A_499 = vector.shape_cast %get3A_498 : vector<1x1x16xf32> to vector<16xf32>
        %add3A_500 = arith.addf %add3A_492, %get3A_499 : vector<16xf32>
        %get3A_501 = arith.constant 3 : i32
        %get3A_502 = arith.constant 22 : i32
        %get3A_503 = arith.index_cast %get3A_501 : i32 to index
        %get3A_504 = arith.index_cast %get3A_502 : i32 to index
        %get3A_505 = arith.index_cast %add3A_326 : i32 to index
        %get3A_506 = tpu.vector_load %arg4[%get3A_503, %get3A_504, %get3A_505] {strides = array<i32>} : memref<4x24x1024xf32, #tpu.memory_space<vmem>>, vector<1x1x16xf32>,
        %get3A_507 = vector.shape_cast %get3A_506 : vector<1x1x16xf32> to vector<16xf32>
        %add3A_508 = arith.addf %add3A_500, %get3A_507 : vector<16xf32>
        %get3A_509 = arith.constant 3 : i32
        %get3A_510 = arith.constant 23 : i32
        %get3A_511 = arith.index_cast %get3A_509 : i32 to index
        %get3A_512 = arith.index_cast %get3A_510 : i32 to index
        %get3A_513 = arith.index_cast %add3A_326 : i32 to index
        %get3A_514 = tpu.vector_load %arg4[%get3A_511, %get3A_512, %get3A_513] {strides = array<i32>} : memref<4x24x1024xf32, #tpu.memory_space<vmem>>, vector<1x1x16xf32>,
        %get3A_515 = vector.shape_cast %get3A_514 : vector<1x1x16xf32> to vector<16xf32>
        %add3A_516 = arith.addf %add3A_508, %get3A_515 : vector<16xf32>
        %swap3A = arith.constant 1 : i32
        %swap3A_517 = arith.index_cast %swap3A : i32 to index
        %swap3A_518 = arith.index_cast %add3A_326 : i32 to index
        %swap3A_519 = tpu.vector_load %arg5[%swap3A_517, %swap3A_518] {strides = array<i32>} : memref<2x1024xf32, #tpu.memory_space<vmem>>, vector<1x16xf32>,
        %swap3A_520 = vector.shape_cast %swap3A_519 : vector<1x16xf32> to vector<16xf32>
        %swap3A_521 = vector.shape_cast %add3A_516 : vector<16xf32> to vector<1x16xf32>
        tpu.vector_store %arg5[%swap3A_517, %swap3A_518], %swap3A_521 {strides = array<i32>} : memref<2x1024xf32, #tpu.memory_space<vmem>>, vector<1x16xf32>,
        %mul3A_522 = arith.constant 64 : i32
        %mul3A_523 = arith.muli %scan3A_322, %mul3A_522 : i32
        %add3A_524 = arith.constant 16 : i32
        %add3A_525 = arith.addi %mul3A_523, %add3A_524 : i32
        %get3A_526 = arith.constant 3 : i32
        %get3A_527 = arith.constant 0 : i32
        %get3A_528 = arith.index_cast %get3A_526 : i32 to index
        %get3A_529 = arith.index_cast %get3A_527 : i32 to index
        %get3A_530 = arith.index_cast %add3A_525 : i32 to index
        %get3A_531 = tpu.vector_load %arg4[%get3A_528, %get3A_529, %get3A_530] {strides = array<i32>} : memref<4x24x1024xf32, #tpu.memory_space<vmem>>, vector<1x1x16xf32>,
        %get3A_532 = vector.shape_cast %get3A_531 : vector<1x1x16xf32> to vector<16xf32>
        %get3A_533 = arith.constant 3 : i32
        %get3A_534 = arith.constant 1 : i32
        %get3A_535 = arith.index_cast %get3A_533 : i32 to index
        %get3A_536 = arith.index_cast %get3A_534 : i32 to index
        %get3A_537 = arith.index_cast %add3A_525 : i32 to index
        %get3A_538 = tpu.vector_load %arg4[%get3A_535, %get3A_536, %get3A_537] {strides = array<i32>} : memref<4x24x1024xf32, #tpu.memory_space<vmem>>, vector<1x1x16xf32>,
        %get3A_539 = vector.shape_cast %get3A_538 : vector<1x1x16xf32> to vector<16xf32>
        %add3A_540 = arith.addf %get3A_532, %get3A_539 : vector<16xf32>
        %get3A_541 = arith.constant 3 : i32
        %get3A_542 = arith.constant 2 : i32
        %get3A_543 = arith.index_cast %get3A_541 : i32 to index
        %get3A_544 = arith.index_cast %get3A_542 : i32 to index
        %get3A_545 = arith.index_cast %add3A_525 : i32 to index
        %get3A_546 = tpu.vector_load %arg4[%get3A_543, %get3A_544, %get3A_545] {strides = array<i32>} : memref<4x24x1024xf32, #tpu.memory_space<vmem>>, vector<1x1x16xf32>,
        %get3A_547 = vector.shape_cast %get3A_546 : vector<1x1x16xf32> to vector<16xf32>
        %add3A_548 = arith.addf %add3A_540, %get3A_547 : vector<16xf32>
        %get3A_549 = arith.constant 3 : i32
        %get3A_550 = arith.constant 3 : i32
        %get3A_551 = arith.index_cast %get3A_549 : i32 to index
        %get3A_552 = arith.index_cast %get3A_550 : i32 to index
        %get3A_553 = arith.index_cast %add3A_525 : i32 to index
        %get3A_554 = tpu.vector_load %arg4[%get3A_551, %get3A_552, %get3A_553] {strides = array<i32>} : memref<4x24x1024xf32, #tpu.memory_space<vmem>>, vector<1x1x16xf32>,
        %get3A_555 = vector.shape_cast %get3A_554 : vector<1x1x16xf32> to vector<16xf32>
        %add3A_556 = arith.addf %add3A_548, %get3A_555 : vector<16xf32>
        %get3A_557 = arith.constant 3 : i32
        %get3A_558 = arith.constant 4 : i32
        %get3A_559 = arith.index_cast %get3A_557 : i32 to index
        %get3A_560 = arith.index_cast %get3A_558 : i32 to index
        %get3A_561 = arith.index_cast %add3A_525 : i32 to index
        %get3A_562 = tpu.vector_load %arg4[%get3A_559, %get3A_560, %get3A_561] {strides = array<i32>} : memref<4x24x1024xf32, #tpu.memory_space<vmem>>, vector<1x1x16xf32>,
        %get3A_563 = vector.shape_cast %get3A_562 : vector<1x1x16xf32> to vector<16xf32>
        %add3A_564 = arith.addf %add3A_556, %get3A_563 : vector<16xf32>
        %get3A_565 = arith.constant 3 : i32
        %get3A_566 = arith.constant 5 : i32
        %get3A_567 = arith.index_cast %get3A_565 : i32 to index
        %get3A_568 = arith.index_cast %get3A_566 : i32 to index
        %get3A_569 = arith.index_cast %add3A_525 : i32 to index
        %get3A_570 = tpu.vector_load %arg4[%get3A_567, %get3A_568, %get3A_569] {strides = array<i32>} : memref<4x24x1024xf32, #tpu.memory_space<vmem>>, vector<1x1x16xf32>,
        %get3A_571 = vector.shape_cast %get3A_570 : vector<1x1x16xf32> to vector<16xf32>
        %add3A_572 = arith.addf %add3A_564, %get3A_571 : vector<16xf32>
        %get3A_573 = arith.constant 3 : i32
        %get3A_574 = arith.constant 6 : i32
        %get3A_575 = arith.index_cast %get3A_573 : i32 to index
        %get3A_576 = arith.index_cast %get3A_574 : i32 to index
        %get3A_577 = arith.index_cast %add3A_525 : i32 to index
        %get3A_578 = tpu.vector_load %arg4[%get3A_575, %get3A_576, %get3A_577] {strides = array<i32>} : memref<4x24x1024xf32, #tpu.memory_space<vmem>>, vector<1x1x16xf32>,
        %get3A_579 = vector.shape_cast %get3A_578 : vector<1x1x16xf32> to vector<16xf32>
        %add3A_580 = arith.addf %add3A_572, %get3A_579 : vector<16xf32>
        %get3A_581 = arith.constant 3 : i32
        %get3A_582 = arith.constant 7 : i32
        %get3A_583 = arith.index_cast %get3A_581 : i32 to index
        %get3A_584 = arith.index_cast %get3A_582 : i32 to index
        %get3A_585 = arith.index_cast %add3A_525 : i32 to index
        %get3A_586 = tpu.vector_load %arg4[%get3A_583, %get3A_584, %get3A_585] {strides = array<i32>} : memref<4x24x1024xf32, #tpu.memory_space<vmem>>, vector<1x1x16xf32>,
        %get3A_587 = vector.shape_cast %get3A_586 : vector<1x1x16xf32> to vector<16xf32>
        %add3A_588 = arith.addf %add3A_580, %get3A_587 : vector<16xf32>
        %get3A_589 = arith.constant 3 : i32
        %get3A_590 = arith.constant 8 : i32
        %get3A_591 = arith.index_cast %get3A_589 : i32 to index
        %get3A_592 = arith.index_cast %get3A_590 : i32 to index
        %get3A_593 = arith.index_cast %add3A_525 : i32 to index
        %get3A_594 = tpu.vector_load %arg4[%get3A_591, %get3A_592, %get3A_593] {strides = array<i32>} : memref<4x24x1024xf32, #tpu.memory_space<vmem>>, vector<1x1x16xf32>,
        %get3A_595 = vector.shape_cast %get3A_594 : vector<1x1x16xf32> to vector<16xf32>
        %add3A_596 = arith.addf %add3A_588, %get3A_595 : vector<16xf32>
        %get3A_597 = arith.constant 3 : i32
        %get3A_598 = arith.constant 9 : i32
        %get3A_599 = arith.index_cast %get3A_597 : i32 to index
        %get3A_600 = arith.index_cast %get3A_598 : i32 to index
        %get3A_601 = arith.index_cast %add3A_525 : i32 to index
        %get3A_602 = tpu.vector_load %arg4[%get3A_599, %get3A_600, %get3A_601] {strides = array<i32>} : memref<4x24x1024xf32, #tpu.memory_space<vmem>>, vector<1x1x16xf32>,
        %get3A_603 = vector.shape_cast %get3A_602 : vector<1x1x16xf32> to vector<16xf32>
        %add3A_604 = arith.addf %add3A_596, %get3A_603 : vector<16xf32>
        %get3A_605 = arith.constant 3 : i32
        %get3A_606 = arith.constant 10 : i32
        %get3A_607 = arith.index_cast %get3A_605 : i32 to index
        %get3A_608 = arith.index_cast %get3A_606 : i32 to index
        %get3A_609 = arith.index_cast %add3A_525 : i32 to index
        %get3A_610 = tpu.vector_load %arg4[%get3A_607, %get3A_608, %get3A_609] {strides = array<i32>} : memref<4x24x1024xf32, #tpu.memory_space<vmem>>, vector<1x1x16xf32>,
        %get3A_611 = vector.shape_cast %get3A_610 : vector<1x1x16xf32> to vector<16xf32>
        %add3A_612 = arith.addf %add3A_604, %get3A_611 : vector<16xf32>
        %get3A_613 = arith.constant 3 : i32
        %get3A_614 = arith.constant 11 : i32
        %get3A_615 = arith.index_cast %get3A_613 : i32 to index
        %get3A_616 = arith.index_cast %get3A_614 : i32 to index
        %get3A_617 = arith.index_cast %add3A_525 : i32 to index
        %get3A_618 = tpu.vector_load %arg4[%get3A_615, %get3A_616, %get3A_617] {strides = array<i32>} : memref<4x24x1024xf32, #tpu.memory_space<vmem>>, vector<1x1x16xf32>,
        %get3A_619 = vector.shape_cast %get3A_618 : vector<1x1x16xf32> to vector<16xf32>
        %add3A_620 = arith.addf %add3A_612, %get3A_619 : vector<16xf32>
        %get3A_621 = arith.constant 3 : i32
        %get3A_622 = arith.constant 12 : i32
        %get3A_623 = arith.index_cast %get3A_621 : i32 to index
        %get3A_624 = arith.index_cast %get3A_622 : i32 to index
        %get3A_625 = arith.index_cast %add3A_525 : i32 to index
        %get3A_626 = tpu.vector_load %arg4[%get3A_623, %get3A_624, %get3A_625] {strides = array<i32>} : memref<4x24x1024xf32, #tpu.memory_space<vmem>>, vector<1x1x16xf32>,
        %get3A_627 = vector.shape_cast %get3A_626 : vector<1x1x16xf32> to vector<16xf32>
        %add3A_628 = arith.addf %add3A_620, %get3A_627 : vector<16xf32>
        %get3A_629 = arith.constant 3 : i32
        %get3A_630 = arith.constant 13 : i32
        %get3A_631 = arith.index_cast %get3A_629 : i32 to index
        %get3A_632 = arith.index_cast %get3A_630 : i32 to index
        %get3A_633 = arith.index_cast %add3A_525 : i32 to index
        %get3A_634 = tpu.vector_load %arg4[%get3A_631, %get3A_632, %get3A_633] {strides = array<i32>} : memref<4x24x1024xf32, #tpu.memory_space<vmem>>, vector<1x1x16xf32>,
        %get3A_635 = vector.shape_cast %get3A_634 : vector<1x1x16xf32> to vector<16xf32>
        %add3A_636 = arith.addf %add3A_628, %get3A_635 : vector<16xf32>
        %get3A_637 = arith.constant 3 : i32
        %get3A_638 = arith.constant 14 : i32
        %get3A_639 = arith.index_cast %get3A_637 : i32 to index
        %get3A_640 = arith.index_cast %get3A_638 : i32 to index
        %get3A_641 = arith.index_cast %add3A_525 : i32 to index
        %get3A_642 = tpu.vector_load %arg4[%get3A_639, %get3A_640, %get3A_641] {strides = array<i32>} : memref<4x24x1024xf32, #tpu.memory_space<vmem>>, vector<1x1x16xf32>,
        %get3A_643 = vector.shape_cast %get3A_642 : vector<1x1x16xf32> to vector<16xf32>
        %add3A_644 = arith.addf %add3A_636, %get3A_643 : vector<16xf32>
        %get3A_645 = arith.constant 3 : i32
        %get3A_646 = arith.constant 15 : i32
        %get3A_647 = arith.index_cast %get3A_645 : i32 to index
        %get3A_648 = arith.index_cast %get3A_646 : i32 to index
        %get3A_649 = arith.index_cast %add3A_525 : i32 to index
        %get3A_650 = tpu.vector_load %arg4[%get3A_647, %get3A_648, %get3A_649] {strides = array<i32>} : memref<4x24x1024xf32, #tpu.memory_space<vmem>>, vector<1x1x16xf32>,
        %get3A_651 = vector.shape_cast %get3A_650 : vector<1x1x16xf32> to vector<16xf32>
        %add3A_652 = arith.addf %add3A_644, %get3A_651 : vector<16xf32>
        %get3A_653 = arith.constant 3 : i32
        %get3A_654 = arith.constant 16 : i32
        %get3A_655 = arith.index_cast %get3A_653 : i32 to index
        %get3A_656 = arith.index_cast %get3A_654 : i32 to index
        %get3A_657 = arith.index_cast %add3A_525 : i32 to index
        %get3A_658 = tpu.vector_load %arg4[%get3A_655, %get3A_656, %get3A_657] {strides = array<i32>} : memref<4x24x1024xf32, #tpu.memory_space<vmem>>, vector<1x1x16xf32>,
        %get3A_659 = vector.shape_cast %get3A_658 : vector<1x1x16xf32> to vector<16xf32>
        %add3A_660 = arith.addf %add3A_652, %get3A_659 : vector<16xf32>
        %get3A_661 = arith.constant 3 : i32
        %get3A_662 = arith.constant 17 : i32
        %get3A_663 = arith.index_cast %get3A_661 : i32 to index
        %get3A_664 = arith.index_cast %get3A_662 : i32 to index
        %get3A_665 = arith.index_cast %add3A_525 : i32 to index
        %get3A_666 = tpu.vector_load %arg4[%get3A_663, %get3A_664, %get3A_665] {strides = array<i32>} : memref<4x24x1024xf32, #tpu.memory_space<vmem>>, vector<1x1x16xf32>,
        %get3A_667 = vector.shape_cast %get3A_666 : vector<1x1x16xf32> to vector<16xf32>
        %add3A_668 = arith.addf %add3A_660, %get3A_667 : vector<16xf32>
        %get3A_669 = arith.constant 3 : i32
        %get3A_670 = arith.constant 18 : i32
        %get3A_671 = arith.index_cast %get3A_669 : i32 to index
        %get3A_672 = arith.index_cast %get3A_670 : i32 to index
        %get3A_673 = arith.index_cast %add3A_525 : i32 to index
        %get3A_674 = tpu.vector_load %arg4[%get3A_671, %get3A_672, %get3A_673] {strides = array<i32>} : memref<4x24x1024xf32, #tpu.memory_space<vmem>>, vector<1x1x16xf32>,
        %get3A_675 = vector.shape_cast %get3A_674 : vector<1x1x16xf32> to vector<16xf32>
        %add3A_676 = arith.addf %add3A_668, %get3A_675 : vector<16xf32>
        %get3A_677 = arith.constant 3 : i32
        %get3A_678 = arith.constant 19 : i32
        %get3A_679 = arith.index_cast %get3A_677 : i32 to index
        %get3A_680 = arith.index_cast %get3A_678 : i32 to index
        %get3A_681 = arith.index_cast %add3A_525 : i32 to index
        %get3A_682 = tpu.vector_load %arg4[%get3A_679, %get3A_680, %get3A_681] {strides = array<i32>} : memref<4x24x1024xf32, #tpu.memory_space<vmem>>, vector<1x1x16xf32>,
        %get3A_683 = vector.shape_cast %get3A_682 : vector<1x1x16xf32> to vector<16xf32>
        %add3A_684 = arith.addf %add3A_676, %get3A_683 : vector<16xf32>
        %get3A_685 = arith.constant 3 : i32
        %get3A_686 = arith.constant 20 : i32
        %get3A_687 = arith.index_cast %get3A_685 : i32 to index
        %get3A_688 = arith.index_cast %get3A_686 : i32 to index
        %get3A_689 = arith.index_cast %add3A_525 : i32 to index
        %get3A_690 = tpu.vector_load %arg4[%get3A_687, %get3A_688, %get3A_689] {strides = array<i32>} : memref<4x24x1024xf32, #tpu.memory_space<vmem>>, vector<1x1x16xf32>,
        %get3A_691 = vector.shape_cast %get3A_690 : vector<1x1x16xf32> to vector<16xf32>
        %add3A_692 = arith.addf %add3A_684, %get3A_691 : vector<16xf32>
        %get3A_693 = arith.constant 3 : i32
        %get3A_694 = arith.constant 21 : i32
        %get3A_695 = arith.index_cast %get3A_693 : i32 to index
        %get3A_696 = arith.index_cast %get3A_694 : i32 to index
        %get3A_697 = arith.index_cast %add3A_525 : i32 to index
        %get3A_698 = tpu.vector_load %arg4[%get3A_695, %get3A_696, %get3A_697] {strides = array<i32>} : memref<4x24x1024xf32, #tpu.memory_space<vmem>>, vector<1x1x16xf32>,
        %get3A_699 = vector.shape_cast %get3A_698 : vector<1x1x16xf32> to vector<16xf32>
        %add3A_700 = arith.addf %add3A_692, %get3A_699 : vector<16xf32>
        %get3A_701 = arith.constant 3 : i32
        %get3A_702 = arith.constant 22 : i32
        %get3A_703 = arith.index_cast %get3A_701 : i32 to index
        %get3A_704 = arith.index_cast %get3A_702 : i32 to index
        %get3A_705 = arith.index_cast %add3A_525 : i32 to index
        %get3A_706 = tpu.vector_load %arg4[%get3A_703, %get3A_704, %get3A_705] {strides = array<i32>} : memref<4x24x1024xf32, #tpu.memory_space<vmem>>, vector<1x1x16xf32>,
        %get3A_707 = vector.shape_cast %get3A_706 : vector<1x1x16xf32> to vector<16xf32>
        %add3A_708 = arith.addf %add3A_700, %get3A_707 : vector<16xf32>
        %get3A_709 = arith.constant 3 : i32
        %get3A_710 = arith.constant 23 : i32
        %get3A_711 = arith.index_cast %get3A_709 : i32 to index
        %get3A_712 = arith.index_cast %get3A_710 : i32 to index
        %get3A_713 = arith.index_cast %add3A_525 : i32 to index
        %get3A_714 = tpu.vector_load %arg4[%get3A_711, %get3A_712, %get3A_713] {strides = array<i32>} : memref<4x24x1024xf32, #tpu.memory_space<vmem>>, vector<1x1x16xf32>,
        %get3A_715 = vector.shape_cast %get3A_714 : vector<1x1x16xf32> to vector<16xf32>
        %add3A_716 = arith.addf %add3A_708, %get3A_715 : vector<16xf32>
        %swap3A_717 = arith.constant 1 : i32
        %swap3A_718 = arith.index_cast %swap3A_717 : i32 to index
        %swap3A_719 = arith.index_cast %add3A_525 : i32 to index
        %swap3A_720 = tpu.vector_load %arg5[%swap3A_718, %swap3A_719] {strides = array<i32>} : memref<2x1024xf32, #tpu.memory_space<vmem>>, vector<1x16xf32>,
        %swap3A_721 = vector.shape_cast %swap3A_720 : vector<1x16xf32> to vector<16xf32>
        %swap3A_722 = vector.shape_cast %add3A_716 : vector<16xf32> to vector<1x16xf32>
        tpu.vector_store %arg5[%swap3A_718, %swap3A_719], %swap3A_722 {strides = array<i32>} : memref<2x1024xf32, #tpu.memory_space<vmem>>, vector<1x16xf32>,
        %mul3A_723 = arith.constant 64 : i32
        %mul3A_724 = arith.muli %scan3A_322, %mul3A_723 : i32
        %add3A_725 = arith.constant 32 : i32
        %add3A_726 = arith.addi %mul3A_724, %add3A_725 : i32
        %get3A_727 = arith.constant 3 : i32
        %get3A_728 = arith.constant 0 : i32
        %get3A_729 = arith.index_cast %get3A_727 : i32 to index
        %get3A_730 = arith.index_cast %get3A_728 : i32 to index
        %get3A_731 = arith.index_cast %add3A_726 : i32 to index
        %get3A_732 = tpu.vector_load %arg4[%get3A_729, %get3A_730, %get3A_731] {strides = array<i32>} : memref<4x24x1024xf32, #tpu.memory_space<vmem>>, vector<1x1x16xf32>,
        %get3A_733 = vector.shape_cast %get3A_732 : vector<1x1x16xf32> to vector<16xf32>
        %get3A_734 = arith.constant 3 : i32
        %get3A_735 = arith.constant 1 : i32
        %get3A_736 = arith.index_cast %get3A_734 : i32 to index
        %get3A_737 = arith.index_cast %get3A_735 : i32 to index
        %get3A_738 = arith.index_cast %add3A_726 : i32 to index
        %get3A_739 = tpu.vector_load %arg4[%get3A_736, %get3A_737, %get3A_738] {strides = array<i32>} : memref<4x24x1024xf32, #tpu.memory_space<vmem>>, vector<1x1x16xf32>,
        %get3A_740 = vector.shape_cast %get3A_739 : vector<1x1x16xf32> to vector<16xf32>
        %add3A_741 = arith.addf %get3A_733, %get3A_740 : vector<16xf32>
        %get3A_742 = arith.constant 3 : i32
        %get3A_743 = arith.constant 2 : i32
        %get3A_744 = arith.index_cast %get3A_742 : i32 to index
        %get3A_745 = arith.index_cast %get3A_743 : i32 to index
        %get3A_746 = arith.index_cast %add3A_726 : i32 to index
        %get3A_747 = tpu.vector_load %arg4[%get3A_744, %get3A_745, %get3A_746] {strides = array<i32>} : memref<4x24x1024xf32, #tpu.memory_space<vmem>>, vector<1x1x16xf32>,
        %get3A_748 = vector.shape_cast %get3A_747 : vector<1x1x16xf32> to vector<16xf32>
        %add3A_749 = arith.addf %add3A_741, %get3A_748 : vector<16xf32>
        %get3A_750 = arith.constant 3 : i32
        %get3A_751 = arith.constant 3 : i32
        %get3A_752 = arith.index_cast %get3A_750 : i32 to index
        %get3A_753 = arith.index_cast %get3A_751 : i32 to index
        %get3A_754 = arith.index_cast %add3A_726 : i32 to index
        %get3A_755 = tpu.vector_load %arg4[%get3A_752, %get3A_753, %get3A_754] {strides = array<i32>} : memref<4x24x1024xf32, #tpu.memory_space<vmem>>, vector<1x1x16xf32>,
        %get3A_756 = vector.shape_cast %get3A_755 : vector<1x1x16xf32> to vector<16xf32>
        %add3A_757 = arith.addf %add3A_749, %get3A_756 : vector<16xf32>
        %get3A_758 = arith.constant 3 : i32
        %get3A_759 = arith.constant 4 : i32
        %get3A_760 = arith.index_cast %get3A_758 : i32 to index
        %get3A_761 = arith.index_cast %get3A_759 : i32 to index
        %get3A_762 = arith.index_cast %add3A_726 : i32 to index
        %get3A_763 = tpu.vector_load %arg4[%get3A_760, %get3A_761, %get3A_762] {strides = array<i32>} : memref<4x24x1024xf32, #tpu.memory_space<vmem>>, vector<1x1x16xf32>,
        %get3A_764 = vector.shape_cast %get3A_763 : vector<1x1x16xf32> to vector<16xf32>
        %add3A_765 = arith.addf %add3A_757, %get3A_764 : vector<16xf32>
        %get3A_766 = arith.constant 3 : i32
        %get3A_767 = arith.constant 5 : i32
        %get3A_768 = arith.index_cast %get3A_766 : i32 to index
        %get3A_769 = arith.index_cast %get3A_767 : i32 to index
        %get3A_770 = arith.index_cast %add3A_726 : i32 to index
        %get3A_771 = tpu.vector_load %arg4[%get3A_768, %get3A_769, %get3A_770] {strides = array<i32>} : memref<4x24x1024xf32, #tpu.memory_space<vmem>>, vector<1x1x16xf32>,
        %get3A_772 = vector.shape_cast %get3A_771 : vector<1x1x16xf32> to vector<16xf32>
        %add3A_773 = arith.addf %add3A_765, %get3A_772 : vector<16xf32>
        %get3A_774 = arith.constant 3 : i32
        %get3A_775 = arith.constant 6 : i32
        %get3A_776 = arith.index_cast %get3A_774 : i32 to index
        %get3A_777 = arith.index_cast %get3A_775 : i32 to index
        %get3A_778 = arith.index_cast %add3A_726 : i32 to index
        %get3A_779 = tpu.vector_load %arg4[%get3A_776, %get3A_777, %get3A_778] {strides = array<i32>} : memref<4x24x1024xf32, #tpu.memory_space<vmem>>, vector<1x1x16xf32>,
        %get3A_780 = vector.shape_cast %get3A_779 : vector<1x1x16xf32> to vector<16xf32>
        %add3A_781 = arith.addf %add3A_773, %get3A_780 : vector<16xf32>
        %get3A_782 = arith.constant 3 : i32
        %get3A_783 = arith.constant 7 : i32
        %get3A_784 = arith.index_cast %get3A_782 : i32 to index
        %get3A_785 = arith.index_cast %get3A_783 : i32 to index
        %get3A_786 = arith.index_cast %add3A_726 : i32 to index
        %get3A_787 = tpu.vector_load %arg4[%get3A_784, %get3A_785, %get3A_786] {strides = array<i32>} : memref<4x24x1024xf32, #tpu.memory_space<vmem>>, vector<1x1x16xf32>,
        %get3A_788 = vector.shape_cast %get3A_787 : vector<1x1x16xf32> to vector<16xf32>
        %add3A_789 = arith.addf %add3A_781, %get3A_788 : vector<16xf32>
        %get3A_790 = arith.constant 3 : i32
        %get3A_791 = arith.constant 8 : i32
        %get3A_792 = arith.index_cast %get3A_790 : i32 to index
        %get3A_793 = arith.index_cast %get3A_791 : i32 to index
        %get3A_794 = arith.index_cast %add3A_726 : i32 to index
        %get3A_795 = tpu.vector_load %arg4[%get3A_792, %get3A_793, %get3A_794] {strides = array<i32>} : memref<4x24x1024xf32, #tpu.memory_space<vmem>>, vector<1x1x16xf32>,
        %get3A_796 = vector.shape_cast %get3A_795 : vector<1x1x16xf32> to vector<16xf32>
        %add3A_797 = arith.addf %add3A_789, %get3A_796 : vector<16xf32>
        %get3A_798 = arith.constant 3 : i32
        %get3A_799 = arith.constant 9 : i32
        %get3A_800 = arith.index_cast %get3A_798 : i32 to index
        %get3A_801 = arith.index_cast %get3A_799 : i32 to index
        %get3A_802 = arith.index_cast %add3A_726 : i32 to index
        %get3A_803 = tpu.vector_load %arg4[%get3A_800, %get3A_801, %get3A_802] {strides = array<i32>} : memref<4x24x1024xf32, #tpu.memory_space<vmem>>, vector<1x1x16xf32>,
        %get3A_804 = vector.shape_cast %get3A_803 : vector<1x1x16xf32> to vector<16xf32>
        %add3A_805 = arith.addf %add3A_797, %get3A_804 : vector<16xf32>
        %get3A_806 = arith.constant 3 : i32
        %get3A_807 = arith.constant 10 : i32
        %get3A_808 = arith.index_cast %get3A_806 : i32 to index
        %get3A_809 = arith.index_cast %get3A_807 : i32 to index
        %get3A_810 = arith.index_cast %add3A_726 : i32 to index
        %get3A_811 = tpu.vector_load %arg4[%get3A_808, %get3A_809, %get3A_810] {strides = array<i32>} : memref<4x24x1024xf32, #tpu.memory_space<vmem>>, vector<1x1x16xf32>,
        %get3A_812 = vector.shape_cast %get3A_811 : vector<1x1x16xf32> to vector<16xf32>
        %add3A_813 = arith.addf %add3A_805, %get3A_812 : vector<16xf32>
        %get3A_814 = arith.constant 3 : i32
        %get3A_815 = arith.constant 11 : i32
        %get3A_816 = arith.index_cast %get3A_814 : i32 to index
        %get3A_817 = arith.index_cast %get3A_815 : i32 to index
        %get3A_818 = arith.index_cast %add3A_726 : i32 to index
        %get3A_819 = tpu.vector_load %arg4[%get3A_816, %get3A_817, %get3A_818] {strides = array<i32>} : memref<4x24x1024xf32, #tpu.memory_space<vmem>>, vector<1x1x16xf32>,
        %get3A_820 = vector.shape_cast %get3A_819 : vector<1x1x16xf32> to vector<16xf32>
        %add3A_821 = arith.addf %add3A_813, %get3A_820 : vector<16xf32>
        %get3A_822 = arith.constant 3 : i32
        %get3A_823 = arith.constant 12 : i32
        %get3A_824 = arith.index_cast %get3A_822 : i32 to index
        %get3A_825 = arith.index_cast %get3A_823 : i32 to index
        %get3A_826 = arith.index_cast %add3A_726 : i32 to index
        %get3A_827 = tpu.vector_load %arg4[%get3A_824, %get3A_825, %get3A_826] {strides = array<i32>} : memref<4x24x1024xf32, #tpu.memory_space<vmem>>, vector<1x1x16xf32>,
        %get3A_828 = vector.shape_cast %get3A_827 : vector<1x1x16xf32> to vector<16xf32>
        %add3A_829 = arith.addf %add3A_821, %get3A_828 : vector<16xf32>
        %get3A_830 = arith.constant 3 : i32
        %get3A_831 = arith.constant 13 : i32
        %get3A_832 = arith.index_cast %get3A_830 : i32 to index
        %get3A_833 = arith.index_cast %get3A_831 : i32 to index
        %get3A_834 = arith.index_cast %add3A_726 : i32 to index
        %get3A_835 = tpu.vector_load %arg4[%get3A_832, %get3A_833, %get3A_834] {strides = array<i32>} : memref<4x24x1024xf32, #tpu.memory_space<vmem>>, vector<1x1x16xf32>,
        %get3A_836 = vector.shape_cast %get3A_835 : vector<1x1x16xf32> to vector<16xf32>
        %add3A_837 = arith.addf %add3A_829, %get3A_836 : vector<16xf32>
        %get3A_838 = arith.constant 3 : i32
        %get3A_839 = arith.constant 14 : i32
        %get3A_840 = arith.index_cast %get3A_838 : i32 to index
        %get3A_841 = arith.index_cast %get3A_839 : i32 to index
        %get3A_842 = arith.index_cast %add3A_726 : i32 to index
        %get3A_843 = tpu.vector_load %arg4[%get3A_840, %get3A_841, %get3A_842] {strides = array<i32>} : memref<4x24x1024xf32, #tpu.memory_space<vmem>>, vector<1x1x16xf32>,
        %get3A_844 = vector.shape_cast %get3A_843 : vector<1x1x16xf32> to vector<16xf32>
        %add3A_845 = arith.addf %add3A_837, %get3A_844 : vector<16xf32>
        %get3A_846 = arith.constant 3 : i32
        %get3A_847 = arith.constant 15 : i32
        %get3A_848 = arith.index_cast %get3A_846 : i32 to index
        %get3A_849 = arith.index_cast %get3A_847 : i32 to index
        %get3A_850 = arith.index_cast %add3A_726 : i32 to index
        %get3A_851 = tpu.vector_load %arg4[%get3A_848, %get3A_849, %get3A_850] {strides = array<i32>} : memref<4x24x1024xf32, #tpu.memory_space<vmem>>, vector<1x1x16xf32>,
        %get3A_852 = vector.shape_cast %get3A_851 : vector<1x1x16xf32> to vector<16xf32>
        %add3A_853 = arith.addf %add3A_845, %get3A_852 : vector<16xf32>
        %get3A_854 = arith.constant 3 : i32
        %get3A_855 = arith.constant 16 : i32
        %get3A_856 = arith.index_cast %get3A_854 : i32 to index
        %get3A_857 = arith.index_cast %get3A_855 : i32 to index
        %get3A_858 = arith.index_cast %add3A_726 : i32 to index
        %get3A_859 = tpu.vector_load %arg4[%get3A_856, %get3A_857, %get3A_858] {strides = array<i32>} : memref<4x24x1024xf32, #tpu.memory_space<vmem>>, vector<1x1x16xf32>,
        %get3A_860 = vector.shape_cast %get3A_859 : vector<1x1x16xf32> to vector<16xf32>
        %add3A_861 = arith.addf %add3A_853, %get3A_860 : vector<16xf32>
        %get3A_862 = arith.constant 3 : i32
        %get3A_863 = arith.constant 17 : i32
        %get3A_864 = arith.index_cast %get3A_862 : i32 to index
        %get3A_865 = arith.index_cast %get3A_863 : i32 to index
        %get3A_866 = arith.index_cast %add3A_726 : i32 to index
        %get3A_867 = tpu.vector_load %arg4[%get3A_864, %get3A_865, %get3A_866] {strides = array<i32>} : memref<4x24x1024xf32, #tpu.memory_space<vmem>>, vector<1x1x16xf32>,
        %get3A_868 = vector.shape_cast %get3A_867 : vector<1x1x16xf32> to vector<16xf32>
        %add3A_869 = arith.addf %add3A_861, %get3A_868 : vector<16xf32>
        %get3A_870 = arith.constant 3 : i32
        %get3A_871 = arith.constant 18 : i32
        %get3A_872 = arith.index_cast %get3A_870 : i32 to index
        %get3A_873 = arith.index_cast %get3A_871 : i32 to index
        %get3A_874 = arith.index_cast %add3A_726 : i32 to index
        %get3A_875 = tpu.vector_load %arg4[%get3A_872, %get3A_873, %get3A_874] {strides = array<i32>} : memref<4x24x1024xf32, #tpu.memory_space<vmem>>, vector<1x1x16xf32>,
        %get3A_876 = vector.shape_cast %get3A_875 : vector<1x1x16xf32> to vector<16xf32>
        %add3A_877 = arith.addf %add3A_869, %get3A_876 : vector<16xf32>
        %get3A_878 = arith.constant 3 : i32
        %get3A_879 = arith.constant 19 : i32
        %get3A_880 = arith.index_cast %get3A_878 : i32 to index
        %get3A_881 = arith.index_cast %get3A_879 : i32 to index
        %get3A_882 = arith.index_cast %add3A_726 : i32 to index
        %get3A_883 = tpu.vector_load %arg4[%get3A_880, %get3A_881, %get3A_882] {strides = array<i32>} : memref<4x24x1024xf32, #tpu.memory_space<vmem>>, vector<1x1x16xf32>,
        %get3A_884 = vector.shape_cast %get3A_883 : vector<1x1x16xf32> to vector<16xf32>
        %add3A_885 = arith.addf %add3A_877, %get3A_884 : vector<16xf32>
        %get3A_886 = arith.constant 3 : i32
        %get3A_887 = arith.constant 20 : i32
        %get3A_888 = arith.index_cast %get3A_886 : i32 to index
        %get3A_889 = arith.index_cast %get3A_887 : i32 to index
        %get3A_890 = arith.index_cast %add3A_726 : i32 to index
        %get3A_891 = tpu.vector_load %arg4[%get3A_888, %get3A_889, %get3A_890] {strides = array<i32>} : memref<4x24x1024xf32, #tpu.memory_space<vmem>>, vector<1x1x16xf32>,
        %get3A_892 = vector.shape_cast %get3A_891 : vector<1x1x16xf32> to vector<16xf32>
        %add3A_893 = arith.addf %add3A_885, %get3A_892 : vector<16xf32>
        %get3A_894 = arith.constant 3 : i32
        %get3A_895 = arith.constant 21 : i32
        %get3A_896 = arith.index_cast %get3A_894 : i32 to index
        %get3A_897 = arith.index_cast %get3A_895 : i32 to index
        %get3A_898 = arith.index_cast %add3A_726 : i32 to index
        %get3A_899 = tpu.vector_load %arg4[%get3A_896, %get3A_897, %get3A_898] {strides = array<i32>} : memref<4x24x1024xf32, #tpu.memory_space<vmem>>, vector<1x1x16xf32>,
        %get3A_900 = vector.shape_cast %get3A_899 : vector<1x1x16xf32> to vector<16xf32>
        %add3A_901 = arith.addf %add3A_893, %get3A_900 : vector<16xf32>
        %get3A_902 = arith.constant 3 : i32
        %get3A_903 = arith.constant 22 : i32
        %get3A_904 = arith.index_cast %get3A_902 : i32 to index
        %get3A_905 = arith.index_cast %get3A_903 : i32 to index
        %get3A_906 = arith.index_cast %add3A_726 : i32 to index
        %get3A_907 = tpu.vector_load %arg4[%get3A_904, %get3A_905, %get3A_906] {strides = array<i32>} : memref<4x24x1024xf32, #tpu.memory_space<vmem>>, vector<1x1x16xf32>,
        %get3A_908 = vector.shape_cast %get3A_907 : vector<1x1x16xf32> to vector<16xf32>
        %add3A_909 = arith.addf %add3A_901, %get3A_908 : vector<16xf32>
        %get3A_910 = arith.constant 3 : i32
        %get3A_911 = arith.constant 23 : i32
        %get3A_912 = arith.index_cast %get3A_910 : i32 to index
        %get3A_913 = arith.index_cast %get3A_911 : i32 to index
        %get3A_914 = arith.index_cast %add3A_726 : i32 to index
        %get3A_915 = tpu.vector_load %arg4[%get3A_912, %get3A_913, %get3A_914] {strides = array<i32>} : memref<4x24x1024xf32, #tpu.memory_space<vmem>>, vector<1x1x16xf32>,
        %get3A_916 = vector.shape_cast %get3A_915 : vector<1x1x16xf32> to vector<16xf32>
        %add3A_917 = arith.addf %add3A_909, %get3A_916 : vector<16xf32>
        %swap3A_918 = arith.constant 1 : i32
        %swap3A_919 = arith.index_cast %swap3A_918 : i32 to index
        %swap3A_920 = arith.index_cast %add3A_726 : i32 to index
        %swap3A_921 = tpu.vector_load %arg5[%swap3A_919, %swap3A_920] {strides = array<i32>} : memref<2x1024xf32, #tpu.memory_space<vmem>>, vector<1x16xf32>,
        %swap3A_922 = vector.shape_cast %swap3A_921 : vector<1x16xf32> to vector<16xf32>
        %swap3A_923 = vector.shape_cast %add3A_917 : vector<16xf32> to vector<1x16xf32>
        tpu.vector_store %arg5[%swap3A_919, %swap3A_920], %swap3A_923 {strides = array<i32>} : memref<2x1024xf32, #tpu.memory_space<vmem>>, vector<1x16xf32>,
        %mul3A_924 = arith.constant 64 : i32
        %mul3A_925 = arith.muli %scan3A_322, %mul3A_924 : i32
        %add3A_926 = arith.constant 48 : i32
        %add3A_927 = arith.addi %mul3A_925, %add3A_926 : i32
        %get3A_928 = arith.constant 3 : i32
        %get3A_929 = arith.constant 0 : i32
        %get3A_930 = arith.index_cast %get3A_928 : i32 to index
        %get3A_931 = arith.index_cast %get3A_929 : i32 to index
        %get3A_932 = arith.index_cast %add3A_927 : i32 to index
        %get3A_933 = tpu.vector_load %arg4[%get3A_930, %get3A_931, %get3A_932] {strides = array<i32>} : memref<4x24x1024xf32, #tpu.memory_space<vmem>>, vector<1x1x16xf32>,
        %get3A_934 = vector.shape_cast %get3A_933 : vector<1x1x16xf32> to vector<16xf32>
        %get3A_935 = arith.constant 3 : i32
        %get3A_936 = arith.constant 1 : i32
        %get3A_937 = arith.index_cast %get3A_935 : i32 to index
        %get3A_938 = arith.index_cast %get3A_936 : i32 to index
        %get3A_939 = arith.index_cast %add3A_927 : i32 to index
        %get3A_940 = tpu.vector_load %arg4[%get3A_937, %get3A_938, %get3A_939] {strides = array<i32>} : memref<4x24x1024xf32, #tpu.memory_space<vmem>>, vector<1x1x16xf32>,
        %get3A_941 = vector.shape_cast %get3A_940 : vector<1x1x16xf32> to vector<16xf32>
        %add3A_942 = arith.addf %get3A_934, %get3A_941 : vector<16xf32>
        %get3A_943 = arith.constant 3 : i32
        %get3A_944 = arith.constant 2 : i32
        %get3A_945 = arith.index_cast %get3A_943 : i32 to index
        %get3A_946 = arith.index_cast %get3A_944 : i32 to index
        %get3A_947 = arith.index_cast %add3A_927 : i32 to index
        %get3A_948 = tpu.vector_load %arg4[%get3A_945, %get3A_946, %get3A_947] {strides = array<i32>} : memref<4x24x1024xf32, #tpu.memory_space<vmem>>, vector<1x1x16xf32>,
        %get3A_949 = vector.shape_cast %get3A_948 : vector<1x1x16xf32> to vector<16xf32>
        %add3A_950 = arith.addf %add3A_942, %get3A_949 : vector<16xf32>
        %get3A_951 = arith.constant 3 : i32
        %get3A_952 = arith.constant 3 : i32
        %get3A_953 = arith.index_cast %get3A_951 : i32 to index
        %get3A_954 = arith.index_cast %get3A_952 : i32 to index
        %get3A_955 = arith.index_cast %add3A_927 : i32 to index
        %get3A_956 = tpu.vector_load %arg4[%get3A_953, %get3A_954, %get3A_955] {strides = array<i32>} : memref<4x24x1024xf32, #tpu.memory_space<vmem>>, vector<1x1x16xf32>,
        %get3A_957 = vector.shape_cast %get3A_956 : vector<1x1x16xf32> to vector<16xf32>
        %add3A_958 = arith.addf %add3A_950, %get3A_957 : vector<16xf32>
        %get3A_959 = arith.constant 3 : i32
        %get3A_960 = arith.constant 4 : i32
        %get3A_961 = arith.index_cast %get3A_959 : i32 to index
        %get3A_962 = arith.index_cast %get3A_960 : i32 to index
        %get3A_963 = arith.index_cast %add3A_927 : i32 to index
        %get3A_964 = tpu.vector_load %arg4[%get3A_961, %get3A_962, %get3A_963] {strides = array<i32>} : memref<4x24x1024xf32, #tpu.memory_space<vmem>>, vector<1x1x16xf32>,
        %get3A_965 = vector.shape_cast %get3A_964 : vector<1x1x16xf32> to vector<16xf32>
        %add3A_966 = arith.addf %add3A_958, %get3A_965 : vector<16xf32>
        %get3A_967 = arith.constant 3 : i32
        %get3A_968 = arith.constant 5 : i32
        %get3A_969 = arith.index_cast %get3A_967 : i32 to index
        %get3A_970 = arith.index_cast %get3A_968 : i32 to index
        %get3A_971 = arith.index_cast %add3A_927 : i32 to index
        %get3A_972 = tpu.vector_load %arg4[%get3A_969, %get3A_970, %get3A_971] {strides = array<i32>} : memref<4x24x1024xf32, #tpu.memory_space<vmem>>, vector<1x1x16xf32>,
        %get3A_973 = vector.shape_cast %get3A_972 : vector<1x1x16xf32> to vector<16xf32>
        %add3A_974 = arith.addf %add3A_966, %get3A_973 : vector<16xf32>
        %get3A_975 = arith.constant 3 : i32
        %get3A_976 = arith.constant 6 : i32
        %get3A_977 = arith.index_cast %get3A_975 : i32 to index
        %get3A_978 = arith.index_cast %get3A_976 : i32 to index
        %get3A_979 = arith.index_cast %add3A_927 : i32 to index
        %get3A_980 = tpu.vector_load %arg4[%get3A_977, %get3A_978, %get3A_979] {strides = array<i32>} : memref<4x24x1024xf32, #tpu.memory_space<vmem>>, vector<1x1x16xf32>,
        %get3A_981 = vector.shape_cast %get3A_980 : vector<1x1x16xf32> to vector<16xf32>
        %add3A_982 = arith.addf %add3A_974, %get3A_981 : vector<16xf32>
        %get3A_983 = arith.constant 3 : i32
        %get3A_984 = arith.constant 7 : i32
        %get3A_985 = arith.index_cast %get3A_983 : i32 to index
        %get3A_986 = arith.index_cast %get3A_984 : i32 to index
        %get3A_987 = arith.index_cast %add3A_927 : i32 to index
        %get3A_988 = tpu.vector_load %arg4[%get3A_985, %get3A_986, %get3A_987] {strides = array<i32>} : memref<4x24x1024xf32, #tpu.memory_space<vmem>>, vector<1x1x16xf32>,
        %get3A_989 = vector.shape_cast %get3A_988 : vector<1x1x16xf32> to vector<16xf32>
        %add3A_990 = arith.addf %add3A_982, %get3A_989 : vector<16xf32>
        %get3A_991 = arith.constant 3 : i32
        %get3A_992 = arith.constant 8 : i32
        %get3A_993 = arith.index_cast %get3A_991 : i32 to index
        %get3A_994 = arith.index_cast %get3A_992 : i32 to index
        %get3A_995 = arith.index_cast %add3A_927 : i32 to index
        %get3A_996 = tpu.vector_load %arg4[%get3A_993, %get3A_994, %get3A_995] {strides = array<i32>} : memref<4x24x1024xf32, #tpu.memory_space<vmem>>, vector<1x1x16xf32>,
        %get3A_997 = vector.shape_cast %get3A_996 : vector<1x1x16xf32> to vector<16xf32>
        %add3A_998 = arith.addf %add3A_990, %get3A_997 : vector<16xf32>
        %get3A_999 = arith.constant 3 : i32
        %get3A_1000 = arith.constant 9 : i32
        %get3A_1001 = arith.index_cast %get3A_999 : i32 to index
        %get3A_1002 = arith.index_cast %get3A_1000 : i32 to index
        %get3A_1003 = arith.index_cast %add3A_927 : i32 to index
        %get3A_1004 = tpu.vector_load %arg4[%get3A_1001, %get3A_1002, %get3A_1003] {strides = array<i32>} : memref<4x24x1024xf32, #tpu.memory_space<vmem>>, vector<1x1x16xf32>,
        %get3A_1005 = vector.shape_cast %get3A_1004 : vector<1x1x16xf32> to vector<16xf32>
        %add3A_1006 = arith.addf %add3A_998, %get3A_1005 : vector<16xf32>
        %get3A_1007 = arith.constant 3 : i32
        %get3A_1008 = arith.constant 10 : i32
        %get3A_1009 = arith.index_cast %get3A_1007 : i32 to index
        %get3A_1010 = arith.index_cast %get3A_1008 : i32 to index
        %get3A_1011 = arith.index_cast %add3A_927 : i32 to index
        %get3A_1012 = tpu.vector_load %arg4[%get3A_1009, %get3A_1010, %get3A_1011] {strides = array<i32>} : memref<4x24x1024xf32, #tpu.memory_space<vmem>>, vector<1x1x16xf32>,
        %get3A_1013 = vector.shape_cast %get3A_1012 : vector<1x1x16xf32> to vector<16xf32>
        %add3A_1014 = arith.addf %add3A_1006, %get3A_1013 : vector<16xf32>
        %get3A_1015 = arith.constant 3 : i32
        %get3A_1016 = arith.constant 11 : i32
        %get3A_1017 = arith.index_cast %get3A_1015 : i32 to index
        %get3A_1018 = arith.index_cast %get3A_1016 : i32 to index
        %get3A_1019 = arith.index_cast %add3A_927 : i32 to index
        %get3A_1020 = tpu.vector_load %arg4[%get3A_1017, %get3A_1018, %get3A_1019] {strides = array<i32>} : memref<4x24x1024xf32, #tpu.memory_space<vmem>>, vector<1x1x16xf32>,
        %get3A_1021 = vector.shape_cast %get3A_1020 : vector<1x1x16xf32> to vector<16xf32>
        %add3A_1022 = arith.addf %add3A_1014, %get3A_1021 : vector<16xf32>
        %get3A_1023 = arith.constant 3 : i32
        %get3A_1024 = arith.constant 12 : i32
        %get3A_1025 = arith.index_cast %get3A_1023 : i32 to index
        %get3A_1026 = arith.index_cast %get3A_1024 : i32 to index
        %get3A_1027 = arith.index_cast %add3A_927 : i32 to index
        %get3A_1028 = tpu.vector_load %arg4[%get3A_1025, %get3A_1026, %get3A_1027] {strides = array<i32>} : memref<4x24x1024xf32, #tpu.memory_space<vmem>>, vector<1x1x16xf32>,
        %get3A_1029 = vector.shape_cast %get3A_1028 : vector<1x1x16xf32> to vector<16xf32>
        %add3A_1030 = arith.addf %add3A_1022, %get3A_1029 : vector<16xf32>
        %get3A_1031 = arith.constant 3 : i32
        %get3A_1032 = arith.constant 13 : i32
        %get3A_1033 = arith.index_cast %get3A_1031 : i32 to index
        %get3A_1034 = arith.index_cast %get3A_1032 : i32 to index
        %get3A_1035 = arith.index_cast %add3A_927 : i32 to index
        %get3A_1036 = tpu.vector_load %arg4[%get3A_1033, %get3A_1034, %get3A_1035] {strides = array<i32>} : memref<4x24x1024xf32, #tpu.memory_space<vmem>>, vector<1x1x16xf32>,
        %get3A_1037 = vector.shape_cast %get3A_1036 : vector<1x1x16xf32> to vector<16xf32>
        %add3A_1038 = arith.addf %add3A_1030, %get3A_1037 : vector<16xf32>
        %get3A_1039 = arith.constant 3 : i32
        %get3A_1040 = arith.constant 14 : i32
        %get3A_1041 = arith.index_cast %get3A_1039 : i32 to index
        %get3A_1042 = arith.index_cast %get3A_1040 : i32 to index
        %get3A_1043 = arith.index_cast %add3A_927 : i32 to index
        %get3A_1044 = tpu.vector_load %arg4[%get3A_1041, %get3A_1042, %get3A_1043] {strides = array<i32>} : memref<4x24x1024xf32, #tpu.memory_space<vmem>>, vector<1x1x16xf32>,
        %get3A_1045 = vector.shape_cast %get3A_1044 : vector<1x1x16xf32> to vector<16xf32>
        %add3A_1046 = arith.addf %add3A_1038, %get3A_1045 : vector<16xf32>
        %get3A_1047 = arith.constant 3 : i32
        %get3A_1048 = arith.constant 15 : i32
        %get3A_1049 = arith.index_cast %get3A_1047 : i32 to index
        %get3A_1050 = arith.index_cast %get3A_1048 : i32 to index
        %get3A_1051 = arith.index_cast %add3A_927 : i32 to index
        %get3A_1052 = tpu.vector_load %arg4[%get3A_1049, %get3A_1050, %get3A_1051] {strides = array<i32>} : memref<4x24x1024xf32, #tpu.memory_space<vmem>>, vector<1x1x16xf32>,
        %get3A_1053 = vector.shape_cast %get3A_1052 : vector<1x1x16xf32> to vector<16xf32>
        %add3A_1054 = arith.addf %add3A_1046, %get3A_1053 : vector<16xf32>
        %get3A_1055 = arith.constant 3 : i32
        %get3A_1056 = arith.constant 16 : i32
        %get3A_1057 = arith.index_cast %get3A_1055 : i32 to index
        %get3A_1058 = arith.index_cast %get3A_1056 : i32 to index
        %get3A_1059 = arith.index_cast %add3A_927 : i32 to index
        %get3A_1060 = tpu.vector_load %arg4[%get3A_1057, %get3A_1058, %get3A_1059] {strides = array<i32>} : memref<4x24x1024xf32, #tpu.memory_space<vmem>>, vector<1x1x16xf32>,
        %get3A_1061 = vector.shape_cast %get3A_1060 : vector<1x1x16xf32> to vector<16xf32>
        %add3A_1062 = arith.addf %add3A_1054, %get3A_1061 : vector<16xf32>
        %get3A_1063 = arith.constant 3 : i32
        %get3A_1064 = arith.constant 17 : i32
        %get3A_1065 = arith.index_cast %get3A_1063 : i32 to index
        %get3A_1066 = arith.index_cast %get3A_1064 : i32 to index
        %get3A_1067 = arith.index_cast %add3A_927 : i32 to index
        %get3A_1068 = tpu.vector_load %arg4[%get3A_1065, %get3A_1066, %get3A_1067] {strides = array<i32>} : memref<4x24x1024xf32, #tpu.memory_space<vmem>>, vector<1x1x16xf32>,
        %get3A_1069 = vector.shape_cast %get3A_1068 : vector<1x1x16xf32> to vector<16xf32>
        %add3A_1070 = arith.addf %add3A_1062, %get3A_1069 : vector<16xf32>
        %get3A_1071 = arith.constant 3 : i32
        %get3A_1072 = arith.constant 18 : i32
        %get3A_1073 = arith.index_cast %get3A_1071 : i32 to index
        %get3A_1074 = arith.index_cast %get3A_1072 : i32 to index
        %get3A_1075 = arith.index_cast %add3A_927 : i32 to index
        %get3A_1076 = tpu.vector_load %arg4[%get3A_1073, %get3A_1074, %get3A_1075] {strides = array<i32>} : memref<4x24x1024xf32, #tpu.memory_space<vmem>>, vector<1x1x16xf32>,
        %get3A_1077 = vector.shape_cast %get3A_1076 : vector<1x1x16xf32> to vector<16xf32>
        %add3A_1078 = arith.addf %add3A_1070, %get3A_1077 : vector<16xf32>
        %get3A_1079 = arith.constant 3 : i32
        %get3A_1080 = arith.constant 19 : i32
        %get3A_1081 = arith.index_cast %get3A_1079 : i32 to index
        %get3A_1082 = arith.index_cast %get3A_1080 : i32 to index
        %get3A_1083 = arith.index_cast %add3A_927 : i32 to index
        %get3A_1084 = tpu.vector_load %arg4[%get3A_1081, %get3A_1082, %get3A_1083] {strides = array<i32>} : memref<4x24x1024xf32, #tpu.memory_space<vmem>>, vector<1x1x16xf32>,
        %get3A_1085 = vector.shape_cast %get3A_1084 : vector<1x1x16xf32> to vector<16xf32>
        %add3A_1086 = arith.addf %add3A_1078, %get3A_1085 : vector<16xf32>
        %get3A_1087 = arith.constant 3 : i32
        %get3A_1088 = arith.constant 20 : i32
        %get3A_1089 = arith.index_cast %get3A_1087 : i32 to index
        %get3A_1090 = arith.index_cast %get3A_1088 : i32 to index
        %get3A_1091 = arith.index_cast %add3A_927 : i32 to index
        %get3A_1092 = tpu.vector_load %arg4[%get3A_1089, %get3A_1090, %get3A_1091] {strides = array<i32>} : memref<4x24x1024xf32, #tpu.memory_space<vmem>>, vector<1x1x16xf32>,
        %get3A_1093 = vector.shape_cast %get3A_1092 : vector<1x1x16xf32> to vector<16xf32>
        %add3A_1094 = arith.addf %add3A_1086, %get3A_1093 : vector<16xf32>
        %get3A_1095 = arith.constant 3 : i32
        %get3A_1096 = arith.constant 21 : i32
        %get3A_1097 = arith.index_cast %get3A_1095 : i32 to index
        %get3A_1098 = arith.index_cast %get3A_1096 : i32 to index
        %get3A_1099 = arith.index_cast %add3A_927 : i32 to index
        %get3A_1100 = tpu.vector_load %arg4[%get3A_1097, %get3A_1098, %get3A_1099] {strides = array<i32>} : memref<4x24x1024xf32, #tpu.memory_space<vmem>>, vector<1x1x16xf32>,
        %get3A_1101 = vector.shape_cast %get3A_1100 : vector<1x1x16xf32> to vector<16xf32>
        %add3A_1102 = arith.addf %add3A_1094, %get3A_1101 : vector<16xf32>
        %get3A_1103 = arith.constant 3 : i32
        %get3A_1104 = arith.constant 22 : i32
        %get3A_1105 = arith.index_cast %get3A_1103 : i32 to index
        %get3A_1106 = arith.index_cast %get3A_1104 : i32 to index
        %get3A_1107 = arith.index_cast %add3A_927 : i32 to index
        %get3A_1108 = tpu.vector_load %arg4[%get3A_1105, %get3A_1106, %get3A_1107] {strides = array<i32>} : memref<4x24x1024xf32, #tpu.memory_space<vmem>>, vector<1x1x16xf32>,
        %get3A_1109 = vector.shape_cast %get3A_1108 : vector<1x1x16xf32> to vector<16xf32>
        %add3A_1110 = arith.addf %add3A_1102, %get3A_1109 : vector<16xf32>
        %get3A_1111 = arith.constant 3 : i32
        %get3A_1112 = arith.constant 23 : i32
        %get3A_1113 = arith.index_cast %get3A_1111 : i32 to index
        %get3A_1114 = arith.index_cast %get3A_1112 : i32 to index
        %get3A_1115 = arith.index_cast %add3A_927 : i32 to index
        %get3A_1116 = tpu.vector_load %arg4[%get3A_1113, %get3A_1114, %get3A_1115] {strides = array<i32>} : memref<4x24x1024xf32, #tpu.memory_space<vmem>>, vector<1x1x16xf32>,
        %get3A_1117 = vector.shape_cast %get3A_1116 : vector<1x1x16xf32> to vector<16xf32>
        %add3A_1118 = arith.addf %add3A_1110, %get3A_1117 : vector<16xf32>
        %swap3A_1119 = arith.constant 1 : i32
        %swap3A_1120 = arith.index_cast %swap3A_1119 : i32 to index
        %swap3A_1121 = arith.index_cast %add3A_927 : i32 to index
        %swap3A_1122 = tpu.vector_load %arg5[%swap3A_1120, %swap3A_1121] {strides = array<i32>} : memref<2x1024xf32, #tpu.memory_space<vmem>>, vector<1x16xf32>,
        %swap3A_1123 = vector.shape_cast %swap3A_1122 : vector<1x16xf32> to vector<16xf32>
        %swap3A_1124 = vector.shape_cast %add3A_1118 : vector<16xf32> to vector<1x16xf32>
        tpu.vector_store %arg5[%swap3A_1120, %swap3A_1121], %swap3A_1124 {strides = array<i32>} : memref<2x1024xf32, #tpu.memory_space<vmem>>, vector<1x16xf32>,
      }
      %scan3A_300 = arith.constant 16 : i32
      %add3A_301 = arith.addi %mul3A_2, %add3A_271 : i32
      %dma_start3A_302 = arith.constant 1 : i32
      %dma_start3A_303 = arith.constant 0 : i32
      %dma_start3A_304 = tpu.memref_slice %arg5[%dma_start3A_302, %dma_start3A_303] : memref<2x1024xf32, #tpu.memory_space<vmem>> -> memref<1x1024xf32, #tpu.memory_space<vmem>>
      %dma_start3A_305 = tpu.memref_squeeze %dma_start3A_304 : memref<1x1024xf32, #tpu.memory_space<vmem>> -> memref<1024xf32, #tpu.memory_space<vmem>>
      %dma_start3A_306 = arith.constant 0 : i32
      %dma_start3A_307 = tpu.memref_slice %arg3[%add3A_301, %dma_start3A_306] : memref<1024x1024xf32, #tpu.memory_space<hbm>> -> memref<1x1024xf32, #tpu.memory_space<hbm>>
      %dma_start3A_308 = tpu.memref_squeeze %dma_start3A_307 : memref<1x1024xf32, #tpu.memory_space<hbm>> -> memref<1024xf32, #tpu.memory_space<hbm>>
      %dma_start3A_309 = arith.constant 0 : i32
      %dma_start3A_310 = tpu.memref_slice %arg3[%add3A_301, %dma_start3A_309] : memref<1024x1024xf32, #tpu.memory_space<hbm>> -> memref<1x1024xf32, #tpu.memory_space<hbm>>
      %dma_start3A_311 = tpu.memref_squeeze %dma_start3A_310 : memref<1x1024xf32, #tpu.memory_space<hbm>> -> memref<1024xf32, #tpu.memory_space<hbm>>
      %dma_start3A_312 = arith.constant 0 : i32
      %dma_start3A_313 = tpu.memref_slice %arg5[%dma_start3A_302, %dma_start3A_312] : memref<2x1024xf32, #tpu.memory_space<vmem>> -> memref<1x1024xf32, #tpu.memory_space<vmem>>
      %dma_start3A_314 = tpu.memref_squeeze %dma_start3A_313 : memref<1x1024xf32, #tpu.memory_space<vmem>> -> memref<1024xf32, #tpu.memory_space<vmem>>
      tpu.enqueue_dma source(%dma_start3A_314 : memref<1024xf32, #tpu.memory_space<vmem>>) target(%dma_start3A_311 : memref<1024xf32, #tpu.memory_space<hbm>>) target_semaphore(%arg11 : memref<!tpu.dma_semaphore, #tpu.memory_space<semaphore_mem>>)
      %add3A_315 = arith.constant 4 : i32
      %add3A_316 = arith.addi %add3A_271, %add3A_315 : i32
      %lt3A_317 = arith.constant 32 : i32
      %lt3A_318 = arith.cmpi slt, %add3A_316, %lt3A_317 : i32
      %convert_element_type3A_319 = arith.extui %lt3A_318 : i1 to i32
      %cond3A_320 = arith.constant 0 : i32
      %cond3A_321 = arith.cmpi ne, %convert_element_type3A_319, %cond3A_320 : i32
      scf.if %cond3A_321 {
        %add3A_322 = arith.addi %mul3A_2, %add3A_271 : i32
        %add3A_323 = arith.constant 4 : i32
        %add3A_324 = arith.addi %add3A_322, %add3A_323 : i32
        %dma_start3A_325 = arith.constant 3 : i32
        %dma_start3A_326 = arith.constant 0 : i32
        %dma_start3A_327 = arith.constant 0 : i32
        %dma_start3A_328 = tpu.memref_slice %arg4[%dma_start3A_325, %dma_start3A_326, %dma_start3A_327] : memref<4x24x1024xf32, #tpu.memory_space<vmem>> -> memref<1x24x1024xf32, #tpu.memory_space<vmem>>
        %dma_start3A_329 = tpu.memref_squeeze %dma_start3A_328 : memref<1x24x1024xf32, #tpu.memory_space<vmem>> -> memref<24x1024xf32, #tpu.memory_space<vmem>>
        %dma_start3A_330 = arith.constant 0 : i32
        %dma_start3A_331 = arith.constant 0 : i32
        %dma_start3A_332 = tpu.memref_slice %arg2[%add3A_324, %dma_start3A_330, %dma_start3A_331] : memref<1024x24x1024xf32, #tpu.memory_space<hbm>> -> memref<1x24x1024xf32, #tpu.memory_space<hbm>>
        %dma_start3A_333 = tpu.memref_squeeze %dma_start3A_332 : memref<1x24x1024xf32, #tpu.memory_space<hbm>> -> memref<24x1024xf32, #tpu.memory_space<hbm>>
        %dma_start3A_334 = arith.constant 0 : i32
        %dma_start3A_335 = arith.constant 0 : i32
        %dma_start3A_336 = tpu.memref_slice %arg4[%dma_start3A_325, %dma_start3A_334, %dma_start3A_335] : memref<4x24x1024xf32, #tpu.memory_space<vmem>> -> memref<1x24x1024xf32, #tpu.memory_space<vmem>>
        %dma_start3A_337 = tpu.memref_squeeze %dma_start3A_336 : memref<1x24x1024xf32, #tpu.memory_space<vmem>> -> memref<24x1024xf32, #tpu.memory_space<vmem>>
        %dma_start3A_338 = arith.constant 0 : i32
        %dma_start3A_339 = arith.constant 0 : i32
        %dma_start3A_340 = tpu.memref_slice %arg2[%add3A_324, %dma_start3A_338, %dma_start3A_339] : memref<1024x24x1024xf32, #tpu.memory_space<hbm>> -> memref<1x24x1024xf32, #tpu.memory_space<hbm>>
        %dma_start3A_341 = tpu.memref_squeeze %dma_start3A_340 : memref<1x24x1024xf32, #tpu.memory_space<hbm>> -> memref<24x1024xf32, #tpu.memory_space<hbm>>
        tpu.enqueue_dma source(%dma_start3A_341 : memref<24x1024xf32, #tpu.memory_space<hbm>>) target(%dma_start3A_337 : memref<24x1024xf32, #tpu.memory_space<vmem>>) target_semaphore(%arg9 : memref<!tpu.dma_semaphore, #tpu.memory_space<semaphore_mem>>)
      } else {
      }
    }
    %scan3A_82 = arith.constant 8 : i32
    %add3A_83 = arith.constant 32 : i32
    %add3A_84 = arith.addi %mul3A_2, %add3A_83 : i32
    %sub3A = arith.constant 2 : i32
    %sub3A_85 = arith.subi %add3A_84, %sub3A : i32
    %dma_wait3A = arith.constant 0 : i32
    %dma_wait3A_86 = arith.constant 0 : i32
    %dma_wait3A_87 = tpu.memref_slice %arg5[%dma_wait3A, %dma_wait3A_86] : memref<2x1024xf32, #tpu.memory_space<vmem>> -> memref<1x1024xf32, #tpu.memory_space<vmem>>
    %dma_wait3A_88 = tpu.memref_squeeze %dma_wait3A_87 : memref<1x1024xf32, #tpu.memory_space<vmem>> -> memref<1024xf32, #tpu.memory_space<vmem>>
    %dma_wait3A_89 = arith.constant 0 : i32
    %dma_wait3A_90 = tpu.memref_slice %arg3[%sub3A_85, %dma_wait3A_89] : memref<1024x1024xf32, #tpu.memory_space<hbm>> -> memref<1x1024xf32, #tpu.memory_space<hbm>>
    %dma_wait3A_91 = tpu.memref_squeeze %dma_wait3A_90 : memref<1x1024xf32, #tpu.memory_space<hbm>> -> memref<1024xf32, #tpu.memory_space<hbm>>
    %dma_wait3A_92 = arith.constant 0 : i32
    %dma_wait3A_93 = tpu.memref_slice %arg3[%sub3A_85, %dma_wait3A_92] : memref<1024x1024xf32, #tpu.memory_space<hbm>> -> memref<1x1024xf32, #tpu.memory_space<hbm>>
    %dma_wait3A_94 = tpu.memref_squeeze %dma_wait3A_93 : memref<1x1024xf32, #tpu.memory_space<hbm>> -> memref<1024xf32, #tpu.memory_space<hbm>>
    %dma_wait3A_95 = arith.constant 0 : i32
    %dma_wait3A_96 = tpu.memref_slice %arg5[%dma_wait3A, %dma_wait3A_95] : memref<2x1024xf32, #tpu.memory_space<vmem>> -> memref<1x1024xf32, #tpu.memory_space<vmem>>
    %dma_wait3A_97 = tpu.memref_squeeze %dma_wait3A_96 : memref<1x1024xf32, #tpu.memory_space<vmem>> -> memref<1024xf32, #tpu.memory_space<vmem>>
    tpu.wait_dma2 semaphore(%arg10 : memref<!tpu.dma_semaphore, #tpu.memory_space<semaphore_mem>>) src(%dma_wait3A_97 : memref<1024xf32, #tpu.memory_space<vmem>>) dst(%dma_wait3A_94 : memref<1024xf32, #tpu.memory_space<hbm>>)
    %add3A_98 = arith.constant 32 : i32
    %add3A_99 = arith.addi %mul3A_2, %add3A_98 : i32
    %sub3A_100 = arith.constant 1 : i32
    %sub3A_101 = arith.subi %add3A_99, %sub3A_100 : i32
    %dma_wait3A_102 = arith.constant 1 : i32
    %dma_wait3A_103 = arith.constant 0 : i32
    %dma_wait3A_104 = tpu.memref_slice %arg5[%dma_wait3A_102, %dma_wait3A_103] : memref<2x1024xf32, #tpu.memory_space<vmem>> -> memref<1x1024xf32, #tpu.memory_space<vmem>>
    %dma_wait3A_105 = tpu.memref_squeeze %dma_wait3A_104 : memref<1x1024xf32, #tpu.memory_space<vmem>> -> memref<1024xf32, #tpu.memory_space<vmem>>
    %dma_wait3A_106 = arith.constant 0 : i32
    %dma_wait3A_107 = tpu.memref_slice %arg3[%sub3A_101, %dma_wait3A_106] : memref<1024x1024xf32, #tpu.memory_space<hbm>> -> memref<1x1024xf32, #tpu.memory_space<hbm>>
    %dma_wait3A_108 = tpu.memref_squeeze %dma_wait3A_107 : memref<1x1024xf32, #tpu.memory_space<hbm>> -> memref<1024xf32, #tpu.memory_space<hbm>>
    %dma_wait3A_109 = arith.constant 0 : i32
    %dma_wait3A_110 = tpu.memref_slice %arg3[%sub3A_101, %dma_wait3A_109] : memref<1024x1024xf32, #tpu.memory_space<hbm>> -> memref<1x1024xf32, #tpu.memory_space<hbm>>
    %dma_wait3A_111 = tpu.memref_squeeze %dma_wait3A_110 : memref<1x1024xf32, #tpu.memory_space<hbm>> -> memref<1024xf32, #tpu.memory_space<hbm>>
    %dma_wait3A_112 = arith.constant 0 : i32
    %dma_wait3A_113 = tpu.memref_slice %arg5[%dma_wait3A_102, %dma_wait3A_112] : memref<2x1024xf32, #tpu.memory_space<vmem>> -> memref<1x1024xf32, #tpu.memory_space<vmem>>
    %dma_wait3A_114 = tpu.memref_squeeze %dma_wait3A_113 : memref<1x1024xf32, #tpu.memory_space<vmem>> -> memref<1024xf32, #tpu.memory_space<vmem>>
    tpu.wait_dma2 semaphore(%arg11 : memref<!tpu.dma_semaphore, #tpu.memory_space<semaphore_mem>>) src(%dma_wait3A_114 : memref<1024xf32, #tpu.memory_space<vmem>>) dst(%dma_wait3A_111 : memref<1024xf32, #tpu.memory_space<hbm>>)
    return
  }
}

module attributes {stable_mosaic.version = 14 : i64} {
  func.func @_lang_body(%arg0: i32, %arg1: memref<256x1024xf32, #tpu.memory_space<vmem>>, %arg2: memref<256x1xf32, #tpu.memory_space<vmem>>, %arg3: memref<1024x1024xf32, #tpu.memory_space<vmem>>, %arg4: memref<1x1024xf32, #tpu.memory_space<vmem>>, %arg5: memref<256x1024xf32, #tpu.memory_space<vmem>>) attributes {dimension_semantics = [#tpu.dimension_semantics<arbitrary>], iteration_bounds = array<i64: 4>, scalar_prefetch = 0 : i64, scratch_operands = 0 : i64, tpu.core_type = #tpu.core_type<tc>, window_params = [{transform_indices = @transform_0, window_bounds = array<i64: 256, 1024>}, {transform_indices = @transform_1, window_bounds = array<i64: 256, 1>}, {pipeline_mode = #tpu.pipeline_mode<synchronous>, transform_indices = @transform_2, window_bounds = array<i64: 1024, 1024>}, {pipeline_mode = #tpu.pipeline_mode<synchronous>, transform_indices = @transform_3, window_bounds = array<i64: 1, 1024>}, {transform_indices = @transform_4, window_bounds = array<i64: 256, 1024>}]} {
    %get3A = arith.constant 0 : index
    %get3A_0 = arith.constant 0 : index
    %get3A_1 = vector.load %arg1[%get3A, %get3A_0] : memref<256x1024xf32, #tpu.memory_space<vmem>>, vector<256x1024xf32>
    %get3A_2 = arith.constant 0 : index
    %get3A_3 = arith.constant 0 : index
    %get3A_4 = vector.load %arg2[%get3A_2, %get3A_3] : memref<256x1xf32, #tpu.memory_space<vmem>>, vector<256x1xf32>
    %mul3A = vector.broadcast %get3A_4 : vector<256x1xf32> to vector<256x1024xf32>
    %mul3A_5 = arith.mulf %get3A_1, %mul3A : vector<256x1024xf32>
    %get3A_6 = arith.constant 0 : index
    %get3A_7 = arith.constant 0 : index
    %get3A_8 = vector.load %arg3[%get3A_6, %get3A_7] : memref<1024x1024xf32, #tpu.memory_space<vmem>>, vector<1024x1024xf32>
    %dot_general3A = arith.constant dense<0.000000e+00> : vector<256x1024xf32>
    %dot_general3A_9 = tpu.matmul %mul3A_5, %get3A_8, %dot_general3A {dimension_numbers = #tpu.dot_dimension_numbers<[1], [1], [0], [0], [0, 0, 1, 0], [], []>, transpose_lhs_hint = false} : vector<256x1024xf32>, vector<1024x1024xf32>, vector<256x1024xf32> -> vector<256x1024xf32>
    %get3A_10 = arith.constant 0 : index
    %get3A_11 = arith.constant 0 : index
    %get3A_12 = vector.load %arg4[%get3A_10, %get3A_11] : memref<1x1024xf32, #tpu.memory_space<vmem>>, vector<1x1024xf32>
    %add3A = vector.broadcast %get3A_12 : vector<1x1024xf32> to vector<256x1024xf32>
    %add3A_13 = arith.addf %dot_general3A_9, %add3A : vector<256x1024xf32>
    %swap3A = arith.constant 0 : index
    %swap3A_14 = arith.constant 0 : index
    %swap3A_15 = vector.load %arg5[%swap3A, %swap3A_14] : memref<256x1024xf32, #tpu.memory_space<vmem>>, vector<256x1024xf32>
    tpu.vector_store %arg5[%swap3A, %swap3A_14], %add3A_13 {strides = array<i32>} : memref<256x1024xf32, #tpu.memory_space<vmem>>, vector<256x1024xf32>,
    return
  }
  func.func @transform_0(%arg0: i32) -> (i32, i32) {
    %c0_i32 = arith.constant 0 : i32
    %c0_i32_0 = arith.constant 0 : i32
    return %arg0, %c0_i32 : i32, i32
  }
  func.func @transform_1(%arg0: i32) -> (i32, i32) {
    %c0_i32 = arith.constant 0 : i32
    %c0_i32_0 = arith.constant 0 : i32
    return %arg0, %c0_i32 : i32, i32
  }
  func.func @transform_2(%arg0: i32) -> (i32, i32) {
    %c0_i32 = arith.constant 0 : i32
    %c0_i32_0 = arith.constant 0 : i32
    %c0_i32_1 = arith.constant 0 : i32
    return %c0_i32, %c0_i32_0 : i32, i32
  }
  func.func @transform_3(%arg0: i32) -> (i32, i32) {
    %c0_i32 = arith.constant 0 : i32
    %c0_i32_0 = arith.constant 0 : i32
    %c0_i32_1 = arith.constant 0 : i32
    return %c0_i32, %c0_i32_0 : i32, i32
  }
  func.func @transform_4(%arg0: i32) -> (i32, i32) {
    %c0_i32 = arith.constant 0 : i32
    %c0_i32_0 = arith.constant 0 : i32
    return %arg0, %c0_i32 : i32, i32
  }
}

</mosaic_0001>

<sc_bundles>
// kernel: kernel.4.cloned.1.call-start
scs
__scs_entry_jumppad:
0x0: {  	(pc) =	sbr.rel $0x88, $3  }
0x1: {  	(tag) =	ssettag $0x0;
	lr =	simm.s32 $0x1  }
0x2: {  	[smem:$0x3F9A] =	sst lr;
	_ =	strace $0xD0000000  }
0x3: {  	_ = 	snop  }
0x4: {  	_ = 	snop  }
0x5: {  	_ = 	snop  }
0x6: {  	_ = 	snop  }
0x7: {  	_ = 	snop  }
__scs_overlays_trampoline_lowered:
0x8: {  	[smem:$0x3FA9] =	sst s0  }
0x9: {  	[smem:$0x3FAA] =	sst s1  }
0xa: {  	[smem:$0x3FAB] =	sst s2  }
0xb: {  	[smem:$0x3FAC] =	sst s3  }
0xc: {  	[smem:$0x3FAD] =	sst s4  }
0xd: {  	[smem:$0x3FAE] =	sst s5  }
0xe: {  	[smem:$0x3FAF] =	sst s6  }
0xf: {  	[smem:$0x3FB0] =	sst s7  }
0x10: {  	[smem:$0x3FB1] =	sst s8  }
0x11: {  	[smem:$0x3FB2] =	sst s9;
	s0 =	simm.s32 @!p0 $0x0  }
0x12: {  	s1 =	sld [smem:$0x3F98];
	s0 =	simm.s32 @p0 $0x1  }
0x13: {  	[smem:$0x3FB3] =	sst s0;
	s0 =	simm.s32 @!p1 $0x0  }
0x14: {  	s2 =	sld [smem:$0x3F97];
	s0 =	simm.s32 @p1 $0x1  }
0x15: {  	[smem:$0x3FB4] =	sst s0;
	s0 =	simm.s32 @!p2 $0x0  }
0x16: {  	s3 =	sld [smem:$0x3FDB];
	s0 =	simm.s32 @p2 $0x1  }
0x17: {  	s4 =	simm.s32 $0x1BF5;
	[smem:$0x3FB6] =	sst s0  }
0x18: {  	s0 =	sld [smem:$0x3F99];
	_ =	swait.ge [sflag:s4], $0x0  }
0x19: {  	s7 =	sld [smem:$0x3F9A]  }
0x1a: {  	s8 =	sadd.s32 $0xFFFFE003, lr  }
0x1b: {  	s9 =	sadd.s32 $0xFFFFFEF7, lr;
	s5 =	simm.s32 $0xFFFFFFFF;
	p2 =	slt.u32 s8, $0xFFFFF086  }
0x1c: {  	p1 =	slt.u32 s9, $0xF7A;
	s5 =	simm.s32 @!p2 $0x0  }
0x1d: {  	s5 =	simm.s32 @p1 $0x1;
	p0 =	seq.s32 s7, s2  }
0x1e: {  	s7 =	smul.u32 @!p0 $0xF7A, s2;
	p2 =	seq.s32 @!p0 s5, $0x0  }
0x1f: {  	s9 =	smul.u32 $0xF7A, s1;
	s8 =	simm.s32 @!p0 $0x1BF5;
	p2 =	por !p2, p0  }
0x20: {  	[sflag:s8] =	ssyncset.s32 @!p0 $0xFFFFF086;
	s6 =	sadd.s32 @!p0 s3, s7;
	s7 =	simm.s32 @!p0 $0x108  }
0x21: {  	s3 =	sadd.s32 s3, s9;
	s6 =	sadd.s32 @!p0 $0x88, s6;
	s7 =	simm.s32 @p2 $0x1082  }
0x22: {  	[simem:s7], [sflag:s8] =	dma.local @!p0 [hbm:s6], $0xF7A  }
0x23: {  	s9 =	sor.u32 $0xD0000000, s2;
	s6 =	simm.s32 $0x108;
	_ =	swait.ge @!p0 [sflag:s8], $0x0  }
0x24: {  	s3 =	sadd.s32 $0x88, s3;
	s6 =	simm.s32 @!p1 $0x1082;
	[sflag:s4] =	ssyncset.s32 $0xFFFFF086  }
0x25: {  	[simem:s6], [sflag:s4] =	dma.local [hbm:s3], $0xF7A  }
0x26: {  	[smem:$0x3F9A] =	sst s1;
	(tag) =	ssettag s2;
	_ =	strace s9  }
0x27: {  	s1 =	sld [smem:$0x3FAA]  }
0x28: {  	s2 =	sld [smem:$0x3FAB]  }
0x29: {  	s4 =	sld [smem:$0x3FAD]  }
0x2a: {  	p0 =	seq.s32 s5, $0x0;
	s5 =	sld [smem:$0x3FAE]  }
0x2b: {  	s6 =	sld [smem:$0x3FAF]  }
0x2c: {  	s7 =	sld [smem:$0x3FB0]  }
0x2d: {  	s3 =	simm.s32 $0x108;
	s8 =	sld [smem:$0x3FB1]  }
0x2e: {  	s3 =	simm.s32 @!p0 $0x1082;
	s9 =	sld [smem:$0x3FB2]  }
0x2f: {  	lr =	sadd.s32 s0, s3;
	s0 =	sld [smem:$0x3FA9]  }
0x30: {  	s3 =	sld [smem:$0x3FAC]  }
0x31: {  	[smem:$0x3FB5] =	sst s10  }
0x32: {  	s10 =	sld [smem:$0x3FB3];
	_ =	sdelay $0x3  }
0x33: {  	p0 =	seq.s32 s10, $0x1;
	s10 =	sld [smem:$0x3FB5];
	_ =	sdelay $0x3  }
0x34: {  	[smem:$0x3FB5] =	sst s10  }
0x35: {  	s10 =	sld [smem:$0x3FB4];
	_ =	sdelay $0x3  }
0x36: {  	p1 =	seq.s32 s10, $0x1;
	s10 =	sld [smem:$0x3FB5];
	_ =	sdelay $0x3  }
0x37: {  	[smem:$0x3FB5] =	sst s10  }
0x38: {  	s10 =	sld [smem:$0x3FB6]  }
0x39: {  	_ = 	snop;
	(pc) =	sbr.ind lr, $3  }
0x3a: {  	_ = 	snop  }
0x3b: {  	_ = 	snop  }
0x3c: {  	p2 =	seq.s32 s10, $0x1;
	s10 =	sld [smem:$0x3FB5]  }
0x3d: {  	_ =	shalt  }
0x3e: {  	_ =	shalt  }
0x3f: {  	_ =	shalt  }
0x40: {  	_ =	shalt  }
0x41: {  	_ =	shalt  }
0x42: {  	_ =	shalt  }
0x43: {  	_ =	shalt  }
0x44: {  	_ =	shalt  }
0x45: {  	_ =	shalt  }
0x46: {  	_ =	shalt  }
0x47: {  	_ =	shalt  }
0x48: {  	_ =	shalt  }
0x49: {  	_ =	shalt  }
0x4a: {  	_ =	shalt  }
0x4b: {  	_ =	shalt  }
0x4c: {  	_ =	shalt  }
0x4d: {  	_ =	shalt  }
0x4e: {  	_ =	shalt  }
0x4f: {  	_ =	shalt  }
0x50: {  	_ =	shalt  }
0x51: {  	_ =	shalt  }
0x52: {  	_ =	shalt  }
0x53: {  	_ =	shalt  }
0x54: {  	_ =	shalt  }
0x55: {  	_ =	shalt  }
0x56: {  	_ =	shalt  }
0x57: {  	_ =	shalt  }
0x58: {  	_ =	shalt  }
0x59: {  	_ =	shalt  }
0x5a: {  	_ =	shalt  }
0x5b: {  	_ =	shalt  }
0x5c: {  	_ =	shalt  }
0x5d: {  	_ =	shalt  }
0x5e: {  	_ =	shalt  }
0x5f: {  	_ =	shalt  }
0x60: {  	_ =	shalt  }
0x61: {  	_ =	shalt  }
0x62: {  	_ =	shalt  }
0x63: {  	_ =	shalt  }
0x64: {  	_ =	shalt  }
0x65: {  	_ =	shalt  }
0x66: {  	_ =	shalt  }
0x67: {  	_ =	shalt  }
0x68: {  	_ =	shalt  }
0x69: {  	_ =	shalt  }
0x6a: {  	_ =	shalt  }
0x6b: {  	_ =	shalt  }
0x6c: {  	_ =	shalt  }
0x6d: {  	_ =	shalt  }
0x6e: {  	_ =	shalt  }
0x6f: {  	_ =	shalt  }
0x70: {  	_ =	shalt  }
0x71: {  	_ =	shalt  }
0x72: {  	_ =	shalt  }
0x73: {  	_ =	shalt  }
0x74: {  	_ =	shalt  }
0x75: {  	_ =	shalt  }
0x76: {  	_ =	shalt  }
0x77: {  	_ =	shalt  }
0x78: {  	_ =	shalt  }
0x79: {  	_ =	shalt  }
0x7a: {  	_ =	shalt  }
0x7b: {  	_ =	shalt  }
0x7c: {  	_ =	shalt  }
0x7d: {  	_ =	shalt  }
0x7e: {  	_ =	shalt  }
0x7f: {  	_ =	shalt  }
0x80: {  	_ =	shalt  }
0x81: {  	_ =	shalt  }
0x82: {  	_ =	shalt  }
0x83: {  	_ =	shalt  }
0x84: {  	_ =	shalt  }
0x85: {  	_ =	shalt  }
0x86: {  	_ =	shalt  }
0x87: {  	_ =	shalt  }
.Lfunc_end0:
.L_simem_size_0:
called_computation_lowered:
.L_overlay_start_0:
0x88: {  	s2 =	sld [smem:$0x3FD9]  }
0x89: {  	s3 =	sld [smem:$0x3FFE];
	_ =	sdelay $0x1  }
0x8a: {  	s1 =	srdreg.scid  }
0x8b: {  	s0 =	sand.u32 $0x1, s1  }
0x8c: {  	s15 =	sshll.u32 s0, $0xA;
	s2 =	sadd.s32 s3, s2  }
0x8d: {  	s2 =	sadd.s32 s2, s15  }
0x8e: {  	[smem:$0x3FC1] =	sst s2  }
0x8f: {  	_ = 	snop  }
0x90: {  	s2 =	sld [smem:$0x3FD0];
	_ =	sdelay $0x2  }
0x91: {  	s4 =	simm.s32 $0xA;
	s5 =	simm.s32 $0x10;
	s16 =	sld [smem:$0x3FC8]  }
0x92: {  	[smem:s5], [sflag:s4] =	dma.local [hbm:s2], $0x1  }
0x93: {  	_ =	swait.eq [sflag:s4], $0x1  }
0x94: {  	[sflag:s4] =	ssyncset.done $0x0  }
0x95: {  	[sflag:s4] =	ssyncadd.s32 $0xFFFFFFFF  }
0x96: {  	s17 =	sld [smem:$0x10];
	(tm) =	ssettm $0x1  }
0x97: {  	s18 =	sld [smem:$0x3FFB];
	_ =	sdelay $0x3  }
0x98: {  	_ =	strace s18  }
0x99: {  	s4 =	sld [smem:$0x3FFC];
	_ =	sdelay $0x3  }
0x9a: {  	_ =	strace s4  }
0x9b: {  	s4 =	sld [smem:$0x3FFD];
	_ =	sdelay $0x3  }
0x9c: {  	_ =	strace s4  }
0x9d: {  	_ =	strace $0x8FFFFFFF  }
0x9e: {  	s19 =	sld [smem:$0x3FDB];
	_ =	sdelay $0x1  }
0x9f: {  	s20 =	simm.s32 $_scs_section_size  }
0xa0: {  	s6 =	simm.s32 $_size__tile_overlayer_lowered;
	s7 =	simm.s32 $_tile_overlayer_lowered  }
0xa1: {  	s23 =	simm.s32 $0x1BFF;
	s22 =	sshll.u32 s7, $0x1;
	s4 =	sadd.s32 s20, s19  }
0xa2: {  	s8 =	simm.s32 $0x0;
	s21 =	sshll.u32 s6, $0x1;
	s6 =	sadd.s32 s22, s4  }
0xa3: {  	[timem:s8], [sflag:s23] =	dma.local [hbm:s6], s21  }
0xa4: {  	_ =	swait.ge [sflag:s23], s21  }
0xa5: {  	s5 =	ssub.s32 $0x0, s21;
	[sflag:s23] =	ssyncset.done $0x0  }
0xa6: {  	[sflag:s23] =	ssyncadd.s32 s5;
	_ =	sdelay $0x1  }
0xa7: {  	s24 =	simm.s32 $0x1B8B  }
0xa8: {  	_ =	swait.ge [sflag:s24], $0x1  }
0xa9: {  	[sflag:s24] =	ssyncset.done $0x0  }
0xaa: {  	s25 =	simm.s32 $0x1B8E;
	[sflag:s24] =	ssyncadd.s32 $0xFFFFFFFF  }
0xab: {  	s26 =	simm.s32 $execute0_lowered;
	[smem:$0x3FD2] =	sst s25  }
0xac: {  	s5 =	sshll.u32 s26, $0x1;
	_ =	strace $0x80000046;
	[dreg:$0x1] =	wrdreg $0xFFFFFFFF  }
0xad: {  	s28 =	simm.s32 $_size_execute0_lowered;
	s4 =	sadd.s32 s4, s5;
	[dreg:$0x0] =	wrdreg $0x0  }
0xae: {  	s5 =	sshll.u32 s28, $0x1;
	[dreg:$0x2] =	wrdreg s4  }
0xaf: {  	[dreg:$0x3] =	wrdreg s5  }
0xb0: {  	[dreg:$0x4] =	wrdreg $0xC0  }
0xb1: {  	_ =	task [dreg:s8], $0x5FFFF  }
0xb2: {  	[dreg:$0x1] =	wrdreg $0xFFFFFFFF  }
0xb3: {  	[dreg:$0x0] =	wrdreg $0x60  }
0xb4: {  	[dreg:$0x2] =	wrdreg s16  }
0xb5: {  	[dreg:$0x3] =	wrdreg s17  }
0xb6: {  	[dreg:$0x4] =	wrdreg $0x9  }
0xb7: {  	_ =	task.clear_ibuf [dreg:s8], $0x5FFFF;
	_ =	strace $0x90000046  }
0xb8: {  	s29 =	simm.s32 $0x9;
	_ =	strace $0x80000048  }
0xb9: {  	_ =	swait.ge [sflag:s29], $0x1  }
0xba: {  	[sflag:s29] =	ssyncadd.s32 $0xFFFFFFFF  }
0xbb: {  	_ =	strace $0x90000048  }
0xbc: {  	_ =	sfence  }
0xbd: {  	s30 =	sld [smem:$0x0];
	_ =	sdelay $0x2  }
0xbe: {  	s31 =	sshll.u32 s1, $0xD;
	s1 =	sshrl.u32 s1, $0x2  }
0xbf: {  	s3 =	sand.u32 $0x4000, s31;
	s1 =	sadd.s32 s1, s30  }
0xc0: {  	s0 =	sor.u32 s3, s0;
	s1 =	sshll.u32 s1, $0x11  }
0xc1: {  	s0 =	sor.u32 s1, s0  }
0xc2: {  	s0 =	sadd.s32 $0x8F2B, s0  }
0xc3: {  	[sflag:s0] =	ssyncadd.remote.s32 $0x1  }
0xc4: {  	_ =	sfence.sel $0xFFFF  }
0xc5: {  	[dreg:$0x0] =	wrdreg $0xFFFFFFFF;
	(pc) =	sbr.abs _section_cstart, $3  }
0xc6: {  	[dreg:$0x1] =	wrdreg $0xFFFFFFFF  }
0xc7: {  	_ =	task.clear_ibuf [dreg:s8], $0x2FFFF;
	_ =	strace $0x9FFFFFFF  }
0xc8: {  	(tm) =	ssettm $0x7FFFFFFF  }
0xc9: {  	_ =	shalt  }
tec
execute0_lowered:
.L_overlay_start_1:
0x0: {  	(tag) =	ssettag $0x1  }
0x1: {  	s0 =	srdreg.scid  }
0x2: {  	s1 =	stileid.u32;
	s4 =	simm.s32 $0x0;
	s0 =	sand.u32 $0x1, s0  }
0x3: {  	s1 =	sshll.u32 s1, $0x6;
	s2 =	sshll.u32 s0, $0x5;
	s0 =	ssub.s32 $0x2, s0  }
0x4: {  	[smem:$0x7FF] =	sst s4;
	s1 =	sor.u32 s2, s1;
	s29 =	sshrl.u32 s0, $0x1  }
0x5: {  	[smem:$0x7F8] =	sst s1;
	s1 =	smul.u32 $0xC00, s1;
	s0 =	ssub.s32 s0, s29  }
0x6: {  	s3 =	rddreg [dreg:$0x0];
	_ =	strace $0x80000047;
	s0 =	smax.u32 s0, $0x1  }
.Ltmp0:
0x7: {  	s1 =	sadd.s32 s3, s1;
	[smem:$0x7FD] =	sst s0;
	(pc) =	sbr.rel .LBB2_1-.Ltmp0, $4  }
0x8: {  	s30 =	sadd.s32 $0xC00, s1;
	[smem:$0x7FB] =	sst s1  }
0x9: {  	s31 =	sadd.s32 $0x1800, s1;
	[smem:$0x7F9] =	sst s30  }
0xa: {  	s1 =	sadd.s32 $0x2400, s1;
	[smem:$0x7FA] =	sst s31  }
0xb: {  	s2 =	simm.s32 $0x0;
	[smem:$0x7FC] =	sst s1  }
.LBB2_12:
0xc: {  	s0 =	simm.s32 $0x5  }
0xd: {  	_ =	swait.ge [sflag:s0], $0x400  }
0xe: {  	[sflag:s0] =	ssyncset.done $0x0  }
0xf: {  	s1 =	simm.s32 $0x6;
	[sflag:s0] =	ssyncadd.s32 $0xFFFFFC00  }
0x10: {  	_ =	swait.ge [sflag:s1], $0x400  }
0x11: {  	s2 =	sld [smem:$0x7F7]  }
0x12: {  	s31 =	sld [smem:$0x7FD];
	_ =	sdelay $0x1  }
0x13: {  	s2 =	sadd.s32 $0x1, s2  }
0x14: {  	p0 =	sne.s32 s2, s31  }
.Ltmp1:
0x15: {  	_ = 	snop;
	(pc) =	sbr.rel @!p0 .LBB2_13-.Ltmp1, $3  }
0x16: {  	_ =	sdelay $0x1  }
0x17: {  	[sflag:s1] =	ssyncset.done $0x0  }
0x18: {  	[sflag:s1] =	ssyncadd.s32 $0xFFFFFC00  }
.LBB2_1:
0x19: {  	s0 =	sld [smem:$0x7FB];
	_ =	sdelay $0x1  }
0x1a: {  	s26 =	sld [smem:$0x7F9]  }
0x1b: {  	[tilespmem:s4], [sflag:$0x1] =	stream.linear.gather [hbm4b:s0+s4], $0x6000, $0x38;
	[tilespmem:$0x18800] =	vst v63  }
0x1c: {  	s1 =	simm.s32 $0x6000;
	s28 =	sld [smem:$0x7FA]  }
0x1d: {  	[tilespmem:s1], [sflag:$0x2] =	stream.linear.gather [hbm4b:s26+s4], $0x6000, $0x38;
	[tilespmem:$0x18800] =	vst v63  }
0x1e: {  	s29 =	simm.s32 $0xC000;
	s30 =	sld [smem:$0x7FC]  }
0x1f: {  	[tilespmem:s29], [sflag:$0x3] =	stream.linear.gather [hbm4b:s28+s4], $0x6000, $0x38;
	[tilespmem:$0x18800] =	vst v63  }
0x20: {  	[smem:$0x7F7] =	sst s2;
	s31 =	simm.s32 $0x12000;
	s21 =	simm.s32 $0x0  }
0x21: {  	[tilespmem:s31], [sflag:$0x4] =	stream.linear.gather [hbm4b:s30+s4], $0x6000, $0x38;
	[tilespmem:$0x18800] =	vst v63  }
.LBB2_2:
0x22: {  	s0 =	simm.s32 $0x1  }
0x23: {  	_ =	swait.ge [sflag:s0], $0x6000  }
0x24: {  	p1 =	seq.s32 s21, $0x0;
	[sflag:s0] =	ssyncset.done $0x0  }
0x25: {  	s1 =	simm.s32 @!p1 $0x5;
	[sflag:s0] =	ssyncadd.s32 $0xFFFFA000  }
0x26: {  	s22 =	simm.s32 $0x0;
	_ =	swait.ge @!p1 [sflag:s1], $0x400  }
0x27: {  	s3 =	sand.u32 $0x40, s22;
	s0 =	sand.u32 $0x1C00, s22;
	[sflag:s1] =	ssyncset.done @!p1 $0x0  }
0x28: {  	s8 =	sor.u32 s3, s0;
	[sflag:s1] =	ssyncadd.s32 @!p1 $0xFFFFFC00  }
0x29: {  	v0 =	vld [tilespmem:s8+$0x0]  }
0x2a: {  	v1 =	vld [tilespmem:s8+$0x80];
	_ =	sdelay $0x1  }
0x2b: {  	v2 =	vld [tilespmem:s8+$0x100];
	_ =	sdelay $0x1  }
0x2c: {  	v3 =	vld [tilespmem:s8+$0x180]  }
0x2d: {  	v0 =	vadd.f32 v1, v0  }
0x2e: {  	v1 =	vld [tilespmem:s8+$0x200]  }
0x2f: {  	v0 =	vadd.f32 v2, v0  }
0x30: {  	v2 =	vld [tilespmem:s8+$0x280]  }
0x31: {  	v0 =	vadd.f32 v3, v0  }
0x32: {  	v3 =	vld [tilespmem:s8+$0x300]  }
0x33: {  	v0 =	vadd.f32 v1, v0  }
0x34: {  	s2 =	sor.u32 $0x2000, s0;
	v1 =	vld [tilespmem:s8+$0x380]  }
0x35: {  	s9 =	sor.u32 s3, s2;
	v0 =	vadd.f32 v2, v0  }
0x36: {  	s4 =	sor.u32 $0x2080, s0;
	v2 =	vld [tilespmem:s9+$0x0]  }
0x37: {  	s10 =	sor.u32 s3, s4;
	v0 =	vadd.f32 v3, v0  }
0x38: {  	s5 =	sor.u32 $0x2100, s0;
	v3 =	vld [tilespmem:s10+$0x0]  }
0x39: {  	s11 =	sor.u32 s3, s5;
	v0 =	vadd.f32 v1, v0  }
0x3a: {  	s7 =	sor.u32 $0x2180, s0;
	v1 =	vld [tilespmem:s11+$0x0]  }
0x3b: {  	s12 =	sor.u32 s3, s7;
	v0 =	vadd.f32 v2, v0  }
0x3c: {  	s8 =	sor.u32 $0x2200, s0;
	v2 =	vld [tilespmem:s12+$0x0]  }
0x3d: {  	s13 =	sor.u32 s3, s8;
	v0 =	vadd.f32 v3, v0  }
0x3e: {  	s9 =	sor.u32 $0x2280, s0;
	v3 =	vld [tilespmem:s13+$0x0]  }
0x3f: {  	s14 =	sor.u32 s3, s9;
	v0 =	vadd.f32 v1, v0  }
0x40: {  	s10 =	sor.u32 $0x2300, s0;
	v1 =	vld [tilespmem:s14+$0x0]  }
0x41: {  	s15 =	sor.u32 s3, s10;
	v0 =	vadd.f32 v2, v0  }
0x42: {  	s11 =	sor.u32 $0x2380, s0;
	v2 =	vld [tilespmem:s15+$0x0]  }
0x43: {  	s16 =	sor.u32 s3, s11;
	v0 =	vadd.f32 v3, v0  }
0x44: {  	s12 =	sor.u32 $0x4000, s0;
	v3 =	vld [tilespmem:s16+$0x0]  }
0x45: {  	s17 =	sor.u32 s3, s12;
	v0 =	vadd.f32 v1, v0  }
0x46: {  	s14 =	sor.u32 $0x4080, s0;
	v1 =	vld [tilespmem:s17+$0x0]  }
0x47: {  	s18 =	sor.u32 s3, s14;
	v0 =	vadd.f32 v2, v0  }
0x48: {  	s13 =	sor.u32 $0x4100, s0;
	v2 =	vld [tilespmem:s18+$0x0]  }
0x49: {  	s19 =	sor.u32 s3, s13;
	v0 =	vadd.f32 v3, v0  }
0x4a: {  	s17 =	sor.u32 $0x4180, s0;
	v3 =	vld [tilespmem:s19+$0x0]  }
0x4b: {  	s20 =	sor.u32 s3, s17;
	v0 =	vadd.f32 v1, v0  }
0x4c: {  	s15 =	sor.u32 $0x4200, s0;
	v1 =	vld [tilespmem:s20+$0x0]  }
0x4d: {  	s23 =	sor.u32 s3, s15;
	v0 =	vadd.f32 v2, v0  }
0x4e: {  	s6 =	sor.u32 $0x4280, s0;
	v2 =	vld [tilespmem:s23+$0x0]  }
0x4f: {  	s24 =	sor.u32 s3, s6;
	v0 =	vadd.f32 v3, v0  }
0x50: {  	s16 =	sor.u32 $0x4300, s0;
	v3 =	vld [tilespmem:s24+$0x0]  }
0x51: {  	s25 =	sor.u32 s3, s16;
	v0 =	vadd.f32 v1, v0  }
0x52: {  	s18 =	sor.u32 $0x4380, s0;
	v1 =	vld [tilespmem:s25+$0x0]  }
0x53: {  	s26 =	sor.u32 s3, s18;
	v0 =	vadd.f32 v2, v0  }
0x54: {  	v2 =	vld [tilespmem:s26+$0x0]  }
0x55: {  	v0 =	vadd.f32 v3, v0;
	_ =	sdelay $0x1  }
0x56: {  	v0 =	vadd.f32 v1, v0  }
0x57: {  	s28 =	sshrl.u32 s0, $0x2  }
0x58: {  	s19 =	sor.u32 $0x18000, s28;
	v0 =	vadd.f32 v2, v0  }
0x59: {  	s1 =	sor.u32 $0x10, s3;
	s20 =	sor.u32 s3, s19  }
0x5a: {  	s29 =	sor.u32 s1, s0;
	[tilespmem:s20+$0x0] =	vst v0  }
0x5b: {  	v0 =	vld [tilespmem:s29+$0x0]  }
0x5c: {  	v1 =	vld [tilespmem:s29+$0x80];
	_ =	sdelay $0x1  }
0x5d: {  	v2 =	vld [tilespmem:s29+$0x100];
	_ =	sdelay $0x1  }
0x5e: {  	v3 =	vld [tilespmem:s29+$0x180]  }
0x5f: {  	v0 =	vadd.f32 v1, v0  }
0x60: {  	v1 =	vld [tilespmem:s29+$0x200]  }
0x61: {  	v0 =	vadd.f32 v2, v0  }
0x62: {  	v2 =	vld [tilespmem:s29+$0x280]  }
0x63: {  	v0 =	vadd.f32 v3, v0  }
0x64: {  	v3 =	vld [tilespmem:s29+$0x300]  }
0x65: {  	v0 =	vadd.f32 v1, v0  }
0x66: {  	v1 =	vld [tilespmem:s29+$0x380]  }
0x67: {  	s30 =	sor.u32 s1, s2;
	v0 =	vadd.f32 v2, v0  }
0x68: {  	v2 =	vld [tilespmem:s30+$0x0]  }
0x69: {  	s31 =	sor.u32 s1, s4;
	v0 =	vadd.f32 v3, v0  }
0x6a: {  	v3 =	vld [tilespmem:s31+$0x0]  }
0x6b: {  	s23 =	sor.u32 s1, s5;
	v0 =	vadd.f32 v1, v0  }
0x6c: {  	v1 =	vld [tilespmem:s23+$0x0]  }
0x6d: {  	s24 =	sor.u32 s1, s7;
	v0 =	vadd.f32 v2, v0  }
0x6e: {  	v2 =	vld [tilespmem:s24+$0x0]  }
0x6f: {  	s25 =	sor.u32 s1, s8;
	v0 =	vadd.f32 v3, v0  }
0x70: {  	v3 =	vld [tilespmem:s25+$0x0]  }
0x71: {  	s26 =	sor.u32 s1, s9;
	v0 =	vadd.f32 v1, v0  }
0x72: {  	v1 =	vld [tilespmem:s26+$0x0]  }
0x73: {  	s28 =	sor.u32 s1, s10;
	v0 =	vadd.f32 v2, v0  }
0x74: {  	v2 =	vld [tilespmem:s28+$0x0]  }
0x75: {  	s29 =	sor.u32 s1, s11;
	v0 =	vadd.f32 v3, v0  }
0x76: {  	v3 =	vld [tilespmem:s29+$0x0]  }
0x77: {  	s30 =	sor.u32 s1, s12;
	v0 =	vadd.f32 v1, v0  }
0x78: {  	v1 =	vld [tilespmem:s30+$0x0]  }
0x79: {  	s31 =	sor.u32 s1, s14;
	v0 =	vadd.f32 v2, v0  }
0x7a: {  	v2 =	vld [tilespmem:s31+$0x0]  }
0x7b: {  	s23 =	sor.u32 s1, s13;
	v0 =	vadd.f32 v3, v0  }
0x7c: {  	v3 =	vld [tilespmem:s23+$0x0]  }
0x7d: {  	s24 =	sor.u32 s1, s17;
	v0 =	vadd.f32 v1, v0  }
0x7e: {  	v1 =	vld [tilespmem:s24+$0x0]  }
0x7f: {  	s25 =	sor.u32 s1, s15;
	v0 =	vadd.f32 v2, v0  }
0x80: {  	v2 =	vld [tilespmem:s25+$0x0]  }
0x81: {  	s26 =	sor.u32 s1, s6;
	v0 =	vadd.f32 v3, v0  }
0x82: {  	v3 =	vld [tilespmem:s26+$0x0]  }
0x83: {  	s28 =	sor.u32 s1, s16;
	v0 =	vadd.f32 v1, v0  }
0x84: {  	v1 =	vld [tilespmem:s28+$0x0]  }
0x85: {  	s29 =	sor.u32 s1, s18;
	v0 =	vadd.f32 v2, v0  }
0x86: {  	v2 =	vld [tilespmem:s29+$0x0]  }
0x87: {  	v0 =	vadd.f32 v3, v0;
	_ =	sdelay $0x1  }
0x88: {  	v0 =	vadd.f32 v1, v0;
	_ =	sdelay $0x1  }
0x89: {  	v0 =	vadd.f32 v2, v0  }
0x8a: {  	s30 =	sor.u32 s1, s19;
	s1 =	sor.u32 $0x20, s3  }
0x8b: {  	s31 =	sor.u32 s1, s0;
	[tilespmem:s30+$0x0] =	vst v0  }
0x8c: {  	v0 =	vld [tilespmem:s31+$0x0]  }
0x8d: {  	v1 =	vld [tilespmem:s31+$0x80];
	_ =	sdelay $0x1  }
0x8e: {  	v2 =	vld [tilespmem:s31+$0x100];
	_ =	sdelay $0x1  }
0x8f: {  	v3 =	vld [tilespmem:s31+$0x180]  }
0x90: {  	v0 =	vadd.f32 v1, v0  }
0x91: {  	v1 =	vld [tilespmem:s31+$0x200]  }
0x92: {  	v0 =	vadd.f32 v2, v0  }
0x93: {  	v2 =	vld [tilespmem:s31+$0x280]  }
0x94: {  	v0 =	vadd.f32 v3, v0  }
0x95: {  	v3 =	vld [tilespmem:s31+$0x300]  }
0x96: {  	v0 =	vadd.f32 v1, v0  }
0x97: {  	v1 =	vld [tilespmem:s31+$0x380]  }
0x98: {  	s23 =	sor.u32 s1, s2;
	v0 =	vadd.f32 v2, v0  }
0x99: {  	v2 =	vld [tilespmem:s23+$0x0]  }
0x9a: {  	s24 =	sor.u32 s1, s4;
	v0 =	vadd.f32 v3, v0  }
0x9b: {  	v3 =	vld [tilespmem:s24+$0x0]  }
0x9c: {  	s25 =	sor.u32 s1, s5;
	v0 =	vadd.f32 v1, v0  }
0x9d: {  	v1 =	vld [tilespmem:s25+$0x0]  }
0x9e: {  	s26 =	sor.u32 s1, s7;
	v0 =	vadd.f32 v2, v0  }
0x9f: {  	v2 =	vld [tilespmem:s26+$0x0]  }
0xa0: {  	s28 =	sor.u32 s1, s8;
	v0 =	vadd.f32 v3, v0  }
0xa1: {  	v3 =	vld [tilespmem:s28+$0x0]  }
0xa2: {  	s29 =	sor.u32 s1, s9;
	v0 =	vadd.f32 v1, v0  }
0xa3: {  	v1 =	vld [tilespmem:s29+$0x0]  }
0xa4: {  	s30 =	sor.u32 s1, s10;
	v0 =	vadd.f32 v2, v0  }
0xa5: {  	v2 =	vld [tilespmem:s30+$0x0]  }
0xa6: {  	s31 =	sor.u32 s1, s11;
	v0 =	vadd.f32 v3, v0  }
0xa7: {  	v3 =	vld [tilespmem:s31+$0x0]  }
0xa8: {  	s23 =	sor.u32 s1, s12;
	v0 =	vadd.f32 v1, v0  }
0xa9: {  	v1 =	vld [tilespmem:s23+$0x0]  }
0xaa: {  	s24 =	sor.u32 s1, s14;
	v0 =	vadd.f32 v2, v0  }
0xab: {  	v2 =	vld [tilespmem:s24+$0x0]  }
0xac: {  	s25 =	sor.u32 s1, s13;
	v0 =	vadd.f32 v3, v0  }
0xad: {  	v3 =	vld [tilespmem:s25+$0x0]  }
0xae: {  	s26 =	sor.u32 s1, s17;
	v0 =	vadd.f32 v1, v0  }
0xaf: {  	v1 =	vld [tilespmem:s26+$0x0]  }
0xb0: {  	s28 =	sor.u32 s1, s15;
	v0 =	vadd.f32 v2, v0  }
0xb1: {  	v2 =	vld [tilespmem:s28+$0x0]  }
0xb2: {  	s29 =	sor.u32 s1, s6;
	v0 =	vadd.f32 v3, v0  }
0xb3: {  	v3 =	vld [tilespmem:s29+$0x0]  }
0xb4: {  	s30 =	sor.u32 s1, s16;
	v0 =	vadd.f32 v1, v0  }
0xb5: {  	v1 =	vld [tilespmem:s30+$0x0]  }
0xb6: {  	s31 =	sor.u32 s1, s18;
	v0 =	vadd.f32 v2, v0  }
0xb7: {  	v2 =	vld [tilespmem:s31+$0x0]  }
0xb8: {  	v0 =	vadd.f32 v3, v0;
	_ =	sdelay $0x1  }
0xb9: {  	v0 =	vadd.f32 v1, v0;
	_ =	sdelay $0x1  }
0xba: {  	v0 =	vadd.f32 v2, v0  }
0xbb: {  	s3 =	sor.u32 $0x30, s3;
	s1 =	sor.u32 s1, s19  }
0xbc: {  	s0 =	sor.u32 s3, s0;
	[tilespmem:s1+$0x0] =	vst v0  }
0xbd: {  	v0 =	vld [tilespmem:s0+$0x0]  }
0xbe: {  	v1 =	vld [tilespmem:s0+$0x80];
	_ =	sdelay $0x1  }
0xbf: {  	v2 =	vld [tilespmem:s0+$0x100];
	_ =	sdelay $0x1  }
0xc0: {  	v3 =	vld [tilespmem:s0+$0x180]  }
0xc1: {  	v0 =	vadd.f32 v1, v0  }
0xc2: {  	v1 =	vld [tilespmem:s0+$0x200]  }
0xc3: {  	v0 =	vadd.f32 v2, v0  }
0xc4: {  	v2 =	vld [tilespmem:s0+$0x280]  }
0xc5: {  	v0 =	vadd.f32 v3, v0  }
0xc6: {  	v3 =	vld [tilespmem:s0+$0x300]  }
0xc7: {  	v0 =	vadd.f32 v1, v0  }
0xc8: {  	v1 =	vld [tilespmem:s0+$0x380]  }
0xc9: {  	s2 =	sor.u32 s3, s2;
	v0 =	vadd.f32 v2, v0  }
0xca: {  	v2 =	vld [tilespmem:s2+$0x0]  }
0xcb: {  	s4 =	sor.u32 s3, s4;
	v0 =	vadd.f32 v3, v0  }
0xcc: {  	v3 =	vld [tilespmem:s4+$0x0]  }
0xcd: {  	s5 =	sor.u32 s3, s5;
	v0 =	vadd.f32 v1, v0  }
0xce: {  	v1 =	vld [tilespmem:s5+$0x0]  }
0xcf: {  	s7 =	sor.u32 s3, s7;
	v0 =	vadd.f32 v2, v0  }
0xd0: {  	v2 =	vld [tilespmem:s7+$0x0]  }
0xd1: {  	s8 =	sor.u32 s3, s8;
	v0 =	vadd.f32 v3, v0  }
0xd2: {  	v3 =	vld [tilespmem:s8+$0x0]  }
0xd3: {  	s9 =	sor.u32 s3, s9;
	v0 =	vadd.f32 v1, v0  }
0xd4: {  	v1 =	vld [tilespmem:s9+$0x0]  }
0xd5: {  	s10 =	sor.u32 s3, s10;
	v0 =	vadd.f32 v2, v0  }
0xd6: {  	v2 =	vld [tilespmem:s10+$0x0]  }
0xd7: {  	s11 =	sor.u32 s3, s11;
	v0 =	vadd.f32 v3, v0  }
0xd8: {  	v3 =	vld [tilespmem:s11+$0x0]  }
0xd9: {  	s12 =	sor.u32 s3, s12;
	v0 =	vadd.f32 v1, v0  }
0xda: {  	v1 =	vld [tilespmem:s12+$0x0]  }
0xdb: {  	s20 =	sor.u32 s3, s14;
	v0 =	vadd.f32 v2, v0  }
0xdc: {  	v2 =	vld [tilespmem:s20+$0x0]  }
0xdd: {  	s23 =	sor.u32 s3, s13;
	v0 =	vadd.f32 v3, v0  }
0xde: {  	v3 =	vld [tilespmem:s23+$0x0]  }
0xdf: {  	s24 =	sor.u32 s3, s17;
	v0 =	vadd.f32 v1, v0  }
0xe0: {  	v1 =	vld [tilespmem:s24+$0x0]  }
0xe1: {  	s25 =	sor.u32 s3, s15;
	v0 =	vadd.f32 v2, v0  }
0xe2: {  	v2 =	vld [tilespmem:s25+$0x0]  }
0xe3: {  	s26 =	sor.u32 s3, s6;
	v0 =	vadd.f32 v3, v0  }
0xe4: {  	v3 =	vld [tilespmem:s26+$0x0]  }
0xe5: {  	s31 =	sld [smem:$0x7F8];
	v0 =	vadd.f32 v1, v0;
	_ =	sdelay $0x1  }
0xe6: {  	[smem:$0x7F4] =	sst s21;
	s29 =	sshll.u32 s21, $0x2;
	s30 =	sor.u32 s3, s18;
	v2 =	vadd.f32 v2, v0  }
0xe7: {  	s28 =	sor.u32 s3, s16;
	[smem:$0x7F5] =	sst s29;
	s1 =	sor.u32 s31, s29;
	v1 =	vld [tilespmem:s30+$0x0]  }
0xe8: {  	[smem:$0x7F6] =	sst s1;
	s4 =	simm.s32 $0x200;
	s26 =	sor.u32 s3, s19;
	v0 =	vld [tilespmem:s28+$0x0];
	v2 =	vadd.f32 v3, v2  }
.LBB2_3:
0xe9: {  	s22 =	sadd.s32 $0x40, s22;
	s0 =	smov.u32 s4  }
0xea: {  	s19 =	sand.u32 $0x40, s22;
	s15 =	sand.u32 $0x1C00, s0  }
0xeb: {  	s5 =	sor.u32 s19, s15  }
0xec: {  	s29 =	sor.u32 $0x2000, s15;
	s25 =	sor.u32 $0x2380, s15;
	s23 =	sor.u32 $0x4000, s15  }
0xed: {  	s21 =	sor.u32 $0x4080, s15;
	s20 =	sor.u32 $0x4180, s15;
	s2 =	sor.u32 s19, s25  }
0xee: {  	s17 =	sor.u32 $0x4200, s15;
	s10 =	sor.u32 s19, s23;
	[smem:$0x7CB] =	sst s2  }
0xef: {  	s18 =	sor.u32 $0x4280, s15;
	s9 =	sor.u32 s19, s21;
	[smem:$0x7CC] =	sst s10  }
0xf0: {  	s14 =	sor.u32 s19, s20;
	s16 =	sor.u32 s19, s17;
	[smem:$0x7CD] =	sst s9  }
0xf1: {  	v0 =	vadd.f32 v0, v2;
	s2 =	smov.u32 s22;
	s22 =	sor.u32 $0x4100, s15;
	[smem:$0x7CF] =	sst s14  }
0xf2: {  	[smem:$0x7D0] =	sst s16;
	s14 =	sor.u32 $0x4300, s15;
	s12 =	sor.u32 s19, s22  }
0xf3: {  	s10 =	sor.u32 s19, s18;
	v0 =	vadd.f32 v1, v0;
	[smem:$0x7CE] =	sst s12;
	s12 =	sor.u32 s19, s14  }
0xf4: {  	s16 =	sshrl.u32 s15, $0x2;
	[smem:$0x7D2] =	sst s12;
	s12 =	sor.u32 $0x4380, s15  }
0xf5: {  	[smem:$0x7D1] =	sst s10;
	s9 =	sor.u32 $0x18000, s16;
	[tilespmem:s26+$0x0] =	vst v0;
	s10 =	sor.u32 s19, s12  }
0xf6: {  	s16 =	sor.u32 s19, s9;
	v0 =	vld [tilespmem:s5+$0x0];
	[smem:$0x7D3] =	sst s10;
	s10 =	sor.u32 $0x10, s19  }
0xf7: {  	s28 =	sor.u32 $0x2080, s15;
	[smem:$0x7D4] =	sst s16;
	v1 =	vld [tilespmem:s5+$0x80];
	s16 =	sor.u32 s10, s29  }
0xf8: {  	s30 =	sor.u32 $0x2100, s15;
	[smem:$0x7D5] =	sst s16;
	s16 =	sor.u32 s10, s28  }
0xf9: {  	s13 =	sor.u32 $0x2180, s15;
	v2 =	vld [tilespmem:s5+$0x100];
	[smem:$0x7D6] =	sst s16;
	s16 =	sor.u32 s10, s30  }
0xfa: {  	s0 =	sor.u32 $0x2200, s15;
	[smem:$0x7D7] =	sst s16;
	s16 =	sor.u32 s10, s13  }
0xfb: {  	s31 =	sor.u32 $0x2280, s15;
	v3 =	vld [tilespmem:s5+$0x180];
	[smem:$0x7D8] =	sst s16;
	s16 =	sor.u32 s10, s0  }
0xfc: {  	s24 =	sor.u32 $0x2300, s15;
	v0 =	vadd.f32 v1, v0;
	[smem:$0x7D9] =	sst s16;
	s16 =	sor.u32 s10, s31  }
0xfd: {  	v1 =	vld [tilespmem:s5+$0x200];
	[smem:$0x7DA] =	sst s16;
	s16 =	sor.u32 s10, s24  }
0xfe: {  	v0 =	vadd.f32 v2, v0;
	[smem:$0x7DB] =	sst s16;
	s16 =	sor.u32 s10, s25  }
0xff: {  	v2 =	vld [tilespmem:s5+$0x280];
	[smem:$0x7DC] =	sst s16;
	s16 =	sor.u32 s10, s23  }
0x100: {  	v0 =	vadd.f32 v3, v0;
	[smem:$0x7DD] =	sst s16;
	s16 =	sor.u32 s10, s21  }
0x101: {  	[smem:$0x7DE] =	sst s16;
	s16 =	sor.u32 s10, s22  }
0x102: {  	v0 =	vadd.f32 v1, v0;
	[smem:$0x7DF] =	sst s16;
	s16 =	sor.u32 s10, s20  }
0x103: {  	s6 =	sor.u32 s19, s29;
	v3 =	vld [tilespmem:s5+$0x300];
	[smem:$0x7E0] =	sst s16;
	s16 =	sor.u32 s10, s17  }
0x104: {  	v0 =	vadd.f32 v2, v0;
	v2 =	vld [tilespmem:s6+$0x0];
	s6 =	sor.u32 s10, s14;
	[smem:$0x7E1] =	sst s16  }
0x105: {  	s16 =	sor.u32 s10, s18;
	[smem:$0x7E3] =	sst s6  }
0x106: {  	s8 =	sor.u32 s19, s28;
	s6 =	sor.u32 s10, s9;
	[smem:$0x7E2] =	sst s16  }
0x107: {  	v1 =	vld [tilespmem:s5+$0x380];
	s16 =	sor.u32 s10, s12;
	[smem:$0x7E5] =	sst s6;
	s6 =	sor.u32 $0x20, s19  }
0x108: {  	v0 =	vadd.f32 v3, v0;
	v3 =	vld [tilespmem:s8+$0x0];
	[smem:$0x7E4] =	sst s16;
	s8 =	sor.u32 s6, s29  }
0x109: {  	s16 =	sor.u32 s6, s28;
	[smem:$0x7E6] =	sst s8  }
0x10a: {  	[smem:$0x7E7] =	sst s16;
	s8 =	sor.u32 s6, s30  }
0x10b: {  	s7 =	sor.u32 s19, s30;
	s16 =	sor.u32 s6, s13;
	[smem:$0x7E8] =	sst s8  }
0x10c: {  	v0 =	vadd.f32 v1, v0;
	v1 =	vld [tilespmem:s7+$0x0];
	s7 =	sor.u32 s6, s24;
	[smem:$0x7E9] =	sst s16  }
0x10d: {  	s8 =	sor.u32 s6, s0;
	[smem:$0x7EC] =	sst s7  }
0x10e: {  	s16 =	sor.u32 s6, s31;
	[smem:$0x7EA] =	sst s8  }
0x10f: {  	s11 =	sor.u32 s19, s13;
	s7 =	sor.u32 s6, s21;
	[smem:$0x7EB] =	sst s16;
	v0 =	vadd.f32 v2, v0  }
0x110: {  	s8 =	sor.u32 s6, s25;
	[smem:$0x7EF] =	sst s7;
	v2 =	vld [tilespmem:s11+$0x0]  }
0x111: {  	s1 =	sor.u32 s19, s0;
	s16 =	sor.u32 s6, s23;
	[smem:$0x7ED] =	sst s8;
	v0 =	vadd.f32 v3, v0  }
0x112: {  	s7 =	sor.u32 s6, s17;
	[smem:$0x7EE] =	sst s16;
	v3 =	vld [tilespmem:s1+$0x0]  }
0x113: {  	s3 =	sor.u32 s19, s31;
	s8 =	sor.u32 s6, s22;
	[smem:$0x7F2] =	sst s7;
	v0 =	vadd.f32 v1, v0  }
0x114: {  	s26 =	sor.u32 s19, s24;
	s19 =	sor.u32 $0x30, s19;
	[smem:$0x7F0] =	sst s8;
	v1 =	vld [tilespmem:s3+$0x0]  }
0x115: {  	s7 =	sor.u32 s6, s9;
	s3 =	sor.u32 s19, s17;
	s17 =	sld [smem:$0x7CB];
	v0 =	vadd.f32 v2, v0  }
0x116: {  	[dreg:$0xc] =	wrdreg s7;
	v2 =	vld [tilespmem:s26+$0x0]  }
0x117: {  	s5 =	sor.u32 s19, s18;
	s8 =	sor.u32 s6, s18;
	s18 =	sld [smem:$0x7CC];
	v0 =	vadd.f32 v3, v0  }
0x118: {  	s16 =	sor.u32 s6, s20;
	s7 =	sor.u32 s19, s20;
	s20 =	sld [smem:$0x7CD];
	v3 =	vld [tilespmem:s17+$0x0]  }
0x119: {  	[smem:$0x7F3] =	sst s8;
	s8 =	sor.u32 s19, s29;
	v0 =	vadd.f32 v1, v0  }
0x11a: {  	[dreg:$0xa] =	wrdreg s8;
	v1 =	vld [tilespmem:s18+$0x0]  }
0x11b: {  	s8 =	sor.u32 s19, s21;
	s21 =	sld [smem:$0x7CE];
	v0 =	vadd.f32 v2, v0  }
0x11c: {  	s11 =	sor.u32 s6, s14;
	v2 =	vld [tilespmem:s20+$0x0]  }
0x11d: {  	s29 =	sor.u32 s19, s13;
	s13 =	sor.u32 s19, s23;
	s23 =	sld [smem:$0x7CF];
	v0 =	vadd.f32 v3, v0  }
0x11e: {  	[dreg:$0x17] =	wrdreg s11;
	v3 =	vld [tilespmem:s21+$0x0]  }
0x11f: {  	s11 =	sor.u32 s19, s28;
	s28 =	sor.u32 s19, s31;
	s31 =	sld [smem:$0x7D0];
	v0 =	vadd.f32 v1, v0  }
0x120: {  	v1 =	vld [tilespmem:s23+$0x0]  }
0x121: {  	s26 =	sor.u32 s19, s9;
	s9 =	sld [smem:$0x7D1];
	v0 =	vadd.f32 v2, v0  }
0x122: {  	[smem:$0x7F1] =	sst s16;
	v2 =	vld [tilespmem:s31+$0x0]  }
0x123: {  	s16 =	sor.u32 s6, s12;
	s1 =	sor.u32 s19, s12;
	s12 =	sld [smem:$0x7D2];
	v0 =	vadd.f32 v3, v0  }
0x124: {  	[dreg:$0xb] =	wrdreg s11;
	s11 =	sor.u32 s19, s22;
	v3 =	vld [tilespmem:s9+$0x0]  }
0x125: {  	s22 =	smov.u32 s2;
	s2 =	sor.u32 s19, s14;
	s14 =	sld [smem:$0x7D3];
	v0 =	vadd.f32 v1, v0  }
0x126: {  	v1 =	vld [tilespmem:s12+$0x0]  }
0x127: {  	v0 =	vadd.f32 v2, v0  }
0x128: {  	v2 =	vld [tilespmem:s14+$0x0]  }
0x129: {  	v0 =	vadd.f32 v3, v0  }
0x12a: {  	[dreg:$0x13] =	wrdreg s16;
	s16 =	sor.u32 s19, s30  }
0x12b: {  	[dreg:$0x9] =	wrdreg s16;
	v0 =	vadd.f32 v1, v0  }
0x12c: {  	s16 =	sld [smem:$0x7D4]  }
0x12d: {  	v0 =	vadd.f32 v2, v0;
	_ =	sdelay $0x1  }
0x12e: {  	s17 =	sor.u32 s10, s15;
	[tilespmem:s16+$0x0] =	vst v0  }
0x12f: {  	v0 =	vld [tilespmem:s17+$0x0]  }
0x130: {  	v1 =	vld [tilespmem:s17+$0x80];
	_ =	sdelay $0x1  }
0x131: {  	v2 =	vld [tilespmem:s17+$0x100];
	_ =	sdelay $0x1  }
0x132: {  	v3 =	vld [tilespmem:s17+$0x180]  }
0x133: {  	v0 =	vadd.f32 v1, v0  }
0x134: {  	v1 =	vld [tilespmem:s17+$0x200]  }
0x135: {  	v0 =	vadd.f32 v2, v0  }
0x136: {  	v2 =	vld [tilespmem:s17+$0x280]  }
0x137: {  	v0 =	vadd.f32 v3, v0  }
0x138: {  	v3 =	vld [tilespmem:s17+$0x300]  }
0x139: {  	s18 =	sld [smem:$0x7D5];
	v0 =	vadd.f32 v1, v0  }
0x13a: {  	v1 =	vld [tilespmem:s17+$0x380]  }
0x13b: {  	s20 =	sld [smem:$0x7D6];
	v0 =	vadd.f32 v2, v0  }
0x13c: {  	v2 =	vld [tilespmem:s18+$0x0]  }
0x13d: {  	s21 =	sld [smem:$0x7D7];
	v0 =	vadd.f32 v3, v0  }
0x13e: {  	v3 =	vld [tilespmem:s20+$0x0]  }
0x13f: {  	s23 =	sld [smem:$0x7D8];
	v0 =	vadd.f32 v1, v0  }
0x140: {  	v1 =	vld [tilespmem:s21+$0x0]  }
0x141: {  	s31 =	sld [smem:$0x7D9];
	v0 =	vadd.f32 v2, v0  }
0x142: {  	v2 =	vld [tilespmem:s23+$0x0]  }
0x143: {  	s9 =	sld [smem:$0x7DA];
	v0 =	vadd.f32 v3, v0  }
0x144: {  	v3 =	vld [tilespmem:s31+$0x0]  }
0x145: {  	s10 =	sld [smem:$0x7DB];
	v0 =	vadd.f32 v1, v0  }
0x146: {  	v1 =	vld [tilespmem:s9+$0x0]  }
0x147: {  	s12 =	sld [smem:$0x7DC];
	v0 =	vadd.f32 v2, v0  }
0x148: {  	v2 =	vld [tilespmem:s10+$0x0]  }
0x149: {  	s14 =	sld [smem:$0x7DD];
	v0 =	vadd.f32 v3, v0  }
0x14a: {  	v3 =	vld [tilespmem:s12+$0x0]  }
0x14b: {  	s16 =	sld [smem:$0x7DE];
	v0 =	vadd.f32 v1, v0  }
0x14c: {  	v1 =	vld [tilespmem:s14+$0x0]  }
0x14d: {  	s17 =	sld [smem:$0x7DF];
	v0 =	vadd.f32 v2, v0  }
0x14e: {  	v2 =	vld [tilespmem:s16+$0x0]  }
0x14f: {  	s18 =	sld [smem:$0x7E0];
	v0 =	vadd.f32 v3, v0  }
0x150: {  	v3 =	vld [tilespmem:s17+$0x0]  }
0x151: {  	s20 =	sld [smem:$0x7E1];
	v0 =	vadd.f32 v1, v0  }
0x152: {  	v1 =	vld [tilespmem:s18+$0x0]  }
0x153: {  	s21 =	sld [smem:$0x7E2];
	v0 =	vadd.f32 v2, v0  }
0x154: {  	v2 =	vld [tilespmem:s20+$0x0]  }
0x155: {  	s23 =	sld [smem:$0x7E3];
	v0 =	vadd.f32 v3, v0  }
0x156: {  	v3 =	vld [tilespmem:s21+$0x0]  }
0x157: {  	s31 =	sld [smem:$0x7E4];
	v0 =	vadd.f32 v1, v0  }
0x158: {  	v1 =	vld [tilespmem:s23+$0x0]  }
0x159: {  	v0 =	vadd.f32 v2, v0  }
0x15a: {  	v2 =	vld [tilespmem:s31+$0x0]  }
0x15b: {  	v0 =	vadd.f32 v3, v0;
	_ =	sdelay $0x1  }
0x15c: {  	v0 =	vadd.f32 v1, v0  }
0x15d: {  	s9 =	sld [smem:$0x7E5]  }
0x15e: {  	v0 =	vadd.f32 v2, v0;
	_ =	sdelay $0x1  }
0x15f: {  	s10 =	sor.u32 s6, s15;
	[tilespmem:s9+$0x0] =	vst v0  }
0x160: {  	v0 =	vld [tilespmem:s10+$0x0]  }
0x161: {  	v1 =	vld [tilespmem:s10+$0x80];
	_ =	sdelay $0x1  }
0x162: {  	v2 =	vld [tilespmem:s10+$0x100];
	_ =	sdelay $0x1  }
0x163: {  	v3 =	vld [tilespmem:s10+$0x180]  }
0x164: {  	v0 =	vadd.f32 v1, v0  }
0x165: {  	v1 =	vld [tilespmem:s10+$0x200]  }
0x166: {  	v0 =	vadd.f32 v2, v0  }
0x167: {  	v2 =	vld [tilespmem:s10+$0x280]  }
0x168: {  	v0 =	vadd.f32 v3, v0  }
0x169: {  	v3 =	vld [tilespmem:s10+$0x300]  }
0x16a: {  	s12 =	sld [smem:$0x7E6];
	v0 =	vadd.f32 v1, v0  }
0x16b: {  	v1 =	vld [tilespmem:s10+$0x380]  }
0x16c: {  	s14 =	sld [smem:$0x7E7];
	v0 =	vadd.f32 v2, v0  }
0x16d: {  	v2 =	vld [tilespmem:s12+$0x0]  }
0x16e: {  	s16 =	sld [smem:$0x7E8];
	v0 =	vadd.f32 v3, v0  }
0x16f: {  	v3 =	vld [tilespmem:s14+$0x0]  }
0x170: {  	s17 =	sld [smem:$0x7E9];
	v0 =	vadd.f32 v1, v0  }
0x171: {  	v1 =	vld [tilespmem:s16+$0x0]  }
0x172: {  	s18 =	sld [smem:$0x7EA];
	v0 =	vadd.f32 v2, v0  }
0x173: {  	v2 =	vld [tilespmem:s17+$0x0]  }
0x174: {  	s20 =	sld [smem:$0x7EB];
	v0 =	vadd.f32 v3, v0  }
0x175: {  	v3 =	vld [tilespmem:s18+$0x0]  }
0x176: {  	s21 =	sld [smem:$0x7EC];
	v0 =	vadd.f32 v1, v0  }
0x177: {  	v1 =	vld [tilespmem:s20+$0x0]  }
0x178: {  	s23 =	sld [smem:$0x7ED];
	v0 =	vadd.f32 v2, v0  }
0x179: {  	v2 =	vld [tilespmem:s21+$0x0]  }
0x17a: {  	s31 =	sld [smem:$0x7EE];
	v0 =	vadd.f32 v3, v0  }
0x17b: {  	v3 =	vld [tilespmem:s23+$0x0]  }
0x17c: {  	s6 =	sld [smem:$0x7EF];
	v0 =	vadd.f32 v1, v0  }
0x17d: {  	v1 =	vld [tilespmem:s31+$0x0]  }
0x17e: {  	s9 =	sld [smem:$0x7F0];
	v0 =	vadd.f32 v2, v0  }
0x17f: {  	v2 =	vld [tilespmem:s6+$0x0]  }
0x180: {  	s10 =	sld [smem:$0x7F1];
	v0 =	vadd.f32 v3, v0  }
0x181: {  	v3 =	vld [tilespmem:s9+$0x0]  }
0x182: {  	s12 =	sld [smem:$0x7F2];
	v0 =	vadd.f32 v1, v0  }
0x183: {  	v1 =	vld [tilespmem:s10+$0x0]  }
0x184: {  	s14 =	sld [smem:$0x7F3];
	v0 =	vadd.f32 v2, v0  }
0x185: {  	v2 =	vld [tilespmem:s12+$0x0]  }
0x186: {  	v0 =	vadd.f32 v3, v0  }
0x187: {  	v3 =	vld [tilespmem:s14+$0x0]  }
0x188: {  	s16 =	rddreg [dreg:$0x17];
	v0 =	vadd.f32 v1, v0  }
0x189: {  	v1 =	vld [tilespmem:s16+$0x0]  }
0x18a: {  	s17 =	rddreg [dreg:$0x13];
	v0 =	vadd.f32 v2, v0  }
0x18b: {  	v2 =	vld [tilespmem:s17+$0x0]  }
0x18c: {  	v0 =	vadd.f32 v3, v0;
	_ =	sdelay $0x1  }
0x18d: {  	v0 =	vadd.f32 v1, v0;
	_ =	sdelay $0x1  }
0x18e: {  	v0 =	vadd.f32 v2, v0  }
0x18f: {  	s18 =	rddreg [dreg:$0xc]  }
0x190: {  	s20 =	sor.u32 s19, s15;
	[tilespmem:s18+$0x0] =	vst v0  }
0x191: {  	v0 =	vld [tilespmem:s20+$0x0]  }
0x192: {  	v1 =	vld [tilespmem:s20+$0x80];
	_ =	sdelay $0x1  }
0x193: {  	v2 =	vld [tilespmem:s20+$0x100];
	_ =	sdelay $0x1  }
0x194: {  	v3 =	vld [tilespmem:s20+$0x180]  }
0x195: {  	v0 =	vadd.f32 v1, v0  }
0x196: {  	v4 =	vld [tilespmem:s20+$0x200]  }
0x197: {  	v0 =	vadd.f32 v2, v0  }
0x198: {  	v5 =	vld [tilespmem:s20+$0x280]  }
0x199: {  	v0 =	vadd.f32 v3, v0  }
0x19a: {  	v1 =	vld [tilespmem:s20+$0x300]  }
0x19b: {  	v0 =	vadd.f32 v4, v0  }
0x19c: {  	v6 =	vld [tilespmem:s20+$0x380]  }
0x19d: {  	s21 =	rddreg [dreg:$0xa];
	v0 =	vadd.f32 v5, v0  }
0x19e: {  	v2 =	vld [tilespmem:s21+$0x0]  }
0x19f: {  	s23 =	rddreg [dreg:$0xb];
	v0 =	vadd.f32 v1, v0  }
0x1a0: {  	v7 =	vld [tilespmem:s23+$0x0]  }
0x1a1: {  	s31 =	rddreg [dreg:$0x9];
	v0 =	vadd.f32 v6, v0  }
0x1a2: {  	v3 =	vld [tilespmem:s31+$0x0]  }
0x1a3: {  	v0 =	vadd.f32 v2, v0  }
0x1a4: {  	v8 =	vld [tilespmem:s29+$0x0]  }
0x1a5: {  	s30 =	sor.u32 s19, s0;
	v7 =	vadd.f32 v7, v0  }
0x1a6: {  	v61 =	vld [tilespmem:s30+$0x0]  }
0x1a7: {  	v3 =	vadd.f32 v3, v7  }
0x1a8: {  	v9 =	vld [tilespmem:s28+$0x0]  }
0x1a9: {  	s24 =	sor.u32 s19, s24;
	v3 =	vadd.f32 v8, v3  }
0x1aa: {  	v62 =	vld [tilespmem:s24+$0x0]  }
0x1ab: {  	s25 =	sor.u32 s19, s25;
	v3 =	vadd.f32 v61, v3  }
0x1ac: {  	v10 =	vld [tilespmem:s25+$0x0]  }
0x1ad: {  	v3 =	vadd.f32 v9, v3  }
0x1ae: {  	v11 =	vld [tilespmem:s13+$0x0]  }
0x1af: {  	v3 =	vadd.f32 v62, v3  }
0x1b0: {  	v12 =	vld [tilespmem:s8+$0x0]  }
0x1b1: {  	v3 =	vadd.f32 v10, v3  }
0x1b2: {  	v63 =	vld [tilespmem:s11+$0x0]  }
0x1b3: {  	v3 =	vadd.f32 v11, v3  }
0x1b4: {  	v13 =	vld [tilespmem:s7+$0x0]  }
0x1b5: {  	v3 =	vadd.f32 v12, v3  }
0x1b6: {  	v2 =	vld [tilespmem:s3+$0x0]  }
0x1b7: {  	v3 =	vadd.f32 v63, v3  }
0x1b8: {  	p0 =	sne.s32 s4, $0x1E00;
	v14 =	vld [tilespmem:s5+$0x0]  }
.Ltmp2:
0x1b9: {  	v3 =	vadd.f32 v13, v3;
	(pc) =	sbr.rel @p0 .LBB2_3-.Ltmp2, $4  }
0x1ba: {  	_ = 	snop  }
0x1bb: {  	v2 =	vadd.f32 v2, v3  }
0x1bc: {  	v1 =	vld [tilespmem:s1+$0x0]  }
0x1bd: {  	s4 =	sadd.s32 $0x200, s4;
	v0 =	vld [tilespmem:s2+$0x0];
	v2 =	vadd.f32 v14, v2  }
0x1be: {  	_ =	sdelay $0x1  }
0x1bf: {  	s4 =	sld [smem:$0x7F4]  }
0x1c0: {  	s5 =	sld [smem:$0x7F6]  }
0x1c1: {  	v0 =	vadd.f32 v0, v2  }
0x1c2: {  	s0 =	sshll.u32 s4, $0x6  }
0x1c3: {  	s2 =	rddreg [dreg:$0x1];
	s1 =	sshll.u32 s5, $0x7;
	s0 =	sand.u32 $0x40, s0;
	v0 =	vadd.f32 v1, v0  }
0x1c4: {  	s1 =	sand.u32 $0x1FC00, s1;
	s0 =	sadd.s32 s2, s0  }
0x1c5: {  	s14 =	simm.s32 $0x0;
	s15 =	simm.s32 $0x18000;
	s0 =	sadd.s32 s1, s0;
	[tilespmem:s26+$0x0] =	vst v0  }
0x1c6: {  	[hbm4b:s0+s14] =	stream.linear.scatter [tilespmem:s15], [sflag:$0x5], $0x80, $0x38;
	[tilespmem:$0x18800] =	vst v63  }
0x1c7: {  	s3 =	simm.s32 $0x18100;
	s16 =	sadd.s32 $0x80, s0  }
0x1c8: {  	[hbm4b:s16+s14] =	stream.linear.scatter [tilespmem:s3], [sflag:$0x5], $0x80, $0x38;
	[tilespmem:$0x18800] =	vst v63  }
0x1c9: {  	s18 =	simm.s32 $0x18200;
	s17 =	sadd.s32 $0x100, s0  }
0x1ca: {  	[hbm4b:s17+s14] =	stream.linear.scatter [tilespmem:s18], [sflag:$0x5], $0x80, $0x38;
	[tilespmem:$0x18800] =	vst v63  }
0x1cb: {  	s20 =	simm.s32 $0x18300;
	s19 =	sadd.s32 $0x180, s0  }
0x1cc: {  	[hbm4b:s19+s14] =	stream.linear.scatter [tilespmem:s20], [sflag:$0x5], $0x80, $0x38;
	[tilespmem:$0x18800] =	vst v63  }
0x1cd: {  	s22 =	simm.s32 $0x18400;
	s21 =	sadd.s32 $0x200, s0  }
0x1ce: {  	[hbm4b:s21+s14] =	stream.linear.scatter [tilespmem:s22], [sflag:$0x5], $0x80, $0x38;
	[tilespmem:$0x18800] =	vst v63  }
0x1cf: {  	s24 =	simm.s32 $0x18500;
	s23 =	sadd.s32 $0x280, s0  }
0x1d0: {  	[hbm4b:s23+s14] =	stream.linear.scatter [tilespmem:s24], [sflag:$0x5], $0x80, $0x38;
	[tilespmem:$0x18800] =	vst v63  }
0x1d1: {  	p0 =	seq.s32 s4, $0x7;
	s25 =	sadd.s32 $0x300, s0;
	s26 =	simm.s32 $0x18600  }
0x1d2: {  	[hbm4b:s25+s14] =	stream.linear.scatter [tilespmem:s26], [sflag:$0x5], $0x80, $0x38;
	[tilespmem:$0x18800] =	vst v63  }
0x1d3: {  	s28 =	simm.s32 $0x18700;
	s1 =	smul.u32 @!p0 $0x6000, s5;
	s0 =	sadd.s32 $0x380, s0  }
0x1d4: {  	[hbm4b:s0+s14] =	stream.linear.scatter [tilespmem:s28], [sflag:$0x5], $0x80, $0x38;
	[tilespmem:$0x18800] =	vst v63  }
0x1d5: {  	s0 =	sshrl.u32 @!p0 s1, $0x3;
	s1 =	rddreg [dreg:$0x0]  }
0x1d6: {  	s0 =	sadd.s32 @!p0 s1, s0  }
0x1d7: {  	s30 =	simm.s32 $0x2;
	s1 =	simm.s32 @!p0 $0x0;
	s0 =	sadd.s32 @!p0 $0x3000, s0  }
0x1d8: {  	[tilespmem:s1], [sflag:$0x1] =	stream.linear.gather @!p0 [hbm4b:s0+s1], $0x6000, $0x38;
	[tilespmem:$0x18800] =	vst v63  }
0x1d9: {  	_ =	swait.ge [sflag:s30], $0x6000  }
0x1da: {  	[sflag:s30] =	ssyncset.done $0x0  }
0x1db: {  	s29 =	simm.s32 $0x0;
	s2 =	simm.s32 @!p1 $0x6;
	[sflag:s30] =	ssyncadd.s32 $0xFFFFA000  }
0x1dc: {  	s31 =	sand.u32 $0x1C00, s29;
	_ =	swait.ge @!p1 [sflag:s2], $0x400  }
0x1dd: {  	s3 =	sand.u32 $0x40, s29;
	s0 =	sor.u32 $0x6000, s31;
	[sflag:s2] =	ssyncset.done @!p1 $0x0  }
0x1de: {  	s10 =	sor.u32 s3, s0;
	[sflag:s2] =	ssyncadd.s32 @!p1 $0xFFFFFC00;
	s2 =	sor.u32 $0x6080, s31  }
0x1df: {  	s11 =	sor.u32 s3, s2;
	v0 =	vld [tilespmem:s10+$0x0]  }
0x1e0: {  	s4 =	sor.u32 $0x6100, s31;
	v1 =	vld [tilespmem:s11+$0x0]  }
0x1e1: {  	s6 =	sor.u32 s3, s4  }
0x1e2: {  	s5 =	sor.u32 $0x6180, s31;
	v2 =	vld [tilespmem:s6+$0x0]  }
0x1e3: {  	s12 =	sor.u32 s3, s5  }
0x1e4: {  	s7 =	sor.u32 $0x6200, s31;
	v3 =	vld [tilespmem:s12+$0x0]  }
0x1e5: {  	s13 =	sor.u32 s3, s7;
	v0 =	vadd.f32 v1, v0  }
0x1e6: {  	s8 =	sor.u32 $0x6280, s31;
	v1 =	vld [tilespmem:s13+$0x0]  }
0x1e7: {  	s14 =	sor.u32 s3, s8;
	v0 =	vadd.f32 v2, v0  }
0x1e8: {  	s9 =	sor.u32 $0x6300, s31;
	v2 =	vld [tilespmem:s14+$0x0]  }
0x1e9: {  	s15 =	sor.u32 s3, s9;
	v0 =	vadd.f32 v3, v0  }
0x1ea: {  	s13 =	sor.u32 $0x6380, s31;
	v3 =	vld [tilespmem:s15+$0x0]  }
0x1eb: {  	s16 =	sor.u32 s3, s13;
	v0 =	vadd.f32 v1, v0  }
0x1ec: {  	s11 =	sor.u32 $0x8000, s31;
	v1 =	vld [tilespmem:s16+$0x0]  }
0x1ed: {  	s17 =	sor.u32 s3, s11;
	v0 =	vadd.f32 v2, v0  }
0x1ee: {  	s12 =	sor.u32 $0x8080, s31;
	v2 =	vld [tilespmem:s17+$0x0]  }
0x1ef: {  	s18 =	sor.u32 s3, s12;
	v0 =	vadd.f32 v3, v0  }
0x1f0: {  	s17 =	sor.u32 $0x8100, s31;
	v3 =	vld [tilespmem:s18+$0x0]  }
0x1f1: {  	s19 =	sor.u32 s3, s17;
	v0 =	vadd.f32 v1, v0  }
0x1f2: {  	s10 =	sor.u32 $0x8180, s31;
	v1 =	vld [tilespmem:s19+$0x0]  }
0x1f3: {  	s20 =	sor.u32 s3, s10;
	v0 =	vadd.f32 v2, v0  }
0x1f4: {  	s19 =	sor.u32 $0x8200, s31;
	v2 =	vld [tilespmem:s20+$0x0]  }
0x1f5: {  	s21 =	sor.u32 s3, s19;
	v0 =	vadd.f32 v3, v0  }
0x1f6: {  	s15 =	sor.u32 $0x8280, s31;
	v3 =	vld [tilespmem:s21+$0x0]  }
0x1f7: {  	s22 =	sor.u32 s3, s15;
	v0 =	vadd.f32 v1, v0  }
0x1f8: {  	s16 =	sor.u32 $0x8300, s31;
	v1 =	vld [tilespmem:s22+$0x0]  }
0x1f9: {  	s23 =	sor.u32 s3, s16;
	v0 =	vadd.f32 v2, v0  }
0x1fa: {  	s14 =	sor.u32 $0x8380, s31;
	v2 =	vld [tilespmem:s23+$0x0]  }
0x1fb: {  	s24 =	sor.u32 s3, s14;
	v0 =	vadd.f32 v3, v0  }
0x1fc: {  	s20 =	sor.u32 $0xA000, s31;
	v3 =	vld [tilespmem:s24+$0x0]  }
0x1fd: {  	s25 =	sor.u32 s3, s20;
	v0 =	vadd.f32 v1, v0  }
0x1fe: {  	s18 =	sor.u32 $0xA080, s31;
	v1 =	vld [tilespmem:s25+$0x0]  }
0x1ff: {  	s26 =	sor.u32 s3, s18;
	v0 =	vadd.f32 v2, v0  }
0x200: {  	s21 =	sor.u32 $0xA100, s31;
	v2 =	vld [tilespmem:s26+$0x0]  }
0x201: {  	s28 =	sor.u32 s3, s21;
	v0 =	vadd.f32 v3, v0  }
0x202: {  	s26 =	sor.u32 $0xA180, s31;
	v3 =	vld [tilespmem:s28+$0x0]  }
0x203: {  	s22 =	sor.u32 s3, s26;
	v0 =	vadd.f32 v1, v0  }
0x204: {  	s6 =	sor.u32 $0xA200, s31;
	v1 =	vld [tilespmem:s22+$0x0]  }
0x205: {  	s23 =	sor.u32 s3, s6;
	v0 =	vadd.f32 v2, v0  }
0x206: {  	s22 =	sor.u32 $0xA280, s31;
	v2 =	vld [tilespmem:s23+$0x0]  }
0x207: {  	s30 =	sor.u32 s3, s22;
	v0 =	vadd.f32 v3, v0  }
0x208: {  	s23 =	sor.u32 $0xA300, s31;
	v3 =	vld [tilespmem:s30+$0x0]  }
0x209: {  	s24 =	sor.u32 s3, s23;
	v0 =	vadd.f32 v1, v0  }
0x20a: {  	v1 =	vld [tilespmem:s24+$0x0];
	s24 =	sor.u32 $0xA380, s31  }
0x20b: {  	s25 =	sor.u32 s3, s24;
	v0 =	vadd.f32 v2, v0  }
0x20c: {  	v2 =	vld [tilespmem:s25+$0x0]  }
0x20d: {  	v0 =	vadd.f32 v3, v0;
	_ =	sdelay $0x1  }
0x20e: {  	v0 =	vadd.f32 v1, v0  }
0x20f: {  	s1 =	sshrl.u32 s31, $0x2  }
0x210: {  	s25 =	sor.u32 $0x18000, s1;
	v0 =	vadd.f32 v2, v0  }
0x211: {  	s1 =	sor.u32 $0x10, s3;
	s28 =	sor.u32 s3, s25  }
0x212: {  	s31 =	sor.u32 s1, s0;
	[tilespmem:s28+$0x80] =	vst v0  }
0x213: {  	s30 =	sor.u32 s1, s2;
	v0 =	vld [tilespmem:s31+$0x0]  }
0x214: {  	v1 =	vld [tilespmem:s30+$0x0]  }
0x215: {  	s31 =	sor.u32 s1, s4  }
0x216: {  	v2 =	vld [tilespmem:s31+$0x0]  }
0x217: {  	s30 =	sor.u32 s1, s5  }
0x218: {  	v3 =	vld [tilespmem:s30+$0x0]  }
0x219: {  	s31 =	sor.u32 s1, s7;
	v0 =	vadd.f32 v1, v0  }
0x21a: {  	v1 =	vld [tilespmem:s31+$0x0]  }
0x21b: {  	s30 =	sor.u32 s1, s8;
	v0 =	vadd.f32 v2, v0  }
0x21c: {  	v2 =	vld [tilespmem:s30+$0x0]  }
0x21d: {  	s31 =	sor.u32 s1, s9;
	v0 =	vadd.f32 v3, v0  }
0x21e: {  	v3 =	vld [tilespmem:s31+$0x0]  }
0x21f: {  	s30 =	sor.u32 s1, s13;
	v0 =	vadd.f32 v1, v0  }
0x220: {  	v1 =	vld [tilespmem:s30+$0x0]  }
0x221: {  	s31 =	sor.u32 s1, s11;
	v0 =	vadd.f32 v2, v0  }
0x222: {  	v2 =	vld [tilespmem:s31+$0x0]  }
0x223: {  	s30 =	sor.u32 s1, s12;
	v0 =	vadd.f32 v3, v0  }
0x224: {  	v3 =	vld [tilespmem:s30+$0x0]  }
0x225: {  	s31 =	sor.u32 s1, s17;
	v0 =	vadd.f32 v1, v0  }
0x226: {  	v1 =	vld [tilespmem:s31+$0x0]  }
0x227: {  	s30 =	sor.u32 s1, s10;
	v0 =	vadd.f32 v2, v0  }
0x228: {  	v2 =	vld [tilespmem:s30+$0x0]  }
0x229: {  	s31 =	sor.u32 s1, s19;
	v0 =	vadd.f32 v3, v0  }
0x22a: {  	v3 =	vld [tilespmem:s31+$0x0]  }
0x22b: {  	s30 =	sor.u32 s1, s15;
	v0 =	vadd.f32 v1, v0  }
0x22c: {  	v1 =	vld [tilespmem:s30+$0x0]  }
0x22d: {  	s31 =	sor.u32 s1, s16;
	v0 =	vadd.f32 v2, v0  }
0x22e: {  	v2 =	vld [tilespmem:s31+$0x0]  }
0x22f: {  	s30 =	sor.u32 s1, s14;
	v0 =	vadd.f32 v3, v0  }
0x230: {  	v3 =	vld [tilespmem:s30+$0x0]  }
0x231: {  	s31 =	sor.u32 s1, s20;
	v0 =	vadd.f32 v1, v0  }
0x232: {  	v1 =	vld [tilespmem:s31+$0x0]  }
0x233: {  	s30 =	sor.u32 s1, s18;
	v0 =	vadd.f32 v2, v0  }
0x234: {  	v2 =	vld [tilespmem:s30+$0x0]  }
0x235: {  	s31 =	sor.u32 s1, s21;
	v0 =	vadd.f32 v3, v0  }
0x236: {  	v3 =	vld [tilespmem:s31+$0x0]  }
0x237: {  	s30 =	sor.u32 s1, s26;
	v0 =	vadd.f32 v1, v0  }
0x238: {  	v1 =	vld [tilespmem:s30+$0x0]  }
0x239: {  	s31 =	sor.u32 s1, s6;
	v0 =	vadd.f32 v2, v0  }
0x23a: {  	v2 =	vld [tilespmem:s31+$0x0]  }
0x23b: {  	s30 =	sor.u32 s1, s22;
	v0 =	vadd.f32 v3, v0  }
0x23c: {  	v3 =	vld [tilespmem:s30+$0x0]  }
0x23d: {  	s31 =	sor.u32 s1, s23;
	v0 =	vadd.f32 v1, v0  }
0x23e: {  	v1 =	vld [tilespmem:s31+$0x0]  }
0x23f: {  	s30 =	sor.u32 s1, s24;
	v0 =	vadd.f32 v2, v0  }
0x240: {  	v2 =	vld [tilespmem:s30+$0x0]  }
0x241: {  	v0 =	vadd.f32 v3, v0;
	_ =	sdelay $0x1  }
0x242: {  	v0 =	vadd.f32 v1, v0;
	_ =	sdelay $0x1  }
0x243: {  	v0 =	vadd.f32 v2, v0  }
0x244: {  	s31 =	sor.u32 s1, s25;
	s1 =	sor.u32 $0x20, s3  }
0x245: {  	s30 =	sor.u32 s1, s0;
	[tilespmem:s31+$0x80] =	vst v0  }
0x246: {  	s31 =	sor.u32 s1, s2;
	v0 =	vld [tilespmem:s30+$0x0]  }
0x247: {  	v1 =	vld [tilespmem:s31+$0x0]  }
0x248: {  	s30 =	sor.u32 s1, s4  }
0x249: {  	v2 =	vld [tilespmem:s30+$0x0]  }
0x24a: {  	s31 =	sor.u32 s1, s5  }
0x24b: {  	v3 =	vld [tilespmem:s31+$0x0]  }
0x24c: {  	s30 =	sor.u32 s1, s7;
	v0 =	vadd.f32 v1, v0  }
0x24d: {  	v1 =	vld [tilespmem:s30+$0x0]  }
0x24e: {  	s31 =	sor.u32 s1, s8;
	v0 =	vadd.f32 v2, v0  }
0x24f: {  	v2 =	vld [tilespmem:s31+$0x0]  }
0x250: {  	s30 =	sor.u32 s1, s9;
	v0 =	vadd.f32 v3, v0  }
0x251: {  	v3 =	vld [tilespmem:s30+$0x0]  }
0x252: {  	s31 =	sor.u32 s1, s13;
	v0 =	vadd.f32 v1, v0  }
0x253: {  	v1 =	vld [tilespmem:s31+$0x0]  }
0x254: {  	s30 =	sor.u32 s1, s11;
	v0 =	vadd.f32 v2, v0  }
0x255: {  	v2 =	vld [tilespmem:s30+$0x0]  }
0x256: {  	s31 =	sor.u32 s1, s12;
	v0 =	vadd.f32 v3, v0  }
0x257: {  	v3 =	vld [tilespmem:s31+$0x0]  }
0x258: {  	s30 =	sor.u32 s1, s17;
	v0 =	vadd.f32 v1, v0  }
0x259: {  	v1 =	vld [tilespmem:s30+$0x0]  }
0x25a: {  	s31 =	sor.u32 s1, s10;
	v0 =	vadd.f32 v2, v0  }
0x25b: {  	v2 =	vld [tilespmem:s31+$0x0]  }
0x25c: {  	s30 =	sor.u32 s1, s19;
	v0 =	vadd.f32 v3, v0  }
0x25d: {  	v3 =	vld [tilespmem:s30+$0x0]  }
0x25e: {  	s31 =	sor.u32 s1, s15;
	v0 =	vadd.f32 v1, v0  }
0x25f: {  	v1 =	vld [tilespmem:s31+$0x0]  }
0x260: {  	s30 =	sor.u32 s1, s16;
	v0 =	vadd.f32 v2, v0  }
0x261: {  	v2 =	vld [tilespmem:s30+$0x0]  }
0x262: {  	s31 =	sor.u32 s1, s14;
	v0 =	vadd.f32 v3, v0  }
0x263: {  	v3 =	vld [tilespmem:s31+$0x0]  }
0x264: {  	s30 =	sor.u32 s1, s20;
	v0 =	vadd.f32 v1, v0  }
0x265: {  	v1 =	vld [tilespmem:s30+$0x0]  }
0x266: {  	s31 =	sor.u32 s1, s18;
	v0 =	vadd.f32 v2, v0  }
0x267: {  	v2 =	vld [tilespmem:s31+$0x0]  }
0x268: {  	s30 =	sor.u32 s1, s21;
	v0 =	vadd.f32 v3, v0  }
0x269: {  	v3 =	vld [tilespmem:s30+$0x0]  }
0x26a: {  	s31 =	sor.u32 s1, s26;
	v0 =	vadd.f32 v1, v0  }
0x26b: {  	v1 =	vld [tilespmem:s31+$0x0]  }
0x26c: {  	s30 =	sor.u32 s1, s6;
	v0 =	vadd.f32 v2, v0  }
0x26d: {  	v2 =	vld [tilespmem:s30+$0x0]  }
0x26e: {  	s31 =	sor.u32 s1, s22;
	v0 =	vadd.f32 v3, v0  }
0x26f: {  	v3 =	vld [tilespmem:s31+$0x0]  }
0x270: {  	s30 =	sor.u32 s1, s23;
	v0 =	vadd.f32 v1, v0  }
0x271: {  	v1 =	vld [tilespmem:s30+$0x0]  }
0x272: {  	s31 =	sor.u32 s1, s24;
	v0 =	vadd.f32 v2, v0  }
0x273: {  	v2 =	vld [tilespmem:s31+$0x0]  }
0x274: {  	v0 =	vadd.f32 v3, v0;
	_ =	sdelay $0x1  }
0x275: {  	v0 =	vadd.f32 v1, v0;
	_ =	sdelay $0x1  }
0x276: {  	v0 =	vadd.f32 v2, v0  }
0x277: {  	s3 =	sor.u32 $0x30, s3;
	s1 =	sor.u32 s1, s25  }
0x278: {  	s0 =	sor.u32 s3, s0;
	[tilespmem:s1+$0x80] =	vst v0  }
0x279: {  	s28 =	sor.u32 s3, s2;
	v0 =	vld [tilespmem:s0+$0x0]  }
0x27a: {  	v1 =	vld [tilespmem:s28+$0x0]  }
0x27b: {  	s30 =	sor.u32 s3, s4  }
0x27c: {  	v2 =	vld [tilespmem:s30+$0x0]  }
0x27d: {  	s31 =	sor.u32 s3, s5  }
0x27e: {  	v3 =	vld [tilespmem:s31+$0x0]  }
0x27f: {  	s1 =	sor.u32 s3, s7;
	v0 =	vadd.f32 v1, v0  }
0x280: {  	v1 =	vld [tilespmem:s1+$0x0]  }
0x281: {  	s2 =	sor.u32 s3, s8;
	v0 =	vadd.f32 v2, v0  }
0x282: {  	v2 =	vld [tilespmem:s2+$0x0]  }
0x283: {  	s4 =	sor.u32 s3, s9;
	v0 =	vadd.f32 v3, v0  }
0x284: {  	v3 =	vld [tilespmem:s4+$0x0]  }
0x285: {  	s5 =	sor.u32 s3, s13;
	v0 =	vadd.f32 v1, v0  }
0x286: {  	v1 =	vld [tilespmem:s5+$0x0]  }
0x287: {  	s7 =	sor.u32 s3, s11;
	v0 =	vadd.f32 v2, v0  }
0x288: {  	v2 =	vld [tilespmem:s7+$0x0]  }
0x289: {  	s8 =	sor.u32 s3, s12;
	v0 =	vadd.f32 v3, v0  }
0x28a: {  	v3 =	vld [tilespmem:s8+$0x0]  }
0x28b: {  	s9 =	sor.u32 s3, s17;
	v0 =	vadd.f32 v1, v0  }
0x28c: {  	v1 =	vld [tilespmem:s9+$0x0]  }
0x28d: {  	s11 =	sor.u32 s3, s10;
	v0 =	vadd.f32 v2, v0  }
0x28e: {  	v2 =	vld [tilespmem:s11+$0x0]  }
0x28f: {  	s12 =	sor.u32 s3, s19;
	v0 =	vadd.f32 v3, v0  }
0x290: {  	v3 =	vld [tilespmem:s12+$0x0]  }
0x291: {  	s13 =	sor.u32 s3, s15;
	v0 =	vadd.f32 v1, v0  }
0x292: {  	v1 =	vld [tilespmem:s13+$0x0]  }
0x293: {  	s15 =	sor.u32 s3, s16;
	v0 =	vadd.f32 v2, v0  }
0x294: {  	v2 =	vld [tilespmem:s15+$0x0]  }
0x295: {  	s16 =	sor.u32 s3, s14;
	v0 =	vadd.f32 v3, v0  }
0x296: {  	v3 =	vld [tilespmem:s16+$0x0]  }
0x297: {  	s17 =	sor.u32 s3, s20;
	v0 =	vadd.f32 v1, v0  }
0x298: {  	v1 =	vld [tilespmem:s17+$0x0]  }
0x299: {  	s18 =	sor.u32 s3, s18;
	v0 =	vadd.f32 v2, v0  }
0x29a: {  	v2 =	vld [tilespmem:s18+$0x0]  }
0x29b: {  	s19 =	sor.u32 s3, s21;
	v0 =	vadd.f32 v3, v0  }
0x29c: {  	v3 =	vld [tilespmem:s19+$0x0]  }
0x29d: {  	s20 =	sor.u32 s3, s26;
	v0 =	vadd.f32 v1, v0  }
0x29e: {  	v1 =	vld [tilespmem:s20+$0x0]  }
0x29f: {  	s21 =	sor.u32 s3, s6;
	v0 =	vadd.f32 v2, v0  }
0x2a0: {  	v2 =	vld [tilespmem:s21+$0x0]  }
0x2a1: {  	s22 =	sor.u32 s3, s22;
	v0 =	vadd.f32 v3, v0  }
0x2a2: {  	s26 =	sld [smem:$0x7F5];
	v3 =	vld [tilespmem:s22+$0x0]  }
0x2a3: {  	s31 =	sld [smem:$0x7F8];
	v0 =	vadd.f32 v1, v0;
	_ =	sdelay $0x1  }
0x2a4: {  	s23 =	sor.u32 s3, s23;
	s28 =	sor.u32 $0x1, s26;
	v2 =	vadd.f32 v2, v0  }
0x2a5: {  	s30 =	sor.u32 s3, s24;
	[smem:$0x7C9] =	sst s28;
	s1 =	sor.u32 s31, s28;
	v1 =	vld [tilespmem:s23+$0x0]  }
0x2a6: {  	[smem:$0x7CA] =	sst s1;
	s1 =	simm.s32 $0x200;
	s23 =	sor.u32 s3, s25;
	v0 =	vld [tilespmem:s30+$0x0];
	v2 =	vadd.f32 v3, v2  }
.LBB2_5:
0x2a7: {  	_ =	sdelay $0x1  }
0x2a8: {  	s29 =	sadd.s32 $0x40, s29  }
0x2a9: {  	s0 =	smov.u32 s1;
	s17 =	sadd.s32 $0x200, s1;
	[dreg:$0x3] =	wrdreg s29;
	v1 =	vadd.f32 v1, v2  }
0x2aa: {  	[dreg:$0x6] =	wrdreg s17;
	s8 =	sand.u32 $0x1C00, s0;
	s9 =	sand.u32 $0x40, s29  }
0x2ab: {  	s3 =	sor.u32 $0x6000, s8;
	s7 =	sor.u32 $0x6080, s8;
	s2 =	sor.u32 $0x6100, s8;
	v0 =	vadd.f32 v0, v1  }
0x2ac: {  	s16 =	sor.u32 $0x6180, s8;
	s22 =	sor.u32 $0x6200, s8;
	s15 =	sor.u32 $0x6300, s8  }
0x2ad: {  	s26 =	sor.u32 $0x6380, s8;
	s25 =	sor.u32 $0x8180, s8;
	s18 =	sor.u32 s9, s3;
	[tilespmem:s23+$0x80] =	vst v0  }
0x2ae: {  	s31 =	sor.u32 $0x8200, s8;
	s24 =	sor.u32 $0x8280, s8;
	s4 =	sor.u32 s9, s7;
	v0 =	vld [tilespmem:s18+$0x0]  }
0x2af: {  	s5 =	sor.u32 s9, s2;
	s6 =	sor.u32 s9, s16;
	s19 =	sor.u32 s9, s25;
	v1 =	vld [tilespmem:s4+$0x0]  }
0x2b0: {  	s10 =	sor.u32 s9, s22;
	s20 =	sor.u32 s9, s31;
	[smem:$0x787] =	sst s19  }
0x2b1: {  	s21 =	sor.u32 s9, s24;
	[smem:$0x788] =	sst s20;
	s20 =	sor.u32 $0x8380, s8;
	v2 =	vld [tilespmem:s5+$0x0]  }
0x2b2: {  	[smem:$0x789] =	sst s21;
	s19 =	sor.u32 $0xA000, s8;
	s13 =	sor.u32 s9, s20  }
0x2b3: {  	s12 =	sor.u32 s9, s15;
	s14 =	sor.u32 s9, s19;
	[smem:$0x78B] =	sst s13;
	v3 =	vld [tilespmem:s6+$0x0]  }
0x2b4: {  	s21 =	sor.u32 $0x8300, s8;
	[smem:$0x78C] =	sst s14;
	s18 =	sor.u32 $0xA080, s8;
	v0 =	vadd.f32 v1, v0  }
0x2b5: {  	s14 =	sor.u32 $0xA180, s8;
	s13 =	sor.u32 $0xA200, s8;
	s17 =	sor.u32 s9, s18  }
0x2b6: {  	[smem:$0x78D] =	sst s17;
	s17 =	sor.u32 $0xA100, s8;
	v1 =	vld [tilespmem:s10+$0x0];
	s10 =	sor.u32 s9, s21;
	v0 =	vadd.f32 v2, v0  }
0x2b7: {  	s23 =	sor.u32 $0x6280, s8;
	[smem:$0x78A] =	sst s10;
	s10 =	sor.u32 s9, s17  }
0x2b8: {  	s11 =	sor.u32 s9, s23;
	[smem:$0x78E] =	sst s10;
	v0 =	vadd.f32 v3, v0;
	v3 =	vld [tilespmem:s12+$0x0];
	s12 =	sor.u32 s9, s13  }
0x2b9: {  	v2 =	vld [tilespmem:s11+$0x0];
	s11 =	sor.u32 s9, s14;
	[smem:$0x790] =	sst s12;
	s12 =	sor.u32 $0xA280, s8  }
0x2ba: {  	[smem:$0x78F] =	sst s11;
	s11 =	sor.u32 $0xA300, s8;
	s10 =	sor.u32 s9, s12  }
0x2bb: {  	s28 =	sor.u32 $0x8000, s8;
	[smem:$0x791] =	sst s10;
	s10 =	sor.u32 s9, s11  }
0x2bc: {  	s30 =	sor.u32 $0x8080, s8;
	v0 =	vadd.f32 v1, v0;
	[smem:$0x792] =	sst s10;
	s10 =	sor.u32 $0xA380, s8  }
0x2bd: {  	s29 =	sor.u32 $0x8100, s8;
	s0 =	sor.u32 s9, s26;
	s6 =	sor.u32 s9, s10  }
0x2be: {  	v1 =	vld [tilespmem:s0+$0x0];
	v0 =	vadd.f32 v2, v0;
	[smem:$0x793] =	sst s6;
	s6 =	sshrl.u32 s8, $0x2;
	s8 =	sor.u32 $0x10, s9  }
0x2bf: {  	s4 =	sor.u32 s9, s30;
	s0 =	sor.u32 $0x18000, s6;
	s6 =	sor.u32 s8, s3  }
0x2c0: {  	v0 =	vadd.f32 v3, v0;
	v3 =	vld [tilespmem:s4+$0x0];
	s4 =	sor.u32 s8, s26;
	[smem:$0x795] =	sst s6  }
0x2c1: {  	s6 =	sor.u32 s8, s7;
	[smem:$0x79C] =	sst s4  }
0x2c2: {  	s5 =	sor.u32 s9, s29;
	s4 =	sor.u32 s8, s30;
	[smem:$0x796] =	sst s6  }
0x2c3: {  	v0 =	vadd.f32 v1, v0;
	v1 =	vld [tilespmem:s5+$0x0];
	s5 =	sor.u32 s8, s21;
	[smem:$0x79E] =	sst s4  }
0x2c4: {  	s6 =	sor.u32 s9, s0;
	[smem:$0x7A3] =	sst s5  }
0x2c5: {  	s4 =	sor.u32 s8, s25;
	[smem:$0x794] =	sst s6  }
0x2c6: {  	s5 =	sor.u32 s8, s18;
	[smem:$0x7A0] =	sst s4  }
0x2c7: {  	s6 =	sor.u32 s8, s2;
	[smem:$0x7A6] =	sst s5  }
0x2c8: {  	s4 =	sor.u32 s8, s24;
	[smem:$0x797] =	sst s6  }
0x2c9: {  	s5 =	sor.u32 s8, s14;
	[smem:$0x7A2] =	sst s4  }
0x2ca: {  	s6 =	sor.u32 s8, s16;
	[smem:$0x7A8] =	sst s5  }
0x2cb: {  	s4 =	sor.u32 s8, s19;
	[smem:$0x798] =	sst s6  }
0x2cc: {  	p1 =	sne.s32 s1, $0x1E00;
	[smem:$0x7A5] =	sst s4  }
0x2cd: {  	s1 =	sor.u32 s9, s28;
	s5 =	sor.u32 s8, s11;
	s4 =	sld [smem:$0x787]  }
0x2ce: {  	v2 =	vld [tilespmem:s1+$0x0];
	[smem:$0x7AB] =	sst s5  }
0x2cf: {  	s6 =	sor.u32 s8, s22;
	s5 =	sld [smem:$0x788]  }
0x2d0: {  	[smem:$0x799] =	sst s6;
	s6 =	sor.u32 s8, s23  }
0x2d1: {  	[smem:$0x79A] =	sst s6;
	s6 =	sor.u32 s8, s15  }
0x2d2: {  	[smem:$0x79B] =	sst s6;
	s6 =	sor.u32 s8, s28  }
0x2d3: {  	v0 =	vadd.f32 v2, v0;
	v2 =	vld [tilespmem:s4+$0x0];
	s4 =	sor.u32 s8, s12;
	[smem:$0x79D] =	sst s6  }
0x2d4: {  	s6 =	sor.u32 s8, s29;
	[smem:$0x7AA] =	sst s4  }
0x2d5: {  	s4 =	sor.u32 s8, s0;
	[smem:$0x79F] =	sst s6  }
0x2d6: {  	s1 =	sor.u32 $0x20, s9;
	s6 =	sor.u32 s8, s31;
	[smem:$0x7AD] =	sst s4  }
0x2d7: {  	s4 =	sor.u32 $0x30, s9;
	s9 =	sor.u32 s1, s2;
	[smem:$0x7A1] =	sst s6  }
0x2d8: {  	s6 =	sor.u32 s8, s20;
	[smem:$0x7B0] =	sst s9  }
0x2d9: {  	s9 =	sor.u32 s1, s22;
	[smem:$0x7A4] =	sst s6  }
0x2da: {  	s2 =	sor.u32 s4, s2;
	[smem:$0x7B2] =	sst s9  }
0x2db: {  	v0 =	vadd.f32 v3, v0;
	v3 =	vld [tilespmem:s5+$0x0];
	s5 =	sor.u32 s4, s22;
	[smem:$0x7C8] =	sst s2  }
0x2dc: {  	s6 =	sor.u32 s8, s17;
	[dreg:$0x18] =	wrdreg s5  }
0x2dd: {  	s9 =	sor.u32 s1, s26;
	[smem:$0x7A7] =	sst s6  }
0x2de: {  	s6 =	sor.u32 s8, s13;
	[smem:$0x7B5] =	sst s9  }
0x2df: {  	s9 =	sor.u32 s1, s30;
	[smem:$0x7A9] =	sst s6  }
0x2e0: {  	s6 =	sor.u32 s8, s10;
	[smem:$0x7B7] =	sst s9  }
0x2e1: {  	s8 =	sor.u32 s1, s7;
	[smem:$0x7AC] =	sst s6  }
0x2e2: {  	s9 =	sor.u32 s1, s31;
	[smem:$0x7AF] =	sst s8  }
0x2e3: {  	[smem:$0x7BA] =	sst s9  }
0x2e4: {  	s6 =	sor.u32 s1, s3;
	s9 =	sld [smem:$0x78B]  }
0x2e5: {  	[smem:$0x7AE] =	sst s6  }
0x2e6: {  	v0 =	vadd.f32 v1, v0;
	s8 =	sor.u32 s1, s16;
	s6 =	sld [smem:$0x789]  }
0x2e7: {  	s3 =	sor.u32 s4, s3;
	[smem:$0x7B1] =	sst s8  }
0x2e8: {  	v0 =	vadd.f32 v2, v0;
	s8 =	sor.u32 s1, s15;
	[smem:$0x7C7] =	sst s3  }
0x2e9: {  	[smem:$0x7B4] =	sst s8  }
0x2ea: {  	v0 =	vadd.f32 v3, v0;
	s8 =	sld [smem:$0x78A];
	v3 =	vld [tilespmem:s9+$0x0];
	s9 =	sor.u32 s1, s18  }
0x2eb: {  	v1 =	vld [tilespmem:s6+$0x0];
	s6 =	sor.u32 s1, s23;
	[smem:$0x7BF] =	sst s9  }
0x2ec: {  	s9 =	sor.u32 s1, s13;
	[smem:$0x7B3] =	sst s6  }
0x2ed: {  	s6 =	sor.u32 s1, s28;
	[smem:$0x7C2] =	sst s9  }
0x2ee: {  	s9 =	sor.u32 s1, s11;
	[smem:$0x7B6] =	sst s6  }
0x2ef: {  	s6 =	sor.u32 s1, s29;
	[smem:$0x7C4] =	sst s9  }
0x2f0: {  	[smem:$0x7B8] =	sst s6;
	s6 =	sor.u32 s1, s24  }
0x2f1: {  	[smem:$0x7BB] =	sst s6;
	s6 =	sor.u32 s1, s20  }
0x2f2: {  	[smem:$0x7BD] =	sst s6;
	s6 =	sor.u32 s1, s17  }
0x2f3: {  	v2 =	vld [tilespmem:s8+$0x0];
	[smem:$0x7C0] =	sst s6  }
0x2f4: {  	s6 =	sld [smem:$0x78C]  }
0x2f5: {  	s9 =	sld [smem:$0x78D]  }
0x2f6: {  	s3 =	sor.u32 s4, s16;
	s16 =	sld [smem:$0x78F];
	v0 =	vadd.f32 v1, v0  }
0x2f7: {  	[dreg:$0x1c] =	wrdreg s3;
	v1 =	vld [tilespmem:s6+$0x0]  }
0x2f8: {  	s8 =	sor.u32 s1, s25;
	v0 =	vadd.f32 v2, v0;
	v2 =	vld [tilespmem:s9+$0x0];
	s9 =	sld [smem:$0x78E]  }
0x2f9: {  	[smem:$0x7B9] =	sst s8;
	s8 =	sor.u32 s1, s21  }
0x2fa: {  	[smem:$0x7BC] =	sst s8;
	v0 =	vadd.f32 v3, v0  }
0x2fb: {  	s22 =	sor.u32 s4, s24;
	s24 =	sld [smem:$0x792];
	v3 =	vld [tilespmem:s9+$0x0]  }
0x2fc: {  	s8 =	sor.u32 s1, s19;
	s9 =	sor.u32 s4, s19;
	s19 =	sld [smem:$0x790];
	v0 =	vadd.f32 v1, v0  }
0x2fd: {  	[smem:$0x7BE] =	sst s8;
	v1 =	vld [tilespmem:s16+$0x0]  }
0x2fe: {  	s8 =	sor.u32 s1, s14;
	s16 =	sor.u32 s4, s20;
	s20 =	sld [smem:$0x791];
	v0 =	vadd.f32 v2, v0  }
0x2ff: {  	[smem:$0x7C1] =	sst s8;
	s8 =	sor.u32 s1, s12;
	v2 =	vld [tilespmem:s19+$0x0]  }
0x300: {  	[smem:$0x7C3] =	sst s8;
	v0 =	vadd.f32 v3, v0  }
0x301: {  	s8 =	sor.u32 s4, s7;
	s7 =	sor.u32 s4, s15;
	s15 =	sor.u32 s4, s28;
	v3 =	vld [tilespmem:s20+$0x0]  }
0x302: {  	s28 =	sor.u32 s4, s25;
	s25 =	sor.u32 s4, s31;
	s31 =	sld [smem:$0x793];
	v0 =	vadd.f32 v1, v0  }
0x303: {  	s5 =	sor.u32 s4, s12;
	s2 =	sor.u32 s4, s11;
	[dreg:$0x1b] =	wrdreg s8;
	v1 =	vld [tilespmem:s24+$0x0]  }
0x304: {  	s30 =	sor.u32 s4, s30;
	s3 =	sor.u32 s4, s10;
	[dreg:$0x14] =	wrdreg s7;
	v0 =	vadd.f32 v2, v0  }
0x305: {  	s21 =	sor.u32 s4, s21;
	s8 =	sor.u32 s4, s26;
	[dreg:$0xe] =	wrdreg s15;
	v2 =	vld [tilespmem:s31+$0x0]  }
0x306: {  	s26 =	sor.u32 s4, s29;
	[dreg:$0xd] =	wrdreg s8;
	s6 =	sor.u32 s1, s10;
	v0 =	vadd.f32 v3, v0  }
0x307: {  	s15 =	sor.u32 s4, s18;
	[smem:$0x7C5] =	sst s6;
	s6 =	sor.u32 s4, s23  }
0x308: {  	s7 =	sor.u32 s4, s13;
	s8 =	sor.u32 s4, s17;
	[dreg:$0x1d] =	wrdreg s6;
	v0 =	vadd.f32 v1, v0  }
0x309: {  	s23 =	sor.u32 s4, s0;
	s6 =	sor.u32 s4, s14;
	s4 =	sld [smem:$0x794]  }
0x30a: {  	s10 =	sld [smem:$0x795];
	v0 =	vadd.f32 v2, v0  }
0x30b: {  	s11 =	sld [smem:$0x796]  }
0x30c: {  	[tilespmem:s4+$0x80] =	vst v0  }
0x30d: {  	s12 =	sld [smem:$0x797];
	v0 =	vld [tilespmem:s10+$0x0]  }
0x30e: {  	v1 =	vld [tilespmem:s11+$0x0]  }
0x30f: {  	s13 =	sld [smem:$0x798]  }
0x310: {  	v2 =	vld [tilespmem:s12+$0x0]  }
0x311: {  	s14 =	sld [smem:$0x799]  }
0x312: {  	v3 =	vld [tilespmem:s13+$0x0]  }
0x313: {  	s17 =	sld [smem:$0x79A];
	v0 =	vadd.f32 v1, v0  }
0x314: {  	v1 =	vld [tilespmem:s14+$0x0]  }
0x315: {  	s18 =	sld [smem:$0x79B];
	v0 =	vadd.f32 v2, v0  }
0x316: {  	v2 =	vld [tilespmem:s17+$0x0]  }
0x317: {  	s19 =	sld [smem:$0x79C];
	v0 =	vadd.f32 v3, v0  }
0x318: {  	v3 =	vld [tilespmem:s18+$0x0]  }
0x319: {  	s20 =	sld [smem:$0x79D];
	v0 =	vadd.f32 v1, v0  }
0x31a: {  	v1 =	vld [tilespmem:s19+$0x0]  }
0x31b: {  	s24 =	sld [smem:$0x79E];
	v0 =	vadd.f32 v2, v0  }
0x31c: {  	v2 =	vld [tilespmem:s20+$0x0]  }
0x31d: {  	s31 =	sld [smem:$0x79F];
	v0 =	vadd.f32 v3, v0  }
0x31e: {  	v3 =	vld [tilespmem:s24+$0x0]  }
0x31f: {  	s4 =	sld [smem:$0x7A0];
	v0 =	vadd.f32 v1, v0  }
0x320: {  	v1 =	vld [tilespmem:s31+$0x0]  }
0x321: {  	s10 =	sld [smem:$0x7A1];
	v0 =	vadd.f32 v2, v0  }
0x322: {  	v2 =	vld [tilespmem:s4+$0x0]  }
0x323: {  	s11 =	sld [smem:$0x7A2];
	v0 =	vadd.f32 v3, v0  }
0x324: {  	v3 =	vld [tilespmem:s10+$0x0]  }
0x325: {  	s12 =	sld [smem:$0x7A3];
	v0 =	vadd.f32 v1, v0  }
0x326: {  	v1 =	vld [tilespmem:s11+$0x0]  }
0x327: {  	s13 =	sld [smem:$0x7A4];
	v0 =	vadd.f32 v2, v0  }
0x328: {  	v2 =	vld [tilespmem:s12+$0x0]  }
0x329: {  	s14 =	sld [smem:$0x7A5];
	v0 =	vadd.f32 v3, v0  }
0x32a: {  	v3 =	vld [tilespmem:s13+$0x0]  }
0x32b: {  	s17 =	sld [smem:$0x7A6];
	v0 =	vadd.f32 v1, v0  }
0x32c: {  	v1 =	vld [tilespmem:s14+$0x0]  }
0x32d: {  	s18 =	sld [smem:$0x7A7];
	v0 =	vadd.f32 v2, v0  }
0x32e: {  	v2 =	vld [tilespmem:s17+$0x0]  }
0x32f: {  	s19 =	sld [smem:$0x7A8];
	v0 =	vadd.f32 v3, v0  }
0x330: {  	v3 =	vld [tilespmem:s18+$0x0]  }
0x331: {  	s20 =	sld [smem:$0x7A9];
	v0 =	vadd.f32 v1, v0  }
0x332: {  	v1 =	vld [tilespmem:s19+$0x0]  }
0x333: {  	s24 =	sld [smem:$0x7AA];
	v0 =	vadd.f32 v2, v0  }
0x334: {  	v2 =	vld [tilespmem:s20+$0x0]  }
0x335: {  	s31 =	sld [smem:$0x7AB];
	v0 =	vadd.f32 v3, v0  }
0x336: {  	v3 =	vld [tilespmem:s24+$0x0]  }
0x337: {  	s4 =	sld [smem:$0x7AC];
	v0 =	vadd.f32 v1, v0  }
0x338: {  	v1 =	vld [tilespmem:s31+$0x0]  }
0x339: {  	v0 =	vadd.f32 v2, v0  }
0x33a: {  	v2 =	vld [tilespmem:s4+$0x0]  }
0x33b: {  	v0 =	vadd.f32 v3, v0;
	_ =	sdelay $0x1  }
0x33c: {  	v0 =	vadd.f32 v1, v0  }
0x33d: {  	s10 =	sld [smem:$0x7AD]  }
0x33e: {  	s11 =	sld [smem:$0x7AE];
	v0 =	vadd.f32 v2, v0  }
0x33f: {  	s12 =	sld [smem:$0x7AF]  }
0x340: {  	[tilespmem:s10+$0x80] =	vst v0  }
0x341: {  	s13 =	sld [smem:$0x7B0];
	v0 =	vld [tilespmem:s11+$0x0]  }
0x342: {  	v1 =	vld [tilespmem:s12+$0x0]  }
0x343: {  	s14 =	sld [smem:$0x7B1]  }
0x344: {  	v2 =	vld [tilespmem:s13+$0x0]  }
0x345: {  	s17 =	sld [smem:$0x7B2]  }
0x346: {  	v3 =	vld [tilespmem:s14+$0x0]  }
0x347: {  	s18 =	sld [smem:$0x7B3];
	v0 =	vadd.f32 v1, v0  }
0x348: {  	v1 =	vld [tilespmem:s17+$0x0]  }
0x349: {  	s19 =	sld [smem:$0x7B4];
	v0 =	vadd.f32 v2, v0  }
0x34a: {  	v2 =	vld [tilespmem:s18+$0x0]  }
0x34b: {  	s20 =	sld [smem:$0x7B5];
	v0 =	vadd.f32 v3, v0  }
0x34c: {  	v3 =	vld [tilespmem:s19+$0x0]  }
0x34d: {  	s24 =	sld [smem:$0x7B6];
	v0 =	vadd.f32 v1, v0  }
0x34e: {  	v1 =	vld [tilespmem:s20+$0x0]  }
0x34f: {  	s31 =	sld [smem:$0x7B7];
	v0 =	vadd.f32 v2, v0  }
0x350: {  	v2 =	vld [tilespmem:s24+$0x0]  }
0x351: {  	s4 =	sld [smem:$0x7B8];
	v0 =	vadd.f32 v3, v0  }
0x352: {  	v3 =	vld [tilespmem:s31+$0x0]  }
0x353: {  	s10 =	sld [smem:$0x7B9];
	v0 =	vadd.f32 v1, v0  }
0x354: {  	v1 =	vld [tilespmem:s4+$0x0]  }
0x355: {  	s11 =	sld [smem:$0x7BA];
	v0 =	vadd.f32 v2, v0  }
0x356: {  	v2 =	vld [tilespmem:s10+$0x0]  }
0x357: {  	s12 =	sld [smem:$0x7BB];
	v0 =	vadd.f32 v3, v0  }
0x358: {  	v3 =	vld [tilespmem:s11+$0x0]  }
0x359: {  	s13 =	sld [smem:$0x7BC];
	v0 =	vadd.f32 v1, v0  }
0x35a: {  	v1 =	vld [tilespmem:s12+$0x0]  }
0x35b: {  	s14 =	sld [smem:$0x7BD];
	v0 =	vadd.f32 v2, v0  }
0x35c: {  	v2 =	vld [tilespmem:s13+$0x0]  }
0x35d: {  	s17 =	sld [smem:$0x7BE];
	v0 =	vadd.f32 v3, v0  }
0x35e: {  	v3 =	vld [tilespmem:s14+$0x0]  }
0x35f: {  	s18 =	sld [smem:$0x7BF];
	v0 =	vadd.f32 v1, v0  }
0x360: {  	v1 =	vld [tilespmem:s17+$0x0]  }
0x361: {  	s19 =	sld [smem:$0x7C0];
	v0 =	vadd.f32 v2, v0  }
0x362: {  	v2 =	vld [tilespmem:s18+$0x0]  }
0x363: {  	s20 =	sld [smem:$0x7C1];
	v0 =	vadd.f32 v3, v0  }
0x364: {  	v3 =	vld [tilespmem:s19+$0x0]  }
0x365: {  	s24 =	sld [smem:$0x7C2];
	v0 =	vadd.f32 v1, v0  }
0x366: {  	v1 =	vld [tilespmem:s20+$0x0]  }
0x367: {  	s31 =	sld [smem:$0x7C3];
	v0 =	vadd.f32 v2, v0  }
0x368: {  	v2 =	vld [tilespmem:s24+$0x0]  }
0x369: {  	s4 =	sld [smem:$0x7C4];
	v0 =	vadd.f32 v3, v0  }
0x36a: {  	v3 =	vld [tilespmem:s31+$0x0]  }
0x36b: {  	s10 =	sld [smem:$0x7C5];
	v0 =	vadd.f32 v1, v0  }
0x36c: {  	v1 =	vld [tilespmem:s4+$0x0]  }
0x36d: {  	v0 =	vadd.f32 v2, v0  }
0x36e: {  	v2 =	vld [tilespmem:s10+$0x0]  }
0x36f: {  	v0 =	vadd.f32 v3, v0  }
0x370: {  	s1 =	sor.u32 s1, s0  }
0x371: {  	[smem:$0x7C6] =	sst s1;
	v0 =	vadd.f32 v1, v0  }
0x372: {  	s11 =	sld [smem:$0x7C6]  }
0x373: {  	s12 =	sld [smem:$0x7C7];
	v0 =	vadd.f32 v2, v0;
	_ =	sdelay $0x1  }
0x374: {  	s13 =	rddreg [dreg:$0x1b];
	[tilespmem:s11+$0x80] =	vst v0  }
0x375: {  	s14 =	sld [smem:$0x7C8];
	v0 =	vld [tilespmem:s12+$0x0]  }
0x376: {  	v1 =	vld [tilespmem:s13+$0x0];
	_ =	sdelay $0x1  }
0x377: {  	v2 =	vld [tilespmem:s14+$0x0]  }
0x378: {  	s17 =	rddreg [dreg:$0x1c]  }
0x379: {  	v3 =	vld [tilespmem:s17+$0x0]  }
0x37a: {  	s18 =	rddreg [dreg:$0x18];
	v0 =	vadd.f32 v1, v0  }
0x37b: {  	v4 =	vld [tilespmem:s18+$0x0]  }
0x37c: {  	s19 =	rddreg [dreg:$0x1d];
	v0 =	vadd.f32 v2, v0  }
0x37d: {  	v5 =	vld [tilespmem:s19+$0x0]  }
0x37e: {  	s20 =	rddreg [dreg:$0x14];
	v0 =	vadd.f32 v3, v0  }
0x37f: {  	v1 =	vld [tilespmem:s20+$0x0]  }
0x380: {  	s24 =	rddreg [dreg:$0xd];
	v0 =	vadd.f32 v4, v0  }
0x381: {  	v6 =	vld [tilespmem:s24+$0x0]  }
0x382: {  	s31 =	rddreg [dreg:$0xe];
	v0 =	vadd.f32 v5, v0  }
0x383: {  	v2 =	vld [tilespmem:s31+$0x0]  }
0x384: {  	v0 =	vadd.f32 v1, v0  }
0x385: {  	v7 =	vld [tilespmem:s30+$0x0]  }
0x386: {  	v0 =	vadd.f32 v6, v0  }
0x387: {  	v3 =	vld [tilespmem:s26+$0x0]  }
0x388: {  	v0 =	vadd.f32 v2, v0  }
0x389: {  	v8 =	vld [tilespmem:s28+$0x0]  }
0x38a: {  	v7 =	vadd.f32 v7, v0  }
0x38b: {  	v61 =	vld [tilespmem:s25+$0x0]  }
0x38c: {  	v3 =	vadd.f32 v3, v7  }
0x38d: {  	v9 =	vld [tilespmem:s22+$0x0]  }
0x38e: {  	v3 =	vadd.f32 v8, v3  }
0x38f: {  	v62 =	vld [tilespmem:s21+$0x0]  }
0x390: {  	v3 =	vadd.f32 v61, v3  }
0x391: {  	v10 =	vld [tilespmem:s16+$0x0]  }
0x392: {  	v3 =	vadd.f32 v9, v3  }
0x393: {  	v11 =	vld [tilespmem:s9+$0x0]  }
0x394: {  	v3 =	vadd.f32 v62, v3  }
0x395: {  	v12 =	vld [tilespmem:s15+$0x0]  }
0x396: {  	v3 =	vadd.f32 v10, v3  }
0x397: {  	v63 =	vld [tilespmem:s8+$0x0]  }
0x398: {  	v3 =	vadd.f32 v11, v3  }
0x399: {  	v13 =	vld [tilespmem:s6+$0x0]  }
0x39a: {  	v3 =	vadd.f32 v12, v3  }
0x39b: {  	v2 =	vld [tilespmem:s7+$0x0]  }
0x39c: {  	v3 =	vadd.f32 v63, v3  }
0x39d: {  	v14 =	vld [tilespmem:s5+$0x0]  }
.Ltmp3:
0x39e: {  	v3 =	vadd.f32 v13, v3;
	(pc) =	sbr.rel @p1 .LBB2_5-.Ltmp3, $4  }
0x39f: {  	_ = 	snop  }
0x3a0: {  	v2 =	vadd.f32 v2, v3  }
0x3a1: {  	s29 =	rddreg [dreg:$0x3];
	v1 =	vld [tilespmem:s2+$0x0]  }
0x3a2: {  	s1 =	rddreg [dreg:$0x6];
	v0 =	vld [tilespmem:s3+$0x0];
	v2 =	vadd.f32 v14, v2  }
0x3a3: {  	_ = 	snop  }
0x3a4: {  	s0 =	sld [smem:$0x7C9]  }
0x3a5: {  	s4 =	sld [smem:$0x7CA]  }
0x3a6: {  	v1 =	vadd.f32 v1, v2  }
0x3a7: {  	s0 =	sshll.u32 s0, $0x4  }
0x3a8: {  	s2 =	rddreg [dreg:$0x1];
	s1 =	sshll.u32 s4, $0x7;
	s0 =	sand.u32 $0x50, s0;
	v0 =	vadd.f32 v0, v1  }
0x3a9: {  	s1 =	sand.u32 $0x1FC00, s1;
	s0 =	sadd.s32 s2, s0  }
0x3aa: {  	s13 =	simm.s32 $0x0;
	s14 =	simm.s32 $0x18080;
	s0 =	sadd.s32 s1, s0;
	[tilespmem:s23+$0x80] =	vst v0  }
0x3ab: {  	[hbm4b:s0+s13] =	stream.linear.scatter [tilespmem:s14], [sflag:$0x6], $0x80, $0x38;
	[tilespmem:$0x18800] =	vst v63  }
0x3ac: {  	s3 =	simm.s32 $0x18180;
	s15 =	sadd.s32 $0x80, s0  }
0x3ad: {  	[hbm4b:s15+s13] =	stream.linear.scatter [tilespmem:s3], [sflag:$0x6], $0x80, $0x38;
	[tilespmem:$0x18800] =	vst v63  }
0x3ae: {  	s17 =	simm.s32 $0x18280;
	s16 =	sadd.s32 $0x100, s0  }
0x3af: {  	[hbm4b:s16+s13] =	stream.linear.scatter [tilespmem:s17], [sflag:$0x6], $0x80, $0x38;
	[tilespmem:$0x18800] =	vst v63  }
0x3b0: {  	s19 =	simm.s32 $0x18380;
	s18 =	sadd.s32 $0x180, s0  }
0x3b1: {  	[hbm4b:s18+s13] =	stream.linear.scatter [tilespmem:s19], [sflag:$0x6], $0x80, $0x38;
	[tilespmem:$0x18800] =	vst v63  }
0x3b2: {  	s21 =	simm.s32 $0x18480;
	s20 =	sadd.s32 $0x200, s0  }
0x3b3: {  	[hbm4b:s20+s13] =	stream.linear.scatter [tilespmem:s21], [sflag:$0x6], $0x80, $0x38;
	[tilespmem:$0x18800] =	vst v63  }
0x3b4: {  	s22 =	sadd.s32 $0x280, s0;
	s23 =	simm.s32 $0x18580  }
0x3b5: {  	[hbm4b:s22+s13] =	stream.linear.scatter [tilespmem:s23], [sflag:$0x6], $0x80, $0x38;
	[tilespmem:$0x18800] =	vst v63  }
0x3b6: {  	s25 =	simm.s32 $0x18680;
	s24 =	sadd.s32 $0x300, s0  }
0x3b7: {  	[hbm4b:s24+s13] =	stream.linear.scatter [tilespmem:s25], [sflag:$0x6], $0x80, $0x38;
	[tilespmem:$0x18800] =	vst v63  }
0x3b8: {  	s26 =	simm.s32 $0x18780;
	s1 =	smul.u32 @!p0 $0x6000, s4;
	s0 =	sadd.s32 $0x380, s0  }
0x3b9: {  	[hbm4b:s0+s13] =	stream.linear.scatter [tilespmem:s26], [sflag:$0x6], $0x80, $0x38;
	[tilespmem:$0x18800] =	vst v63  }
0x3ba: {  	s0 =	sshrl.u32 @!p0 s1, $0x3;
	s1 =	rddreg [dreg:$0x0]  }
0x3bb: {  	s28 =	simm.s32 $0x3;
	s0 =	sadd.s32 @!p0 s1, s0  }
0x3bc: {  	s2 =	simm.s32 @!p0 $0x6000;
	s1 =	simm.s32 @!p0 $0x0;
	s0 =	sadd.s32 @!p0 $0x3000, s0  }
0x3bd: {  	[tilespmem:s2], [sflag:$0x2] =	stream.linear.gather @!p0 [hbm4b:s0+s1], $0x6000, $0x38;
	[tilespmem:$0x18800] =	vst v63  }
0x3be: {  	_ =	swait.ge [sflag:s28], $0x6000  }
0x3bf: {  	[sflag:s28] =	ssyncset.done $0x0  }
0x3c0: {  	s29 =	simm.s32 $0x0;
	s30 =	simm.s32 $0x5;
	[sflag:s28] =	ssyncadd.s32 $0xFFFFA000  }
0x3c1: {  	s31 =	sand.u32 $0x1C00, s29;
	_ =	swait.ge [sflag:s30], $0x400  }
0x3c2: {  	s3 =	sand.u32 $0x40, s29;
	s0 =	sor.u32 $0xC000, s31;
	[sflag:s30] =	ssyncset.done $0x0  }
0x3c3: {  	s2 =	sor.u32 $0xC080, s31;
	s10 =	sor.u32 s3, s0;
	[sflag:s30] =	ssyncadd.s32 $0xFFFFFC00  }
0x3c4: {  	s5 =	sor.u32 s3, s2;
	v0 =	vld [tilespmem:s10+$0x0]  }
0x3c5: {  	s4 =	sor.u32 $0xC100, s31;
	v1 =	vld [tilespmem:s5+$0x0]  }
0x3c6: {  	s6 =	sor.u32 s3, s4  }
0x3c7: {  	s5 =	sor.u32 $0xC180, s31;
	v2 =	vld [tilespmem:s6+$0x0]  }
0x3c8: {  	s11 =	sor.u32 s3, s5  }
0x3c9: {  	s7 =	sor.u32 $0xC200, s31;
	v3 =	vld [tilespmem:s11+$0x0]  }
0x3ca: {  	s12 =	sor.u32 s3, s7;
	v0 =	vadd.f32 v1, v0  }
0x3cb: {  	s9 =	sor.u32 $0xC280, s31;
	v1 =	vld [tilespmem:s12+$0x0]  }
0x3cc: {  	s13 =	sor.u32 s3, s9;
	v0 =	vadd.f32 v2, v0  }
0x3cd: {  	s8 =	sor.u32 $0xC300, s31;
	v2 =	vld [tilespmem:s13+$0x0]  }
0x3ce: {  	s14 =	sor.u32 s3, s8;
	v0 =	vadd.f32 v3, v0  }
0x3cf: {  	s10 =	sor.u32 $0xC380, s31;
	v3 =	vld [tilespmem:s14+$0x0]  }
0x3d0: {  	s15 =	sor.u32 s3, s10;
	v0 =	vadd.f32 v1, v0  }
0x3d1: {  	s11 =	sor.u32 $0xE000, s31;
	v1 =	vld [tilespmem:s15+$0x0]  }
0x3d2: {  	s16 =	sor.u32 s3, s11;
	v0 =	vadd.f32 v2, v0  }
0x3d3: {  	s12 =	sor.u32 $0xE080, s31;
	v2 =	vld [tilespmem:s16+$0x0]  }
0x3d4: {  	s17 =	sor.u32 s3, s12;
	v0 =	vadd.f32 v3, v0  }
0x3d5: {  	s15 =	sor.u32 $0xE100, s31;
	v3 =	vld [tilespmem:s17+$0x0]  }
0x3d6: {  	s18 =	sor.u32 s3, s15;
	v0 =	vadd.f32 v1, v0  }
0x3d7: {  	s13 =	sor.u32 $0xE180, s31;
	v1 =	vld [tilespmem:s18+$0x0]  }
0x3d8: {  	s19 =	sor.u32 s3, s13;
	v0 =	vadd.f32 v2, v0  }
0x3d9: {  	s17 =	sor.u32 $0xE200, s31;
	v2 =	vld [tilespmem:s19+$0x0]  }
0x3da: {  	s20 =	sor.u32 s3, s17;
	v0 =	vadd.f32 v3, v0  }
0x3db: {  	s14 =	sor.u32 $0xE280, s31;
	v3 =	vld [tilespmem:s20+$0x0]  }
0x3dc: {  	s21 =	sor.u32 s3, s14;
	v0 =	vadd.f32 v1, v0  }
0x3dd: {  	s18 =	sor.u32 $0xE300, s31;
	v1 =	vld [tilespmem:s21+$0x0]  }
0x3de: {  	s22 =	sor.u32 s3, s18;
	v0 =	vadd.f32 v2, v0  }
0x3df: {  	s16 =	sor.u32 $0xE380, s31;
	v2 =	vld [tilespmem:s22+$0x0]  }
0x3e0: {  	s23 =	sor.u32 s3, s16;
	v0 =	vadd.f32 v3, v0  }
0x3e1: {  	s19 =	sor.u32 $0x10000, s31;
	v3 =	vld [tilespmem:s23+$0x0]  }
0x3e2: {  	s24 =	sor.u32 s3, s19;
	v0 =	vadd.f32 v1, v0  }
0x3e3: {  	s26 =	sor.u32 $0x10080, s31;
	v1 =	vld [tilespmem:s24+$0x0]  }
0x3e4: {  	s20 =	sor.u32 s3, s26;
	v0 =	vadd.f32 v2, v0  }
0x3e5: {  	s6 =	sor.u32 $0x10100, s31;
	v2 =	vld [tilespmem:s20+$0x0]  }
0x3e6: {  	s21 =	sor.u32 s3, s6;
	v0 =	vadd.f32 v3, v0  }
0x3e7: {  	s20 =	sor.u32 $0x10180, s31;
	v3 =	vld [tilespmem:s21+$0x0]  }
0x3e8: {  	s22 =	sor.u32 s3, s20;
	v0 =	vadd.f32 v1, v0  }
0x3e9: {  	s21 =	sor.u32 $0x10200, s31;
	v1 =	vld [tilespmem:s22+$0x0]  }
0x3ea: {  	s25 =	sor.u32 s3, s21;
	v0 =	vadd.f32 v2, v0  }
0x3eb: {  	s22 =	sor.u32 $0x10280, s31;
	v2 =	vld [tilespmem:s25+$0x0]  }
0x3ec: {  	s28 =	sor.u32 s3, s22;
	v0 =	vadd.f32 v3, v0  }
0x3ed: {  	s23 =	sor.u32 $0x10300, s31;
	v3 =	vld [tilespmem:s28+$0x0]  }
0x3ee: {  	s24 =	sor.u32 s3, s23;
	v0 =	vadd.f32 v1, v0  }
0x3ef: {  	v1 =	vld [tilespmem:s24+$0x0];
	s24 =	sor.u32 $0x10380, s31  }
0x3f0: {  	s25 =	sor.u32 s3, s24;
	v0 =	vadd.f32 v2, v0  }
0x3f1: {  	v2 =	vld [tilespmem:s25+$0x0]  }
0x3f2: {  	v0 =	vadd.f32 v3, v0;
	_ =	sdelay $0x1  }
0x3f3: {  	v0 =	vadd.f32 v1, v0  }
0x3f4: {  	s1 =	sshrl.u32 s31, $0x2  }
0x3f5: {  	s25 =	sor.u32 $0x18000, s1;
	v0 =	vadd.f32 v2, v0  }
0x3f6: {  	s1 =	sor.u32 $0x10, s3;
	s28 =	sor.u32 s3, s25  }
0x3f7: {  	s30 =	sor.u32 s1, s0;
	[tilespmem:s28+$0x0] =	vst v0  }
0x3f8: {  	s31 =	sor.u32 s1, s2;
	v0 =	vld [tilespmem:s30+$0x0]  }
0x3f9: {  	v1 =	vld [tilespmem:s31+$0x0]  }
0x3fa: {  	s30 =	sor.u32 s1, s4  }
0x3fb: {  	v2 =	vld [tilespmem:s30+$0x0]  }
0x3fc: {  	s31 =	sor.u32 s1, s5  }
0x3fd: {  	v3 =	vld [tilespmem:s31+$0x0]  }
0x3fe: {  	s30 =	sor.u32 s1, s7;
	v0 =	vadd.f32 v1, v0  }
0x3ff: {  	v1 =	vld [tilespmem:s30+$0x0]  }
0x400: {  	s31 =	sor.u32 s1, s9;
	v0 =	vadd.f32 v2, v0  }
0x401: {  	v2 =	vld [tilespmem:s31+$0x0]  }
0x402: {  	s30 =	sor.u32 s1, s8;
	v0 =	vadd.f32 v3, v0  }
0x403: {  	v3 =	vld [tilespmem:s30+$0x0]  }
0x404: {  	s31 =	sor.u32 s1, s10;
	v0 =	vadd.f32 v1, v0  }
0x405: {  	v1 =	vld [tilespmem:s31+$0x0]  }
0x406: {  	s30 =	sor.u32 s1, s11;
	v0 =	vadd.f32 v2, v0  }
0x407: {  	v2 =	vld [tilespmem:s30+$0x0]  }
0x408: {  	s31 =	sor.u32 s1, s12;
	v0 =	vadd.f32 v3, v0  }
0x409: {  	v3 =	vld [tilespmem:s31+$0x0]  }
0x40a: {  	s30 =	sor.u32 s1, s15;
	v0 =	vadd.f32 v1, v0  }
0x40b: {  	v1 =	vld [tilespmem:s30+$0x0]  }
0x40c: {  	s31 =	sor.u32 s1, s13;
	v0 =	vadd.f32 v2, v0  }
0x40d: {  	v2 =	vld [tilespmem:s31+$0x0]  }
0x40e: {  	s30 =	sor.u32 s1, s17;
	v0 =	vadd.f32 v3, v0  }
0x40f: {  	v3 =	vld [tilespmem:s30+$0x0]  }
0x410: {  	s31 =	sor.u32 s1, s14;
	v0 =	vadd.f32 v1, v0  }
0x411: {  	v1 =	vld [tilespmem:s31+$0x0]  }
0x412: {  	s30 =	sor.u32 s1, s18;
	v0 =	vadd.f32 v2, v0  }
0x413: {  	v2 =	vld [tilespmem:s30+$0x0]  }
0x414: {  	s31 =	sor.u32 s1, s16;
	v0 =	vadd.f32 v3, v0  }
0x415: {  	v3 =	vld [tilespmem:s31+$0x0]  }
0x416: {  	s30 =	sor.u32 s1, s19;
	v0 =	vadd.f32 v1, v0  }
0x417: {  	v1 =	vld [tilespmem:s30+$0x0]  }
0x418: {  	s31 =	sor.u32 s1, s26;
	v0 =	vadd.f32 v2, v0  }
0x419: {  	v2 =	vld [tilespmem:s31+$0x0]  }
0x41a: {  	s30 =	sor.u32 s1, s6;
	v0 =	vadd.f32 v3, v0  }
0x41b: {  	v3 =	vld [tilespmem:s30+$0x0]  }
0x41c: {  	s31 =	sor.u32 s1, s20;
	v0 =	vadd.f32 v1, v0  }
0x41d: {  	v1 =	vld [tilespmem:s31+$0x0]  }
0x41e: {  	s30 =	sor.u32 s1, s21;
	v0 =	vadd.f32 v2, v0  }
0x41f: {  	v2 =	vld [tilespmem:s30+$0x0]  }
0x420: {  	s31 =	sor.u32 s1, s22;
	v0 =	vadd.f32 v3, v0  }
0x421: {  	v3 =	vld [tilespmem:s31+$0x0]  }
0x422: {  	s30 =	sor.u32 s1, s23;
	v0 =	vadd.f32 v1, v0  }
0x423: {  	v1 =	vld [tilespmem:s30+$0x0]  }
0x424: {  	s31 =	sor.u32 s1, s24;
	v0 =	vadd.f32 v2, v0  }
0x425: {  	v2 =	vld [tilespmem:s31+$0x0]  }
0x426: {  	v0 =	vadd.f32 v3, v0;
	_ =	sdelay $0x1  }
0x427: {  	v0 =	vadd.f32 v1, v0;
	_ =	sdelay $0x1  }
0x428: {  	v0 =	vadd.f32 v2, v0  }
0x429: {  	s30 =	sor.u32 s1, s25;
	s1 =	sor.u32 $0x20, s3  }
0x42a: {  	s31 =	sor.u32 s1, s0;
	[tilespmem:s30+$0x0] =	vst v0  }
0x42b: {  	s30 =	sor.u32 s1, s2;
	v0 =	vld [tilespmem:s31+$0x0]  }
0x42c: {  	v1 =	vld [tilespmem:s30+$0x0]  }
0x42d: {  	s31 =	sor.u32 s1, s4  }
0x42e: {  	v2 =	vld [tilespmem:s31+$0x0]  }
0x42f: {  	s30 =	sor.u32 s1, s5  }
0x430: {  	v3 =	vld [tilespmem:s30+$0x0]  }
0x431: {  	s31 =	sor.u32 s1, s7;
	v0 =	vadd.f32 v1, v0  }
0x432: {  	v1 =	vld [tilespmem:s31+$0x0]  }
0x433: {  	s30 =	sor.u32 s1, s9;
	v0 =	vadd.f32 v2, v0  }
0x434: {  	v2 =	vld [tilespmem:s30+$0x0]  }
0x435: {  	s31 =	sor.u32 s1, s8;
	v0 =	vadd.f32 v3, v0  }
0x436: {  	v3 =	vld [tilespmem:s31+$0x0]  }
0x437: {  	s30 =	sor.u32 s1, s10;
	v0 =	vadd.f32 v1, v0  }
0x438: {  	v1 =	vld [tilespmem:s30+$0x0]  }
0x439: {  	s31 =	sor.u32 s1, s11;
	v0 =	vadd.f32 v2, v0  }
0x43a: {  	v2 =	vld [tilespmem:s31+$0x0]  }
0x43b: {  	s30 =	sor.u32 s1, s12;
	v0 =	vadd.f32 v3, v0  }
0x43c: {  	v3 =	vld [tilespmem:s30+$0x0]  }
0x43d: {  	s31 =	sor.u32 s1, s15;
	v0 =	vadd.f32 v1, v0  }
0x43e: {  	v1 =	vld [tilespmem:s31+$0x0]  }
0x43f: {  	s30 =	sor.u32 s1, s13;
	v0 =	vadd.f32 v2, v0  }
0x440: {  	v2 =	vld [tilespmem:s30+$0x0]  }
0x441: {  	s31 =	sor.u32 s1, s17;
	v0 =	vadd.f32 v3, v0  }
0x442: {  	v3 =	vld [tilespmem:s31+$0x0]  }
0x443: {  	s30 =	sor.u32 s1, s14;
	v0 =	vadd.f32 v1, v0  }
0x444: {  	v1 =	vld [tilespmem:s30+$0x0]  }
0x445: {  	s31 =	sor.u32 s1, s18;
	v0 =	vadd.f32 v2, v0  }
0x446: {  	v2 =	vld [tilespmem:s31+$0x0]  }
0x447: {  	s30 =	sor.u32 s1, s16;
	v0 =	vadd.f32 v3, v0  }
0x448: {  	v3 =	vld [tilespmem:s30+$0x0]  }
0x449: {  	s31 =	sor.u32 s1, s19;
	v0 =	vadd.f32 v1, v0  }
0x44a: {  	v1 =	vld [tilespmem:s31+$0x0]  }
0x44b: {  	s30 =	sor.u32 s1, s26;
	v0 =	vadd.f32 v2, v0  }
0x44c: {  	v2 =	vld [tilespmem:s30+$0x0]  }
0x44d: {  	s31 =	sor.u32 s1, s6;
	v0 =	vadd.f32 v3, v0  }
0x44e: {  	v3 =	vld [tilespmem:s31+$0x0]  }
0x44f: {  	s30 =	sor.u32 s1, s20;
	v0 =	vadd.f32 v1, v0  }
0x450: {  	v1 =	vld [tilespmem:s30+$0x0]  }
0x451: {  	s31 =	sor.u32 s1, s21;
	v0 =	vadd.f32 v2, v0  }
0x452: {  	v2 =	vld [tilespmem:s31+$0x0]  }
0x453: {  	s30 =	sor.u32 s1, s22;
	v0 =	vadd.f32 v3, v0  }
0x454: {  	v3 =	vld [tilespmem:s30+$0x0]  }
0x455: {  	s31 =	sor.u32 s1, s23;
	v0 =	vadd.f32 v1, v0  }
0x456: {  	v1 =	vld [tilespmem:s31+$0x0]  }
0x457: {  	s30 =	sor.u32 s1, s24;
	v0 =	vadd.f32 v2, v0  }
0x458: {  	v2 =	vld [tilespmem:s30+$0x0]  }
0x459: {  	v0 =	vadd.f32 v3, v0;
	_ =	sdelay $0x1  }
0x45a: {  	v0 =	vadd.f32 v1, v0;
	_ =	sdelay $0x1  }
0x45b: {  	v0 =	vadd.f32 v2, v0  }
0x45c: {  	s3 =	sor.u32 $0x30, s3;
	s1 =	sor.u32 s1, s25  }
0x45d: {  	s0 =	sor.u32 s3, s0;
	[tilespmem:s1+$0x0] =	vst v0  }
0x45e: {  	s31 =	sor.u32 s3, s2;
	v0 =	vld [tilespmem:s0+$0x0]  }
0x45f: {  	v1 =	vld [tilespmem:s31+$0x0]  }
0x460: {  	s1 =	sor.u32 s3, s4  }
0x461: {  	v2 =	vld [tilespmem:s1+$0x0]  }
0x462: {  	s2 =	sor.u32 s3, s5  }
0x463: {  	v3 =	vld [tilespmem:s2+$0x0]  }
0x464: {  	s4 =	sor.u32 s3, s7;
	v0 =	vadd.f32 v1, v0  }
0x465: {  	v1 =	vld [tilespmem:s4+$0x0]  }
0x466: {  	s5 =	sor.u32 s3, s9;
	v0 =	vadd.f32 v2, v0  }
0x467: {  	v2 =	vld [tilespmem:s5+$0x0]  }
0x468: {  	s7 =	sor.u32 s3, s8;
	v0 =	vadd.f32 v3, v0  }
0x469: {  	v3 =	vld [tilespmem:s7+$0x0]  }
0x46a: {  	s8 =	sor.u32 s3, s10;
	v0 =	vadd.f32 v1, v0  }
0x46b: {  	v1 =	vld [tilespmem:s8+$0x0]  }
0x46c: {  	s9 =	sor.u32 s3, s11;
	v0 =	vadd.f32 v2, v0  }
0x46d: {  	v2 =	vld [tilespmem:s9+$0x0]  }
0x46e: {  	s10 =	sor.u32 s3, s12;
	v0 =	vadd.f32 v3, v0  }
0x46f: {  	v3 =	vld [tilespmem:s10+$0x0]  }
0x470: {  	s11 =	sor.u32 s3, s15;
	v0 =	vadd.f32 v1, v0  }
0x471: {  	v1 =	vld [tilespmem:s11+$0x0]  }
0x472: {  	s12 =	sor.u32 s3, s13;
	v0 =	vadd.f32 v2, v0  }
0x473: {  	v2 =	vld [tilespmem:s12+$0x0]  }
0x474: {  	s13 =	sor.u32 s3, s17;
	v0 =	vadd.f32 v3, v0  }
0x475: {  	v3 =	vld [tilespmem:s13+$0x0]  }
0x476: {  	s14 =	sor.u32 s3, s14;
	v0 =	vadd.f32 v1, v0  }
0x477: {  	v1 =	vld [tilespmem:s14+$0x0]  }
0x478: {  	s15 =	sor.u32 s3, s18;
	v0 =	vadd.f32 v2, v0  }
0x479: {  	v2 =	vld [tilespmem:s15+$0x0]  }
0x47a: {  	s16 =	sor.u32 s3, s16;
	v0 =	vadd.f32 v3, v0  }
0x47b: {  	v3 =	vld [tilespmem:s16+$0x0]  }
0x47c: {  	s17 =	sor.u32 s3, s19;
	v0 =	vadd.f32 v1, v0  }
0x47d: {  	v1 =	vld [tilespmem:s17+$0x0]  }
0x47e: {  	s18 =	sor.u32 s3, s26;
	v0 =	vadd.f32 v2, v0  }
0x47f: {  	v2 =	vld [tilespmem:s18+$0x0]  }
0x480: {  	s19 =	sor.u32 s3, s6;
	v0 =	vadd.f32 v3, v0  }
0x481: {  	v3 =	vld [tilespmem:s19+$0x0]  }
0x482: {  	s20 =	sor.u32 s3, s20;
	v0 =	vadd.f32 v1, v0  }
0x483: {  	v1 =	vld [tilespmem:s20+$0x0]  }
0x484: {  	s26 =	sor.u32 s3, s21;
	v0 =	vadd.f32 v2, v0  }
0x485: {  	v2 =	vld [tilespmem:s26+$0x0]  }
0x486: {  	s28 =	sor.u32 s3, s22;
	v0 =	vadd.f32 v3, v0  }
0x487: {  	v3 =	vld [tilespmem:s28+$0x0]  }
0x488: {  	v0 =	vadd.f32 v1, v0;
	_ =	sdelay $0x1  }
0x489: {  	s30 =	sor.u32 s3, s23;
	v2 =	vadd.f32 v2, v0  }
0x48a: {  	s31 =	sor.u32 s3, s24;
	v1 =	vld [tilespmem:s30+$0x0]  }
0x48b: {  	s21 =	sor.u32 s3, s25;
	s1 =	simm.s32 $0x200;
	v0 =	vld [tilespmem:s31+$0x0];
	v2 =	vadd.f32 v3, v2  }
.LBB2_7:
0x48c: {  	_ =	sdelay $0x1  }
0x48d: {  	s29 =	sadd.s32 $0x40, s29  }
0x48e: {  	s0 =	smov.u32 s1;
	s18 =	sadd.s32 $0x200, s1;
	[dreg:$0x4] =	wrdreg s29;
	v1 =	vadd.f32 v1, v2  }
0x48f: {  	[dreg:$0x7] =	wrdreg s18;
	s9 =	sand.u32 $0x1C00, s0;
	s10 =	sand.u32 $0x40, s29  }
0x490: {  	s3 =	sor.u32 $0xC000, s9;
	s7 =	sor.u32 $0xC080, s9;
	s2 =	sor.u32 $0xC100, s9;
	v0 =	vadd.f32 v0, v1  }
0x491: {  	s13 =	sor.u32 $0xC180, s9;
	s20 =	sor.u32 $0xC200, s9;
	s8 =	sor.u32 $0xC300, s9  }
0x492: {  	s24 =	sor.u32 $0xC380, s9;
	s23 =	sor.u32 $0xE180, s9;
	s19 =	sor.u32 s10, s3;
	[tilespmem:s21+$0x0] =	vst v0  }
0x493: {  	s29 =	sor.u32 $0xE200, s9;
	s18 =	sor.u32 $0x10080, s9;
	s4 =	sor.u32 s10, s7;
	v0 =	vld [tilespmem:s19+$0x0]  }
0x494: {  	s5 =	sor.u32 s10, s2;
	s6 =	sor.u32 s10, s13;
	s22 =	sor.u32 s10, s23;
	v1 =	vld [tilespmem:s4+$0x0]  }
0x495: {  	s11 =	sor.u32 s10, s20;
	s30 =	sor.u32 s10, s29;
	[smem:$0x744] =	sst s22  }
0x496: {  	s17 =	sor.u32 s10, s18;
	s22 =	sor.u32 $0xE280, s9;
	[smem:$0x745] =	sst s30;
	v2 =	vld [tilespmem:s5+$0x0]  }
0x497: {  	s30 =	sor.u32 $0x10000, s9;
	[smem:$0x74A] =	sst s17;
	s31 =	sor.u32 s10, s22  }
0x498: {  	s14 =	sor.u32 s10, s8;
	s16 =	sor.u32 s10, s30;
	[smem:$0x746] =	sst s31;
	v3 =	vld [tilespmem:s6+$0x0]  }
0x499: {  	s17 =	sor.u32 $0x10100, s9;
	s31 =	sor.u32 $0xE380, s9;
	[smem:$0x749] =	sst s16;
	v0 =	vadd.f32 v1, v0  }
0x49a: {  	s16 =	sor.u32 $0x10180, s9;
	s15 =	sor.u32 s10, s31;
	s19 =	sor.u32 $0xE300, s9  }
0x49b: {  	s21 =	sor.u32 $0xC280, s9;
	[smem:$0x748] =	sst s15;
	v1 =	vld [tilespmem:s11+$0x0];
	s11 =	sor.u32 s10, s19;
	v0 =	vadd.f32 v2, v0  }
0x49c: {  	s15 =	sor.u32 $0x10200, s9;
	[smem:$0x747] =	sst s11;
	s11 =	sor.u32 s10, s17  }
0x49d: {  	s12 =	sor.u32 s10, s21;
	[smem:$0x74B] =	sst s11;
	v0 =	vadd.f32 v3, v0;
	v3 =	vld [tilespmem:s14+$0x0];
	s14 =	sor.u32 s10, s15  }
0x49e: {  	v2 =	vld [tilespmem:s12+$0x0];
	s12 =	sor.u32 s10, s16;
	[smem:$0x74D] =	sst s14;
	s14 =	sor.u32 $0x10280, s9  }
0x49f: {  	[smem:$0x74C] =	sst s12;
	s12 =	sor.u32 $0x10300, s9;
	s11 =	sor.u32 s10, s14  }
0x4a0: {  	s25 =	sor.u32 $0xE000, s9;
	[smem:$0x74E] =	sst s11;
	s11 =	sor.u32 s10, s12  }
0x4a1: {  	s28 =	sor.u32 $0xE080, s9;
	v0 =	vadd.f32 v1, v0;
	[smem:$0x74F] =	sst s11;
	s11 =	sor.u32 $0x10380, s9  }
0x4a2: {  	s26 =	sor.u32 $0xE100, s9;
	s0 =	sor.u32 s10, s24;
	s6 =	sor.u32 s10, s11  }
0x4a3: {  	v1 =	vld [tilespmem:s0+$0x0];
	v0 =	vadd.f32 v2, v0;
	[smem:$0x750] =	sst s6;
	s6 =	sshrl.u32 s9, $0x2;
	s9 =	sor.u32 $0x10, s10  }
0x4a4: {  	s4 =	sor.u32 s10, s28;
	s0 =	sor.u32 $0x18000, s6;
	s6 =	sor.u32 s9, s3  }
0x4a5: {  	v0 =	vadd.f32 v3, v0;
	v3 =	vld [tilespmem:s4+$0x0];
	s4 =	sor.u32 s9, s24;
	[smem:$0x752] =	sst s6  }
0x4a6: {  	s6 =	sor.u32 s9, s7;
	[smem:$0x759] =	sst s4  }
0x4a7: {  	s5 =	sor.u32 s10, s26;
	s4 =	sor.u32 s9, s28;
	[smem:$0x753] =	sst s6  }
0x4a8: {  	v0 =	vadd.f32 v1, v0;
	v1 =	vld [tilespmem:s5+$0x0];
	s5 =	sor.u32 s9, s19;
	[smem:$0x75B] =	sst s4  }
0x4a9: {  	s6 =	sor.u32 s10, s0;
	[smem:$0x760] =	sst s5  }
0x4aa: {  	s4 =	sor.u32 s9, s23;
	[smem:$0x751] =	sst s6  }
0x4ab: {  	s5 =	sor.u32 s9, s18;
	[smem:$0x75D] =	sst s4  }
0x4ac: {  	s6 =	sor.u32 s9, s2;
	[smem:$0x763] =	sst s5  }
0x4ad: {  	s4 =	sor.u32 s9, s22;
	[smem:$0x754] =	sst s6  }
0x4ae: {  	s5 =	sor.u32 s9, s16;
	[smem:$0x75F] =	sst s4  }
0x4af: {  	s6 =	sor.u32 s9, s13;
	[smem:$0x765] =	sst s5  }
0x4b0: {  	s4 =	sor.u32 s9, s30;
	[smem:$0x755] =	sst s6  }
0x4b1: {  	p1 =	sne.s32 s1, $0x1E00;
	[smem:$0x762] =	sst s4  }
0x4b2: {  	s1 =	sor.u32 s10, s25;
	s5 =	sor.u32 s9, s12;
	s4 =	sld [smem:$0x744]  }
0x4b3: {  	v2 =	vld [tilespmem:s1+$0x0];
	[smem:$0x768] =	sst s5  }
0x4b4: {  	s6 =	sor.u32 s9, s20;
	s5 =	sld [smem:$0x745]  }
0x4b5: {  	[smem:$0x756] =	sst s6;
	s6 =	sor.u32 s9, s21  }
0x4b6: {  	[smem:$0x757] =	sst s6;
	s6 =	sor.u32 s9, s8  }
0x4b7: {  	[smem:$0x758] =	sst s6;
	s6 =	sor.u32 s9, s25  }
0x4b8: {  	v0 =	vadd.f32 v2, v0;
	v2 =	vld [tilespmem:s4+$0x0];
	s4 =	sor.u32 s9, s14;
	[smem:$0x75A] =	sst s6  }
0x4b9: {  	s6 =	sor.u32 s9, s26;
	[smem:$0x767] =	sst s4  }
0x4ba: {  	s4 =	sor.u32 s9, s0;
	[smem:$0x75C] =	sst s6  }
0x4bb: {  	s1 =	sor.u32 $0x20, s10;
	s6 =	sor.u32 s9, s29;
	[smem:$0x76A] =	sst s4  }
0x4bc: {  	s4 =	sor.u32 $0x30, s10;
	s10 =	sor.u32 s1, s2;
	[smem:$0x75E] =	sst s6  }
0x4bd: {  	s6 =	sor.u32 s9, s31;
	[smem:$0x76D] =	sst s10  }
0x4be: {  	s10 =	sor.u32 s1, s20;
	[smem:$0x761] =	sst s6  }
0x4bf: {  	s6 =	sor.u32 s9, s17;
	[smem:$0x76F] =	sst s10  }
0x4c0: {  	s10 =	sor.u32 s1, s24;
	[smem:$0x764] =	sst s6  }
0x4c1: {  	s6 =	sor.u32 s9, s15;
	[smem:$0x772] =	sst s10  }
0x4c2: {  	s10 =	sor.u32 s1, s28;
	[smem:$0x766] =	sst s6  }
0x4c3: {  	s6 =	sor.u32 s9, s11;
	[smem:$0x774] =	sst s10  }
0x4c4: {  	s9 =	sor.u32 s1, s7;
	[smem:$0x769] =	sst s6  }
0x4c5: {  	s10 =	sor.u32 s1, s29;
	[smem:$0x76C] =	sst s9  }
0x4c6: {  	[smem:$0x777] =	sst s10  }
0x4c7: {  	v0 =	vadd.f32 v3, v0;
	v3 =	vld [tilespmem:s5+$0x0];
	s5 =	sor.u32 s4, s13;
	s10 =	sld [smem:$0x748]  }
0x4c8: {  	s6 =	sor.u32 s1, s3;
	s9 =	sor.u32 s1, s13;
	s13 =	sld [smem:$0x74B]  }
0x4c9: {  	v0 =	vadd.f32 v1, v0;
	[smem:$0x76B] =	sst s6  }
0x4ca: {  	s6 =	sld [smem:$0x746]  }
0x4cb: {  	v0 =	vadd.f32 v2, v0;
	[smem:$0x76E] =	sst s9;
	s9 =	sor.u32 s1, s8  }
0x4cc: {  	[smem:$0x771] =	sst s9  }
0x4cd: {  	v0 =	vadd.f32 v3, v0;
	s9 =	sld [smem:$0x747];
	v3 =	vld [tilespmem:s10+$0x0];
	s10 =	sor.u32 s1, s18  }
0x4ce: {  	v1 =	vld [tilespmem:s6+$0x0];
	s6 =	sor.u32 s1, s21;
	[smem:$0x77C] =	sst s10  }
0x4cf: {  	s10 =	sor.u32 s1, s15;
	[smem:$0x770] =	sst s6  }
0x4d0: {  	s6 =	sor.u32 s1, s25;
	[smem:$0x77F] =	sst s10  }
0x4d1: {  	v2 =	vld [tilespmem:s9+$0x0];
	s9 =	sor.u32 s1, s23;
	[smem:$0x773] =	sst s6  }
0x4d2: {  	s10 =	sor.u32 s1, s12;
	[smem:$0x776] =	sst s9  }
0x4d3: {  	[smem:$0x781] =	sst s10  }
0x4d4: {  	s6 =	sor.u32 s1, s26;
	s10 =	sld [smem:$0x74A]  }
0x4d5: {  	[smem:$0x775] =	sst s6;
	s6 =	sor.u32 s1, s22  }
0x4d6: {  	[smem:$0x778] =	sst s6;
	s6 =	sor.u32 s1, s31  }
0x4d7: {  	[smem:$0x77A] =	sst s6;
	s6 =	sor.u32 s1, s17  }
0x4d8: {  	[smem:$0x77D] =	sst s6  }
0x4d9: {  	s9 =	sor.u32 s1, s19;
	s6 =	sld [smem:$0x749]  }
0x4da: {  	[smem:$0x779] =	sst s9;
	s9 =	sor.u32 s1, s30  }
0x4db: {  	[smem:$0x77B] =	sst s9;
	s9 =	sor.u32 s1, s16;
	v0 =	vadd.f32 v1, v0  }
0x4dc: {  	[smem:$0x77E] =	sst s9;
	s9 =	sor.u32 s1, s14;
	v1 =	vld [tilespmem:s6+$0x0]  }
0x4dd: {  	[smem:$0x780] =	sst s9;
	s9 =	sor.u32 s4, s7;
	v0 =	vadd.f32 v2, v0  }
0x4de: {  	s7 =	sor.u32 s4, s21;
	s21 =	sld [smem:$0x74C];
	v2 =	vld [tilespmem:s10+$0x0];
	s6 =	sor.u32 s1, s11  }
0x4df: {  	v0 =	vadd.f32 v3, v0;
	[smem:$0x782] =	sst s6;
	s6 =	sor.u32 s4, s20;
	s20 =	sor.u32 s4, s25  }
0x4e0: {  	v3 =	vld [tilespmem:s13+$0x0];
	[dreg:$0x10] =	wrdreg s20  }
0x4e1: {  	s20 =	sor.u32 s4, s22;
	s22 =	sld [smem:$0x74D];
	v0 =	vadd.f32 v1, v0  }
0x4e2: {  	[dreg:$0x1e] =	wrdreg s9;
	s9 =	sor.u32 s4, s8;
	v1 =	vld [tilespmem:s21+$0x0]  }
0x4e3: {  	s10 =	sor.u32 s4, s24;
	s24 =	sor.u32 s4, s26;
	s26 =	sld [smem:$0x74E];
	v0 =	vadd.f32 v2, v0  }
0x4e4: {  	[dreg:$0x15] =	wrdreg s9;
	v2 =	vld [tilespmem:s22+$0x0]  }
0x4e5: {  	s2 =	sor.u32 s4, s2;
	s9 =	sor.u32 s4, s30;
	s30 =	sld [smem:$0x74F];
	v0 =	vadd.f32 v3, v0  }
0x4e6: {  	[smem:$0x785] =	sst s2;
	v3 =	vld [tilespmem:s26+$0x0]  }
0x4e7: {  	s13 =	sor.u32 s4, s31;
	s31 =	sld [smem:$0x750];
	v0 =	vadd.f32 v1, v0  }
0x4e8: {  	[dreg:$0x1f] =	wrdreg s5;
	v1 =	vld [tilespmem:s30+$0x0]  }
0x4e9: {  	s5 =	sor.u32 s4, s14;
	s2 =	sor.u32 s4, s12;
	s3 =	sor.u32 s4, s3;
	v0 =	vadd.f32 v2, v0  }
0x4ea: {  	s28 =	sor.u32 s4, s28;
	[smem:$0x784] =	sst s3;
	s3 =	sor.u32 s4, s11;
	v2 =	vld [tilespmem:s31+$0x0]  }
0x4eb: {  	s19 =	sor.u32 s4, s19;
	[smem:$0x786] =	sst s7;
	s8 =	sor.u32 s4, s17;
	v0 =	vadd.f32 v3, v0  }
0x4ec: {  	s7 =	sor.u32 s4, s15;
	[dreg:$0xf] =	wrdreg s10;
	s10 =	sor.u32 s4, s18  }
0x4ed: {  	s25 =	sor.u32 s4, s23;
	s23 =	sor.u32 s4, s29;
	[dreg:$0x19] =	wrdreg s6;
	v0 =	vadd.f32 v1, v0  }
0x4ee: {  	s6 =	sor.u32 s4, s16;
	s21 =	sor.u32 s4, s0;
	s4 =	sld [smem:$0x751]  }
0x4ef: {  	s11 =	sld [smem:$0x752];
	v0 =	vadd.f32 v2, v0  }
0x4f0: {  	s12 =	sld [smem:$0x753]  }
0x4f1: {  	[tilespmem:s4+$0x0] =	vst v0  }
0x4f2: {  	s14 =	sld [smem:$0x754];
	v0 =	vld [tilespmem:s11+$0x0]  }
0x4f3: {  	v1 =	vld [tilespmem:s12+$0x0]  }
0x4f4: {  	s15 =	sld [smem:$0x755]  }
0x4f5: {  	v2 =	vld [tilespmem:s14+$0x0]  }
0x4f6: {  	s16 =	sld [smem:$0x756]  }
0x4f7: {  	v3 =	vld [tilespmem:s15+$0x0]  }
0x4f8: {  	s17 =	sld [smem:$0x757];
	v0 =	vadd.f32 v1, v0  }
0x4f9: {  	v1 =	vld [tilespmem:s16+$0x0]  }
0x4fa: {  	s18 =	sld [smem:$0x758];
	v0 =	vadd.f32 v2, v0  }
0x4fb: {  	v2 =	vld [tilespmem:s17+$0x0]  }
0x4fc: {  	s22 =	sld [smem:$0x759];
	v0 =	vadd.f32 v3, v0  }
0x4fd: {  	v3 =	vld [tilespmem:s18+$0x0]  }
0x4fe: {  	s26 =	sld [smem:$0x75A];
	v0 =	vadd.f32 v1, v0  }
0x4ff: {  	v1 =	vld [tilespmem:s22+$0x0]  }
0x500: {  	s30 =	sld [smem:$0x75B];
	v0 =	vadd.f32 v2, v0  }
0x501: {  	v2 =	vld [tilespmem:s26+$0x0]  }
0x502: {  	s31 =	sld [smem:$0x75C];
	v0 =	vadd.f32 v3, v0  }
0x503: {  	v3 =	vld [tilespmem:s30+$0x0]  }
0x504: {  	s4 =	sld [smem:$0x75D];
	v0 =	vadd.f32 v1, v0  }
0x505: {  	v1 =	vld [tilespmem:s31+$0x0]  }
0x506: {  	s11 =	sld [smem:$0x75E];
	v0 =	vadd.f32 v2, v0  }
0x507: {  	v2 =	vld [tilespmem:s4+$0x0]  }
0x508: {  	s12 =	sld [smem:$0x75F];
	v0 =	vadd.f32 v3, v0  }
0x509: {  	v3 =	vld [tilespmem:s11+$0x0]  }
0x50a: {  	s14 =	sld [smem:$0x760];
	v0 =	vadd.f32 v1, v0  }
0x50b: {  	v1 =	vld [tilespmem:s12+$0x0]  }
0x50c: {  	s15 =	sld [smem:$0x761];
	v0 =	vadd.f32 v2, v0  }
0x50d: {  	v2 =	vld [tilespmem:s14+$0x0]  }
0x50e: {  	s16 =	sld [smem:$0x762];
	v0 =	vadd.f32 v3, v0  }
0x50f: {  	v3 =	vld [tilespmem:s15+$0x0]  }
0x510: {  	s17 =	sld [smem:$0x763];
	v0 =	vadd.f32 v1, v0  }
0x511: {  	v1 =	vld [tilespmem:s16+$0x0]  }
0x512: {  	s18 =	sld [smem:$0x764];
	v0 =	vadd.f32 v2, v0  }
0x513: {  	v2 =	vld [tilespmem:s17+$0x0]  }
0x514: {  	s22 =	sld [smem:$0x765];
	v0 =	vadd.f32 v3, v0  }
0x515: {  	v3 =	vld [tilespmem:s18+$0x0]  }
0x516: {  	s26 =	sld [smem:$0x766];
	v0 =	vadd.f32 v1, v0  }
0x517: {  	v1 =	vld [tilespmem:s22+$0x0]  }
0x518: {  	s30 =	sld [smem:$0x767];
	v0 =	vadd.f32 v2, v0  }
0x519: {  	v2 =	vld [tilespmem:s26+$0x0]  }
0x51a: {  	s31 =	sld [smem:$0x768];
	v0 =	vadd.f32 v3, v0  }
0x51b: {  	v3 =	vld [tilespmem:s30+$0x0]  }
0x51c: {  	s4 =	sld [smem:$0x769];
	v0 =	vadd.f32 v1, v0  }
0x51d: {  	v1 =	vld [tilespmem:s31+$0x0]  }
0x51e: {  	v0 =	vadd.f32 v2, v0  }
0x51f: {  	v2 =	vld [tilespmem:s4+$0x0]  }
0x520: {  	v0 =	vadd.f32 v3, v0;
	_ =	sdelay $0x1  }
0x521: {  	v0 =	vadd.f32 v1, v0  }
0x522: {  	s11 =	sld [smem:$0x76A]  }
0x523: {  	s12 =	sld [smem:$0x76B];
	v0 =	vadd.f32 v2, v0  }
0x524: {  	s14 =	sld [smem:$0x76C]  }
0x525: {  	[tilespmem:s11+$0x0] =	vst v0  }
0x526: {  	s15 =	sld [smem:$0x76D];
	v0 =	vld [tilespmem:s12+$0x0]  }
0x527: {  	v1 =	vld [tilespmem:s14+$0x0]  }
0x528: {  	s16 =	sld [smem:$0x76E]  }
0x529: {  	v2 =	vld [tilespmem:s15+$0x0]  }
0x52a: {  	s17 =	sld [smem:$0x76F]  }
0x52b: {  	v3 =	vld [tilespmem:s16+$0x0]  }
0x52c: {  	s18 =	sld [smem:$0x770];
	v0 =	vadd.f32 v1, v0  }
0x52d: {  	v1 =	vld [tilespmem:s17+$0x0]  }
0x52e: {  	s22 =	sld [smem:$0x771];
	v0 =	vadd.f32 v2, v0  }
0x52f: {  	v2 =	vld [tilespmem:s18+$0x0]  }
0x530: {  	s26 =	sld [smem:$0x772];
	v0 =	vadd.f32 v3, v0  }
0x531: {  	v3 =	vld [tilespmem:s22+$0x0]  }
0x532: {  	s30 =	sld [smem:$0x773];
	v0 =	vadd.f32 v1, v0  }
0x533: {  	v1 =	vld [tilespmem:s26+$0x0]  }
0x534: {  	s31 =	sld [smem:$0x774];
	v0 =	vadd.f32 v2, v0  }
0x535: {  	v2 =	vld [tilespmem:s30+$0x0]  }
0x536: {  	s4 =	sld [smem:$0x775];
	v0 =	vadd.f32 v3, v0  }
0x537: {  	v3 =	vld [tilespmem:s31+$0x0]  }
0x538: {  	s11 =	sld [smem:$0x776];
	v0 =	vadd.f32 v1, v0  }
0x539: {  	v1 =	vld [tilespmem:s4+$0x0]  }
0x53a: {  	s12 =	sld [smem:$0x777];
	v0 =	vadd.f32 v2, v0  }
0x53b: {  	v2 =	vld [tilespmem:s11+$0x0]  }
0x53c: {  	s14 =	sld [smem:$0x778];
	v0 =	vadd.f32 v3, v0  }
0x53d: {  	v3 =	vld [tilespmem:s12+$0x0]  }
0x53e: {  	s15 =	sld [smem:$0x779];
	v0 =	vadd.f32 v1, v0  }
0x53f: {  	v1 =	vld [tilespmem:s14+$0x0]  }
0x540: {  	s16 =	sld [smem:$0x77A];
	v0 =	vadd.f32 v2, v0  }
0x541: {  	v2 =	vld [tilespmem:s15+$0x0]  }
0x542: {  	s17 =	sld [smem:$0x77B];
	v0 =	vadd.f32 v3, v0  }
0x543: {  	v3 =	vld [tilespmem:s16+$0x0]  }
0x544: {  	s18 =	sld [smem:$0x77C];
	v0 =	vadd.f32 v1, v0  }
0x545: {  	v1 =	vld [tilespmem:s17+$0x0]  }
0x546: {  	s22 =	sld [smem:$0x77D];
	v0 =	vadd.f32 v2, v0  }
0x547: {  	v2 =	vld [tilespmem:s18+$0x0]  }
0x548: {  	s26 =	sld [smem:$0x77E];
	v0 =	vadd.f32 v3, v0  }
0x549: {  	v3 =	vld [tilespmem:s22+$0x0]  }
0x54a: {  	s30 =	sld [smem:$0x77F];
	v0 =	vadd.f32 v1, v0  }
0x54b: {  	v1 =	vld [tilespmem:s26+$0x0]  }
0x54c: {  	s31 =	sld [smem:$0x780];
	v0 =	vadd.f32 v2, v0  }
0x54d: {  	v2 =	vld [tilespmem:s30+$0x0]  }
0x54e: {  	s4 =	sld [smem:$0x781];
	v0 =	vadd.f32 v3, v0  }
0x54f: {  	v3 =	vld [tilespmem:s31+$0x0]  }
0x550: {  	s11 =	sld [smem:$0x782];
	v0 =	vadd.f32 v1, v0  }
0x551: {  	v1 =	vld [tilespmem:s4+$0x0]  }
0x552: {  	v0 =	vadd.f32 v2, v0  }
0x553: {  	v2 =	vld [tilespmem:s11+$0x0]  }
0x554: {  	v0 =	vadd.f32 v3, v0  }
0x555: {  	s1 =	sor.u32 s1, s0  }
0x556: {  	[smem:$0x783] =	sst s1;
	v0 =	vadd.f32 v1, v0  }
0x557: {  	s12 =	sld [smem:$0x783]  }
0x558: {  	s14 =	sld [smem:$0x784];
	v0 =	vadd.f32 v2, v0;
	_ =	sdelay $0x1  }
0x559: {  	s15 =	rddreg [dreg:$0x1e];
	[tilespmem:s12+$0x0] =	vst v0  }
0x55a: {  	s16 =	sld [smem:$0x785];
	v0 =	vld [tilespmem:s14+$0x0]  }
0x55b: {  	v1 =	vld [tilespmem:s15+$0x0];
	_ =	sdelay $0x1  }
0x55c: {  	v2 =	vld [tilespmem:s16+$0x0]  }
0x55d: {  	s17 =	rddreg [dreg:$0x1f]  }
0x55e: {  	s18 =	rddreg [dreg:$0x19];
	v3 =	vld [tilespmem:s17+$0x0]  }
0x55f: {  	s22 =	sld [smem:$0x786];
	v0 =	vadd.f32 v1, v0  }
0x560: {  	v4 =	vld [tilespmem:s18+$0x0]  }
0x561: {  	v0 =	vadd.f32 v2, v0  }
0x562: {  	v5 =	vld [tilespmem:s22+$0x0]  }
0x563: {  	s26 =	rddreg [dreg:$0x15];
	v0 =	vadd.f32 v3, v0  }
0x564: {  	v1 =	vld [tilespmem:s26+$0x0]  }
0x565: {  	s30 =	rddreg [dreg:$0xf];
	v0 =	vadd.f32 v4, v0  }
0x566: {  	v6 =	vld [tilespmem:s30+$0x0]  }
0x567: {  	s31 =	rddreg [dreg:$0x10];
	v0 =	vadd.f32 v5, v0  }
0x568: {  	v2 =	vld [tilespmem:s31+$0x0]  }
0x569: {  	v0 =	vadd.f32 v1, v0  }
0x56a: {  	v7 =	vld [tilespmem:s28+$0x0]  }
0x56b: {  	v0 =	vadd.f32 v6, v0  }
0x56c: {  	v3 =	vld [tilespmem:s24+$0x0]  }
0x56d: {  	v0 =	vadd.f32 v2, v0  }
0x56e: {  	v8 =	vld [tilespmem:s25+$0x0]  }
0x56f: {  	v7 =	vadd.f32 v7, v0  }
0x570: {  	v61 =	vld [tilespmem:s23+$0x0]  }
0x571: {  	v3 =	vadd.f32 v3, v7  }
0x572: {  	v9 =	vld [tilespmem:s20+$0x0]  }
0x573: {  	v3 =	vadd.f32 v8, v3  }
0x574: {  	v62 =	vld [tilespmem:s19+$0x0]  }
0x575: {  	v3 =	vadd.f32 v61, v3  }
0x576: {  	v10 =	vld [tilespmem:s13+$0x0]  }
0x577: {  	v3 =	vadd.f32 v9, v3  }
0x578: {  	v11 =	vld [tilespmem:s9+$0x0]  }
0x579: {  	v3 =	vadd.f32 v62, v3  }
0x57a: {  	v12 =	vld [tilespmem:s10+$0x0]  }
0x57b: {  	v3 =	vadd.f32 v10, v3  }
0x57c: {  	v63 =	vld [tilespmem:s8+$0x0]  }
0x57d: {  	v3 =	vadd.f32 v11, v3  }
0x57e: {  	v13 =	vld [tilespmem:s6+$0x0]  }
0x57f: {  	v3 =	vadd.f32 v12, v3  }
0x580: {  	v2 =	vld [tilespmem:s7+$0x0]  }
0x581: {  	v3 =	vadd.f32 v63, v3  }
0x582: {  	v14 =	vld [tilespmem:s5+$0x0]  }
.Ltmp4:
0x583: {  	v3 =	vadd.f32 v13, v3;
	(pc) =	sbr.rel @p1 .LBB2_7-.Ltmp4, $4  }
0x584: {  	_ = 	snop  }
0x585: {  	v2 =	vadd.f32 v2, v3  }
0x586: {  	s1 =	rddreg [dreg:$0x7];
	v1 =	vld [tilespmem:s2+$0x0]  }
0x587: {  	s29 =	rddreg [dreg:$0x4];
	v0 =	vld [tilespmem:s3+$0x0];
	v2 =	vadd.f32 v14, v2  }
0x588: {  	s0 =	sld [smem:$0x7F5]  }
0x589: {  	s1 =	sld [smem:$0x7F8];
	_ =	sdelay $0x1  }
0x58a: {  	v1 =	vadd.f32 v1, v2;
	s0 =	sor.u32 $0x2, s0  }
0x58b: {  	s1 =	sor.u32 s1, s0;
	s0 =	sshll.u32 s0, $0x4  }
0x58c: {  	s3 =	rddreg [dreg:$0x1];
	v0 =	vadd.f32 v0, v1;
	s2 =	sshll.u32 s1, $0x7;
	s0 =	sand.u32 $0x60, s0  }
0x58d: {  	s2 =	sand.u32 $0x1FC00, s2;
	s0 =	sadd.s32 s3, s0  }
0x58e: {  	s13 =	simm.s32 $0x0;
	s14 =	simm.s32 $0x18000;
	[tilespmem:s21+$0x0] =	vst v0;
	s0 =	sadd.s32 s2, s0  }
0x58f: {  	[hbm4b:s0+s13] =	stream.linear.scatter [tilespmem:s14], [sflag:$0x5], $0x80, $0x38;
	[tilespmem:$0x18800] =	vst v63  }
0x590: {  	s4 =	simm.s32 $0x18100;
	s15 =	sadd.s32 $0x80, s0  }
0x591: {  	[hbm4b:s15+s13] =	stream.linear.scatter [tilespmem:s4], [sflag:$0x5], $0x80, $0x38;
	[tilespmem:$0x18800] =	vst v63  }
0x592: {  	s17 =	simm.s32 $0x18200;
	s16 =	sadd.s32 $0x100, s0  }
0x593: {  	[hbm4b:s16+s13] =	stream.linear.scatter [tilespmem:s17], [sflag:$0x5], $0x80, $0x38;
	[tilespmem:$0x18800] =	vst v63  }
0x594: {  	s19 =	simm.s32 $0x18300;
	s18 =	sadd.s32 $0x180, s0  }
0x595: {  	[hbm4b:s18+s13] =	stream.linear.scatter [tilespmem:s19], [sflag:$0x5], $0x80, $0x38;
	[tilespmem:$0x18800] =	vst v63  }
0x596: {  	s21 =	simm.s32 $0x18400;
	s20 =	sadd.s32 $0x200, s0  }
0x597: {  	[hbm4b:s20+s13] =	stream.linear.scatter [tilespmem:s21], [sflag:$0x5], $0x80, $0x38;
	[tilespmem:$0x18800] =	vst v63  }
0x598: {  	s23 =	simm.s32 $0x18500;
	s22 =	sadd.s32 $0x280, s0  }
0x599: {  	[hbm4b:s22+s13] =	stream.linear.scatter [tilespmem:s23], [sflag:$0x5], $0x80, $0x38;
	[tilespmem:$0x18800] =	vst v63  }
0x59a: {  	s25 =	simm.s32 $0x18600;
	s24 =	sadd.s32 $0x300, s0  }
0x59b: {  	[hbm4b:s24+s13] =	stream.linear.scatter [tilespmem:s25], [sflag:$0x5], $0x80, $0x38;
	[tilespmem:$0x18800] =	vst v63  }
0x59c: {  	s26 =	simm.s32 $0x18700;
	s1 =	smul.u32 @!p0 $0x6000, s1;
	s0 =	sadd.s32 $0x380, s0  }
0x59d: {  	[hbm4b:s0+s13] =	stream.linear.scatter [tilespmem:s26], [sflag:$0x5], $0x80, $0x38;
	[tilespmem:$0x18800] =	vst v63  }
0x59e: {  	s0 =	sshrl.u32 @!p0 s1, $0x3;
	s1 =	rddreg [dreg:$0x0]  }
0x59f: {  	s28 =	simm.s32 $0x4;
	s0 =	sadd.s32 @!p0 s1, s0  }
0x5a0: {  	s2 =	simm.s32 @!p0 $0xC000;
	s1 =	simm.s32 @!p0 $0x0;
	s0 =	sadd.s32 @!p0 $0x3000, s0  }
0x5a1: {  	[tilespmem:s2], [sflag:$0x3] =	stream.linear.gather @!p0 [hbm4b:s0+s1], $0x6000, $0x38;
	[tilespmem:$0x18800] =	vst v63  }
0x5a2: {  	_ =	swait.ge [sflag:s28], $0x6000  }
0x5a3: {  	[sflag:s28] =	ssyncset.done $0x0  }
0x5a4: {  	s29 =	simm.s32 $0x0;
	s30 =	simm.s32 $0x6;
	[sflag:s28] =	ssyncadd.s32 $0xFFFFA000  }
0x5a5: {  	s31 =	sand.u32 $0x1C00, s29;
	_ =	swait.ge [sflag:s30], $0x400  }
0x5a6: {  	s3 =	sand.u32 $0x40, s29;
	s0 =	sor.u32 $0x12000, s31;
	[sflag:s30] =	ssyncset.done $0x0  }
0x5a7: {  	s2 =	sor.u32 $0x12080, s31;
	s10 =	sor.u32 s3, s0;
	[sflag:s30] =	ssyncadd.s32 $0xFFFFFC00  }
0x5a8: {  	s5 =	sor.u32 s3, s2;
	v0 =	vld [tilespmem:s10+$0x0]  }
0x5a9: {  	s4 =	sor.u32 $0x12100, s31;
	v1 =	vld [tilespmem:s5+$0x0]  }
0x5aa: {  	s6 =	sor.u32 s3, s4  }
0x5ab: {  	s5 =	sor.u32 $0x12180, s31;
	v2 =	vld [tilespmem:s6+$0x0]  }
0x5ac: {  	s11 =	sor.u32 s3, s5  }
0x5ad: {  	s7 =	sor.u32 $0x12200, s31;
	v3 =	vld [tilespmem:s11+$0x0]  }
0x5ae: {  	s12 =	sor.u32 s3, s7;
	v0 =	vadd.f32 v1, v0  }
0x5af: {  	s9 =	sor.u32 $0x12280, s31;
	v1 =	vld [tilespmem:s12+$0x0]  }
0x5b0: {  	s13 =	sor.u32 s3, s9;
	v0 =	vadd.f32 v2, v0  }
0x5b1: {  	s8 =	sor.u32 $0x12300, s31;
	v2 =	vld [tilespmem:s13+$0x0]  }
0x5b2: {  	s14 =	sor.u32 s3, s8;
	v0 =	vadd.f32 v3, v0  }
0x5b3: {  	s10 =	sor.u32 $0x12380, s31;
	v3 =	vld [tilespmem:s14+$0x0]  }
0x5b4: {  	s15 =	sor.u32 s3, s10;
	v0 =	vadd.f32 v1, v0  }
0x5b5: {  	s11 =	sor.u32 $0x14000, s31;
	v1 =	vld [tilespmem:s15+$0x0]  }
0x5b6: {  	s16 =	sor.u32 s3, s11;
	v0 =	vadd.f32 v2, v0  }
0x5b7: {  	s12 =	sor.u32 $0x14080, s31;
	v2 =	vld [tilespmem:s16+$0x0]  }
0x5b8: {  	s17 =	sor.u32 s3, s12;
	v0 =	vadd.f32 v3, v0  }
0x5b9: {  	s15 =	sor.u32 $0x14100, s31;
	v3 =	vld [tilespmem:s17+$0x0]  }
0x5ba: {  	s18 =	sor.u32 s3, s15;
	v0 =	vadd.f32 v1, v0  }
0x5bb: {  	s13 =	sor.u32 $0x14180, s31;
	v1 =	vld [tilespmem:s18+$0x0]  }
0x5bc: {  	s19 =	sor.u32 s3, s13;
	v0 =	vadd.f32 v2, v0  }
0x5bd: {  	s17 =	sor.u32 $0x14200, s31;
	v2 =	vld [tilespmem:s19+$0x0]  }
0x5be: {  	s20 =	sor.u32 s3, s17;
	v0 =	vadd.f32 v3, v0  }
0x5bf: {  	s14 =	sor.u32 $0x14280, s31;
	v3 =	vld [tilespmem:s20+$0x0]  }
0x5c0: {  	s21 =	sor.u32 s3, s14;
	v0 =	vadd.f32 v1, v0  }
0x5c1: {  	s18 =	sor.u32 $0x14300, s31;
	v1 =	vld [tilespmem:s21+$0x0]  }
0x5c2: {  	s22 =	sor.u32 s3, s18;
	v0 =	vadd.f32 v2, v0  }
0x5c3: {  	s16 =	sor.u32 $0x14380, s31;
	v2 =	vld [tilespmem:s22+$0x0]  }
0x5c4: {  	s23 =	sor.u32 s3, s16;
	v0 =	vadd.f32 v3, v0  }
0x5c5: {  	s19 =	sor.u32 $0x16000, s31;
	v3 =	vld [tilespmem:s23+$0x0]  }
0x5c6: {  	s24 =	sor.u32 s3, s19;
	v0 =	vadd.f32 v1, v0  }
0x5c7: {  	s26 =	sor.u32 $0x16080, s31;
	v1 =	vld [tilespmem:s24+$0x0]  }
0x5c8: {  	s20 =	sor.u32 s3, s26;
	v0 =	vadd.f32 v2, v0  }
0x5c9: {  	s6 =	sor.u32 $0x16100, s31;
	v2 =	vld [tilespmem:s20+$0x0]  }
0x5ca: {  	s25 =	sor.u32 s3, s6;
	v0 =	vadd.f32 v3, v0  }
0x5cb: {  	s20 =	sor.u32 $0x16180, s31;
	v3 =	vld [tilespmem:s25+$0x0]  }
0x5cc: {  	s22 =	sor.u32 s3, s20;
	v0 =	vadd.f32 v1, v0  }
0x5cd: {  	s21 =	sor.u32 $0x16200, s31;
	v1 =	vld [tilespmem:s22+$0x0]  }
0x5ce: {  	s23 =	sor.u32 s3, s21;
	v0 =	vadd.f32 v2, v0  }
0x5cf: {  	s22 =	sor.u32 $0x16280, s31;
	v2 =	vld [tilespmem:s23+$0x0]  }
0x5d0: {  	s28 =	sor.u32 s3, s22;
	v0 =	vadd.f32 v3, v0  }
0x5d1: {  	s23 =	sor.u32 $0x16300, s31;
	v3 =	vld [tilespmem:s28+$0x0]  }
0x5d2: {  	s24 =	sor.u32 s3, s23;
	v0 =	vadd.f32 v1, v0  }
0x5d3: {  	v1 =	vld [tilespmem:s24+$0x0];
	s24 =	sor.u32 $0x16380, s31  }
0x5d4: {  	s25 =	sor.u32 s3, s24;
	v0 =	vadd.f32 v2, v0  }
0x5d5: {  	v2 =	vld [tilespmem:s25+$0x0]  }
0x5d6: {  	v0 =	vadd.f32 v3, v0;
	_ =	sdelay $0x1  }
0x5d7: {  	v0 =	vadd.f32 v1, v0  }
0x5d8: {  	s1 =	sshrl.u32 s31, $0x2  }
0x5d9: {  	s25 =	sor.u32 $0x18000, s1;
	v0 =	vadd.f32 v2, v0  }
0x5da: {  	s1 =	sor.u32 $0x10, s3;
	s28 =	sor.u32 s3, s25  }
0x5db: {  	s30 =	sor.u32 s1, s0;
	[tilespmem:s28+$0x80] =	vst v0  }
0x5dc: {  	s31 =	sor.u32 s1, s2;
	v0 =	vld [tilespmem:s30+$0x0]  }
0x5dd: {  	v1 =	vld [tilespmem:s31+$0x0]  }
0x5de: {  	s30 =	sor.u32 s1, s4  }
0x5df: {  	v2 =	vld [tilespmem:s30+$0x0]  }
0x5e0: {  	s31 =	sor.u32 s1, s5  }
0x5e1: {  	v3 =	vld [tilespmem:s31+$0x0]  }
0x5e2: {  	s30 =	sor.u32 s1, s7;
	v0 =	vadd.f32 v1, v0  }
0x5e3: {  	v1 =	vld [tilespmem:s30+$0x0]  }
0x5e4: {  	s31 =	sor.u32 s1, s9;
	v0 =	vadd.f32 v2, v0  }
0x5e5: {  	v2 =	vld [tilespmem:s31+$0x0]  }
0x5e6: {  	s30 =	sor.u32 s1, s8;
	v0 =	vadd.f32 v3, v0  }
0x5e7: {  	v3 =	vld [tilespmem:s30+$0x0]  }
0x5e8: {  	s31 =	sor.u32 s1, s10;
	v0 =	vadd.f32 v1, v0  }
0x5e9: {  	v1 =	vld [tilespmem:s31+$0x0]  }
0x5ea: {  	s30 =	sor.u32 s1, s11;
	v0 =	vadd.f32 v2, v0  }
0x5eb: {  	v2 =	vld [tilespmem:s30+$0x0]  }
0x5ec: {  	s31 =	sor.u32 s1, s12;
	v0 =	vadd.f32 v3, v0  }
0x5ed: {  	v3 =	vld [tilespmem:s31+$0x0]  }
0x5ee: {  	s30 =	sor.u32 s1, s15;
	v0 =	vadd.f32 v1, v0  }
0x5ef: {  	v1 =	vld [tilespmem:s30+$0x0]  }
0x5f0: {  	s31 =	sor.u32 s1, s13;
	v0 =	vadd.f32 v2, v0  }
0x5f1: {  	v2 =	vld [tilespmem:s31+$0x0]  }
0x5f2: {  	s30 =	sor.u32 s1, s17;
	v0 =	vadd.f32 v3, v0  }
0x5f3: {  	v3 =	vld [tilespmem:s30+$0x0]  }
0x5f4: {  	s31 =	sor.u32 s1, s14;
	v0 =	vadd.f32 v1, v0  }
0x5f5: {  	v1 =	vld [tilespmem:s31+$0x0]  }
0x5f6: {  	s30 =	sor.u32 s1, s18;
	v0 =	vadd.f32 v2, v0  }
0x5f7: {  	v2 =	vld [tilespmem:s30+$0x0]  }
0x5f8: {  	s31 =	sor.u32 s1, s16;
	v0 =	vadd.f32 v3, v0  }
0x5f9: {  	v3 =	vld [tilespmem:s31+$0x0]  }
0x5fa: {  	s30 =	sor.u32 s1, s19;
	v0 =	vadd.f32 v1, v0  }
0x5fb: {  	v1 =	vld [tilespmem:s30+$0x0]  }
0x5fc: {  	s31 =	sor.u32 s1, s26;
	v0 =	vadd.f32 v2, v0  }
0x5fd: {  	v2 =	vld [tilespmem:s31+$0x0]  }
0x5fe: {  	s30 =	sor.u32 s1, s6;
	v0 =	vadd.f32 v3, v0  }
0x5ff: {  	v3 =	vld [tilespmem:s30+$0x0]  }
0x600: {  	s31 =	sor.u32 s1, s20;
	v0 =	vadd.f32 v1, v0  }
0x601: {  	v1 =	vld [tilespmem:s31+$0x0]  }
0x602: {  	s30 =	sor.u32 s1, s21;
	v0 =	vadd.f32 v2, v0  }
0x603: {  	v2 =	vld [tilespmem:s30+$0x0]  }
0x604: {  	s31 =	sor.u32 s1, s22;
	v0 =	vadd.f32 v3, v0  }
0x605: {  	v3 =	vld [tilespmem:s31+$0x0]  }
0x606: {  	s30 =	sor.u32 s1, s23;
	v0 =	vadd.f32 v1, v0  }
0x607: {  	v1 =	vld [tilespmem:s30+$0x0]  }
0x608: {  	s31 =	sor.u32 s1, s24;
	v0 =	vadd.f32 v2, v0  }
0x609: {  	v2 =	vld [tilespmem:s31+$0x0]  }
0x60a: {  	v0 =	vadd.f32 v3, v0;
	_ =	sdelay $0x1  }
0x60b: {  	v0 =	vadd.f32 v1, v0;
	_ =	sdelay $0x1  }
0x60c: {  	v0 =	vadd.f32 v2, v0  }
0x60d: {  	s30 =	sor.u32 s1, s25;
	s1 =	sor.u32 $0x20, s3  }
0x60e: {  	s31 =	sor.u32 s1, s0;
	[tilespmem:s30+$0x80] =	vst v0  }
0x60f: {  	s30 =	sor.u32 s1, s2;
	v0 =	vld [tilespmem:s31+$0x0]  }
0x610: {  	v1 =	vld [tilespmem:s30+$0x0]  }
0x611: {  	s31 =	sor.u32 s1, s4  }
0x612: {  	v2 =	vld [tilespmem:s31+$0x0]  }
0x613: {  	s30 =	sor.u32 s1, s5  }
0x614: {  	v3 =	vld [tilespmem:s30+$0x0]  }
0x615: {  	s31 =	sor.u32 s1, s7;
	v0 =	vadd.f32 v1, v0  }
0x616: {  	v1 =	vld [tilespmem:s31+$0x0]  }
0x617: {  	s30 =	sor.u32 s1, s9;
	v0 =	vadd.f32 v2, v0  }
0x618: {  	v2 =	vld [tilespmem:s30+$0x0]  }
0x619: {  	s31 =	sor.u32 s1, s8;
	v0 =	vadd.f32 v3, v0  }
0x61a: {  	v3 =	vld [tilespmem:s31+$0x0]  }
0x61b: {  	s30 =	sor.u32 s1, s10;
	v0 =	vadd.f32 v1, v0  }
0x61c: {  	v1 =	vld [tilespmem:s30+$0x0]  }
0x61d: {  	s31 =	sor.u32 s1, s11;
	v0 =	vadd.f32 v2, v0  }
0x61e: {  	v2 =	vld [tilespmem:s31+$0x0]  }
0x61f: {  	s30 =	sor.u32 s1, s12;
	v0 =	vadd.f32 v3, v0  }
0x620: {  	v3 =	vld [tilespmem:s30+$0x0]  }
0x621: {  	s31 =	sor.u32 s1, s15;
	v0 =	vadd.f32 v1, v0  }
0x622: {  	v1 =	vld [tilespmem:s31+$0x0]  }
0x623: {  	s30 =	sor.u32 s1, s13;
	v0 =	vadd.f32 v2, v0  }
0x624: {  	v2 =	vld [tilespmem:s30+$0x0]  }
0x625: {  	s31 =	sor.u32 s1, s17;
	v0 =	vadd.f32 v3, v0  }
0x626: {  	v3 =	vld [tilespmem:s31+$0x0]  }
0x627: {  	s30 =	sor.u32 s1, s14;
	v0 =	vadd.f32 v1, v0  }
0x628: {  	v1 =	vld [tilespmem:s30+$0x0]  }
0x629: {  	s31 =	sor.u32 s1, s18;
	v0 =	vadd.f32 v2, v0  }
0x62a: {  	v2 =	vld [tilespmem:s31+$0x0]  }
0x62b: {  	s30 =	sor.u32 s1, s16;
	v0 =	vadd.f32 v3, v0  }
0x62c: {  	v3 =	vld [tilespmem:s30+$0x0]  }
0x62d: {  	s31 =	sor.u32 s1, s19;
	v0 =	vadd.f32 v1, v0  }
0x62e: {  	v1 =	vld [tilespmem:s31+$0x0]  }
0x62f: {  	s30 =	sor.u32 s1, s26;
	v0 =	vadd.f32 v2, v0  }
0x630: {  	v2 =	vld [tilespmem:s30+$0x0]  }
0x631: {  	s31 =	sor.u32 s1, s6;
	v0 =	vadd.f32 v3, v0  }
0x632: {  	v3 =	vld [tilespmem:s31+$0x0]  }
0x633: {  	s30 =	sor.u32 s1, s20;
	v0 =	vadd.f32 v1, v0  }
0x634: {  	v1 =	vld [tilespmem:s30+$0x0]  }
0x635: {  	s31 =	sor.u32 s1, s21;
	v0 =	vadd.f32 v2, v0  }
0x636: {  	v2 =	vld [tilespmem:s31+$0x0]  }
0x637: {  	s30 =	sor.u32 s1, s22;
	v0 =	vadd.f32 v3, v0  }
0x638: {  	v3 =	vld [tilespmem:s30+$0x0]  }
0x639: {  	s31 =	sor.u32 s1, s23;
	v0 =	vadd.f32 v1, v0  }
0x63a: {  	v1 =	vld [tilespmem:s31+$0x0]  }
0x63b: {  	s30 =	sor.u32 s1, s24;
	v0 =	vadd.f32 v2, v0  }
0x63c: {  	v2 =	vld [tilespmem:s30+$0x0]  }
0x63d: {  	v0 =	vadd.f32 v3, v0;
	_ =	sdelay $0x1  }
0x63e: {  	v0 =	vadd.f32 v1, v0;
	_ =	sdelay $0x1  }
0x63f: {  	v0 =	vadd.f32 v2, v0  }
0x640: {  	s3 =	sor.u32 $0x30, s3;
	s1 =	sor.u32 s1, s25  }
0x641: {  	s0 =	sor.u32 s3, s0;
	[tilespmem:s1+$0x80] =	vst v0  }
0x642: {  	s31 =	sor.u32 s3, s2;
	v0 =	vld [tilespmem:s0+$0x0]  }
0x643: {  	v1 =	vld [tilespmem:s31+$0x0]  }
0x644: {  	s1 =	sor.u32 s3, s4  }
0x645: {  	v2 =	vld [tilespmem:s1+$0x0]  }
0x646: {  	s2 =	sor.u32 s3, s5  }
0x647: {  	v3 =	vld [tilespmem:s2+$0x0]  }
0x648: {  	s4 =	sor.u32 s3, s7;
	v0 =	vadd.f32 v1, v0  }
0x649: {  	v1 =	vld [tilespmem:s4+$0x0]  }
0x64a: {  	s5 =	sor.u32 s3, s9;
	v0 =	vadd.f32 v2, v0  }
0x64b: {  	v2 =	vld [tilespmem:s5+$0x0]  }
0x64c: {  	s7 =	sor.u32 s3, s8;
	v0 =	vadd.f32 v3, v0  }
0x64d: {  	v3 =	vld [tilespmem:s7+$0x0]  }
0x64e: {  	s8 =	sor.u32 s3, s10;
	v0 =	vadd.f32 v1, v0  }
0x64f: {  	v1 =	vld [tilespmem:s8+$0x0]  }
0x650: {  	s9 =	sor.u32 s3, s11;
	v0 =	vadd.f32 v2, v0  }
0x651: {  	v2 =	vld [tilespmem:s9+$0x0]  }
0x652: {  	s10 =	sor.u32 s3, s12;
	v0 =	vadd.f32 v3, v0  }
0x653: {  	v3 =	vld [tilespmem:s10+$0x0]  }
0x654: {  	s11 =	sor.u32 s3, s15;
	v0 =	vadd.f32 v1, v0  }
0x655: {  	v1 =	vld [tilespmem:s11+$0x0]  }
0x656: {  	s12 =	sor.u32 s3, s13;
	v0 =	vadd.f32 v2, v0  }
0x657: {  	v2 =	vld [tilespmem:s12+$0x0]  }
0x658: {  	s13 =	sor.u32 s3, s17;
	v0 =	vadd.f32 v3, v0  }
0x659: {  	v3 =	vld [tilespmem:s13+$0x0]  }
0x65a: {  	s14 =	sor.u32 s3, s14;
	v0 =	vadd.f32 v1, v0  }
0x65b: {  	v1 =	vld [tilespmem:s14+$0x0]  }
0x65c: {  	s15 =	sor.u32 s3, s18;
	v0 =	vadd.f32 v2, v0  }
0x65d: {  	v2 =	vld [tilespmem:s15+$0x0]  }
0x65e: {  	s16 =	sor.u32 s3, s16;
	v0 =	vadd.f32 v3, v0  }
0x65f: {  	v3 =	vld [tilespmem:s16+$0x0]  }
0x660: {  	s17 =	sor.u32 s3, s19;
	v0 =	vadd.f32 v1, v0  }
0x661: {  	v1 =	vld [tilespmem:s17+$0x0]  }
0x662: {  	s18 =	sor.u32 s3, s26;
	v0 =	vadd.f32 v2, v0  }
0x663: {  	v2 =	vld [tilespmem:s18+$0x0]  }
0x664: {  	s19 =	sor.u32 s3, s6;
	v0 =	vadd.f32 v3, v0  }
0x665: {  	v3 =	vld [tilespmem:s19+$0x0]  }
0x666: {  	s20 =	sor.u32 s3, s20;
	v0 =	vadd.f32 v1, v0  }
0x667: {  	v1 =	vld [tilespmem:s20+$0x0]  }
0x668: {  	s26 =	sor.u32 s3, s21;
	v0 =	vadd.f32 v2, v0  }
0x669: {  	v2 =	vld [tilespmem:s26+$0x0]  }
0x66a: {  	s28 =	sor.u32 s3, s22;
	v0 =	vadd.f32 v3, v0  }
0x66b: {  	v3 =	vld [tilespmem:s28+$0x0]  }
0x66c: {  	v0 =	vadd.f32 v1, v0;
	_ =	sdelay $0x1  }
0x66d: {  	s30 =	sor.u32 s3, s23;
	v2 =	vadd.f32 v2, v0  }
0x66e: {  	s31 =	sor.u32 s3, s24;
	v1 =	vld [tilespmem:s30+$0x0]  }
0x66f: {  	s21 =	sor.u32 s3, s25;
	s1 =	simm.s32 $0x200;
	v0 =	vld [tilespmem:s31+$0x0];
	v2 =	vadd.f32 v3, v2  }
.LBB2_9:
0x670: {  	_ =	sdelay $0x1  }
0x671: {  	s29 =	sadd.s32 $0x40, s29  }
0x672: {  	s0 =	smov.u32 s1;
	s18 =	sadd.s32 $0x200, s1;
	[dreg:$0x5] =	wrdreg s29;
	v1 =	vadd.f32 v1, v2  }
0x673: {  	[dreg:$0x8] =	wrdreg s18;
	s9 =	sand.u32 $0x1C00, s0;
	s10 =	sand.u32 $0x40, s29  }
0x674: {  	s3 =	sor.u32 $0x12000, s9;
	s7 =	sor.u32 $0x12080, s9;
	s2 =	sor.u32 $0x12100, s9;
	v0 =	vadd.f32 v0, v1  }
0x675: {  	s13 =	sor.u32 $0x12180, s9;
	s20 =	sor.u32 $0x12200, s9;
	s8 =	sor.u32 $0x12300, s9  }
0x676: {  	s24 =	sor.u32 $0x12380, s9;
	s23 =	sor.u32 $0x14180, s9;
	s19 =	sor.u32 s10, s3;
	[tilespmem:s21+$0x80] =	vst v0  }
0x677: {  	s29 =	sor.u32 $0x14200, s9;
	s18 =	sor.u32 $0x16080, s9;
	s4 =	sor.u32 s10, s7;
	v0 =	vld [tilespmem:s19+$0x0]  }
0x678: {  	s5 =	sor.u32 s10, s2;
	s6 =	sor.u32 s10, s13;
	s22 =	sor.u32 s10, s23;
	v1 =	vld [tilespmem:s4+$0x0]  }
0x679: {  	s11 =	sor.u32 s10, s20;
	s30 =	sor.u32 s10, s29;
	[smem:$0x6FF] =	sst s22  }
0x67a: {  	s17 =	sor.u32 s10, s18;
	s22 =	sor.u32 $0x14280, s9;
	[smem:$0x700] =	sst s30;
	v2 =	vld [tilespmem:s5+$0x0]  }
0x67b: {  	s30 =	sor.u32 $0x16000, s9;
	[smem:$0x705] =	sst s17;
	s31 =	sor.u32 s10, s22  }
0x67c: {  	s14 =	sor.u32 s10, s8;
	s16 =	sor.u32 s10, s30;
	[smem:$0x701] =	sst s31;
	v3 =	vld [tilespmem:s6+$0x0]  }
0x67d: {  	s17 =	sor.u32 $0x16100, s9;
	s31 =	sor.u32 $0x14380, s9;
	[smem:$0x704] =	sst s16;
	v0 =	vadd.f32 v1, v0  }
0x67e: {  	s16 =	sor.u32 $0x16180, s9;
	s15 =	sor.u32 s10, s31;
	s19 =	sor.u32 $0x14300, s9  }
0x67f: {  	s21 =	sor.u32 $0x12280, s9;
	[smem:$0x703] =	sst s15;
	v1 =	vld [tilespmem:s11+$0x0];
	s11 =	sor.u32 s10, s19;
	v0 =	vadd.f32 v2, v0  }
0x680: {  	s15 =	sor.u32 $0x16200, s9;
	[smem:$0x702] =	sst s11;
	s11 =	sor.u32 s10, s17  }
0x681: {  	s12 =	sor.u32 s10, s21;
	[smem:$0x706] =	sst s11;
	v0 =	vadd.f32 v3, v0;
	v3 =	vld [tilespmem:s14+$0x0];
	s14 =	sor.u32 s10, s15  }
0x682: {  	v2 =	vld [tilespmem:s12+$0x0];
	s12 =	sor.u32 s10, s16;
	[smem:$0x708] =	sst s14;
	s14 =	sor.u32 $0x16280, s9  }
0x683: {  	[smem:$0x707] =	sst s12;
	s12 =	sor.u32 $0x16300, s9;
	s11 =	sor.u32 s10, s14  }
0x684: {  	s25 =	sor.u32 $0x14000, s9;
	[smem:$0x709] =	sst s11;
	s11 =	sor.u32 s10, s12  }
0x685: {  	s28 =	sor.u32 $0x14080, s9;
	v0 =	vadd.f32 v1, v0;
	[smem:$0x70A] =	sst s11;
	s11 =	sor.u32 $0x16380, s9  }
0x686: {  	s26 =	sor.u32 $0x14100, s9;
	s0 =	sor.u32 s10, s24;
	s6 =	sor.u32 s10, s11  }
0x687: {  	v1 =	vld [tilespmem:s0+$0x0];
	v0 =	vadd.f32 v2, v0;
	[smem:$0x70B] =	sst s6;
	s6 =	sshrl.u32 s9, $0x2;
	s9 =	sor.u32 $0x10, s10  }
0x688: {  	s4 =	sor.u32 s10, s28;
	s0 =	sor.u32 $0x18000, s6;
	s6 =	sor.u32 s9, s3  }
0x689: {  	v0 =	vadd.f32 v3, v0;
	v3 =	vld [tilespmem:s4+$0x0];
	s4 =	sor.u32 s9, s24;
	[smem:$0x70D] =	sst s6  }
0x68a: {  	s6 =	sor.u32 s9, s7;
	[smem:$0x714] =	sst s4  }
0x68b: {  	s5 =	sor.u32 s10, s26;
	s4 =	sor.u32 s9, s28;
	[smem:$0x70E] =	sst s6  }
0x68c: {  	v0 =	vadd.f32 v1, v0;
	v1 =	vld [tilespmem:s5+$0x0];
	s5 =	sor.u32 s9, s19;
	[smem:$0x716] =	sst s4  }
0x68d: {  	s6 =	sor.u32 s10, s0;
	[smem:$0x71B] =	sst s5  }
0x68e: {  	s4 =	sor.u32 s9, s23;
	[smem:$0x70C] =	sst s6  }
0x68f: {  	s5 =	sor.u32 s9, s18;
	[smem:$0x718] =	sst s4  }
0x690: {  	s6 =	sor.u32 s9, s2;
	[smem:$0x71E] =	sst s5  }
0x691: {  	s4 =	sor.u32 s9, s22;
	[smem:$0x70F] =	sst s6  }
0x692: {  	s5 =	sor.u32 s9, s16;
	[smem:$0x71A] =	sst s4  }
0x693: {  	s6 =	sor.u32 s9, s13;
	[smem:$0x720] =	sst s5  }
0x694: {  	s4 =	sor.u32 s9, s30;
	[smem:$0x710] =	sst s6  }
0x695: {  	p1 =	sne.s32 s1, $0x1E00;
	[smem:$0x71D] =	sst s4  }
0x696: {  	s1 =	sor.u32 s10, s25;
	s5 =	sor.u32 s9, s12;
	s4 =	sld [smem:$0x6FF]  }
0x697: {  	v2 =	vld [tilespmem:s1+$0x0];
	[smem:$0x723] =	sst s5  }
0x698: {  	s6 =	sor.u32 s9, s20;
	s5 =	sld [smem:$0x700]  }
0x699: {  	[smem:$0x711] =	sst s6;
	s6 =	sor.u32 s9, s21  }
0x69a: {  	[smem:$0x712] =	sst s6;
	s6 =	sor.u32 s9, s8  }
0x69b: {  	[smem:$0x713] =	sst s6;
	s6 =	sor.u32 s9, s25  }
0x69c: {  	v0 =	vadd.f32 v2, v0;
	v2 =	vld [tilespmem:s4+$0x0];
	s4 =	sor.u32 s9, s14;
	[smem:$0x715] =	sst s6  }
0x69d: {  	s6 =	sor.u32 s9, s26;
	[smem:$0x722] =	sst s4  }
0x69e: {  	s4 =	sor.u32 s9, s0;
	[smem:$0x717] =	sst s6  }
0x69f: {  	s1 =	sor.u32 $0x20, s10;
	s6 =	sor.u32 s9, s29;
	[smem:$0x725] =	sst s4  }
0x6a0: {  	s4 =	sor.u32 $0x30, s10;
	s10 =	sor.u32 s1, s2;
	[smem:$0x719] =	sst s6  }
0x6a1: {  	s6 =	sor.u32 s9, s31;
	[smem:$0x728] =	sst s10  }
0x6a2: {  	s10 =	sor.u32 s1, s20;
	[smem:$0x71C] =	sst s6  }
0x6a3: {  	s6 =	sor.u32 s9, s17;
	[smem:$0x72A] =	sst s10  }
0x6a4: {  	s10 =	sor.u32 s1, s24;
	[smem:$0x71F] =	sst s6  }
0x6a5: {  	s6 =	sor.u32 s9, s15;
	[smem:$0x72D] =	sst s10  }
0x6a6: {  	s10 =	sor.u32 s1, s28;
	[smem:$0x721] =	sst s6  }
0x6a7: {  	s6 =	sor.u32 s9, s11;
	[smem:$0x72F] =	sst s10  }
0x6a8: {  	s9 =	sor.u32 s1, s7;
	[smem:$0x724] =	sst s6  }
0x6a9: {  	s10 =	sor.u32 s1, s29;
	[smem:$0x727] =	sst s9  }
0x6aa: {  	[smem:$0x732] =	sst s10  }
0x6ab: {  	v0 =	vadd.f32 v3, v0;
	v3 =	vld [tilespmem:s5+$0x0];
	s5 =	sor.u32 s4, s13;
	s10 =	sld [smem:$0x703]  }
0x6ac: {  	s6 =	sor.u32 s1, s3;
	s9 =	sor.u32 s1, s13;
	s13 =	sld [smem:$0x706]  }
0x6ad: {  	v0 =	vadd.f32 v1, v0;
	[smem:$0x726] =	sst s6  }
0x6ae: {  	s6 =	sld [smem:$0x701]  }
0x6af: {  	v0 =	vadd.f32 v2, v0;
	[smem:$0x729] =	sst s9;
	s9 =	sor.u32 s1, s8  }
0x6b0: {  	[smem:$0x72C] =	sst s9  }
0x6b1: {  	v0 =	vadd.f32 v3, v0;
	s9 =	sld [smem:$0x702];
	v3 =	vld [tilespmem:s10+$0x0];
	s10 =	sor.u32 s1, s18  }
0x6b2: {  	v1 =	vld [tilespmem:s6+$0x0];
	s6 =	sor.u32 s1, s21;
	[smem:$0x737] =	sst s10  }
0x6b3: {  	s10 =	sor.u32 s1, s15;
	[smem:$0x72B] =	sst s6  }
0x6b4: {  	s6 =	sor.u32 s1, s25;
	[smem:$0x73A] =	sst s10  }
0x6b5: {  	v2 =	vld [tilespmem:s9+$0x0];
	s9 =	sor.u32 s1, s23;
	[smem:$0x72E] =	sst s6  }
0x6b6: {  	s10 =	sor.u32 s1, s12;
	[smem:$0x731] =	sst s9  }
0x6b7: {  	[smem:$0x73C] =	sst s10  }
0x6b8: {  	s6 =	sor.u32 s1, s26;
	s10 =	sld [smem:$0x705]  }
0x6b9: {  	[smem:$0x730] =	sst s6;
	s6 =	sor.u32 s1, s22  }
0x6ba: {  	[smem:$0x733] =	sst s6;
	s6 =	sor.u32 s1, s31  }
0x6bb: {  	[smem:$0x735] =	sst s6;
	s6 =	sor.u32 s1, s17  }
0x6bc: {  	[smem:$0x738] =	sst s6  }
0x6bd: {  	s9 =	sor.u32 s1, s19;
	s6 =	sld [smem:$0x704]  }
0x6be: {  	[smem:$0x734] =	sst s9;
	s9 =	sor.u32 s1, s30  }
0x6bf: {  	[smem:$0x736] =	sst s9;
	s9 =	sor.u32 s1, s16;
	v0 =	vadd.f32 v1, v0  }
0x6c0: {  	[smem:$0x739] =	sst s9;
	s9 =	sor.u32 s1, s14;
	v1 =	vld [tilespmem:s6+$0x0]  }
0x6c1: {  	[smem:$0x73B] =	sst s9;
	s9 =	sor.u32 s4, s7;
	v0 =	vadd.f32 v2, v0  }
0x6c2: {  	s7 =	sor.u32 s4, s21;
	s21 =	sld [smem:$0x707];
	v2 =	vld [tilespmem:s10+$0x0];
	s6 =	sor.u32 s1, s11  }
0x6c3: {  	v0 =	vadd.f32 v3, v0;
	[smem:$0x73D] =	sst s6;
	s6 =	sor.u32 s4, s20;
	s20 =	sor.u32 s4, s25  }
0x6c4: {  	v3 =	vld [tilespmem:s13+$0x0];
	[dreg:$0x12] =	wrdreg s20  }
0x6c5: {  	s20 =	sor.u32 s4, s22;
	s22 =	sld [smem:$0x708];
	v0 =	vadd.f32 v1, v0  }
0x6c6: {  	[smem:$0x740] =	sst s9;
	s9 =	sor.u32 s4, s8;
	v1 =	vld [tilespmem:s21+$0x0]  }
0x6c7: {  	s10 =	sor.u32 s4, s24;
	s24 =	sor.u32 s4, s26;
	s26 =	sld [smem:$0x709];
	v0 =	vadd.f32 v2, v0  }
0x6c8: {  	[dreg:$0x16] =	wrdreg s9;
	v2 =	vld [tilespmem:s22+$0x0]  }
0x6c9: {  	s2 =	sor.u32 s4, s2;
	s9 =	sor.u32 s4, s30;
	s30 =	sld [smem:$0x70A];
	v0 =	vadd.f32 v3, v0  }
0x6ca: {  	[smem:$0x741] =	sst s2;
	v3 =	vld [tilespmem:s26+$0x0]  }
0x6cb: {  	s13 =	sor.u32 s4, s31;
	s31 =	sld [smem:$0x70B];
	v0 =	vadd.f32 v1, v0  }
0x6cc: {  	[smem:$0x742] =	sst s5;
	v1 =	vld [tilespmem:s30+$0x0]  }
0x6cd: {  	s5 =	sor.u32 s4, s14;
	s2 =	sor.u32 s4, s12;
	s3 =	sor.u32 s4, s3;
	v0 =	vadd.f32 v2, v0  }
0x6ce: {  	s28 =	sor.u32 s4, s28;
	[smem:$0x73F] =	sst s3;
	s3 =	sor.u32 s4, s11;
	v2 =	vld [tilespmem:s31+$0x0]  }
0x6cf: {  	s19 =	sor.u32 s4, s19;
	[smem:$0x743] =	sst s7;
	s8 =	sor.u32 s4, s17;
	v0 =	vadd.f32 v3, v0  }
0x6d0: {  	s7 =	sor.u32 s4, s15;
	[dreg:$0x11] =	wrdreg s10;
	s10 =	sor.u32 s4, s18  }
0x6d1: {  	s25 =	sor.u32 s4, s23;
	s23 =	sor.u32 s4, s29;
	[dreg:$0x1a] =	wrdreg s6;
	v0 =	vadd.f32 v1, v0  }
0x6d2: {  	s6 =	sor.u32 s4, s16;
	s21 =	sor.u32 s4, s0;
	s4 =	sld [smem:$0x70C]  }
0x6d3: {  	s11 =	sld [smem:$0x70D];
	v0 =	vadd.f32 v2, v0  }
0x6d4: {  	s12 =	sld [smem:$0x70E]  }
0x6d5: {  	[tilespmem:s4+$0x80] =	vst v0  }
0x6d6: {  	s14 =	sld [smem:$0x70F];
	v0 =	vld [tilespmem:s11+$0x0]  }
0x6d7: {  	v1 =	vld [tilespmem:s12+$0x0]  }
0x6d8: {  	s15 =	sld [smem:$0x710]  }
0x6d9: {  	v2 =	vld [tilespmem:s14+$0x0]  }
0x6da: {  	s16 =	sld [smem:$0x711]  }
0x6db: {  	v3 =	vld [tilespmem:s15+$0x0]  }
0x6dc: {  	s17 =	sld [smem:$0x712];
	v0 =	vadd.f32 v1, v0  }
0x6dd: {  	v1 =	vld [tilespmem:s16+$0x0]  }
0x6de: {  	s18 =	sld [smem:$0x713];
	v0 =	vadd.f32 v2, v0  }
0x6df: {  	v2 =	vld [tilespmem:s17+$0x0]  }
0x6e0: {  	s22 =	sld [smem:$0x714];
	v0 =	vadd.f32 v3, v0  }
0x6e1: {  	v3 =	vld [tilespmem:s18+$0x0]  }
0x6e2: {  	s26 =	sld [smem:$0x715];
	v0 =	vadd.f32 v1, v0  }
0x6e3: {  	v1 =	vld [tilespmem:s22+$0x0]  }
0x6e4: {  	s30 =	sld [smem:$0x716];
	v0 =	vadd.f32 v2, v0  }
0x6e5: {  	v2 =	vld [tilespmem:s26+$0x0]  }
0x6e6: {  	s31 =	sld [smem:$0x717];
	v0 =	vadd.f32 v3, v0  }
0x6e7: {  	v3 =	vld [tilespmem:s30+$0x0]  }
0x6e8: {  	s4 =	sld [smem:$0x718];
	v0 =	vadd.f32 v1, v0  }
0x6e9: {  	v1 =	vld [tilespmem:s31+$0x0]  }
0x6ea: {  	s11 =	sld [smem:$0x719];
	v0 =	vadd.f32 v2, v0  }
0x6eb: {  	v2 =	vld [tilespmem:s4+$0x0]  }
0x6ec: {  	s12 =	sld [smem:$0x71A];
	v0 =	vadd.f32 v3, v0  }
0x6ed: {  	v3 =	vld [tilespmem:s11+$0x0]  }
0x6ee: {  	s14 =	sld [smem:$0x71B];
	v0 =	vadd.f32 v1, v0  }
0x6ef: {  	v1 =	vld [tilespmem:s12+$0x0]  }
0x6f0: {  	s15 =	sld [smem:$0x71C];
	v0 =	vadd.f32 v2, v0  }
0x6f1: {  	v2 =	vld [tilespmem:s14+$0x0]  }
0x6f2: {  	s16 =	sld [smem:$0x71D];
	v0 =	vadd.f32 v3, v0  }
0x6f3: {  	v3 =	vld [tilespmem:s15+$0x0]  }
0x6f4: {  	s17 =	sld [smem:$0x71E];
	v0 =	vadd.f32 v1, v0  }
0x6f5: {  	v1 =	vld [tilespmem:s16+$0x0]  }
0x6f6: {  	s18 =	sld [smem:$0x71F];
	v0 =	vadd.f32 v2, v0  }
0x6f7: {  	v2 =	vld [tilespmem:s17+$0x0]  }
0x6f8: {  	s22 =	sld [smem:$0x720];
	v0 =	vadd.f32 v3, v0  }
0x6f9: {  	v3 =	vld [tilespmem:s18+$0x0]  }
0x6fa: {  	s26 =	sld [smem:$0x721];
	v0 =	vadd.f32 v1, v0  }
0x6fb: {  	v1 =	vld [tilespmem:s22+$0x0]  }
0x6fc: {  	s30 =	sld [smem:$0x722];
	v0 =	vadd.f32 v2, v0  }
0x6fd: {  	v2 =	vld [tilespmem:s26+$0x0]  }
0x6fe: {  	s31 =	sld [smem:$0x723];
	v0 =	vadd.f32 v3, v0  }
0x6ff: {  	v3 =	vld [tilespmem:s30+$0x0]  }
0x700: {  	s4 =	sld [smem:$0x724];
	v0 =	vadd.f32 v1, v0  }
0x701: {  	v1 =	vld [tilespmem:s31+$0x0]  }
0x702: {  	v0 =	vadd.f32 v2, v0  }
0x703: {  	v2 =	vld [tilespmem:s4+$0x0]  }
0x704: {  	v0 =	vadd.f32 v3, v0;
	_ =	sdelay $0x1  }
0x705: {  	v0 =	vadd.f32 v1, v0  }
0x706: {  	s11 =	sld [smem:$0x725]  }
0x707: {  	s12 =	sld [smem:$0x726];
	v0 =	vadd.f32 v2, v0  }
0x708: {  	s14 =	sld [smem:$0x727]  }
0x709: {  	[tilespmem:s11+$0x80] =	vst v0  }
0x70a: {  	s15 =	sld [smem:$0x728];
	v0 =	vld [tilespmem:s12+$0x0]  }
0x70b: {  	v1 =	vld [tilespmem:s14+$0x0]  }
0x70c: {  	s16 =	sld [smem:$0x729]  }
0x70d: {  	v2 =	vld [tilespmem:s15+$0x0]  }
0x70e: {  	s17 =	sld [smem:$0x72A]  }
0x70f: {  	v3 =	vld [tilespmem:s16+$0x0]  }
0x710: {  	s18 =	sld [smem:$0x72B];
	v0 =	vadd.f32 v1, v0  }
0x711: {  	v1 =	vld [tilespmem:s17+$0x0]  }
0x712: {  	s22 =	sld [smem:$0x72C];
	v0 =	vadd.f32 v2, v0  }
0x713: {  	v2 =	vld [tilespmem:s18+$0x0]  }
0x714: {  	s26 =	sld [smem:$0x72D];
	v0 =	vadd.f32 v3, v0  }
0x715: {  	v3 =	vld [tilespmem:s22+$0x0]  }
0x716: {  	s30 =	sld [smem:$0x72E];
	v0 =	vadd.f32 v1, v0  }
0x717: {  	v1 =	vld [tilespmem:s26+$0x0]  }
0x718: {  	s31 =	sld [smem:$0x72F];
	v0 =	vadd.f32 v2, v0  }
0x719: {  	v2 =	vld [tilespmem:s30+$0x0]  }
0x71a: {  	s4 =	sld [smem:$0x730];
	v0 =	vadd.f32 v3, v0  }
0x71b: {  	v3 =	vld [tilespmem:s31+$0x0]  }
0x71c: {  	s11 =	sld [smem:$0x731];
	v0 =	vadd.f32 v1, v0  }
0x71d: {  	v1 =	vld [tilespmem:s4+$0x0]  }
0x71e: {  	s12 =	sld [smem:$0x732];
	v0 =	vadd.f32 v2, v0  }
0x71f: {  	v2 =	vld [tilespmem:s11+$0x0]  }
0x720: {  	s14 =	sld [smem:$0x733];
	v0 =	vadd.f32 v3, v0  }
0x721: {  	v3 =	vld [tilespmem:s12+$0x0]  }
0x722: {  	s15 =	sld [smem:$0x734];
	v0 =	vadd.f32 v1, v0  }
0x723: {  	v1 =	vld [tilespmem:s14+$0x0]  }
0x724: {  	s16 =	sld [smem:$0x735];
	v0 =	vadd.f32 v2, v0  }
0x725: {  	v2 =	vld [tilespmem:s15+$0x0]  }
0x726: {  	s17 =	sld [smem:$0x736];
	v0 =	vadd.f32 v3, v0  }
0x727: {  	v3 =	vld [tilespmem:s16+$0x0]  }
0x728: {  	s18 =	sld [smem:$0x737];
	v0 =	vadd.f32 v1, v0  }
0x729: {  	v1 =	vld [tilespmem:s17+$0x0]  }
0x72a: {  	s22 =	sld [smem:$0x738];
	v0 =	vadd.f32 v2, v0  }
0x72b: {  	v2 =	vld [tilespmem:s18+$0x0]  }
0x72c: {  	s26 =	sld [smem:$0x739];
	v0 =	vadd.f32 v3, v0  }
0x72d: {  	v3 =	vld [tilespmem:s22+$0x0]  }
0x72e: {  	s30 =	sld [smem:$0x73A];
	v0 =	vadd.f32 v1, v0  }
0x72f: {  	v1 =	vld [tilespmem:s26+$0x0]  }
0x730: {  	s31 =	sld [smem:$0x73B];
	v0 =	vadd.f32 v2, v0  }
0x731: {  	v2 =	vld [tilespmem:s30+$0x0]  }
0x732: {  	s4 =	sld [smem:$0x73C];
	v0 =	vadd.f32 v3, v0  }
0x733: {  	v3 =	vld [tilespmem:s31+$0x0]  }
0x734: {  	s11 =	sld [smem:$0x73D];
	v0 =	vadd.f32 v1, v0  }
0x735: {  	v1 =	vld [tilespmem:s4+$0x0]  }
0x736: {  	v0 =	vadd.f32 v2, v0  }
0x737: {  	v2 =	vld [tilespmem:s11+$0x0]  }
0x738: {  	v0 =	vadd.f32 v3, v0  }
0x739: {  	s1 =	sor.u32 s1, s0  }
0x73a: {  	[smem:$0x73E] =	sst s1;
	v0 =	vadd.f32 v1, v0  }
0x73b: {  	s12 =	sld [smem:$0x73E]  }
0x73c: {  	s14 =	sld [smem:$0x73F];
	v0 =	vadd.f32 v2, v0  }
0x73d: {  	s15 =	sld [smem:$0x740]  }
0x73e: {  	[tilespmem:s12+$0x80] =	vst v0  }
0x73f: {  	s16 =	sld [smem:$0x741];
	v0 =	vld [tilespmem:s14+$0x0]  }
0x740: {  	v1 =	vld [tilespmem:s15+$0x0]  }
0x741: {  	s17 =	sld [smem:$0x742]  }
0x742: {  	v2 =	vld [tilespmem:s16+$0x0];
	_ =	sdelay $0x1  }
0x743: {  	s18 =	rddreg [dreg:$0x1a];
	v3 =	vld [tilespmem:s17+$0x0]  }
0x744: {  	s22 =	sld [smem:$0x743];
	v0 =	vadd.f32 v1, v0  }
0x745: {  	v4 =	vld [tilespmem:s18+$0x0]  }
0x746: {  	v0 =	vadd.f32 v2, v0  }
0x747: {  	v5 =	vld [tilespmem:s22+$0x0]  }
0x748: {  	s26 =	rddreg [dreg:$0x16];
	v0 =	vadd.f32 v3, v0  }
0x749: {  	v1 =	vld [tilespmem:s26+$0x0]  }
0x74a: {  	s30 =	rddreg [dreg:$0x11];
	v0 =	vadd.f32 v4, v0  }
0x74b: {  	v6 =	vld [tilespmem:s30+$0x0]  }
0x74c: {  	s31 =	rddreg [dreg:$0x12];
	v0 =	vadd.f32 v5, v0  }
0x74d: {  	v2 =	vld [tilespmem:s31+$0x0]  }
0x74e: {  	v0 =	vadd.f32 v1, v0  }
0x74f: {  	v7 =	vld [tilespmem:s28+$0x0]  }
0x750: {  	v0 =	vadd.f32 v6, v0  }
0x751: {  	v3 =	vld [tilespmem:s24+$0x0]  }
0x752: {  	v0 =	vadd.f32 v2, v0  }
0x753: {  	v8 =	vld [tilespmem:s25+$0x0]  }
0x754: {  	v7 =	vadd.f32 v7, v0  }
0x755: {  	v61 =	vld [tilespmem:s23+$0x0]  }
0x756: {  	v3 =	vadd.f32 v3, v7  }
0x757: {  	v9 =	vld [tilespmem:s20+$0x0]  }
0x758: {  	v3 =	vadd.f32 v8, v3  }
0x759: {  	v62 =	vld [tilespmem:s19+$0x0]  }
0x75a: {  	v3 =	vadd.f32 v61, v3  }
0x75b: {  	v10 =	vld [tilespmem:s13+$0x0]  }
0x75c: {  	v3 =	vadd.f32 v9, v3  }
0x75d: {  	v11 =	vld [tilespmem:s9+$0x0]  }
0x75e: {  	v3 =	vadd.f32 v62, v3  }
0x75f: {  	v12 =	vld [tilespmem:s10+$0x0]  }
0x760: {  	v3 =	vadd.f32 v10, v3  }
0x761: {  	v63 =	vld [tilespmem:s8+$0x0]  }
0x762: {  	v3 =	vadd.f32 v11, v3  }
0x763: {  	v13 =	vld [tilespmem:s6+$0x0]  }
0x764: {  	v3 =	vadd.f32 v12, v3  }
0x765: {  	v2 =	vld [tilespmem:s7+$0x0]  }
0x766: {  	v3 =	vadd.f32 v63, v3  }
0x767: {  	v14 =	vld [tilespmem:s5+$0x0]  }
.Ltmp5:
0x768: {  	v3 =	vadd.f32 v13, v3;
	(pc) =	sbr.rel @p1 .LBB2_9-.Ltmp5, $4  }
0x769: {  	_ = 	snop  }
0x76a: {  	v2 =	vadd.f32 v2, v3  }
0x76b: {  	s1 =	rddreg [dreg:$0x8];
	v1 =	vld [tilespmem:s2+$0x0]  }
0x76c: {  	s29 =	rddreg [dreg:$0x5];
	v0 =	vld [tilespmem:s3+$0x0];
	v2 =	vadd.f32 v14, v2  }
0x76d: {  	s0 =	sld [smem:$0x7F5]  }
0x76e: {  	s16 =	sld [smem:$0x7F8];
	_ =	sdelay $0x1  }
0x76f: {  	v1 =	vadd.f32 v1, v2;
	s1 =	sor.u32 $0x3, s0  }
0x770: {  	s0 =	sor.u32 s16, s1;
	s1 =	sshll.u32 s1, $0x4  }
0x771: {  	s3 =	rddreg [dreg:$0x1];
	v0 =	vadd.f32 v0, v1;
	s2 =	sshll.u32 s0, $0x7;
	s1 =	sand.u32 $0x70, s1  }
0x772: {  	s2 =	sand.u32 $0x1FC00, s2;
	s1 =	sadd.s32 s3, s1  }
0x773: {  	s4 =	simm.s32 $0x0;
	s17 =	simm.s32 $0x18080;
	[tilespmem:s21+$0x80] =	vst v0;
	s1 =	sadd.s32 s2, s1  }
0x774: {  	[hbm4b:s1+s4] =	stream.linear.scatter [tilespmem:s17], [sflag:$0x6], $0x80, $0x38;
	[tilespmem:$0x18800] =	vst v63  }
0x775: {  	s19 =	simm.s32 $0x18180;
	s18 =	sadd.s32 $0x80, s1  }
0x776: {  	[hbm4b:s18+s4] =	stream.linear.scatter [tilespmem:s19], [sflag:$0x6], $0x80, $0x38;
	[tilespmem:$0x18800] =	vst v63  }
0x777: {  	s21 =	simm.s32 $0x18280;
	s20 =	sadd.s32 $0x100, s1  }
0x778: {  	[hbm4b:s20+s4] =	stream.linear.scatter [tilespmem:s21], [sflag:$0x6], $0x80, $0x38;
	[tilespmem:$0x18800] =	vst v63  }
0x779: {  	s23 =	simm.s32 $0x18380;
	s22 =	sadd.s32 $0x180, s1  }
0x77a: {  	[hbm4b:s22+s4] =	stream.linear.scatter [tilespmem:s23], [sflag:$0x6], $0x80, $0x38;
	[tilespmem:$0x18800] =	vst v63  }
0x77b: {  	s25 =	simm.s32 $0x18480;
	s24 =	sadd.s32 $0x200, s1  }
0x77c: {  	[hbm4b:s24+s4] =	stream.linear.scatter [tilespmem:s25], [sflag:$0x6], $0x80, $0x38;
	[tilespmem:$0x18800] =	vst v63  }
0x77d: {  	s28 =	simm.s32 $0x18580;
	s26 =	sadd.s32 $0x280, s1  }
0x77e: {  	[hbm4b:s26+s4] =	stream.linear.scatter [tilespmem:s28], [sflag:$0x6], $0x80, $0x38;
	[tilespmem:$0x18800] =	vst v63  }
.Ltmp6:
0x77f: {  	_ = 	snop;
	(pc) =	sbr.rel @p0 .LBB2_12-.Ltmp6, $4  }
0x780: {  	s30 =	simm.s32 $0x18680;
	s29 =	sadd.s32 $0x300, s1  }
0x781: {  	[hbm4b:s29+s4] =	stream.linear.scatter [tilespmem:s30], [sflag:$0x6], $0x80, $0x38;
	[tilespmem:$0x18800] =	vst v63  }
0x782: {  	s31 =	simm.s32 $0x18780;
	s1 =	sadd.s32 $0x380, s1  }
0x783: {  	[hbm4b:s1+s4] =	stream.linear.scatter [tilespmem:s31], [sflag:$0x6], $0x80, $0x38;
	[tilespmem:$0x18800] =	vst v63  }
0x784: {  	s0 =	smul.u32 $0x6000, s0  }
.Ltmp7:
0x785: {  	s21 =	sld [smem:$0x7F4];
	(pc) =	sbr.rel .LBB2_2-.Ltmp7, $4  }
0x786: {  	s1 =	rddreg [dreg:$0x0];
	s0 =	sshrl.u32 s0, $0x3  }
0x787: {  	s0 =	sadd.s32 s1, s0  }
0x788: {  	s31 =	simm.s32 $0x12000;
	s21 =	sadd.s32 $0x1, s21;
	s0 =	sadd.s32 $0x3000, s0  }
0x789: {  	[tilespmem:s31], [sflag:$0x4] =	stream.linear.gather [hbm4b:s0+s4], $0x6000, $0x38;
	[tilespmem:$0x18800] =	vst v63  }
.LBB2_13:
0x78a: {  	_ =	sfence.sel $0x180000  }
0x78b: {  	[bflag:$0x0] =	sbarrier.arrive $0xFFFF  }
0x78c: {  	_ =	strace $0x90000047  }
0x78d: {  	s0 =	stileid.u32;
	[bflag:$0x2] =	sbarrier.arrive $0xFFFF  }
0x78e: {  	p0 =	sne.s32 s0, $0x0;
	s0 =	rddreg [dreg:$0x2]  }
0x78f: {  	s0 =	sadd.s32 @!p0 $0x100000, s0  }
0x790: {  	[sflag:s0] =	ssyncadd.tile.s32 @!p0 $0x1;
	_ =	shalt  }
.Lfunc_end2:
_tile_overlayer_lowered:
.L_overlay_start_2:
0x791: {  	(tag) =	ssettag $0x2  }
0x792: {  	s0 =	rddreg [dreg:$0x0];
	s2 =	stileid.u32  }
0x793: {  	s1 =	rddreg [dreg:$0x1];
	p0 =	sne.s32 s2, $0x0  }
0x794: {  	s3 =	rddreg [dreg:$0x2];
	[bflag:$0x3] =	sbarrier.arrive $0xFFFF;
	s2 =	simm.s32 @!p0 $0x1C07  }
0x795: {  	[timem:s3], [sflag:s2] =	dma.local @!p0 [hbm:s0], s1  }
0x796: {  	s0 =	simm.s32 @!p0 $0x7  }
0x797: {  	_ =	swait.ge @!p0 [sflag:s0], s1  }
0x798: {  	s1 =	ssub.s32 @!p0 $0x0, s1;
	[sflag:s0] =	ssyncset.done @!p0 $0x0  }
0x799: {  	[sflag:s0] =	ssyncadd.s32 @!p0 s1  }
0x79a: {  	[bflag:$0x3] =	sbarrier.arrive $0xFFFF  }
0x79b: {  	_ =	shalt  }

</sc_bundles>
